<compile_context>
chip_gen: v7x
topology: tpu7x:2x2x1
jax: 0.10.2.dev20260603
libtpu: 0.0.44.dev20260713+nightly
codegen_flags: <defaults>
</compile_context>

<pallas_src>
import functools

import jax
import jax.numpy as jnp
from jax import lax
from jax.experimental import pallas as pl
from jax.experimental.pallas import tpu as pltpu
from jax.experimental.pallas import tpu_sc as plsc

NUM_ENTITIES = 1000000
HIDDEN_DIM = 64
BATCH = 16384
HIST = 50

NC = 2
NS = 16
NW = NC * NS
CH = 128
CPG = 5
GROW = CH * CPG

TOTAL = BATCH * HIST
HALF = TOTAL // 2
PER_W = HALF // NW
NGRP = PER_W // GROW
NCHUNK = PER_W // CH



_T1_W = 2048
_T1_SPAN = 2 * _T1_W
_T1_SHIFT = _T1_W.bit_length() - 1
_T1_GRID = (NUM_ENTITIES + _T1_SPAN - 1) // _T1_SPAN
_T1_LASTBLK = (NUM_ENTITIES - 1) // _T1_W
N_PAD = _T1_GRID * _T1_SPAN


def _t1_body(a_ref, b_ref, out_ref):
    z = jnp.concatenate([a_ref[...], b_ref[...]], axis=0)
    out_ref[...] = z.T


def _t1(table_t):
    return pl.pallas_call(
        _t1_body,
        grid=(_T1_GRID,),
        in_specs=[
            pl.BlockSpec((HIDDEN_DIM, _T1_W), lambda g: (0, 2 * g)),
            pl.BlockSpec(
                (HIDDEN_DIM, _T1_W),
                lambda g: (0, jnp.minimum(2 * g + 1, _T1_LASTBLK))),
        ],
        out_specs=pl.BlockSpec((_T1_W, 2 * HIDDEN_DIM), lambda g: (g, 0)),
        out_shape=jax.ShapeDtypeStruct(
            (N_PAD // 2, 2 * HIDDEN_DIM), jnp.float32),
    )(table_t, table_t)



_T2_BLK = 256


def _t2_first_body(in_ref, out_ref):
    x = in_ref[...]
    x = x.reshape(_T2_BLK, 25, 128)
    for q in range(25):
        out_ref[q * 128:(q + 1) * 128, :] = x[:, q, :].T


def _t2_next_body(in_ref, alias_ref, out_ref):
    del alias_ref
    _t2_first_body(in_ref, out_ref)


def _t2(lin, nb, b_off, o_prev=None):
    grid = nb // _T2_BLK
    off = b_off // _T2_BLK
    out_shape = jax.ShapeDtypeStruct((HIST * HIDDEN_DIM, BATCH), jnp.float32)
    in_spec = pl.BlockSpec((25 * _T2_BLK, 128), lambda g: (g, 0))
    out_spec = pl.BlockSpec(
        (HIST * HIDDEN_DIM, _T2_BLK), lambda g: (0, g + off))
    if o_prev is None:
        return pl.pallas_call(
            _t2_first_body, grid=(grid,), in_specs=[in_spec],
            out_specs=out_spec, out_shape=out_shape)(lin)
    return pl.pallas_call(
        _t2_next_body, grid=(grid,),
        in_specs=[in_spec, pl.BlockSpec(memory_space=pl.ANY)],
        out_specs=out_spec, out_shape=out_shape,
        input_output_aliases={1: 0})(lin, o_prev)


def _make_gather(ngrp):
    per_w = ngrp * GROW
    nchunk = ngrp * CPG
    mesh = plsc.VectorSubcoreMesh(core_axis_name="c", subcore_axis_name="s")

    @functools.partial(
        pl.kernel,
        mesh=mesh,
        out_type=jax.ShapeDtypeStruct((NW * per_w, HIDDEN_DIM), jnp.float32),
        compiler_params=pltpu.CompilerParams(use_tc_tiling_on_sc=False),
        scratch_types=[
            pltpu.VMEM((nchunk, CH), jnp.int32),
            pltpu.VMEM((GROW, HIDDEN_DIM), jnp.float32),
            pltpu.VMEM((GROW, HIDDEN_DIM), jnp.float32),
            pltpu.SemaphoreType.DMA,
            pltpu.SemaphoreType.DMA,
            pltpu.SemaphoreType.DMA,
            pltpu.SemaphoreType.DMA,
        ],
    )
    def gather_kernel(idx_hbm, table_hbm, out_hbm, idx_v, bank0, bank1,
                      gsem0, gsem1, wsem0, wsem1):
        wid = lax.axis_index("c") * NS + lax.axis_index("s")
        base = wid * per_w
        banks = (bank0, bank1)
        gsems = (gsem0, gsem1)
        wsems = (wsem0, wsem1)

        pltpu.sync_copy(idx_hbm.at[wid], idx_v)

        def gather_desc(g, k, b):
            return pltpu.make_async_copy(
                table_hbm.at[idx_v.at[g * CPG + k]],
                banks[b].at[pl.ds(k * CH, CH)],
                gsems[b],
            )

        def write_desc(g, b):
            return pltpu.make_async_copy(
                banks[b],
                out_hbm.at[pl.ds(base + g * GROW, GROW)],
                wsems[b],
            )

        def start_gathers(g, b):
            for k in range(CPG):
                gather_desc(g, k, b).start()

        def wait_gathers(g, b):
            for k in range(CPG):
                gather_desc(g, k, b).wait()

        def do_group(g, b):
            write_desc(g - 2, b).wait()
            start_gathers(g, b)
            wait_gathers(g - 1, 1 - b)
            write_desc(g - 1, 1 - b).start()

        start_gathers(0, 0)
        start_gathers(1, 1)
        wait_gathers(0, 0)
        write_desc(0, 0).start()

        def body(t, carry):
            do_group(2 * t, 0)
            do_group(2 * t + 1, 1)
            return carry

        lax.fori_loop(1, ngrp // 2, body, 0)
        if ngrp % 2:
            do_group(ngrp - 1, 0)

        b_last = (ngrp - 1) % 2
        wait_gathers(ngrp - 1, b_last)
        write_desc(ngrp - 1, b_last).start()
        write_desc(ngrp - 2, 1 - b_last).wait()
        write_desc(ngrp - 1, b_last).wait()

    return gather_kernel


_SPLITS = (2048, 6144, 8192)
_GATHERS = {nb: _make_gather(nb * HIST // NW // GROW) for nb in set(_SPLITS)}


def kernel(entity_ids, table):
    i = jnp.asarray(entity_ids, jnp.int32)
    r = (i & ~(_T1_SPAN - 1)) | ((i & (_T1_W - 1)) << 1) | (
        (i >> _T1_SHIFT) & 1)
    table_rm = _t1(table.T).reshape(N_PAD, HIDDEN_DIM)
    lins = []
    b0 = 0
    for nb in _SPLITS:
        ids_k = r[b0:b0 + nb].reshape(NW, nb * HIST // NW // CH, CH)
        lins.append(_GATHERS[nb](ids_k, table_rm))
        b0 += nb
    o = None
    b0 = 0
    for nb, lin in zip(_SPLITS, lins):
        o = _t2(lin.reshape(nb * HIST // 2, 2 * HIDDEN_DIM), nb, b0, o)
        b0 += nb
    return o.reshape(HIST, HIDDEN_DIM, BATCH).transpose(2, 0, 1)

# --- scband reference (transcript-rebuilt; emitter-appended) ---
"""Pipeline reference for scband-entity-embedding-34162169872638 (READ-ONLY COPY).

The authoritative reference and input builder live on the scoring server;
editing this copy changes nothing except your own understanding.
"""

import jax, jax.numpy as jnp
import numpy as np

NUM_ENTITIES = 1000000
HIDDEN_DIM = 64
BATCH = 16384
HIST = 50

def setup_inputs(seed: int = 0) -> dict:
    key = jax.random.key(seed)
    k_idx, k_tab = jax.random.split(key)
    entity_ids = jax.random.randint(k_idx, (BATCH, HIST), 0, NUM_ENTITIES, dtype=jnp.int64 if jax.config.read('jax_enable_x64') else jnp.int32)
    table = jax.random.normal(k_tab, (NUM_ENTITIES, HIDDEN_DIM), dtype=jnp.float32) * 0.02
    return {"entity_ids": entity_ids, "table": table}

def reference(entity_ids, table):
    # nn.Embedding forward == row gather from the embedding table
    return jnp.take(table, entity_ids, axis=0)

if __name__ == "__main__":
    import jax
    _d = setup_inputs()
    print(jax.jit(kernel)(*tuple(_d.values())))

</pallas_src>

<mosaic_0001>
#map = affine_map<(d0, d1) -> (0, 0, 0)>
#map1 = affine_map<(d0, d1) -> (0, 0)>
module attributes {stable_mosaic.version = 14 : i64} {
  func.func @gather_kernel(%arg0: i32, %arg1: i32, %arg2: memref<32x75x128xi32, #tpu.memory_space<hbm>>, %arg3: memref<1003520x64xf32, #tpu.memory_space<hbm>>, %arg4: memref<307200x64xf32, #tpu.memory_space<hbm>>, %arg5: memref<75x128xi32, #tpu.memory_space<vmem>>, %arg6: memref<640x64xf32, #tpu.memory_space<vmem>>, %arg7: memref<640x64xf32, #tpu.memory_space<vmem>>, %arg8: memref<!tpu.dma_semaphore, #tpu.memory_space<semaphore_mem>>, %arg9: memref<!tpu.dma_semaphore, #tpu.memory_space<semaphore_mem>>, %arg10: memref<!tpu.dma_semaphore, #tpu.memory_space<semaphore_mem>>, %arg11: memref<!tpu.dma_semaphore, #tpu.memory_space<semaphore_mem>>) attributes {dimension_semantics = [#tpu.dimension_semantics<core_parallel>, #tpu.dimension_semantics<subcore_parallel>], iteration_bounds = array<i64: 2, 16>, scalar_prefetch = 0 : i64, scratch_operands = 7 : i64, tpu.core_type = #tpu.core_type<sc_vector_subcore>, window_params = [{transform_indices = #map}, {transform_indices = #map1}, {transform_indices = #map1}]} {
    %mul3A = arith.constant 16 : i32
    %mul3A_0 = arith.muli %arg0, %mul3A : i32
    %add3A = arith.addi %mul3A_0, %arg1 : i32
    %mul3A_1 = arith.constant 9600 : i32
    %mul3A_2 = arith.muli %add3A, %mul3A_1 : i32
    "tpu.region"() ({
      %run_scoped3A = tpu.sem_alloc : memref<!tpu.dma_semaphore, #tpu.memory_space<semaphore_mem>>
      %dma_start3A_342 = arith.constant 0 : i32
      %dma_start3A_343 = arith.constant 0 : i32
      %dma_start3A_344 = tpu.memref_slice %arg2[%add3A, %dma_start3A_342, %dma_start3A_343] : memref<32x75x128xi32, #tpu.memory_space<hbm>> -> memref<1x75x128xi32, #tpu.memory_space<hbm>>
      %dma_start3A_345 = tpu.memref_squeeze %dma_start3A_344 : memref<1x75x128xi32, #tpu.memory_space<hbm>> -> memref<75x128xi32, #tpu.memory_space<hbm>>
      %dma_start3A_346 = arith.constant 0 : i32
      %dma_start3A_347 = arith.constant 0 : i32
      %dma_start3A_348 = tpu.memref_slice %arg2[%add3A, %dma_start3A_346, %dma_start3A_347] : memref<32x75x128xi32, #tpu.memory_space<hbm>> -> memref<1x75x128xi32, #tpu.memory_space<hbm>>
      %dma_start3A_349 = tpu.memref_squeeze %dma_start3A_348 : memref<1x75x128xi32, #tpu.memory_space<hbm>> -> memref<75x128xi32, #tpu.memory_space<hbm>>
      tpu.enqueue_dma source(%dma_start3A_349 : memref<75x128xi32, #tpu.memory_space<hbm>>) target(%arg5 : memref<75x128xi32, #tpu.memory_space<vmem>>) target_semaphore(%run_scoped3A : memref<!tpu.dma_semaphore, #tpu.memory_space<semaphore_mem>>)
      %dma_wait3A_350 = arith.constant 0 : i32
      %dma_wait3A_351 = arith.constant 0 : i32
      %dma_wait3A_352 = tpu.memref_slice %arg2[%add3A, %dma_wait3A_350, %dma_wait3A_351] : memref<32x75x128xi32, #tpu.memory_space<hbm>> -> memref<1x75x128xi32, #tpu.memory_space<hbm>>
      %dma_wait3A_353 = tpu.memref_squeeze %dma_wait3A_352 : memref<1x75x128xi32, #tpu.memory_space<hbm>> -> memref<75x128xi32, #tpu.memory_space<hbm>>
      %dma_wait3A_354 = arith.constant 0 : i32
      %dma_wait3A_355 = arith.constant 0 : i32
      %dma_wait3A_356 = tpu.memref_slice %arg2[%add3A, %dma_wait3A_354, %dma_wait3A_355] : memref<32x75x128xi32, #tpu.memory_space<hbm>> -> memref<1x75x128xi32, #tpu.memory_space<hbm>>
      %dma_wait3A_357 = tpu.memref_squeeze %dma_wait3A_356 : memref<1x75x128xi32, #tpu.memory_space<hbm>> -> memref<75x128xi32, #tpu.memory_space<hbm>>
      tpu.wait_dma2 semaphore(%run_scoped3A : memref<!tpu.dma_semaphore, #tpu.memory_space<semaphore_mem>>) src(%dma_wait3A_357 : memref<75x128xi32, #tpu.memory_space<hbm>>) dst(%arg5 : memref<75x128xi32, #tpu.memory_space<vmem>>)
      tpu.yield
    }) : () -> ()
    %dma_start3A = arith.constant 0 : i32
    %dma_start3A_3 = arith.constant 0 : i32
    %dma_start3A_4 = arith.constant 0 : i32
    %dma_start3A_5 = tpu.memref_slice %arg6[%dma_start3A_3, %dma_start3A_4] : memref<640x64xf32, #tpu.memory_space<vmem>> -> memref<128x64xf32, #tpu.memory_space<vmem>>
    %dma_start3A_6 = arith.constant 0 : i32
    %dma_start3A_7 = tpu.memref_slice %arg5[%dma_start3A, %dma_start3A_6] : memref<75x128xi32, #tpu.memory_space<vmem>> -> memref<1x128xi32, #tpu.memory_space<vmem>>
    %dma_start3A_8 = tpu.memref_squeeze %dma_start3A_7 : memref<1x128xi32, #tpu.memory_space<vmem>> -> memref<128xi32, #tpu.memory_space<vmem>>
    %dma_start3A_9 = arith.constant 0 : i32
    %dma_start3A_10 = arith.constant 0 : i32
    %dma_start3A_11 = tpu.memref_slice %arg3[%dma_start3A_9, %dma_start3A_10] : memref<1003520x64xf32, #tpu.memory_space<hbm>> -> memref<1003520x64xf32, #tpu.memory_space<hbm>>
    tpu.enqueue_indirect_dma source(%dma_start3A_11 : memref<1003520x64xf32, #tpu.memory_space<hbm>>) target(%dma_start3A_5 : memref<128x64xf32, #tpu.memory_space<vmem>>) offsets(%dma_start3A_8 : memref<128xi32, #tpu.memory_space<vmem>>) semaphore(%arg8 : memref<!tpu.dma_semaphore, #tpu.memory_space<semaphore_mem>>)
    %dma_start3A_12 = arith.constant 1 : i32
    %dma_start3A_13 = arith.constant 128 : i32
    %dma_start3A_14 = arith.constant 0 : i32
    %dma_start3A_15 = tpu.memref_slice %arg6[%dma_start3A_13, %dma_start3A_14] : memref<640x64xf32, #tpu.memory_space<vmem>> -> memref<128x64xf32, #tpu.memory_space<vmem>>
    %dma_start3A_16 = arith.constant 0 : i32
    %dma_start3A_17 = tpu.memref_slice %arg5[%dma_start3A_12, %dma_start3A_16] : memref<75x128xi32, #tpu.memory_space<vmem>> -> memref<1x128xi32, #tpu.memory_space<vmem>>
    %dma_start3A_18 = tpu.memref_squeeze %dma_start3A_17 : memref<1x128xi32, #tpu.memory_space<vmem>> -> memref<128xi32, #tpu.memory_space<vmem>>
    %dma_start3A_19 = arith.constant 0 : i32
    %dma_start3A_20 = arith.constant 0 : i32
    %dma_start3A_21 = tpu.memref_slice %arg3[%dma_start3A_19, %dma_start3A_20] : memref<1003520x64xf32, #tpu.memory_space<hbm>> -> memref<1003520x64xf32, #tpu.memory_space<hbm>>
    tpu.enqueue_indirect_dma source(%dma_start3A_21 : memref<1003520x64xf32, #tpu.memory_space<hbm>>) target(%dma_start3A_15 : memref<128x64xf32, #tpu.memory_space<vmem>>) offsets(%dma_start3A_18 : memref<128xi32, #tpu.memory_space<vmem>>) semaphore(%arg8 : memref<!tpu.dma_semaphore, #tpu.memory_space<semaphore_mem>>)
    %dma_start3A_22 = arith.constant 2 : i32
    %dma_start3A_23 = arith.constant 256 : i32
    %dma_start3A_24 = arith.constant 0 : i32
    %dma_start3A_25 = tpu.memref_slice %arg6[%dma_start3A_23, %dma_start3A_24] : memref<640x64xf32, #tpu.memory_space<vmem>> -> memref<128x64xf32, #tpu.memory_space<vmem>>
    %dma_start3A_26 = arith.constant 0 : i32
    %dma_start3A_27 = tpu.memref_slice %arg5[%dma_start3A_22, %dma_start3A_26] : memref<75x128xi32, #tpu.memory_space<vmem>> -> memref<1x128xi32, #tpu.memory_space<vmem>>
    %dma_start3A_28 = tpu.memref_squeeze %dma_start3A_27 : memref<1x128xi32, #tpu.memory_space<vmem>> -> memref<128xi32, #tpu.memory_space<vmem>>
    %dma_start3A_29 = arith.constant 0 : i32
    %dma_start3A_30 = arith.constant 0 : i32
    %dma_start3A_31 = tpu.memref_slice %arg3[%dma_start3A_29, %dma_start3A_30] : memref<1003520x64xf32, #tpu.memory_space<hbm>> -> memref<1003520x64xf32, #tpu.memory_space<hbm>>
    tpu.enqueue_indirect_dma source(%dma_start3A_31 : memref<1003520x64xf32, #tpu.memory_space<hbm>>) target(%dma_start3A_25 : memref<128x64xf32, #tpu.memory_space<vmem>>) offsets(%dma_start3A_28 : memref<128xi32, #tpu.memory_space<vmem>>) semaphore(%arg8 : memref<!tpu.dma_semaphore, #tpu.memory_space<semaphore_mem>>)
    %dma_start3A_32 = arith.constant 3 : i32
    %dma_start3A_33 = arith.constant 384 : i32
    %dma_start3A_34 = arith.constant 0 : i32
    %dma_start3A_35 = tpu.memref_slice %arg6[%dma_start3A_33, %dma_start3A_34] : memref<640x64xf32, #tpu.memory_space<vmem>> -> memref<128x64xf32, #tpu.memory_space<vmem>>
    %dma_start3A_36 = arith.constant 0 : i32
    %dma_start3A_37 = tpu.memref_slice %arg5[%dma_start3A_32, %dma_start3A_36] : memref<75x128xi32, #tpu.memory_space<vmem>> -> memref<1x128xi32, #tpu.memory_space<vmem>>
    %dma_start3A_38 = tpu.memref_squeeze %dma_start3A_37 : memref<1x128xi32, #tpu.memory_space<vmem>> -> memref<128xi32, #tpu.memory_space<vmem>>
    %dma_start3A_39 = arith.constant 0 : i32
    %dma_start3A_40 = arith.constant 0 : i32
    %dma_start3A_41 = tpu.memref_slice %arg3[%dma_start3A_39, %dma_start3A_40] : memref<1003520x64xf32, #tpu.memory_space<hbm>> -> memref<1003520x64xf32, #tpu.memory_space<hbm>>
    tpu.enqueue_indirect_dma source(%dma_start3A_41 : memref<1003520x64xf32, #tpu.memory_space<hbm>>) target(%dma_start3A_35 : memref<128x64xf32, #tpu.memory_space<vmem>>) offsets(%dma_start3A_38 : memref<128xi32, #tpu.memory_space<vmem>>) semaphore(%arg8 : memref<!tpu.dma_semaphore, #tpu.memory_space<semaphore_mem>>)
    %dma_start3A_42 = arith.constant 4 : i32
    %dma_start3A_43 = arith.constant 512 : i32
    %dma_start3A_44 = arith.constant 0 : i32
    %dma_start3A_45 = tpu.memref_slice %arg6[%dma_start3A_43, %dma_start3A_44] : memref<640x64xf32, #tpu.memory_space<vmem>> -> memref<128x64xf32, #tpu.memory_space<vmem>>
    %dma_start3A_46 = arith.constant 0 : i32
    %dma_start3A_47 = tpu.memref_slice %arg5[%dma_start3A_42, %dma_start3A_46] : memref<75x128xi32, #tpu.memory_space<vmem>> -> memref<1x128xi32, #tpu.memory_space<vmem>>
    %dma_start3A_48 = tpu.memref_squeeze %dma_start3A_47 : memref<1x128xi32, #tpu.memory_space<vmem>> -> memref<128xi32, #tpu.memory_space<vmem>>
    %dma_start3A_49 = arith.constant 0 : i32
    %dma_start3A_50 = arith.constant 0 : i32
    %dma_start3A_51 = tpu.memref_slice %arg3[%dma_start3A_49, %dma_start3A_50] : memref<1003520x64xf32, #tpu.memory_space<hbm>> -> memref<1003520x64xf32, #tpu.memory_space<hbm>>
    tpu.enqueue_indirect_dma source(%dma_start3A_51 : memref<1003520x64xf32, #tpu.memory_space<hbm>>) target(%dma_start3A_45 : memref<128x64xf32, #tpu.memory_space<vmem>>) offsets(%dma_start3A_48 : memref<128xi32, #tpu.memory_space<vmem>>) semaphore(%arg8 : memref<!tpu.dma_semaphore, #tpu.memory_space<semaphore_mem>>)
    %dma_start3A_52 = arith.constant 5 : i32
    %dma_start3A_53 = arith.constant 0 : i32
    %dma_start3A_54 = arith.constant 0 : i32
    %dma_start3A_55 = tpu.memref_slice %arg7[%dma_start3A_53, %dma_start3A_54] : memref<640x64xf32, #tpu.memory_space<vmem>> -> memref<128x64xf32, #tpu.memory_space<vmem>>
    %dma_start3A_56 = arith.constant 0 : i32
    %dma_start3A_57 = tpu.memref_slice %arg5[%dma_start3A_52, %dma_start3A_56] : memref<75x128xi32, #tpu.memory_space<vmem>> -> memref<1x128xi32, #tpu.memory_space<vmem>>
    %dma_start3A_58 = tpu.memref_squeeze %dma_start3A_57 : memref<1x128xi32, #tpu.memory_space<vmem>> -> memref<128xi32, #tpu.memory_space<vmem>>
    %dma_start3A_59 = arith.constant 0 : i32
    %dma_start3A_60 = arith.constant 0 : i32
    %dma_start3A_61 = tpu.memref_slice %arg3[%dma_start3A_59, %dma_start3A_60] : memref<1003520x64xf32, #tpu.memory_space<hbm>> -> memref<1003520x64xf32, #tpu.memory_space<hbm>>
    tpu.enqueue_indirect_dma source(%dma_start3A_61 : memref<1003520x64xf32, #tpu.memory_space<hbm>>) target(%dma_start3A_55 : memref<128x64xf32, #tpu.memory_space<vmem>>) offsets(%dma_start3A_58 : memref<128xi32, #tpu.memory_space<vmem>>) semaphore(%arg9 : memref<!tpu.dma_semaphore, #tpu.memory_space<semaphore_mem>>)
    %dma_start3A_62 = arith.constant 6 : i32
    %dma_start3A_63 = arith.constant 128 : i32
    %dma_start3A_64 = arith.constant 0 : i32
    %dma_start3A_65 = tpu.memref_slice %arg7[%dma_start3A_63, %dma_start3A_64] : memref<640x64xf32, #tpu.memory_space<vmem>> -> memref<128x64xf32, #tpu.memory_space<vmem>>
    %dma_start3A_66 = arith.constant 0 : i32
    %dma_start3A_67 = tpu.memref_slice %arg5[%dma_start3A_62, %dma_start3A_66] : memref<75x128xi32, #tpu.memory_space<vmem>> -> memref<1x128xi32, #tpu.memory_space<vmem>>
    %dma_start3A_68 = tpu.memref_squeeze %dma_start3A_67 : memref<1x128xi32, #tpu.memory_space<vmem>> -> memref<128xi32, #tpu.memory_space<vmem>>
    %dma_start3A_69 = arith.constant 0 : i32
    %dma_start3A_70 = arith.constant 0 : i32
    %dma_start3A_71 = tpu.memref_slice %arg3[%dma_start3A_69, %dma_start3A_70] : memref<1003520x64xf32, #tpu.memory_space<hbm>> -> memref<1003520x64xf32, #tpu.memory_space<hbm>>
    tpu.enqueue_indirect_dma source(%dma_start3A_71 : memref<1003520x64xf32, #tpu.memory_space<hbm>>) target(%dma_start3A_65 : memref<128x64xf32, #tpu.memory_space<vmem>>) offsets(%dma_start3A_68 : memref<128xi32, #tpu.memory_space<vmem>>) semaphore(%arg9 : memref<!tpu.dma_semaphore, #tpu.memory_space<semaphore_mem>>)
    %dma_start3A_72 = arith.constant 7 : i32
    %dma_start3A_73 = arith.constant 256 : i32
    %dma_start3A_74 = arith.constant 0 : i32
    %dma_start3A_75 = tpu.memref_slice %arg7[%dma_start3A_73, %dma_start3A_74] : memref<640x64xf32, #tpu.memory_space<vmem>> -> memref<128x64xf32, #tpu.memory_space<vmem>>
    %dma_start3A_76 = arith.constant 0 : i32
    %dma_start3A_77 = tpu.memref_slice %arg5[%dma_start3A_72, %dma_start3A_76] : memref<75x128xi32, #tpu.memory_space<vmem>> -> memref<1x128xi32, #tpu.memory_space<vmem>>
    %dma_start3A_78 = tpu.memref_squeeze %dma_start3A_77 : memref<1x128xi32, #tpu.memory_space<vmem>> -> memref<128xi32, #tpu.memory_space<vmem>>
    %dma_start3A_79 = arith.constant 0 : i32
    %dma_start3A_80 = arith.constant 0 : i32
    %dma_start3A_81 = tpu.memref_slice %arg3[%dma_start3A_79, %dma_start3A_80] : memref<1003520x64xf32, #tpu.memory_space<hbm>> -> memref<1003520x64xf32, #tpu.memory_space<hbm>>
    tpu.enqueue_indirect_dma source(%dma_start3A_81 : memref<1003520x64xf32, #tpu.memory_space<hbm>>) target(%dma_start3A_75 : memref<128x64xf32, #tpu.memory_space<vmem>>) offsets(%dma_start3A_78 : memref<128xi32, #tpu.memory_space<vmem>>) semaphore(%arg9 : memref<!tpu.dma_semaphore, #tpu.memory_space<semaphore_mem>>)
    %dma_start3A_82 = arith.constant 8 : i32
    %dma_start3A_83 = arith.constant 384 : i32
    %dma_start3A_84 = arith.constant 0 : i32
    %dma_start3A_85 = tpu.memref_slice %arg7[%dma_start3A_83, %dma_start3A_84] : memref<640x64xf32, #tpu.memory_space<vmem>> -> memref<128x64xf32, #tpu.memory_space<vmem>>
    %dma_start3A_86 = arith.constant 0 : i32
    %dma_start3A_87 = tpu.memref_slice %arg5[%dma_start3A_82, %dma_start3A_86] : memref<75x128xi32, #tpu.memory_space<vmem>> -> memref<1x128xi32, #tpu.memory_space<vmem>>
    %dma_start3A_88 = tpu.memref_squeeze %dma_start3A_87 : memref<1x128xi32, #tpu.memory_space<vmem>> -> memref<128xi32, #tpu.memory_space<vmem>>
    %dma_start3A_89 = arith.constant 0 : i32
    %dma_start3A_90 = arith.constant 0 : i32
    %dma_start3A_91 = tpu.memref_slice %arg3[%dma_start3A_89, %dma_start3A_90] : memref<1003520x64xf32, #tpu.memory_space<hbm>> -> memref<1003520x64xf32, #tpu.memory_space<hbm>>
    tpu.enqueue_indirect_dma source(%dma_start3A_91 : memref<1003520x64xf32, #tpu.memory_space<hbm>>) target(%dma_start3A_85 : memref<128x64xf32, #tpu.memory_space<vmem>>) offsets(%dma_start3A_88 : memref<128xi32, #tpu.memory_space<vmem>>) semaphore(%arg9 : memref<!tpu.dma_semaphore, #tpu.memory_space<semaphore_mem>>)
    %dma_start3A_92 = arith.constant 9 : i32
    %dma_start3A_93 = arith.constant 512 : i32
    %dma_start3A_94 = arith.constant 0 : i32
    %dma_start3A_95 = tpu.memref_slice %arg7[%dma_start3A_93, %dma_start3A_94] : memref<640x64xf32, #tpu.memory_space<vmem>> -> memref<128x64xf32, #tpu.memory_space<vmem>>
    %dma_start3A_96 = arith.constant 0 : i32
    %dma_start3A_97 = tpu.memref_slice %arg5[%dma_start3A_92, %dma_start3A_96] : memref<75x128xi32, #tpu.memory_space<vmem>> -> memref<1x128xi32, #tpu.memory_space<vmem>>
    %dma_start3A_98 = tpu.memref_squeeze %dma_start3A_97 : memref<1x128xi32, #tpu.memory_space<vmem>> -> memref<128xi32, #tpu.memory_space<vmem>>
    %dma_start3A_99 = arith.constant 0 : i32
    %dma_start3A_100 = arith.constant 0 : i32
    %dma_start3A_101 = tpu.memref_slice %arg3[%dma_start3A_99, %dma_start3A_100] : memref<1003520x64xf32, #tpu.memory_space<hbm>> -> memref<1003520x64xf32, #tpu.memory_space<hbm>>
    tpu.enqueue_indirect_dma source(%dma_start3A_101 : memref<1003520x64xf32, #tpu.memory_space<hbm>>) target(%dma_start3A_95 : memref<128x64xf32, #tpu.memory_space<vmem>>) offsets(%dma_start3A_98 : memref<128xi32, #tpu.memory_space<vmem>>) semaphore(%arg9 : memref<!tpu.dma_semaphore, #tpu.memory_space<semaphore_mem>>)
    %dma_wait3A = arith.constant 0 : i32
    %dma_wait3A_102 = arith.constant 0 : i32
    %dma_wait3A_103 = arith.constant 0 : i32
    %dma_wait3A_104 = tpu.memref_slice %arg6[%dma_wait3A_102, %dma_wait3A_103] : memref<640x64xf32, #tpu.memory_space<vmem>> -> memref<128x64xf32, #tpu.memory_space<vmem>>
    %dma_wait3A_105 = arith.constant 0 : i32
    %dma_wait3A_106 = tpu.memref_slice %arg5[%dma_wait3A, %dma_wait3A_105] : memref<75x128xi32, #tpu.memory_space<vmem>> -> memref<1x128xi32, #tpu.memory_space<vmem>>
    %dma_wait3A_107 = tpu.memref_squeeze %dma_wait3A_106 : memref<1x128xi32, #tpu.memory_space<vmem>> -> memref<128xi32, #tpu.memory_space<vmem>>
    %dma_wait3A_108 = arith.constant 0 : i32
    %dma_wait3A_109 = arith.constant 0 : i32
    %dma_wait3A_110 = tpu.memref_slice %arg3[%dma_wait3A_108, %dma_wait3A_109] : memref<1003520x64xf32, #tpu.memory_space<hbm>> -> memref<1003520x64xf32, #tpu.memory_space<hbm>>
    tpu.wait_indirect_dma semaphore(%arg8 : memref<!tpu.dma_semaphore, #tpu.memory_space<semaphore_mem>>) src(%dma_wait3A_110 : memref<1003520x64xf32, #tpu.memory_space<hbm>>) dst(%dma_wait3A_104 : memref<128x64xf32, #tpu.memory_space<vmem>>)
    %dma_wait3A_111 = arith.constant 1 : i32
    %dma_wait3A_112 = arith.constant 128 : i32
    %dma_wait3A_113 = arith.constant 0 : i32
    %dma_wait3A_114 = tpu.memref_slice %arg6[%dma_wait3A_112, %dma_wait3A_113] : memref<640x64xf32, #tpu.memory_space<vmem>> -> memref<128x64xf32, #tpu.memory_space<vmem>>
    %dma_wait3A_115 = arith.constant 0 : i32
    %dma_wait3A_116 = tpu.memref_slice %arg5[%dma_wait3A_111, %dma_wait3A_115] : memref<75x128xi32, #tpu.memory_space<vmem>> -> memref<1x128xi32, #tpu.memory_space<vmem>>
    %dma_wait3A_117 = tpu.memref_squeeze %dma_wait3A_116 : memref<1x128xi32, #tpu.memory_space<vmem>> -> memref<128xi32, #tpu.memory_space<vmem>>
    %dma_wait3A_118 = arith.constant 0 : i32
    %dma_wait3A_119 = arith.constant 0 : i32
    %dma_wait3A_120 = tpu.memref_slice %arg3[%dma_wait3A_118, %dma_wait3A_119] : memref<1003520x64xf32, #tpu.memory_space<hbm>> -> memref<1003520x64xf32, #tpu.memory_space<hbm>>
    tpu.wait_indirect_dma semaphore(%arg8 : memref<!tpu.dma_semaphore, #tpu.memory_space<semaphore_mem>>) src(%dma_wait3A_120 : memref<1003520x64xf32, #tpu.memory_space<hbm>>) dst(%dma_wait3A_114 : memref<128x64xf32, #tpu.memory_space<vmem>>)
    %dma_wait3A_121 = arith.constant 2 : i32
    %dma_wait3A_122 = arith.constant 256 : i32
    %dma_wait3A_123 = arith.constant 0 : i32
    %dma_wait3A_124 = tpu.memref_slice %arg6[%dma_wait3A_122, %dma_wait3A_123] : memref<640x64xf32, #tpu.memory_space<vmem>> -> memref<128x64xf32, #tpu.memory_space<vmem>>
    %dma_wait3A_125 = arith.constant 0 : i32
    %dma_wait3A_126 = tpu.memref_slice %arg5[%dma_wait3A_121, %dma_wait3A_125] : memref<75x128xi32, #tpu.memory_space<vmem>> -> memref<1x128xi32, #tpu.memory_space<vmem>>
    %dma_wait3A_127 = tpu.memref_squeeze %dma_wait3A_126 : memref<1x128xi32, #tpu.memory_space<vmem>> -> memref<128xi32, #tpu.memory_space<vmem>>
    %dma_wait3A_128 = arith.constant 0 : i32
    %dma_wait3A_129 = arith.constant 0 : i32
    %dma_wait3A_130 = tpu.memref_slice %arg3[%dma_wait3A_128, %dma_wait3A_129] : memref<1003520x64xf32, #tpu.memory_space<hbm>> -> memref<1003520x64xf32, #tpu.memory_space<hbm>>
    tpu.wait_indirect_dma semaphore(%arg8 : memref<!tpu.dma_semaphore, #tpu.memory_space<semaphore_mem>>) src(%dma_wait3A_130 : memref<1003520x64xf32, #tpu.memory_space<hbm>>) dst(%dma_wait3A_124 : memref<128x64xf32, #tpu.memory_space<vmem>>)
    %dma_wait3A_131 = arith.constant 3 : i32
    %dma_wait3A_132 = arith.constant 384 : i32
    %dma_wait3A_133 = arith.constant 0 : i32
    %dma_wait3A_134 = tpu.memref_slice %arg6[%dma_wait3A_132, %dma_wait3A_133] : memref<640x64xf32, #tpu.memory_space<vmem>> -> memref<128x64xf32, #tpu.memory_space<vmem>>
    %dma_wait3A_135 = arith.constant 0 : i32
    %dma_wait3A_136 = tpu.memref_slice %arg5[%dma_wait3A_131, %dma_wait3A_135] : memref<75x128xi32, #tpu.memory_space<vmem>> -> memref<1x128xi32, #tpu.memory_space<vmem>>
    %dma_wait3A_137 = tpu.memref_squeeze %dma_wait3A_136 : memref<1x128xi32, #tpu.memory_space<vmem>> -> memref<128xi32, #tpu.memory_space<vmem>>
    %dma_wait3A_138 = arith.constant 0 : i32
    %dma_wait3A_139 = arith.constant 0 : i32
    %dma_wait3A_140 = tpu.memref_slice %arg3[%dma_wait3A_138, %dma_wait3A_139] : memref<1003520x64xf32, #tpu.memory_space<hbm>> -> memref<1003520x64xf32, #tpu.memory_space<hbm>>
    tpu.wait_indirect_dma semaphore(%arg8 : memref<!tpu.dma_semaphore, #tpu.memory_space<semaphore_mem>>) src(%dma_wait3A_140 : memref<1003520x64xf32, #tpu.memory_space<hbm>>) dst(%dma_wait3A_134 : memref<128x64xf32, #tpu.memory_space<vmem>>)
    %dma_wait3A_141 = arith.constant 4 : i32
    %dma_wait3A_142 = arith.constant 512 : i32
    %dma_wait3A_143 = arith.constant 0 : i32
    %dma_wait3A_144 = tpu.memref_slice %arg6[%dma_wait3A_142, %dma_wait3A_143] : memref<640x64xf32, #tpu.memory_space<vmem>> -> memref<128x64xf32, #tpu.memory_space<vmem>>
    %dma_wait3A_145 = arith.constant 0 : i32
    %dma_wait3A_146 = tpu.memref_slice %arg5[%dma_wait3A_141, %dma_wait3A_145] : memref<75x128xi32, #tpu.memory_space<vmem>> -> memref<1x128xi32, #tpu.memory_space<vmem>>
    %dma_wait3A_147 = tpu.memref_squeeze %dma_wait3A_146 : memref<1x128xi32, #tpu.memory_space<vmem>> -> memref<128xi32, #tpu.memory_space<vmem>>
    %dma_wait3A_148 = arith.constant 0 : i32
    %dma_wait3A_149 = arith.constant 0 : i32
    %dma_wait3A_150 = tpu.memref_slice %arg3[%dma_wait3A_148, %dma_wait3A_149] : memref<1003520x64xf32, #tpu.memory_space<hbm>> -> memref<1003520x64xf32, #tpu.memory_space<hbm>>
    tpu.wait_indirect_dma semaphore(%arg8 : memref<!tpu.dma_semaphore, #tpu.memory_space<semaphore_mem>>) src(%dma_wait3A_150 : memref<1003520x64xf32, #tpu.memory_space<hbm>>) dst(%dma_wait3A_144 : memref<128x64xf32, #tpu.memory_space<vmem>>)
    %add3A_151 = arith.constant 0 : i32
    %add3A_152 = arith.addi %mul3A_2, %add3A_151 : i32
    %dma_start3A_153 = arith.constant 0 : i32
    %dma_start3A_154 = tpu.memref_slice %arg4[%add3A_152, %dma_start3A_153] : memref<307200x64xf32, #tpu.memory_space<hbm>> -> memref<640x64xf32, #tpu.memory_space<hbm>>
    %dma_start3A_155 = arith.constant 0 : i32
    %dma_start3A_156 = tpu.memref_slice %arg4[%add3A_152, %dma_start3A_155] : memref<307200x64xf32, #tpu.memory_space<hbm>> -> memref<640x64xf32, #tpu.memory_space<hbm>>
    tpu.enqueue_dma source(%arg6 : memref<640x64xf32, #tpu.memory_space<vmem>>) target(%dma_start3A_156 : memref<640x64xf32, #tpu.memory_space<hbm>>) target_semaphore(%arg10 : memref<!tpu.dma_semaphore, #tpu.memory_space<semaphore_mem>>)
    %scan3A = arith.constant 0 : i32
    %scan3A_157 = arith.constant 1 : i32
    %scan3A_158 = arith.constant 6 : i32
    %scan3A_159 = arith.addi %scan3A_157, %scan3A_158 : i32
    %scan3A_160 = arith.constant 1 : i32
    scf.for %scan3A_342 = %scan3A_157 to %scan3A_159 step %scan3A_160  : i32 {
      %mul3A_343 = arith.constant 2 : i32
      %mul3A_344 = arith.muli %mul3A_343, %scan3A_342 : i32
      %sub3A = arith.constant 2 : i32
      %sub3A_345 = arith.subi %mul3A_344, %sub3A : i32
      %mul3A_346 = arith.constant 640 : i32
      %mul3A_347 = arith.muli %sub3A_345, %mul3A_346 : i32
      %add3A_348 = arith.addi %mul3A_2, %mul3A_347 : i32
      %dma_wait3A_349 = arith.constant 0 : i32
      %dma_wait3A_350 = tpu.memref_slice %arg4[%add3A_348, %dma_wait3A_349] : memref<307200x64xf32, #tpu.memory_space<hbm>> -> memref<640x64xf32, #tpu.memory_space<hbm>>
      %dma_wait3A_351 = arith.constant 0 : i32
      %dma_wait3A_352 = tpu.memref_slice %arg4[%add3A_348, %dma_wait3A_351] : memref<307200x64xf32, #tpu.memory_space<hbm>> -> memref<640x64xf32, #tpu.memory_space<hbm>>
      tpu.wait_dma2 semaphore(%arg10 : memref<!tpu.dma_semaphore, #tpu.memory_space<semaphore_mem>>) src(%arg6 : memref<640x64xf32, #tpu.memory_space<vmem>>) dst(%dma_wait3A_352 : memref<640x64xf32, #tpu.memory_space<hbm>>)
      %mul3A_353 = arith.constant 5 : i32
      %mul3A_354 = arith.muli %mul3A_344, %mul3A_353 : i32
      %add3A_355 = arith.constant 0 : i32
      %add3A_356 = arith.addi %mul3A_354, %add3A_355 : i32
      %dma_start3A_357 = arith.constant 0 : i32
      %dma_start3A_358 = arith.constant 0 : i32
      %dma_start3A_359 = tpu.memref_slice %arg6[%dma_start3A_357, %dma_start3A_358] : memref<640x64xf32, #tpu.memory_space<vmem>> -> memref<128x64xf32, #tpu.memory_space<vmem>>
      %dma_start3A_360 = arith.constant 0 : i32
      %dma_start3A_361 = tpu.memref_slice %arg5[%add3A_356, %dma_start3A_360] : memref<75x128xi32, #tpu.memory_space<vmem>> -> memref<1x128xi32, #tpu.memory_space<vmem>>
      %dma_start3A_362 = tpu.memref_squeeze %dma_start3A_361 : memref<1x128xi32, #tpu.memory_space<vmem>> -> memref<128xi32, #tpu.memory_space<vmem>>
      %dma_start3A_363 = arith.constant 0 : i32
      %dma_start3A_364 = arith.constant 0 : i32
      %dma_start3A_365 = tpu.memref_slice %arg3[%dma_start3A_363, %dma_start3A_364] : memref<1003520x64xf32, #tpu.memory_space<hbm>> -> memref<1003520x64xf32, #tpu.memory_space<hbm>>
      tpu.enqueue_indirect_dma source(%dma_start3A_365 : memref<1003520x64xf32, #tpu.memory_space<hbm>>) target(%dma_start3A_359 : memref<128x64xf32, #tpu.memory_space<vmem>>) offsets(%dma_start3A_362 : memref<128xi32, #tpu.memory_space<vmem>>) semaphore(%arg8 : memref<!tpu.dma_semaphore, #tpu.memory_space<semaphore_mem>>)
      %mul3A_366 = arith.constant 5 : i32
      %mul3A_367 = arith.muli %mul3A_344, %mul3A_366 : i32
      %add3A_368 = arith.constant 1 : i32
      %add3A_369 = arith.addi %mul3A_367, %add3A_368 : i32
      %dma_start3A_370 = arith.constant 128 : i32
      %dma_start3A_371 = arith.constant 0 : i32
      %dma_start3A_372 = tpu.memref_slice %arg6[%dma_start3A_370, %dma_start3A_371] : memref<640x64xf32, #tpu.memory_space<vmem>> -> memref<128x64xf32, #tpu.memory_space<vmem>>
      %dma_start3A_373 = arith.constant 0 : i32
      %dma_start3A_374 = tpu.memref_slice %arg5[%add3A_369, %dma_start3A_373] : memref<75x128xi32, #tpu.memory_space<vmem>> -> memref<1x128xi32, #tpu.memory_space<vmem>>
      %dma_start3A_375 = tpu.memref_squeeze %dma_start3A_374 : memref<1x128xi32, #tpu.memory_space<vmem>> -> memref<128xi32, #tpu.memory_space<vmem>>
      %dma_start3A_376 = arith.constant 0 : i32
      %dma_start3A_377 = arith.constant 0 : i32
      %dma_start3A_378 = tpu.memref_slice %arg3[%dma_start3A_376, %dma_start3A_377] : memref<1003520x64xf32, #tpu.memory_space<hbm>> -> memref<1003520x64xf32, #tpu.memory_space<hbm>>
      tpu.enqueue_indirect_dma source(%dma_start3A_378 : memref<1003520x64xf32, #tpu.memory_space<hbm>>) target(%dma_start3A_372 : memref<128x64xf32, #tpu.memory_space<vmem>>) offsets(%dma_start3A_375 : memref<128xi32, #tpu.memory_space<vmem>>) semaphore(%arg8 : memref<!tpu.dma_semaphore, #tpu.memory_space<semaphore_mem>>)
      %mul3A_379 = arith.constant 5 : i32
      %mul3A_380 = arith.muli %mul3A_344, %mul3A_379 : i32
      %add3A_381 = arith.constant 2 : i32
      %add3A_382 = arith.addi %mul3A_380, %add3A_381 : i32
      %dma_start3A_383 = arith.constant 256 : i32
      %dma_start3A_384 = arith.constant 0 : i32
      %dma_start3A_385 = tpu.memref_slice %arg6[%dma_start3A_383, %dma_start3A_384] : memref<640x64xf32, #tpu.memory_space<vmem>> -> memref<128x64xf32, #tpu.memory_space<vmem>>
      %dma_start3A_386 = arith.constant 0 : i32
      %dma_start3A_387 = tpu.memref_slice %arg5[%add3A_382, %dma_start3A_386] : memref<75x128xi32, #tpu.memory_space<vmem>> -> memref<1x128xi32, #tpu.memory_space<vmem>>
      %dma_start3A_388 = tpu.memref_squeeze %dma_start3A_387 : memref<1x128xi32, #tpu.memory_space<vmem>> -> memref<128xi32, #tpu.memory_space<vmem>>
      %dma_start3A_389 = arith.constant 0 : i32
      %dma_start3A_390 = arith.constant 0 : i32
      %dma_start3A_391 = tpu.memref_slice %arg3[%dma_start3A_389, %dma_start3A_390] : memref<1003520x64xf32, #tpu.memory_space<hbm>> -> memref<1003520x64xf32, #tpu.memory_space<hbm>>
      tpu.enqueue_indirect_dma source(%dma_start3A_391 : memref<1003520x64xf32, #tpu.memory_space<hbm>>) target(%dma_start3A_385 : memref<128x64xf32, #tpu.memory_space<vmem>>) offsets(%dma_start3A_388 : memref<128xi32, #tpu.memory_space<vmem>>) semaphore(%arg8 : memref<!tpu.dma_semaphore, #tpu.memory_space<semaphore_mem>>)
      %mul3A_392 = arith.constant 5 : i32
      %mul3A_393 = arith.muli %mul3A_344, %mul3A_392 : i32
      %add3A_394 = arith.constant 3 : i32
      %add3A_395 = arith.addi %mul3A_393, %add3A_394 : i32
      %dma_start3A_396 = arith.constant 384 : i32
      %dma_start3A_397 = arith.constant 0 : i32
      %dma_start3A_398 = tpu.memref_slice %arg6[%dma_start3A_396, %dma_start3A_397] : memref<640x64xf32, #tpu.memory_space<vmem>> -> memref<128x64xf32, #tpu.memory_space<vmem>>
      %dma_start3A_399 = arith.constant 0 : i32
      %dma_start3A_400 = tpu.memref_slice %arg5[%add3A_395, %dma_start3A_399] : memref<75x128xi32, #tpu.memory_space<vmem>> -> memref<1x128xi32, #tpu.memory_space<vmem>>
      %dma_start3A_401 = tpu.memref_squeeze %dma_start3A_400 : memref<1x128xi32, #tpu.memory_space<vmem>> -> memref<128xi32, #tpu.memory_space<vmem>>
      %dma_start3A_402 = arith.constant 0 : i32
      %dma_start3A_403 = arith.constant 0 : i32
      %dma_start3A_404 = tpu.memref_slice %arg3[%dma_start3A_402, %dma_start3A_403] : memref<1003520x64xf32, #tpu.memory_space<hbm>> -> memref<1003520x64xf32, #tpu.memory_space<hbm>>
      tpu.enqueue_indirect_dma source(%dma_start3A_404 : memref<1003520x64xf32, #tpu.memory_space<hbm>>) target(%dma_start3A_398 : memref<128x64xf32, #tpu.memory_space<vmem>>) offsets(%dma_start3A_401 : memref<128xi32, #tpu.memory_space<vmem>>) semaphore(%arg8 : memref<!tpu.dma_semaphore, #tpu.memory_space<semaphore_mem>>)
      %mul3A_405 = arith.constant 5 : i32
      %mul3A_406 = arith.muli %mul3A_344, %mul3A_405 : i32
      %add3A_407 = arith.constant 4 : i32
      %add3A_408 = arith.addi %mul3A_406, %add3A_407 : i32
      %dma_start3A_409 = arith.constant 512 : i32
      %dma_start3A_410 = arith.constant 0 : i32
      %dma_start3A_411 = tpu.memref_slice %arg6[%dma_start3A_409, %dma_start3A_410] : memref<640x64xf32, #tpu.memory_space<vmem>> -> memref<128x64xf32, #tpu.memory_space<vmem>>
      %dma_start3A_412 = arith.constant 0 : i32
      %dma_start3A_413 = tpu.memref_slice %arg5[%add3A_408, %dma_start3A_412] : memref<75x128xi32, #tpu.memory_space<vmem>> -> memref<1x128xi32, #tpu.memory_space<vmem>>
      %dma_start3A_414 = tpu.memref_squeeze %dma_start3A_413 : memref<1x128xi32, #tpu.memory_space<vmem>> -> memref<128xi32, #tpu.memory_space<vmem>>
      %dma_start3A_415 = arith.constant 0 : i32
      %dma_start3A_416 = arith.constant 0 : i32
      %dma_start3A_417 = tpu.memref_slice %arg3[%dma_start3A_415, %dma_start3A_416] : memref<1003520x64xf32, #tpu.memory_space<hbm>> -> memref<1003520x64xf32, #tpu.memory_space<hbm>>
      tpu.enqueue_indirect_dma source(%dma_start3A_417 : memref<1003520x64xf32, #tpu.memory_space<hbm>>) target(%dma_start3A_411 : memref<128x64xf32, #tpu.memory_space<vmem>>) offsets(%dma_start3A_414 : memref<128xi32, #tpu.memory_space<vmem>>) semaphore(%arg8 : memref<!tpu.dma_semaphore, #tpu.memory_space<semaphore_mem>>)
      %sub3A_418 = arith.constant 1 : i32
      %sub3A_419 = arith.subi %mul3A_344, %sub3A_418 : i32
      %mul3A_420 = arith.constant 5 : i32
      %mul3A_421 = arith.muli %sub3A_419, %mul3A_420 : i32
      %add3A_422 = arith.constant 0 : i32
      %add3A_423 = arith.addi %mul3A_421, %add3A_422 : i32
      %dma_wait3A_424 = arith.constant 0 : i32
      %dma_wait3A_425 = arith.constant 0 : i32
      %dma_wait3A_426 = tpu.memref_slice %arg7[%dma_wait3A_424, %dma_wait3A_425] : memref<640x64xf32, #tpu.memory_space<vmem>> -> memref<128x64xf32, #tpu.memory_space<vmem>>
      %dma_wait3A_427 = arith.constant 0 : i32
      %dma_wait3A_428 = tpu.memref_slice %arg5[%add3A_423, %dma_wait3A_427] : memref<75x128xi32, #tpu.memory_space<vmem>> -> memref<1x128xi32, #tpu.memory_space<vmem>>
      %dma_wait3A_429 = tpu.memref_squeeze %dma_wait3A_428 : memref<1x128xi32, #tpu.memory_space<vmem>> -> memref<128xi32, #tpu.memory_space<vmem>>
      %dma_wait3A_430 = arith.constant 0 : i32
      %dma_wait3A_431 = arith.constant 0 : i32
      %dma_wait3A_432 = tpu.memref_slice %arg3[%dma_wait3A_430, %dma_wait3A_431] : memref<1003520x64xf32, #tpu.memory_space<hbm>> -> memref<1003520x64xf32, #tpu.memory_space<hbm>>
      tpu.wait_indirect_dma semaphore(%arg9 : memref<!tpu.dma_semaphore, #tpu.memory_space<semaphore_mem>>) src(%dma_wait3A_432 : memref<1003520x64xf32, #tpu.memory_space<hbm>>) dst(%dma_wait3A_426 : memref<128x64xf32, #tpu.memory_space<vmem>>)
      %mul3A_433 = arith.constant 5 : i32
      %mul3A_434 = arith.muli %sub3A_419, %mul3A_433 : i32
      %add3A_435 = arith.constant 1 : i32
      %add3A_436 = arith.addi %mul3A_434, %add3A_435 : i32
      %dma_wait3A_437 = arith.constant 128 : i32
      %dma_wait3A_438 = arith.constant 0 : i32
      %dma_wait3A_439 = tpu.memref_slice %arg7[%dma_wait3A_437, %dma_wait3A_438] : memref<640x64xf32, #tpu.memory_space<vmem>> -> memref<128x64xf32, #tpu.memory_space<vmem>>
      %dma_wait3A_440 = arith.constant 0 : i32
      %dma_wait3A_441 = tpu.memref_slice %arg5[%add3A_436, %dma_wait3A_440] : memref<75x128xi32, #tpu.memory_space<vmem>> -> memref<1x128xi32, #tpu.memory_space<vmem>>
      %dma_wait3A_442 = tpu.memref_squeeze %dma_wait3A_441 : memref<1x128xi32, #tpu.memory_space<vmem>> -> memref<128xi32, #tpu.memory_space<vmem>>
      %dma_wait3A_443 = arith.constant 0 : i32
      %dma_wait3A_444 = arith.constant 0 : i32
      %dma_wait3A_445 = tpu.memref_slice %arg3[%dma_wait3A_443, %dma_wait3A_444] : memref<1003520x64xf32, #tpu.memory_space<hbm>> -> memref<1003520x64xf32, #tpu.memory_space<hbm>>
      tpu.wait_indirect_dma semaphore(%arg9 : memref<!tpu.dma_semaphore, #tpu.memory_space<semaphore_mem>>) src(%dma_wait3A_445 : memref<1003520x64xf32, #tpu.memory_space<hbm>>) dst(%dma_wait3A_439 : memref<128x64xf32, #tpu.memory_space<vmem>>)
      %mul3A_446 = arith.constant 5 : i32
      %mul3A_447 = arith.muli %sub3A_419, %mul3A_446 : i32
      %add3A_448 = arith.constant 2 : i32
      %add3A_449 = arith.addi %mul3A_447, %add3A_448 : i32
      %dma_wait3A_450 = arith.constant 256 : i32
      %dma_wait3A_451 = arith.constant 0 : i32
      %dma_wait3A_452 = tpu.memref_slice %arg7[%dma_wait3A_450, %dma_wait3A_451] : memref<640x64xf32, #tpu.memory_space<vmem>> -> memref<128x64xf32, #tpu.memory_space<vmem>>
      %dma_wait3A_453 = arith.constant 0 : i32
      %dma_wait3A_454 = tpu.memref_slice %arg5[%add3A_449, %dma_wait3A_453] : memref<75x128xi32, #tpu.memory_space<vmem>> -> memref<1x128xi32, #tpu.memory_space<vmem>>
      %dma_wait3A_455 = tpu.memref_squeeze %dma_wait3A_454 : memref<1x128xi32, #tpu.memory_space<vmem>> -> memref<128xi32, #tpu.memory_space<vmem>>
      %dma_wait3A_456 = arith.constant 0 : i32
      %dma_wait3A_457 = arith.constant 0 : i32
      %dma_wait3A_458 = tpu.memref_slice %arg3[%dma_wait3A_456, %dma_wait3A_457] : memref<1003520x64xf32, #tpu.memory_space<hbm>> -> memref<1003520x64xf32, #tpu.memory_space<hbm>>
      tpu.wait_indirect_dma semaphore(%arg9 : memref<!tpu.dma_semaphore, #tpu.memory_space<semaphore_mem>>) src(%dma_wait3A_458 : memref<1003520x64xf32, #tpu.memory_space<hbm>>) dst(%dma_wait3A_452 : memref<128x64xf32, #tpu.memory_space<vmem>>)
      %mul3A_459 = arith.constant 5 : i32
      %mul3A_460 = arith.muli %sub3A_419, %mul3A_459 : i32
      %add3A_461 = arith.constant 3 : i32
      %add3A_462 = arith.addi %mul3A_460, %add3A_461 : i32
      %dma_wait3A_463 = arith.constant 384 : i32
      %dma_wait3A_464 = arith.constant 0 : i32
      %dma_wait3A_465 = tpu.memref_slice %arg7[%dma_wait3A_463, %dma_wait3A_464] : memref<640x64xf32, #tpu.memory_space<vmem>> -> memref<128x64xf32, #tpu.memory_space<vmem>>
      %dma_wait3A_466 = arith.constant 0 : i32
      %dma_wait3A_467 = tpu.memref_slice %arg5[%add3A_462, %dma_wait3A_466] : memref<75x128xi32, #tpu.memory_space<vmem>> -> memref<1x128xi32, #tpu.memory_space<vmem>>
      %dma_wait3A_468 = tpu.memref_squeeze %dma_wait3A_467 : memref<1x128xi32, #tpu.memory_space<vmem>> -> memref<128xi32, #tpu.memory_space<vmem>>
      %dma_wait3A_469 = arith.constant 0 : i32
      %dma_wait3A_470 = arith.constant 0 : i32
      %dma_wait3A_471 = tpu.memref_slice %arg3[%dma_wait3A_469, %dma_wait3A_470] : memref<1003520x64xf32, #tpu.memory_space<hbm>> -> memref<1003520x64xf32, #tpu.memory_space<hbm>>
      tpu.wait_indirect_dma semaphore(%arg9 : memref<!tpu.dma_semaphore, #tpu.memory_space<semaphore_mem>>) src(%dma_wait3A_471 : memref<1003520x64xf32, #tpu.memory_space<hbm>>) dst(%dma_wait3A_465 : memref<128x64xf32, #tpu.memory_space<vmem>>)
      %mul3A_472 = arith.constant 5 : i32
      %mul3A_473 = arith.muli %sub3A_419, %mul3A_472 : i32
      %add3A_474 = arith.constant 4 : i32
      %add3A_475 = arith.addi %mul3A_473, %add3A_474 : i32
      %dma_wait3A_476 = arith.constant 512 : i32
      %dma_wait3A_477 = arith.constant 0 : i32
      %dma_wait3A_478 = tpu.memref_slice %arg7[%dma_wait3A_476, %dma_wait3A_477] : memref<640x64xf32, #tpu.memory_space<vmem>> -> memref<128x64xf32, #tpu.memory_space<vmem>>
      %dma_wait3A_479 = arith.constant 0 : i32
      %dma_wait3A_480 = tpu.memref_slice %arg5[%add3A_475, %dma_wait3A_479] : memref<75x128xi32, #tpu.memory_space<vmem>> -> memref<1x128xi32, #tpu.memory_space<vmem>>
      %dma_wait3A_481 = tpu.memref_squeeze %dma_wait3A_480 : memref<1x128xi32, #tpu.memory_space<vmem>> -> memref<128xi32, #tpu.memory_space<vmem>>
      %dma_wait3A_482 = arith.constant 0 : i32
      %dma_wait3A_483 = arith.constant 0 : i32
      %dma_wait3A_484 = tpu.memref_slice %arg3[%dma_wait3A_482, %dma_wait3A_483] : memref<1003520x64xf32, #tpu.memory_space<hbm>> -> memref<1003520x64xf32, #tpu.memory_space<hbm>>
      tpu.wait_indirect_dma semaphore(%arg9 : memref<!tpu.dma_semaphore, #tpu.memory_space<semaphore_mem>>) src(%dma_wait3A_484 : memref<1003520x64xf32, #tpu.memory_space<hbm>>) dst(%dma_wait3A_478 : memref<128x64xf32, #tpu.memory_space<vmem>>)
      %sub3A_485 = arith.constant 1 : i32
      %sub3A_486 = arith.subi %mul3A_344, %sub3A_485 : i32
      %mul3A_487 = arith.constant 640 : i32
      %mul3A_488 = arith.muli %sub3A_486, %mul3A_487 : i32
      %add3A_489 = arith.addi %mul3A_2, %mul3A_488 : i32
      %dma_start3A_490 = arith.constant 0 : i32
      %dma_start3A_491 = tpu.memref_slice %arg4[%add3A_489, %dma_start3A_490] : memref<307200x64xf32, #tpu.memory_space<hbm>> -> memref<640x64xf32, #tpu.memory_space<hbm>>
      %dma_start3A_492 = arith.constant 0 : i32
      %dma_start3A_493 = tpu.memref_slice %arg4[%add3A_489, %dma_start3A_492] : memref<307200x64xf32, #tpu.memory_space<hbm>> -> memref<640x64xf32, #tpu.memory_space<hbm>>
      tpu.enqueue_dma source(%arg7 : memref<640x64xf32, #tpu.memory_space<vmem>>) target(%dma_start3A_493 : memref<640x64xf32, #tpu.memory_space<hbm>>) target_semaphore(%arg11 : memref<!tpu.dma_semaphore, #tpu.memory_space<semaphore_mem>>)
      %mul3A_494 = arith.constant 2 : i32
      %mul3A_495 = arith.muli %mul3A_494, %scan3A_342 : i32
      %add3A_496 = arith.constant 1 : i32
      %add3A_497 = arith.addi %mul3A_495, %add3A_496 : i32
      %sub3A_498 = arith.constant 2 : i32
      %sub3A_499 = arith.subi %add3A_497, %sub3A_498 : i32
      %mul3A_500 = arith.constant 640 : i32
      %mul3A_501 = arith.muli %sub3A_499, %mul3A_500 : i32
      %add3A_502 = arith.addi %mul3A_2, %mul3A_501 : i32
      %dma_wait3A_503 = arith.constant 0 : i32
      %dma_wait3A_504 = tpu.memref_slice %arg4[%add3A_502, %dma_wait3A_503] : memref<307200x64xf32, #tpu.memory_space<hbm>> -> memref<640x64xf32, #tpu.memory_space<hbm>>
      %dma_wait3A_505 = arith.constant 0 : i32
      %dma_wait3A_506 = tpu.memref_slice %arg4[%add3A_502, %dma_wait3A_505] : memref<307200x64xf32, #tpu.memory_space<hbm>> -> memref<640x64xf32, #tpu.memory_space<hbm>>
      tpu.wait_dma2 semaphore(%arg11 : memref<!tpu.dma_semaphore, #tpu.memory_space<semaphore_mem>>) src(%arg7 : memref<640x64xf32, #tpu.memory_space<vmem>>) dst(%dma_wait3A_506 : memref<640x64xf32, #tpu.memory_space<hbm>>)
      %mul3A_507 = arith.constant 5 : i32
      %mul3A_508 = arith.muli %add3A_497, %mul3A_507 : i32
      %add3A_509 = arith.constant 0 : i32
      %add3A_510 = arith.addi %mul3A_508, %add3A_509 : i32
      %dma_start3A_511 = arith.constant 0 : i32
      %dma_start3A_512 = arith.constant 0 : i32
      %dma_start3A_513 = tpu.memref_slice %arg7[%dma_start3A_511, %dma_start3A_512] : memref<640x64xf32, #tpu.memory_space<vmem>> -> memref<128x64xf32, #tpu.memory_space<vmem>>
      %dma_start3A_514 = arith.constant 0 : i32
      %dma_start3A_515 = tpu.memref_slice %arg5[%add3A_510, %dma_start3A_514] : memref<75x128xi32, #tpu.memory_space<vmem>> -> memref<1x128xi32, #tpu.memory_space<vmem>>
      %dma_start3A_516 = tpu.memref_squeeze %dma_start3A_515 : memref<1x128xi32, #tpu.memory_space<vmem>> -> memref<128xi32, #tpu.memory_space<vmem>>
      %dma_start3A_517 = arith.constant 0 : i32
      %dma_start3A_518 = arith.constant 0 : i32
      %dma_start3A_519 = tpu.memref_slice %arg3[%dma_start3A_517, %dma_start3A_518] : memref<1003520x64xf32, #tpu.memory_space<hbm>> -> memref<1003520x64xf32, #tpu.memory_space<hbm>>
      tpu.enqueue_indirect_dma source(%dma_start3A_519 : memref<1003520x64xf32, #tpu.memory_space<hbm>>) target(%dma_start3A_513 : memref<128x64xf32, #tpu.memory_space<vmem>>) offsets(%dma_start3A_516 : memref<128xi32, #tpu.memory_space<vmem>>) semaphore(%arg9 : memref<!tpu.dma_semaphore, #tpu.memory_space<semaphore_mem>>)
      %mul3A_520 = arith.constant 5 : i32
      %mul3A_521 = arith.muli %add3A_497, %mul3A_520 : i32
      %add3A_522 = arith.constant 1 : i32
      %add3A_523 = arith.addi %mul3A_521, %add3A_522 : i32
      %dma_start3A_524 = arith.constant 128 : i32
      %dma_start3A_525 = arith.constant 0 : i32
      %dma_start3A_526 = tpu.memref_slice %arg7[%dma_start3A_524, %dma_start3A_525] : memref<640x64xf32, #tpu.memory_space<vmem>> -> memref<128x64xf32, #tpu.memory_space<vmem>>
      %dma_start3A_527 = arith.constant 0 : i32
      %dma_start3A_528 = tpu.memref_slice %arg5[%add3A_523, %dma_start3A_527] : memref<75x128xi32, #tpu.memory_space<vmem>> -> memref<1x128xi32, #tpu.memory_space<vmem>>
      %dma_start3A_529 = tpu.memref_squeeze %dma_start3A_528 : memref<1x128xi32, #tpu.memory_space<vmem>> -> memref<128xi32, #tpu.memory_space<vmem>>
      %dma_start3A_530 = arith.constant 0 : i32
      %dma_start3A_531 = arith.constant 0 : i32
      %dma_start3A_532 = tpu.memref_slice %arg3[%dma_start3A_530, %dma_start3A_531] : memref<1003520x64xf32, #tpu.memory_space<hbm>> -> memref<1003520x64xf32, #tpu.memory_space<hbm>>
      tpu.enqueue_indirect_dma source(%dma_start3A_532 : memref<1003520x64xf32, #tpu.memory_space<hbm>>) target(%dma_start3A_526 : memref<128x64xf32, #tpu.memory_space<vmem>>) offsets(%dma_start3A_529 : memref<128xi32, #tpu.memory_space<vmem>>) semaphore(%arg9 : memref<!tpu.dma_semaphore, #tpu.memory_space<semaphore_mem>>)
      %mul3A_533 = arith.constant 5 : i32
      %mul3A_534 = arith.muli %add3A_497, %mul3A_533 : i32
      %add3A_535 = arith.constant 2 : i32
      %add3A_536 = arith.addi %mul3A_534, %add3A_535 : i32
      %dma_start3A_537 = arith.constant 256 : i32
      %dma_start3A_538 = arith.constant 0 : i32
      %dma_start3A_539 = tpu.memref_slice %arg7[%dma_start3A_537, %dma_start3A_538] : memref<640x64xf32, #tpu.memory_space<vmem>> -> memref<128x64xf32, #tpu.memory_space<vmem>>
      %dma_start3A_540 = arith.constant 0 : i32
      %dma_start3A_541 = tpu.memref_slice %arg5[%add3A_536, %dma_start3A_540] : memref<75x128xi32, #tpu.memory_space<vmem>> -> memref<1x128xi32, #tpu.memory_space<vmem>>
      %dma_start3A_542 = tpu.memref_squeeze %dma_start3A_541 : memref<1x128xi32, #tpu.memory_space<vmem>> -> memref<128xi32, #tpu.memory_space<vmem>>
      %dma_start3A_543 = arith.constant 0 : i32
      %dma_start3A_544 = arith.constant 0 : i32
      %dma_start3A_545 = tpu.memref_slice %arg3[%dma_start3A_543, %dma_start3A_544] : memref<1003520x64xf32, #tpu.memory_space<hbm>> -> memref<1003520x64xf32, #tpu.memory_space<hbm>>
      tpu.enqueue_indirect_dma source(%dma_start3A_545 : memref<1003520x64xf32, #tpu.memory_space<hbm>>) target(%dma_start3A_539 : memref<128x64xf32, #tpu.memory_space<vmem>>) offsets(%dma_start3A_542 : memref<128xi32, #tpu.memory_space<vmem>>) semaphore(%arg9 : memref<!tpu.dma_semaphore, #tpu.memory_space<semaphore_mem>>)
      %mul3A_546 = arith.constant 5 : i32
      %mul3A_547 = arith.muli %add3A_497, %mul3A_546 : i32
      %add3A_548 = arith.constant 3 : i32
      %add3A_549 = arith.addi %mul3A_547, %add3A_548 : i32
      %dma_start3A_550 = arith.constant 384 : i32
      %dma_start3A_551 = arith.constant 0 : i32
      %dma_start3A_552 = tpu.memref_slice %arg7[%dma_start3A_550, %dma_start3A_551] : memref<640x64xf32, #tpu.memory_space<vmem>> -> memref<128x64xf32, #tpu.memory_space<vmem>>
      %dma_start3A_553 = arith.constant 0 : i32
      %dma_start3A_554 = tpu.memref_slice %arg5[%add3A_549, %dma_start3A_553] : memref<75x128xi32, #tpu.memory_space<vmem>> -> memref<1x128xi32, #tpu.memory_space<vmem>>
      %dma_start3A_555 = tpu.memref_squeeze %dma_start3A_554 : memref<1x128xi32, #tpu.memory_space<vmem>> -> memref<128xi32, #tpu.memory_space<vmem>>
      %dma_start3A_556 = arith.constant 0 : i32
      %dma_start3A_557 = arith.constant 0 : i32
      %dma_start3A_558 = tpu.memref_slice %arg3[%dma_start3A_556, %dma_start3A_557] : memref<1003520x64xf32, #tpu.memory_space<hbm>> -> memref<1003520x64xf32, #tpu.memory_space<hbm>>
      tpu.enqueue_indirect_dma source(%dma_start3A_558 : memref<1003520x64xf32, #tpu.memory_space<hbm>>) target(%dma_start3A_552 : memref<128x64xf32, #tpu.memory_space<vmem>>) offsets(%dma_start3A_555 : memref<128xi32, #tpu.memory_space<vmem>>) semaphore(%arg9 : memref<!tpu.dma_semaphore, #tpu.memory_space<semaphore_mem>>)
      %mul3A_559 = arith.constant 5 : i32
      %mul3A_560 = arith.muli %add3A_497, %mul3A_559 : i32
      %add3A_561 = arith.constant 4 : i32
      %add3A_562 = arith.addi %mul3A_560, %add3A_561 : i32
      %dma_start3A_563 = arith.constant 512 : i32
      %dma_start3A_564 = arith.constant 0 : i32
      %dma_start3A_565 = tpu.memref_slice %arg7[%dma_start3A_563, %dma_start3A_564] : memref<640x64xf32, #tpu.memory_space<vmem>> -> memref<128x64xf32, #tpu.memory_space<vmem>>
      %dma_start3A_566 = arith.constant 0 : i32
      %dma_start3A_567 = tpu.memref_slice %arg5[%add3A_562, %dma_start3A_566] : memref<75x128xi32, #tpu.memory_space<vmem>> -> memref<1x128xi32, #tpu.memory_space<vmem>>
      %dma_start3A_568 = tpu.memref_squeeze %dma_start3A_567 : memref<1x128xi32, #tpu.memory_space<vmem>> -> memref<128xi32, #tpu.memory_space<vmem>>
      %dma_start3A_569 = arith.constant 0 : i32
      %dma_start3A_570 = arith.constant 0 : i32
      %dma_start3A_571 = tpu.memref_slice %arg3[%dma_start3A_569, %dma_start3A_570] : memref<1003520x64xf32, #tpu.memory_space<hbm>> -> memref<1003520x64xf32, #tpu.memory_space<hbm>>
      tpu.enqueue_indirect_dma source(%dma_start3A_571 : memref<1003520x64xf32, #tpu.memory_space<hbm>>) target(%dma_start3A_565 : memref<128x64xf32, #tpu.memory_space<vmem>>) offsets(%dma_start3A_568 : memref<128xi32, #tpu.memory_space<vmem>>) semaphore(%arg9 : memref<!tpu.dma_semaphore, #tpu.memory_space<semaphore_mem>>)
      %sub3A_572 = arith.constant 1 : i32
      %sub3A_573 = arith.subi %add3A_497, %sub3A_572 : i32
      %mul3A_574 = arith.constant 5 : i32
      %mul3A_575 = arith.muli %sub3A_573, %mul3A_574 : i32
      %add3A_576 = arith.constant 0 : i32
      %add3A_577 = arith.addi %mul3A_575, %add3A_576 : i32
      %dma_wait3A_578 = arith.constant 0 : i32
      %dma_wait3A_579 = arith.constant 0 : i32
      %dma_wait3A_580 = tpu.memref_slice %arg6[%dma_wait3A_578, %dma_wait3A_579] : memref<640x64xf32, #tpu.memory_space<vmem>> -> memref<128x64xf32, #tpu.memory_space<vmem>>
      %dma_wait3A_581 = arith.constant 0 : i32
      %dma_wait3A_582 = tpu.memref_slice %arg5[%add3A_577, %dma_wait3A_581] : memref<75x128xi32, #tpu.memory_space<vmem>> -> memref<1x128xi32, #tpu.memory_space<vmem>>
      %dma_wait3A_583 = tpu.memref_squeeze %dma_wait3A_582 : memref<1x128xi32, #tpu.memory_space<vmem>> -> memref<128xi32, #tpu.memory_space<vmem>>
      %dma_wait3A_584 = arith.constant 0 : i32
      %dma_wait3A_585 = arith.constant 0 : i32
      %dma_wait3A_586 = tpu.memref_slice %arg3[%dma_wait3A_584, %dma_wait3A_585] : memref<1003520x64xf32, #tpu.memory_space<hbm>> -> memref<1003520x64xf32, #tpu.memory_space<hbm>>
      tpu.wait_indirect_dma semaphore(%arg8 : memref<!tpu.dma_semaphore, #tpu.memory_space<semaphore_mem>>) src(%dma_wait3A_586 : memref<1003520x64xf32, #tpu.memory_space<hbm>>) dst(%dma_wait3A_580 : memref<128x64xf32, #tpu.memory_space<vmem>>)
      %mul3A_587 = arith.constant 5 : i32
      %mul3A_588 = arith.muli %sub3A_573, %mul3A_587 : i32
      %add3A_589 = arith.constant 1 : i32
      %add3A_590 = arith.addi %mul3A_588, %add3A_589 : i32
      %dma_wait3A_591 = arith.constant 128 : i32
      %dma_wait3A_592 = arith.constant 0 : i32
      %dma_wait3A_593 = tpu.memref_slice %arg6[%dma_wait3A_591, %dma_wait3A_592] : memref<640x64xf32, #tpu.memory_space<vmem>> -> memref<128x64xf32, #tpu.memory_space<vmem>>
      %dma_wait3A_594 = arith.constant 0 : i32
      %dma_wait3A_595 = tpu.memref_slice %arg5[%add3A_590, %dma_wait3A_594] : memref<75x128xi32, #tpu.memory_space<vmem>> -> memref<1x128xi32, #tpu.memory_space<vmem>>
      %dma_wait3A_596 = tpu.memref_squeeze %dma_wait3A_595 : memref<1x128xi32, #tpu.memory_space<vmem>> -> memref<128xi32, #tpu.memory_space<vmem>>
      %dma_wait3A_597 = arith.constant 0 : i32
      %dma_wait3A_598 = arith.constant 0 : i32
      %dma_wait3A_599 = tpu.memref_slice %arg3[%dma_wait3A_597, %dma_wait3A_598] : memref<1003520x64xf32, #tpu.memory_space<hbm>> -> memref<1003520x64xf32, #tpu.memory_space<hbm>>
      tpu.wait_indirect_dma semaphore(%arg8 : memref<!tpu.dma_semaphore, #tpu.memory_space<semaphore_mem>>) src(%dma_wait3A_599 : memref<1003520x64xf32, #tpu.memory_space<hbm>>) dst(%dma_wait3A_593 : memref<128x64xf32, #tpu.memory_space<vmem>>)
      %mul3A_600 = arith.constant 5 : i32
      %mul3A_601 = arith.muli %sub3A_573, %mul3A_600 : i32
      %add3A_602 = arith.constant 2 : i32
      %add3A_603 = arith.addi %mul3A_601, %add3A_602 : i32
      %dma_wait3A_604 = arith.constant 256 : i32
      %dma_wait3A_605 = arith.constant 0 : i32
      %dma_wait3A_606 = tpu.memref_slice %arg6[%dma_wait3A_604, %dma_wait3A_605] : memref<640x64xf32, #tpu.memory_space<vmem>> -> memref<128x64xf32, #tpu.memory_space<vmem>>
      %dma_wait3A_607 = arith.constant 0 : i32
      %dma_wait3A_608 = tpu.memref_slice %arg5[%add3A_603, %dma_wait3A_607] : memref<75x128xi32, #tpu.memory_space<vmem>> -> memref<1x128xi32, #tpu.memory_space<vmem>>
      %dma_wait3A_609 = tpu.memref_squeeze %dma_wait3A_608 : memref<1x128xi32, #tpu.memory_space<vmem>> -> memref<128xi32, #tpu.memory_space<vmem>>
      %dma_wait3A_610 = arith.constant 0 : i32
      %dma_wait3A_611 = arith.constant 0 : i32
      %dma_wait3A_612 = tpu.memref_slice %arg3[%dma_wait3A_610, %dma_wait3A_611] : memref<1003520x64xf32, #tpu.memory_space<hbm>> -> memref<1003520x64xf32, #tpu.memory_space<hbm>>
      tpu.wait_indirect_dma semaphore(%arg8 : memref<!tpu.dma_semaphore, #tpu.memory_space<semaphore_mem>>) src(%dma_wait3A_612 : memref<1003520x64xf32, #tpu.memory_space<hbm>>) dst(%dma_wait3A_606 : memref<128x64xf32, #tpu.memory_space<vmem>>)
      %mul3A_613 = arith.constant 5 : i32
      %mul3A_614 = arith.muli %sub3A_573, %mul3A_613 : i32
      %add3A_615 = arith.constant 3 : i32
      %add3A_616 = arith.addi %mul3A_614, %add3A_615 : i32
      %dma_wait3A_617 = arith.constant 384 : i32
      %dma_wait3A_618 = arith.constant 0 : i32
      %dma_wait3A_619 = tpu.memref_slice %arg6[%dma_wait3A_617, %dma_wait3A_618] : memref<640x64xf32, #tpu.memory_space<vmem>> -> memref<128x64xf32, #tpu.memory_space<vmem>>
      %dma_wait3A_620 = arith.constant 0 : i32
      %dma_wait3A_621 = tpu.memref_slice %arg5[%add3A_616, %dma_wait3A_620] : memref<75x128xi32, #tpu.memory_space<vmem>> -> memref<1x128xi32, #tpu.memory_space<vmem>>
      %dma_wait3A_622 = tpu.memref_squeeze %dma_wait3A_621 : memref<1x128xi32, #tpu.memory_space<vmem>> -> memref<128xi32, #tpu.memory_space<vmem>>
      %dma_wait3A_623 = arith.constant 0 : i32
      %dma_wait3A_624 = arith.constant 0 : i32
      %dma_wait3A_625 = tpu.memref_slice %arg3[%dma_wait3A_623, %dma_wait3A_624] : memref<1003520x64xf32, #tpu.memory_space<hbm>> -> memref<1003520x64xf32, #tpu.memory_space<hbm>>
      tpu.wait_indirect_dma semaphore(%arg8 : memref<!tpu.dma_semaphore, #tpu.memory_space<semaphore_mem>>) src(%dma_wait3A_625 : memref<1003520x64xf32, #tpu.memory_space<hbm>>) dst(%dma_wait3A_619 : memref<128x64xf32, #tpu.memory_space<vmem>>)
      %mul3A_626 = arith.constant 5 : i32
      %mul3A_627 = arith.muli %sub3A_573, %mul3A_626 : i32
      %add3A_628 = arith.constant 4 : i32
      %add3A_629 = arith.addi %mul3A_627, %add3A_628 : i32
      %dma_wait3A_630 = arith.constant 512 : i32
      %dma_wait3A_631 = arith.constant 0 : i32
      %dma_wait3A_632 = tpu.memref_slice %arg6[%dma_wait3A_630, %dma_wait3A_631] : memref<640x64xf32, #tpu.memory_space<vmem>> -> memref<128x64xf32, #tpu.memory_space<vmem>>
      %dma_wait3A_633 = arith.constant 0 : i32
      %dma_wait3A_634 = tpu.memref_slice %arg5[%add3A_629, %dma_wait3A_633] : memref<75x128xi32, #tpu.memory_space<vmem>> -> memref<1x128xi32, #tpu.memory_space<vmem>>
      %dma_wait3A_635 = tpu.memref_squeeze %dma_wait3A_634 : memref<1x128xi32, #tpu.memory_space<vmem>> -> memref<128xi32, #tpu.memory_space<vmem>>
      %dma_wait3A_636 = arith.constant 0 : i32
      %dma_wait3A_637 = arith.constant 0 : i32
      %dma_wait3A_638 = tpu.memref_slice %arg3[%dma_wait3A_636, %dma_wait3A_637] : memref<1003520x64xf32, #tpu.memory_space<hbm>> -> memref<1003520x64xf32, #tpu.memory_space<hbm>>
      tpu.wait_indirect_dma semaphore(%arg8 : memref<!tpu.dma_semaphore, #tpu.memory_space<semaphore_mem>>) src(%dma_wait3A_638 : memref<1003520x64xf32, #tpu.memory_space<hbm>>) dst(%dma_wait3A_632 : memref<128x64xf32, #tpu.memory_space<vmem>>)
      %sub3A_639 = arith.constant 1 : i32
      %sub3A_640 = arith.subi %add3A_497, %sub3A_639 : i32
      %mul3A_641 = arith.constant 640 : i32
      %mul3A_642 = arith.muli %sub3A_640, %mul3A_641 : i32
      %add3A_643 = arith.addi %mul3A_2, %mul3A_642 : i32
      %dma_start3A_644 = arith.constant 0 : i32
      %dma_start3A_645 = tpu.memref_slice %arg4[%add3A_643, %dma_start3A_644] : memref<307200x64xf32, #tpu.memory_space<hbm>> -> memref<640x64xf32, #tpu.memory_space<hbm>>
      %dma_start3A_646 = arith.constant 0 : i32
      %dma_start3A_647 = tpu.memref_slice %arg4[%add3A_643, %dma_start3A_646] : memref<307200x64xf32, #tpu.memory_space<hbm>> -> memref<640x64xf32, #tpu.memory_space<hbm>>
      tpu.enqueue_dma source(%arg6 : memref<640x64xf32, #tpu.memory_space<vmem>>) target(%dma_start3A_647 : memref<640x64xf32, #tpu.memory_space<hbm>>) target_semaphore(%arg10 : memref<!tpu.dma_semaphore, #tpu.memory_space<semaphore_mem>>)
    }
    %scan3A_161 = arith.constant 6 : i32
    %add3A_162 = arith.constant 7680 : i32
    %add3A_163 = arith.addi %mul3A_2, %add3A_162 : i32
    %dma_wait3A_164 = arith.constant 0 : i32
    %dma_wait3A_165 = tpu.memref_slice %arg4[%add3A_163, %dma_wait3A_164] : memref<307200x64xf32, #tpu.memory_space<hbm>> -> memref<640x64xf32, #tpu.memory_space<hbm>>
    %dma_wait3A_166 = arith.constant 0 : i32
    %dma_wait3A_167 = tpu.memref_slice %arg4[%add3A_163, %dma_wait3A_166] : memref<307200x64xf32, #tpu.memory_space<hbm>> -> memref<640x64xf32, #tpu.memory_space<hbm>>
    tpu.wait_dma2 semaphore(%arg10 : memref<!tpu.dma_semaphore, #tpu.memory_space<semaphore_mem>>) src(%arg6 : memref<640x64xf32, #tpu.memory_space<vmem>>) dst(%dma_wait3A_167 : memref<640x64xf32, #tpu.memory_space<hbm>>)
    %dma_start3A_168 = arith.constant 70 : i32
    %dma_start3A_169 = arith.constant 0 : i32
    %dma_start3A_170 = arith.constant 0 : i32
    %dma_start3A_171 = tpu.memref_slice %arg6[%dma_start3A_169, %dma_start3A_170] : memref<640x64xf32, #tpu.memory_space<vmem>> -> memref<128x64xf32, #tpu.memory_space<vmem>>
    %dma_start3A_172 = arith.constant 0 : i32
    %dma_start3A_173 = tpu.memref_slice %arg5[%dma_start3A_168, %dma_start3A_172] : memref<75x128xi32, #tpu.memory_space<vmem>> -> memref<1x128xi32, #tpu.memory_space<vmem>>
    %dma_start3A_174 = tpu.memref_squeeze %dma_start3A_173 : memref<1x128xi32, #tpu.memory_space<vmem>> -> memref<128xi32, #tpu.memory_space<vmem>>
    %dma_start3A_175 = arith.constant 0 : i32
    %dma_start3A_176 = arith.constant 0 : i32
    %dma_start3A_177 = tpu.memref_slice %arg3[%dma_start3A_175, %dma_start3A_176] : memref<1003520x64xf32, #tpu.memory_space<hbm>> -> memref<1003520x64xf32, #tpu.memory_space<hbm>>
    tpu.enqueue_indirect_dma source(%dma_start3A_177 : memref<1003520x64xf32, #tpu.memory_space<hbm>>) target(%dma_start3A_171 : memref<128x64xf32, #tpu.memory_space<vmem>>) offsets(%dma_start3A_174 : memref<128xi32, #tpu.memory_space<vmem>>) semaphore(%arg8 : memref<!tpu.dma_semaphore, #tpu.memory_space<semaphore_mem>>)
    %dma_start3A_178 = arith.constant 71 : i32
    %dma_start3A_179 = arith.constant 128 : i32
    %dma_start3A_180 = arith.constant 0 : i32
    %dma_start3A_181 = tpu.memref_slice %arg6[%dma_start3A_179, %dma_start3A_180] : memref<640x64xf32, #tpu.memory_space<vmem>> -> memref<128x64xf32, #tpu.memory_space<vmem>>
    %dma_start3A_182 = arith.constant 0 : i32
    %dma_start3A_183 = tpu.memref_slice %arg5[%dma_start3A_178, %dma_start3A_182] : memref<75x128xi32, #tpu.memory_space<vmem>> -> memref<1x128xi32, #tpu.memory_space<vmem>>
    %dma_start3A_184 = tpu.memref_squeeze %dma_start3A_183 : memref<1x128xi32, #tpu.memory_space<vmem>> -> memref<128xi32, #tpu.memory_space<vmem>>
    %dma_start3A_185 = arith.constant 0 : i32
    %dma_start3A_186 = arith.constant 0 : i32
    %dma_start3A_187 = tpu.memref_slice %arg3[%dma_start3A_185, %dma_start3A_186] : memref<1003520x64xf32, #tpu.memory_space<hbm>> -> memref<1003520x64xf32, #tpu.memory_space<hbm>>
    tpu.enqueue_indirect_dma source(%dma_start3A_187 : memref<1003520x64xf32, #tpu.memory_space<hbm>>) target(%dma_start3A_181 : memref<128x64xf32, #tpu.memory_space<vmem>>) offsets(%dma_start3A_184 : memref<128xi32, #tpu.memory_space<vmem>>) semaphore(%arg8 : memref<!tpu.dma_semaphore, #tpu.memory_space<semaphore_mem>>)
    %dma_start3A_188 = arith.constant 72 : i32
    %dma_start3A_189 = arith.constant 256 : i32
    %dma_start3A_190 = arith.constant 0 : i32
    %dma_start3A_191 = tpu.memref_slice %arg6[%dma_start3A_189, %dma_start3A_190] : memref<640x64xf32, #tpu.memory_space<vmem>> -> memref<128x64xf32, #tpu.memory_space<vmem>>
    %dma_start3A_192 = arith.constant 0 : i32
    %dma_start3A_193 = tpu.memref_slice %arg5[%dma_start3A_188, %dma_start3A_192] : memref<75x128xi32, #tpu.memory_space<vmem>> -> memref<1x128xi32, #tpu.memory_space<vmem>>
    %dma_start3A_194 = tpu.memref_squeeze %dma_start3A_193 : memref<1x128xi32, #tpu.memory_space<vmem>> -> memref<128xi32, #tpu.memory_space<vmem>>
    %dma_start3A_195 = arith.constant 0 : i32
    %dma_start3A_196 = arith.constant 0 : i32
    %dma_start3A_197 = tpu.memref_slice %arg3[%dma_start3A_195, %dma_start3A_196] : memref<1003520x64xf32, #tpu.memory_space<hbm>> -> memref<1003520x64xf32, #tpu.memory_space<hbm>>
    tpu.enqueue_indirect_dma source(%dma_start3A_197 : memref<1003520x64xf32, #tpu.memory_space<hbm>>) target(%dma_start3A_191 : memref<128x64xf32, #tpu.memory_space<vmem>>) offsets(%dma_start3A_194 : memref<128xi32, #tpu.memory_space<vmem>>) semaphore(%arg8 : memref<!tpu.dma_semaphore, #tpu.memory_space<semaphore_mem>>)
    %dma_start3A_198 = arith.constant 73 : i32
    %dma_start3A_199 = arith.constant 384 : i32
    %dma_start3A_200 = arith.constant 0 : i32
    %dma_start3A_201 = tpu.memref_slice %arg6[%dma_start3A_199, %dma_start3A_200] : memref<640x64xf32, #tpu.memory_space<vmem>> -> memref<128x64xf32, #tpu.memory_space<vmem>>
    %dma_start3A_202 = arith.constant 0 : i32
    %dma_start3A_203 = tpu.memref_slice %arg5[%dma_start3A_198, %dma_start3A_202] : memref<75x128xi32, #tpu.memory_space<vmem>> -> memref<1x128xi32, #tpu.memory_space<vmem>>
    %dma_start3A_204 = tpu.memref_squeeze %dma_start3A_203 : memref<1x128xi32, #tpu.memory_space<vmem>> -> memref<128xi32, #tpu.memory_space<vmem>>
    %dma_start3A_205 = arith.constant 0 : i32
    %dma_start3A_206 = arith.constant 0 : i32
    %dma_start3A_207 = tpu.memref_slice %arg3[%dma_start3A_205, %dma_start3A_206] : memref<1003520x64xf32, #tpu.memory_space<hbm>> -> memref<1003520x64xf32, #tpu.memory_space<hbm>>
    tpu.enqueue_indirect_dma source(%dma_start3A_207 : memref<1003520x64xf32, #tpu.memory_space<hbm>>) target(%dma_start3A_201 : memref<128x64xf32, #tpu.memory_space<vmem>>) offsets(%dma_start3A_204 : memref<128xi32, #tpu.memory_space<vmem>>) semaphore(%arg8 : memref<!tpu.dma_semaphore, #tpu.memory_space<semaphore_mem>>)
    %dma_start3A_208 = arith.constant 74 : i32
    %dma_start3A_209 = arith.constant 512 : i32
    %dma_start3A_210 = arith.constant 0 : i32
    %dma_start3A_211 = tpu.memref_slice %arg6[%dma_start3A_209, %dma_start3A_210] : memref<640x64xf32, #tpu.memory_space<vmem>> -> memref<128x64xf32, #tpu.memory_space<vmem>>
    %dma_start3A_212 = arith.constant 0 : i32
    %dma_start3A_213 = tpu.memref_slice %arg5[%dma_start3A_208, %dma_start3A_212] : memref<75x128xi32, #tpu.memory_space<vmem>> -> memref<1x128xi32, #tpu.memory_space<vmem>>
    %dma_start3A_214 = tpu.memref_squeeze %dma_start3A_213 : memref<1x128xi32, #tpu.memory_space<vmem>> -> memref<128xi32, #tpu.memory_space<vmem>>
    %dma_start3A_215 = arith.constant 0 : i32
    %dma_start3A_216 = arith.constant 0 : i32
    %dma_start3A_217 = tpu.memref_slice %arg3[%dma_start3A_215, %dma_start3A_216] : memref<1003520x64xf32, #tpu.memory_space<hbm>> -> memref<1003520x64xf32, #tpu.memory_space<hbm>>
    tpu.enqueue_indirect_dma source(%dma_start3A_217 : memref<1003520x64xf32, #tpu.memory_space<hbm>>) target(%dma_start3A_211 : memref<128x64xf32, #tpu.memory_space<vmem>>) offsets(%dma_start3A_214 : memref<128xi32, #tpu.memory_space<vmem>>) semaphore(%arg8 : memref<!tpu.dma_semaphore, #tpu.memory_space<semaphore_mem>>)
    %dma_wait3A_218 = arith.constant 65 : i32
    %dma_wait3A_219 = arith.constant 0 : i32
    %dma_wait3A_220 = arith.constant 0 : i32
    %dma_wait3A_221 = tpu.memref_slice %arg7[%dma_wait3A_219, %dma_wait3A_220] : memref<640x64xf32, #tpu.memory_space<vmem>> -> memref<128x64xf32, #tpu.memory_space<vmem>>
    %dma_wait3A_222 = arith.constant 0 : i32
    %dma_wait3A_223 = tpu.memref_slice %arg5[%dma_wait3A_218, %dma_wait3A_222] : memref<75x128xi32, #tpu.memory_space<vmem>> -> memref<1x128xi32, #tpu.memory_space<vmem>>
    %dma_wait3A_224 = tpu.memref_squeeze %dma_wait3A_223 : memref<1x128xi32, #tpu.memory_space<vmem>> -> memref<128xi32, #tpu.memory_space<vmem>>
    %dma_wait3A_225 = arith.constant 0 : i32
    %dma_wait3A_226 = arith.constant 0 : i32
    %dma_wait3A_227 = tpu.memref_slice %arg3[%dma_wait3A_225, %dma_wait3A_226] : memref<1003520x64xf32, #tpu.memory_space<hbm>> -> memref<1003520x64xf32, #tpu.memory_space<hbm>>
    tpu.wait_indirect_dma semaphore(%arg9 : memref<!tpu.dma_semaphore, #tpu.memory_space<semaphore_mem>>) src(%dma_wait3A_227 : memref<1003520x64xf32, #tpu.memory_space<hbm>>) dst(%dma_wait3A_221 : memref<128x64xf32, #tpu.memory_space<vmem>>)
    %dma_wait3A_228 = arith.constant 66 : i32
    %dma_wait3A_229 = arith.constant 128 : i32
    %dma_wait3A_230 = arith.constant 0 : i32
    %dma_wait3A_231 = tpu.memref_slice %arg7[%dma_wait3A_229, %dma_wait3A_230] : memref<640x64xf32, #tpu.memory_space<vmem>> -> memref<128x64xf32, #tpu.memory_space<vmem>>
    %dma_wait3A_232 = arith.constant 0 : i32
    %dma_wait3A_233 = tpu.memref_slice %arg5[%dma_wait3A_228, %dma_wait3A_232] : memref<75x128xi32, #tpu.memory_space<vmem>> -> memref<1x128xi32, #tpu.memory_space<vmem>>
    %dma_wait3A_234 = tpu.memref_squeeze %dma_wait3A_233 : memref<1x128xi32, #tpu.memory_space<vmem>> -> memref<128xi32, #tpu.memory_space<vmem>>
    %dma_wait3A_235 = arith.constant 0 : i32
    %dma_wait3A_236 = arith.constant 0 : i32
    %dma_wait3A_237 = tpu.memref_slice %arg3[%dma_wait3A_235, %dma_wait3A_236] : memref<1003520x64xf32, #tpu.memory_space<hbm>> -> memref<1003520x64xf32, #tpu.memory_space<hbm>>
    tpu.wait_indirect_dma semaphore(%arg9 : memref<!tpu.dma_semaphore, #tpu.memory_space<semaphore_mem>>) src(%dma_wait3A_237 : memref<1003520x64xf32, #tpu.memory_space<hbm>>) dst(%dma_wait3A_231 : memref<128x64xf32, #tpu.memory_space<vmem>>)
    %dma_wait3A_238 = arith.constant 67 : i32
    %dma_wait3A_239 = arith.constant 256 : i32
    %dma_wait3A_240 = arith.constant 0 : i32
    %dma_wait3A_241 = tpu.memref_slice %arg7[%dma_wait3A_239, %dma_wait3A_240] : memref<640x64xf32, #tpu.memory_space<vmem>> -> memref<128x64xf32, #tpu.memory_space<vmem>>
    %dma_wait3A_242 = arith.constant 0 : i32
    %dma_wait3A_243 = tpu.memref_slice %arg5[%dma_wait3A_238, %dma_wait3A_242] : memref<75x128xi32, #tpu.memory_space<vmem>> -> memref<1x128xi32, #tpu.memory_space<vmem>>
    %dma_wait3A_244 = tpu.memref_squeeze %dma_wait3A_243 : memref<1x128xi32, #tpu.memory_space<vmem>> -> memref<128xi32, #tpu.memory_space<vmem>>
    %dma_wait3A_245 = arith.constant 0 : i32
    %dma_wait3A_246 = arith.constant 0 : i32
    %dma_wait3A_247 = tpu.memref_slice %arg3[%dma_wait3A_245, %dma_wait3A_246] : memref<1003520x64xf32, #tpu.memory_space<hbm>> -> memref<1003520x64xf32, #tpu.memory_space<hbm>>
    tpu.wait_indirect_dma semaphore(%arg9 : memref<!tpu.dma_semaphore, #tpu.memory_space<semaphore_mem>>) src(%dma_wait3A_247 : memref<1003520x64xf32, #tpu.memory_space<hbm>>) dst(%dma_wait3A_241 : memref<128x64xf32, #tpu.memory_space<vmem>>)
    %dma_wait3A_248 = arith.constant 68 : i32
    %dma_wait3A_249 = arith.constant 384 : i32
    %dma_wait3A_250 = arith.constant 0 : i32
    %dma_wait3A_251 = tpu.memref_slice %arg7[%dma_wait3A_249, %dma_wait3A_250] : memref<640x64xf32, #tpu.memory_space<vmem>> -> memref<128x64xf32, #tpu.memory_space<vmem>>
    %dma_wait3A_252 = arith.constant 0 : i32
    %dma_wait3A_253 = tpu.memref_slice %arg5[%dma_wait3A_248, %dma_wait3A_252] : memref<75x128xi32, #tpu.memory_space<vmem>> -> memref<1x128xi32, #tpu.memory_space<vmem>>
    %dma_wait3A_254 = tpu.memref_squeeze %dma_wait3A_253 : memref<1x128xi32, #tpu.memory_space<vmem>> -> memref<128xi32, #tpu.memory_space<vmem>>
    %dma_wait3A_255 = arith.constant 0 : i32
    %dma_wait3A_256 = arith.constant 0 : i32
    %dma_wait3A_257 = tpu.memref_slice %arg3[%dma_wait3A_255, %dma_wait3A_256] : memref<1003520x64xf32, #tpu.memory_space<hbm>> -> memref<1003520x64xf32, #tpu.memory_space<hbm>>
    tpu.wait_indirect_dma semaphore(%arg9 : memref<!tpu.dma_semaphore, #tpu.memory_space<semaphore_mem>>) src(%dma_wait3A_257 : memref<1003520x64xf32, #tpu.memory_space<hbm>>) dst(%dma_wait3A_251 : memref<128x64xf32, #tpu.memory_space<vmem>>)
    %dma_wait3A_258 = arith.constant 69 : i32
    %dma_wait3A_259 = arith.constant 512 : i32
    %dma_wait3A_260 = arith.constant 0 : i32
    %dma_wait3A_261 = tpu.memref_slice %arg7[%dma_wait3A_259, %dma_wait3A_260] : memref<640x64xf32, #tpu.memory_space<vmem>> -> memref<128x64xf32, #tpu.memory_space<vmem>>
    %dma_wait3A_262 = arith.constant 0 : i32
    %dma_wait3A_263 = tpu.memref_slice %arg5[%dma_wait3A_258, %dma_wait3A_262] : memref<75x128xi32, #tpu.memory_space<vmem>> -> memref<1x128xi32, #tpu.memory_space<vmem>>
    %dma_wait3A_264 = tpu.memref_squeeze %dma_wait3A_263 : memref<1x128xi32, #tpu.memory_space<vmem>> -> memref<128xi32, #tpu.memory_space<vmem>>
    %dma_wait3A_265 = arith.constant 0 : i32
    %dma_wait3A_266 = arith.constant 0 : i32
    %dma_wait3A_267 = tpu.memref_slice %arg3[%dma_wait3A_265, %dma_wait3A_266] : memref<1003520x64xf32, #tpu.memory_space<hbm>> -> memref<1003520x64xf32, #tpu.memory_space<hbm>>
    tpu.wait_indirect_dma semaphore(%arg9 : memref<!tpu.dma_semaphore, #tpu.memory_space<semaphore_mem>>) src(%dma_wait3A_267 : memref<1003520x64xf32, #tpu.memory_space<hbm>>) dst(%dma_wait3A_261 : memref<128x64xf32, #tpu.memory_space<vmem>>)
    %add3A_268 = arith.constant 8320 : i32
    %add3A_269 = arith.addi %mul3A_2, %add3A_268 : i32
    %dma_start3A_270 = arith.constant 0 : i32
    %dma_start3A_271 = tpu.memref_slice %arg4[%add3A_269, %dma_start3A_270] : memref<307200x64xf32, #tpu.memory_space<hbm>> -> memref<640x64xf32, #tpu.memory_space<hbm>>
    %dma_start3A_272 = arith.constant 0 : i32
    %dma_start3A_273 = tpu.memref_slice %arg4[%add3A_269, %dma_start3A_272] : memref<307200x64xf32, #tpu.memory_space<hbm>> -> memref<640x64xf32, #tpu.memory_space<hbm>>
    tpu.enqueue_dma source(%arg7 : memref<640x64xf32, #tpu.memory_space<vmem>>) target(%dma_start3A_273 : memref<640x64xf32, #tpu.memory_space<hbm>>) target_semaphore(%arg11 : memref<!tpu.dma_semaphore, #tpu.memory_space<semaphore_mem>>)
    %dma_wait3A_274 = arith.constant 70 : i32
    %dma_wait3A_275 = arith.constant 0 : i32
    %dma_wait3A_276 = arith.constant 0 : i32
    %dma_wait3A_277 = tpu.memref_slice %arg6[%dma_wait3A_275, %dma_wait3A_276] : memref<640x64xf32, #tpu.memory_space<vmem>> -> memref<128x64xf32, #tpu.memory_space<vmem>>
    %dma_wait3A_278 = arith.constant 0 : i32
    %dma_wait3A_279 = tpu.memref_slice %arg5[%dma_wait3A_274, %dma_wait3A_278] : memref<75x128xi32, #tpu.memory_space<vmem>> -> memref<1x128xi32, #tpu.memory_space<vmem>>
    %dma_wait3A_280 = tpu.memref_squeeze %dma_wait3A_279 : memref<1x128xi32, #tpu.memory_space<vmem>> -> memref<128xi32, #tpu.memory_space<vmem>>
    %dma_wait3A_281 = arith.constant 0 : i32
    %dma_wait3A_282 = arith.constant 0 : i32
    %dma_wait3A_283 = tpu.memref_slice %arg3[%dma_wait3A_281, %dma_wait3A_282] : memref<1003520x64xf32, #tpu.memory_space<hbm>> -> memref<1003520x64xf32, #tpu.memory_space<hbm>>
    tpu.wait_indirect_dma semaphore(%arg8 : memref<!tpu.dma_semaphore, #tpu.memory_space<semaphore_mem>>) src(%dma_wait3A_283 : memref<1003520x64xf32, #tpu.memory_space<hbm>>) dst(%dma_wait3A_277 : memref<128x64xf32, #tpu.memory_space<vmem>>)
    %dma_wait3A_284 = arith.constant 71 : i32
    %dma_wait3A_285 = arith.constant 128 : i32
    %dma_wait3A_286 = arith.constant 0 : i32
    %dma_wait3A_287 = tpu.memref_slice %arg6[%dma_wait3A_285, %dma_wait3A_286] : memref<640x64xf32, #tpu.memory_space<vmem>> -> memref<128x64xf32, #tpu.memory_space<vmem>>
    %dma_wait3A_288 = arith.constant 0 : i32
    %dma_wait3A_289 = tpu.memref_slice %arg5[%dma_wait3A_284, %dma_wait3A_288] : memref<75x128xi32, #tpu.memory_space<vmem>> -> memref<1x128xi32, #tpu.memory_space<vmem>>
    %dma_wait3A_290 = tpu.memref_squeeze %dma_wait3A_289 : memref<1x128xi32, #tpu.memory_space<vmem>> -> memref<128xi32, #tpu.memory_space<vmem>>
    %dma_wait3A_291 = arith.constant 0 : i32
    %dma_wait3A_292 = arith.constant 0 : i32
    %dma_wait3A_293 = tpu.memref_slice %arg3[%dma_wait3A_291, %dma_wait3A_292] : memref<1003520x64xf32, #tpu.memory_space<hbm>> -> memref<1003520x64xf32, #tpu.memory_space<hbm>>
    tpu.wait_indirect_dma semaphore(%arg8 : memref<!tpu.dma_semaphore, #tpu.memory_space<semaphore_mem>>) src(%dma_wait3A_293 : memref<1003520x64xf32, #tpu.memory_space<hbm>>) dst(%dma_wait3A_287 : memref<128x64xf32, #tpu.memory_space<vmem>>)
    %dma_wait3A_294 = arith.constant 72 : i32
    %dma_wait3A_295 = arith.constant 256 : i32
    %dma_wait3A_296 = arith.constant 0 : i32
    %dma_wait3A_297 = tpu.memref_slice %arg6[%dma_wait3A_295, %dma_wait3A_296] : memref<640x64xf32, #tpu.memory_space<vmem>> -> memref<128x64xf32, #tpu.memory_space<vmem>>
    %dma_wait3A_298 = arith.constant 0 : i32
    %dma_wait3A_299 = tpu.memref_slice %arg5[%dma_wait3A_294, %dma_wait3A_298] : memref<75x128xi32, #tpu.memory_space<vmem>> -> memref<1x128xi32, #tpu.memory_space<vmem>>
    %dma_wait3A_300 = tpu.memref_squeeze %dma_wait3A_299 : memref<1x128xi32, #tpu.memory_space<vmem>> -> memref<128xi32, #tpu.memory_space<vmem>>
    %dma_wait3A_301 = arith.constant 0 : i32
    %dma_wait3A_302 = arith.constant 0 : i32
    %dma_wait3A_303 = tpu.memref_slice %arg3[%dma_wait3A_301, %dma_wait3A_302] : memref<1003520x64xf32, #tpu.memory_space<hbm>> -> memref<1003520x64xf32, #tpu.memory_space<hbm>>
    tpu.wait_indirect_dma semaphore(%arg8 : memref<!tpu.dma_semaphore, #tpu.memory_space<semaphore_mem>>) src(%dma_wait3A_303 : memref<1003520x64xf32, #tpu.memory_space<hbm>>) dst(%dma_wait3A_297 : memref<128x64xf32, #tpu.memory_space<vmem>>)
    %dma_wait3A_304 = arith.constant 73 : i32
    %dma_wait3A_305 = arith.constant 384 : i32
    %dma_wait3A_306 = arith.constant 0 : i32
    %dma_wait3A_307 = tpu.memref_slice %arg6[%dma_wait3A_305, %dma_wait3A_306] : memref<640x64xf32, #tpu.memory_space<vmem>> -> memref<128x64xf32, #tpu.memory_space<vmem>>
    %dma_wait3A_308 = arith.constant 0 : i32
    %dma_wait3A_309 = tpu.memref_slice %arg5[%dma_wait3A_304, %dma_wait3A_308] : memref<75x128xi32, #tpu.memory_space<vmem>> -> memref<1x128xi32, #tpu.memory_space<vmem>>
    %dma_wait3A_310 = tpu.memref_squeeze %dma_wait3A_309 : memref<1x128xi32, #tpu.memory_space<vmem>> -> memref<128xi32, #tpu.memory_space<vmem>>
    %dma_wait3A_311 = arith.constant 0 : i32
    %dma_wait3A_312 = arith.constant 0 : i32
    %dma_wait3A_313 = tpu.memref_slice %arg3[%dma_wait3A_311, %dma_wait3A_312] : memref<1003520x64xf32, #tpu.memory_space<hbm>> -> memref<1003520x64xf32, #tpu.memory_space<hbm>>
    tpu.wait_indirect_dma semaphore(%arg8 : memref<!tpu.dma_semaphore, #tpu.memory_space<semaphore_mem>>) src(%dma_wait3A_313 : memref<1003520x64xf32, #tpu.memory_space<hbm>>) dst(%dma_wait3A_307 : memref<128x64xf32, #tpu.memory_space<vmem>>)
    %dma_wait3A_314 = arith.constant 74 : i32
    %dma_wait3A_315 = arith.constant 512 : i32
    %dma_wait3A_316 = arith.constant 0 : i32
    %dma_wait3A_317 = tpu.memref_slice %arg6[%dma_wait3A_315, %dma_wait3A_316] : memref<640x64xf32, #tpu.memory_space<vmem>> -> memref<128x64xf32, #tpu.memory_space<vmem>>
    %dma_wait3A_318 = arith.constant 0 : i32
    %dma_wait3A_319 = tpu.memref_slice %arg5[%dma_wait3A_314, %dma_wait3A_318] : memref<75x128xi32, #tpu.memory_space<vmem>> -> memref<1x128xi32, #tpu.memory_space<vmem>>
    %dma_wait3A_320 = tpu.memref_squeeze %dma_wait3A_319 : memref<1x128xi32, #tpu.memory_space<vmem>> -> memref<128xi32, #tpu.memory_space<vmem>>
    %dma_wait3A_321 = arith.constant 0 : i32
    %dma_wait3A_322 = arith.constant 0 : i32
    %dma_wait3A_323 = tpu.memref_slice %arg3[%dma_wait3A_321, %dma_wait3A_322] : memref<1003520x64xf32, #tpu.memory_space<hbm>> -> memref<1003520x64xf32, #tpu.memory_space<hbm>>
    tpu.wait_indirect_dma semaphore(%arg8 : memref<!tpu.dma_semaphore, #tpu.memory_space<semaphore_mem>>) src(%dma_wait3A_323 : memref<1003520x64xf32, #tpu.memory_space<hbm>>) dst(%dma_wait3A_317 : memref<128x64xf32, #tpu.memory_space<vmem>>)
    %add3A_324 = arith.constant 8960 : i32
    %add3A_325 = arith.addi %mul3A_2, %add3A_324 : i32
    %dma_start3A_326 = arith.constant 0 : i32
    %dma_start3A_327 = tpu.memref_slice %arg4[%add3A_325, %dma_start3A_326] : memref<307200x64xf32, #tpu.memory_space<hbm>> -> memref<640x64xf32, #tpu.memory_space<hbm>>
    %dma_start3A_328 = arith.constant 0 : i32
    %dma_start3A_329 = tpu.memref_slice %arg4[%add3A_325, %dma_start3A_328] : memref<307200x64xf32, #tpu.memory_space<hbm>> -> memref<640x64xf32, #tpu.memory_space<hbm>>
    tpu.enqueue_dma source(%arg6 : memref<640x64xf32, #tpu.memory_space<vmem>>) target(%dma_start3A_329 : memref<640x64xf32, #tpu.memory_space<hbm>>) target_semaphore(%arg10 : memref<!tpu.dma_semaphore, #tpu.memory_space<semaphore_mem>>)
    %add3A_330 = arith.constant 8320 : i32
    %add3A_331 = arith.addi %mul3A_2, %add3A_330 : i32
    %dma_wait3A_332 = arith.constant 0 : i32
    %dma_wait3A_333 = tpu.memref_slice %arg4[%add3A_331, %dma_wait3A_332] : memref<307200x64xf32, #tpu.memory_space<hbm>> -> memref<640x64xf32, #tpu.memory_space<hbm>>
    %dma_wait3A_334 = arith.constant 0 : i32
    %dma_wait3A_335 = tpu.memref_slice %arg4[%add3A_331, %dma_wait3A_334] : memref<307200x64xf32, #tpu.memory_space<hbm>> -> memref<640x64xf32, #tpu.memory_space<hbm>>
    tpu.wait_dma2 semaphore(%arg11 : memref<!tpu.dma_semaphore, #tpu.memory_space<semaphore_mem>>) src(%arg7 : memref<640x64xf32, #tpu.memory_space<vmem>>) dst(%dma_wait3A_335 : memref<640x64xf32, #tpu.memory_space<hbm>>)
    %add3A_336 = arith.constant 8960 : i32
    %add3A_337 = arith.addi %mul3A_2, %add3A_336 : i32
    %dma_wait3A_338 = arith.constant 0 : i32
    %dma_wait3A_339 = tpu.memref_slice %arg4[%add3A_337, %dma_wait3A_338] : memref<307200x64xf32, #tpu.memory_space<hbm>> -> memref<640x64xf32, #tpu.memory_space<hbm>>
    %dma_wait3A_340 = arith.constant 0 : i32
    %dma_wait3A_341 = tpu.memref_slice %arg4[%add3A_337, %dma_wait3A_340] : memref<307200x64xf32, #tpu.memory_space<hbm>> -> memref<640x64xf32, #tpu.memory_space<hbm>>
    tpu.wait_dma2 semaphore(%arg10 : memref<!tpu.dma_semaphore, #tpu.memory_space<semaphore_mem>>) src(%arg6 : memref<640x64xf32, #tpu.memory_space<vmem>>) dst(%dma_wait3A_341 : memref<640x64xf32, #tpu.memory_space<hbm>>)
    return
  }
}

#map = affine_map<(d0, d1) -> (0, 0, 0)>
#map1 = affine_map<(d0, d1) -> (0, 0)>
module attributes {stable_mosaic.version = 14 : i64} {
  func.func @gather_kernel(%arg0: i32, %arg1: i32, %arg2: memref<32x25x128xi32, #tpu.memory_space<hbm>>, %arg3: memref<1003520x64xf32, #tpu.memory_space<hbm>>, %arg4: memref<102400x64xf32, #tpu.memory_space<hbm>>, %arg5: memref<25x128xi32, #tpu.memory_space<vmem>>, %arg6: memref<640x64xf32, #tpu.memory_space<vmem>>, %arg7: memref<640x64xf32, #tpu.memory_space<vmem>>, %arg8: memref<!tpu.dma_semaphore, #tpu.memory_space<semaphore_mem>>, %arg9: memref<!tpu.dma_semaphore, #tpu.memory_space<semaphore_mem>>, %arg10: memref<!tpu.dma_semaphore, #tpu.memory_space<semaphore_mem>>, %arg11: memref<!tpu.dma_semaphore, #tpu.memory_space<semaphore_mem>>) attributes {dimension_semantics = [#tpu.dimension_semantics<core_parallel>, #tpu.dimension_semantics<subcore_parallel>], iteration_bounds = array<i64: 2, 16>, scalar_prefetch = 0 : i64, scratch_operands = 7 : i64, tpu.core_type = #tpu.core_type<sc_vector_subcore>, window_params = [{transform_indices = #map}, {transform_indices = #map1}, {transform_indices = #map1}]} {
    %mul3A = arith.constant 16 : i32
    %mul3A_0 = arith.muli %arg0, %mul3A : i32
    %add3A = arith.addi %mul3A_0, %arg1 : i32
    %mul3A_1 = arith.constant 3200 : i32
    %mul3A_2 = arith.muli %add3A, %mul3A_1 : i32
    "tpu.region"() ({
      %run_scoped3A = tpu.sem_alloc : memref<!tpu.dma_semaphore, #tpu.memory_space<semaphore_mem>>
      %dma_start3A_644 = arith.constant 0 : i32
      %dma_start3A_645 = arith.constant 0 : i32
      %dma_start3A_646 = tpu.memref_slice %arg2[%add3A, %dma_start3A_644, %dma_start3A_645] : memref<32x25x128xi32, #tpu.memory_space<hbm>> -> memref<1x25x128xi32, #tpu.memory_space<hbm>>
      %dma_start3A_647 = tpu.memref_squeeze %dma_start3A_646 : memref<1x25x128xi32, #tpu.memory_space<hbm>> -> memref<25x128xi32, #tpu.memory_space<hbm>>
      %dma_start3A_648 = arith.constant 0 : i32
      %dma_start3A_649 = arith.constant 0 : i32
      %dma_start3A_650 = tpu.memref_slice %arg2[%add3A, %dma_start3A_648, %dma_start3A_649] : memref<32x25x128xi32, #tpu.memory_space<hbm>> -> memref<1x25x128xi32, #tpu.memory_space<hbm>>
      %dma_start3A_651 = tpu.memref_squeeze %dma_start3A_650 : memref<1x25x128xi32, #tpu.memory_space<hbm>> -> memref<25x128xi32, #tpu.memory_space<hbm>>
      tpu.enqueue_dma source(%dma_start3A_651 : memref<25x128xi32, #tpu.memory_space<hbm>>) target(%arg5 : memref<25x128xi32, #tpu.memory_space<vmem>>) target_semaphore(%run_scoped3A : memref<!tpu.dma_semaphore, #tpu.memory_space<semaphore_mem>>)
      %dma_wait3A_652 = arith.constant 0 : i32
      %dma_wait3A_653 = arith.constant 0 : i32
      %dma_wait3A_654 = tpu.memref_slice %arg2[%add3A, %dma_wait3A_652, %dma_wait3A_653] : memref<32x25x128xi32, #tpu.memory_space<hbm>> -> memref<1x25x128xi32, #tpu.memory_space<hbm>>
      %dma_wait3A_655 = tpu.memref_squeeze %dma_wait3A_654 : memref<1x25x128xi32, #tpu.memory_space<hbm>> -> memref<25x128xi32, #tpu.memory_space<hbm>>
      %dma_wait3A_656 = arith.constant 0 : i32
      %dma_wait3A_657 = arith.constant 0 : i32
      %dma_wait3A_658 = tpu.memref_slice %arg2[%add3A, %dma_wait3A_656, %dma_wait3A_657] : memref<32x25x128xi32, #tpu.memory_space<hbm>> -> memref<1x25x128xi32, #tpu.memory_space<hbm>>
      %dma_wait3A_659 = tpu.memref_squeeze %dma_wait3A_658 : memref<1x25x128xi32, #tpu.memory_space<hbm>> -> memref<25x128xi32, #tpu.memory_space<hbm>>
      tpu.wait_dma2 semaphore(%run_scoped3A : memref<!tpu.dma_semaphore, #tpu.memory_space<semaphore_mem>>) src(%dma_wait3A_659 : memref<25x128xi32, #tpu.memory_space<hbm>>) dst(%arg5 : memref<25x128xi32, #tpu.memory_space<vmem>>)
      tpu.yield
    }) : () -> ()
    %dma_start3A = arith.constant 0 : i32
    %dma_start3A_3 = arith.constant 0 : i32
    %dma_start3A_4 = arith.constant 0 : i32
    %dma_start3A_5 = tpu.memref_slice %arg6[%dma_start3A_3, %dma_start3A_4] : memref<640x64xf32, #tpu.memory_space<vmem>> -> memref<128x64xf32, #tpu.memory_space<vmem>>
    %dma_start3A_6 = arith.constant 0 : i32
    %dma_start3A_7 = tpu.memref_slice %arg5[%dma_start3A, %dma_start3A_6] : memref<25x128xi32, #tpu.memory_space<vmem>> -> memref<1x128xi32, #tpu.memory_space<vmem>>
    %dma_start3A_8 = tpu.memref_squeeze %dma_start3A_7 : memref<1x128xi32, #tpu.memory_space<vmem>> -> memref<128xi32, #tpu.memory_space<vmem>>
    %dma_start3A_9 = arith.constant 0 : i32
    %dma_start3A_10 = arith.constant 0 : i32
    %dma_start3A_11 = tpu.memref_slice %arg3[%dma_start3A_9, %dma_start3A_10] : memref<1003520x64xf32, #tpu.memory_space<hbm>> -> memref<1003520x64xf32, #tpu.memory_space<hbm>>
    tpu.enqueue_indirect_dma source(%dma_start3A_11 : memref<1003520x64xf32, #tpu.memory_space<hbm>>) target(%dma_start3A_5 : memref<128x64xf32, #tpu.memory_space<vmem>>) offsets(%dma_start3A_8 : memref<128xi32, #tpu.memory_space<vmem>>) semaphore(%arg8 : memref<!tpu.dma_semaphore, #tpu.memory_space<semaphore_mem>>)
    %dma_start3A_12 = arith.constant 1 : i32
    %dma_start3A_13 = arith.constant 128 : i32
    %dma_start3A_14 = arith.constant 0 : i32
    %dma_start3A_15 = tpu.memref_slice %arg6[%dma_start3A_13, %dma_start3A_14] : memref<640x64xf32, #tpu.memory_space<vmem>> -> memref<128x64xf32, #tpu.memory_space<vmem>>
    %dma_start3A_16 = arith.constant 0 : i32
    %dma_start3A_17 = tpu.memref_slice %arg5[%dma_start3A_12, %dma_start3A_16] : memref<25x128xi32, #tpu.memory_space<vmem>> -> memref<1x128xi32, #tpu.memory_space<vmem>>
    %dma_start3A_18 = tpu.memref_squeeze %dma_start3A_17 : memref<1x128xi32, #tpu.memory_space<vmem>> -> memref<128xi32, #tpu.memory_space<vmem>>
    %dma_start3A_19 = arith.constant 0 : i32
    %dma_start3A_20 = arith.constant 0 : i32
    %dma_start3A_21 = tpu.memref_slice %arg3[%dma_start3A_19, %dma_start3A_20] : memref<1003520x64xf32, #tpu.memory_space<hbm>> -> memref<1003520x64xf32, #tpu.memory_space<hbm>>
    tpu.enqueue_indirect_dma source(%dma_start3A_21 : memref<1003520x64xf32, #tpu.memory_space<hbm>>) target(%dma_start3A_15 : memref<128x64xf32, #tpu.memory_space<vmem>>) offsets(%dma_start3A_18 : memref<128xi32, #tpu.memory_space<vmem>>) semaphore(%arg8 : memref<!tpu.dma_semaphore, #tpu.memory_space<semaphore_mem>>)
    %dma_start3A_22 = arith.constant 2 : i32
    %dma_start3A_23 = arith.constant 256 : i32
    %dma_start3A_24 = arith.constant 0 : i32
    %dma_start3A_25 = tpu.memref_slice %arg6[%dma_start3A_23, %dma_start3A_24] : memref<640x64xf32, #tpu.memory_space<vmem>> -> memref<128x64xf32, #tpu.memory_space<vmem>>
    %dma_start3A_26 = arith.constant 0 : i32
    %dma_start3A_27 = tpu.memref_slice %arg5[%dma_start3A_22, %dma_start3A_26] : memref<25x128xi32, #tpu.memory_space<vmem>> -> memref<1x128xi32, #tpu.memory_space<vmem>>
    %dma_start3A_28 = tpu.memref_squeeze %dma_start3A_27 : memref<1x128xi32, #tpu.memory_space<vmem>> -> memref<128xi32, #tpu.memory_space<vmem>>
    %dma_start3A_29 = arith.constant 0 : i32
    %dma_start3A_30 = arith.constant 0 : i32
    %dma_start3A_31 = tpu.memref_slice %arg3[%dma_start3A_29, %dma_start3A_30] : memref<1003520x64xf32, #tpu.memory_space<hbm>> -> memref<1003520x64xf32, #tpu.memory_space<hbm>>
    tpu.enqueue_indirect_dma source(%dma_start3A_31 : memref<1003520x64xf32, #tpu.memory_space<hbm>>) target(%dma_start3A_25 : memref<128x64xf32, #tpu.memory_space<vmem>>) offsets(%dma_start3A_28 : memref<128xi32, #tpu.memory_space<vmem>>) semaphore(%arg8 : memref<!tpu.dma_semaphore, #tpu.memory_space<semaphore_mem>>)
    %dma_start3A_32 = arith.constant 3 : i32
    %dma_start3A_33 = arith.constant 384 : i32
    %dma_start3A_34 = arith.constant 0 : i32
    %dma_start3A_35 = tpu.memref_slice %arg6[%dma_start3A_33, %dma_start3A_34] : memref<640x64xf32, #tpu.memory_space<vmem>> -> memref<128x64xf32, #tpu.memory_space<vmem>>
    %dma_start3A_36 = arith.constant 0 : i32
    %dma_start3A_37 = tpu.memref_slice %arg5[%dma_start3A_32, %dma_start3A_36] : memref<25x128xi32, #tpu.memory_space<vmem>> -> memref<1x128xi32, #tpu.memory_space<vmem>>
    %dma_start3A_38 = tpu.memref_squeeze %dma_start3A_37 : memref<1x128xi32, #tpu.memory_space<vmem>> -> memref<128xi32, #tpu.memory_space<vmem>>
    %dma_start3A_39 = arith.constant 0 : i32
    %dma_start3A_40 = arith.constant 0 : i32
    %dma_start3A_41 = tpu.memref_slice %arg3[%dma_start3A_39, %dma_start3A_40] : memref<1003520x64xf32, #tpu.memory_space<hbm>> -> memref<1003520x64xf32, #tpu.memory_space<hbm>>
    tpu.enqueue_indirect_dma source(%dma_start3A_41 : memref<1003520x64xf32, #tpu.memory_space<hbm>>) target(%dma_start3A_35 : memref<128x64xf32, #tpu.memory_space<vmem>>) offsets(%dma_start3A_38 : memref<128xi32, #tpu.memory_space<vmem>>) semaphore(%arg8 : memref<!tpu.dma_semaphore, #tpu.memory_space<semaphore_mem>>)
    %dma_start3A_42 = arith.constant 4 : i32
    %dma_start3A_43 = arith.constant 512 : i32
    %dma_start3A_44 = arith.constant 0 : i32
    %dma_start3A_45 = tpu.memref_slice %arg6[%dma_start3A_43, %dma_start3A_44] : memref<640x64xf32, #tpu.memory_space<vmem>> -> memref<128x64xf32, #tpu.memory_space<vmem>>
    %dma_start3A_46 = arith.constant 0 : i32
    %dma_start3A_47 = tpu.memref_slice %arg5[%dma_start3A_42, %dma_start3A_46] : memref<25x128xi32, #tpu.memory_space<vmem>> -> memref<1x128xi32, #tpu.memory_space<vmem>>
    %dma_start3A_48 = tpu.memref_squeeze %dma_start3A_47 : memref<1x128xi32, #tpu.memory_space<vmem>> -> memref<128xi32, #tpu.memory_space<vmem>>
    %dma_start3A_49 = arith.constant 0 : i32
    %dma_start3A_50 = arith.constant 0 : i32
    %dma_start3A_51 = tpu.memref_slice %arg3[%dma_start3A_49, %dma_start3A_50] : memref<1003520x64xf32, #tpu.memory_space<hbm>> -> memref<1003520x64xf32, #tpu.memory_space<hbm>>
    tpu.enqueue_indirect_dma source(%dma_start3A_51 : memref<1003520x64xf32, #tpu.memory_space<hbm>>) target(%dma_start3A_45 : memref<128x64xf32, #tpu.memory_space<vmem>>) offsets(%dma_start3A_48 : memref<128xi32, #tpu.memory_space<vmem>>) semaphore(%arg8 : memref<!tpu.dma_semaphore, #tpu.memory_space<semaphore_mem>>)
    %dma_start3A_52 = arith.constant 5 : i32
    %dma_start3A_53 = arith.constant 0 : i32
    %dma_start3A_54 = arith.constant 0 : i32
    %dma_start3A_55 = tpu.memref_slice %arg7[%dma_start3A_53, %dma_start3A_54] : memref<640x64xf32, #tpu.memory_space<vmem>> -> memref<128x64xf32, #tpu.memory_space<vmem>>
    %dma_start3A_56 = arith.constant 0 : i32
    %dma_start3A_57 = tpu.memref_slice %arg5[%dma_start3A_52, %dma_start3A_56] : memref<25x128xi32, #tpu.memory_space<vmem>> -> memref<1x128xi32, #tpu.memory_space<vmem>>
    %dma_start3A_58 = tpu.memref_squeeze %dma_start3A_57 : memref<1x128xi32, #tpu.memory_space<vmem>> -> memref<128xi32, #tpu.memory_space<vmem>>
    %dma_start3A_59 = arith.constant 0 : i32
    %dma_start3A_60 = arith.constant 0 : i32
    %dma_start3A_61 = tpu.memref_slice %arg3[%dma_start3A_59, %dma_start3A_60] : memref<1003520x64xf32, #tpu.memory_space<hbm>> -> memref<1003520x64xf32, #tpu.memory_space<hbm>>
    tpu.enqueue_indirect_dma source(%dma_start3A_61 : memref<1003520x64xf32, #tpu.memory_space<hbm>>) target(%dma_start3A_55 : memref<128x64xf32, #tpu.memory_space<vmem>>) offsets(%dma_start3A_58 : memref<128xi32, #tpu.memory_space<vmem>>) semaphore(%arg9 : memref<!tpu.dma_semaphore, #tpu.memory_space<semaphore_mem>>)
    %dma_start3A_62 = arith.constant 6 : i32
    %dma_start3A_63 = arith.constant 128 : i32
    %dma_start3A_64 = arith.constant 0 : i32
    %dma_start3A_65 = tpu.memref_slice %arg7[%dma_start3A_63, %dma_start3A_64] : memref<640x64xf32, #tpu.memory_space<vmem>> -> memref<128x64xf32, #tpu.memory_space<vmem>>
    %dma_start3A_66 = arith.constant 0 : i32
    %dma_start3A_67 = tpu.memref_slice %arg5[%dma_start3A_62, %dma_start3A_66] : memref<25x128xi32, #tpu.memory_space<vmem>> -> memref<1x128xi32, #tpu.memory_space<vmem>>
    %dma_start3A_68 = tpu.memref_squeeze %dma_start3A_67 : memref<1x128xi32, #tpu.memory_space<vmem>> -> memref<128xi32, #tpu.memory_space<vmem>>
    %dma_start3A_69 = arith.constant 0 : i32
    %dma_start3A_70 = arith.constant 0 : i32
    %dma_start3A_71 = tpu.memref_slice %arg3[%dma_start3A_69, %dma_start3A_70] : memref<1003520x64xf32, #tpu.memory_space<hbm>> -> memref<1003520x64xf32, #tpu.memory_space<hbm>>
    tpu.enqueue_indirect_dma source(%dma_start3A_71 : memref<1003520x64xf32, #tpu.memory_space<hbm>>) target(%dma_start3A_65 : memref<128x64xf32, #tpu.memory_space<vmem>>) offsets(%dma_start3A_68 : memref<128xi32, #tpu.memory_space<vmem>>) semaphore(%arg9 : memref<!tpu.dma_semaphore, #tpu.memory_space<semaphore_mem>>)
    %dma_start3A_72 = arith.constant 7 : i32
    %dma_start3A_73 = arith.constant 256 : i32
    %dma_start3A_74 = arith.constant 0 : i32
    %dma_start3A_75 = tpu.memref_slice %arg7[%dma_start3A_73, %dma_start3A_74] : memref<640x64xf32, #tpu.memory_space<vmem>> -> memref<128x64xf32, #tpu.memory_space<vmem>>
    %dma_start3A_76 = arith.constant 0 : i32
    %dma_start3A_77 = tpu.memref_slice %arg5[%dma_start3A_72, %dma_start3A_76] : memref<25x128xi32, #tpu.memory_space<vmem>> -> memref<1x128xi32, #tpu.memory_space<vmem>>
    %dma_start3A_78 = tpu.memref_squeeze %dma_start3A_77 : memref<1x128xi32, #tpu.memory_space<vmem>> -> memref<128xi32, #tpu.memory_space<vmem>>
    %dma_start3A_79 = arith.constant 0 : i32
    %dma_start3A_80 = arith.constant 0 : i32
    %dma_start3A_81 = tpu.memref_slice %arg3[%dma_start3A_79, %dma_start3A_80] : memref<1003520x64xf32, #tpu.memory_space<hbm>> -> memref<1003520x64xf32, #tpu.memory_space<hbm>>
    tpu.enqueue_indirect_dma source(%dma_start3A_81 : memref<1003520x64xf32, #tpu.memory_space<hbm>>) target(%dma_start3A_75 : memref<128x64xf32, #tpu.memory_space<vmem>>) offsets(%dma_start3A_78 : memref<128xi32, #tpu.memory_space<vmem>>) semaphore(%arg9 : memref<!tpu.dma_semaphore, #tpu.memory_space<semaphore_mem>>)
    %dma_start3A_82 = arith.constant 8 : i32
    %dma_start3A_83 = arith.constant 384 : i32
    %dma_start3A_84 = arith.constant 0 : i32
    %dma_start3A_85 = tpu.memref_slice %arg7[%dma_start3A_83, %dma_start3A_84] : memref<640x64xf32, #tpu.memory_space<vmem>> -> memref<128x64xf32, #tpu.memory_space<vmem>>
    %dma_start3A_86 = arith.constant 0 : i32
    %dma_start3A_87 = tpu.memref_slice %arg5[%dma_start3A_82, %dma_start3A_86] : memref<25x128xi32, #tpu.memory_space<vmem>> -> memref<1x128xi32, #tpu.memory_space<vmem>>
    %dma_start3A_88 = tpu.memref_squeeze %dma_start3A_87 : memref<1x128xi32, #tpu.memory_space<vmem>> -> memref<128xi32, #tpu.memory_space<vmem>>
    %dma_start3A_89 = arith.constant 0 : i32
    %dma_start3A_90 = arith.constant 0 : i32
    %dma_start3A_91 = tpu.memref_slice %arg3[%dma_start3A_89, %dma_start3A_90] : memref<1003520x64xf32, #tpu.memory_space<hbm>> -> memref<1003520x64xf32, #tpu.memory_space<hbm>>
    tpu.enqueue_indirect_dma source(%dma_start3A_91 : memref<1003520x64xf32, #tpu.memory_space<hbm>>) target(%dma_start3A_85 : memref<128x64xf32, #tpu.memory_space<vmem>>) offsets(%dma_start3A_88 : memref<128xi32, #tpu.memory_space<vmem>>) semaphore(%arg9 : memref<!tpu.dma_semaphore, #tpu.memory_space<semaphore_mem>>)
    %dma_start3A_92 = arith.constant 9 : i32
    %dma_start3A_93 = arith.constant 512 : i32
    %dma_start3A_94 = arith.constant 0 : i32
    %dma_start3A_95 = tpu.memref_slice %arg7[%dma_start3A_93, %dma_start3A_94] : memref<640x64xf32, #tpu.memory_space<vmem>> -> memref<128x64xf32, #tpu.memory_space<vmem>>
    %dma_start3A_96 = arith.constant 0 : i32
    %dma_start3A_97 = tpu.memref_slice %arg5[%dma_start3A_92, %dma_start3A_96] : memref<25x128xi32, #tpu.memory_space<vmem>> -> memref<1x128xi32, #tpu.memory_space<vmem>>
    %dma_start3A_98 = tpu.memref_squeeze %dma_start3A_97 : memref<1x128xi32, #tpu.memory_space<vmem>> -> memref<128xi32, #tpu.memory_space<vmem>>
    %dma_start3A_99 = arith.constant 0 : i32
    %dma_start3A_100 = arith.constant 0 : i32
    %dma_start3A_101 = tpu.memref_slice %arg3[%dma_start3A_99, %dma_start3A_100] : memref<1003520x64xf32, #tpu.memory_space<hbm>> -> memref<1003520x64xf32, #tpu.memory_space<hbm>>
    tpu.enqueue_indirect_dma source(%dma_start3A_101 : memref<1003520x64xf32, #tpu.memory_space<hbm>>) target(%dma_start3A_95 : memref<128x64xf32, #tpu.memory_space<vmem>>) offsets(%dma_start3A_98 : memref<128xi32, #tpu.memory_space<vmem>>) semaphore(%arg9 : memref<!tpu.dma_semaphore, #tpu.memory_space<semaphore_mem>>)
    %dma_wait3A = arith.constant 0 : i32
    %dma_wait3A_102 = arith.constant 0 : i32
    %dma_wait3A_103 = arith.constant 0 : i32
    %dma_wait3A_104 = tpu.memref_slice %arg6[%dma_wait3A_102, %dma_wait3A_103] : memref<640x64xf32, #tpu.memory_space<vmem>> -> memref<128x64xf32, #tpu.memory_space<vmem>>
    %dma_wait3A_105 = arith.constant 0 : i32
    %dma_wait3A_106 = tpu.memref_slice %arg5[%dma_wait3A, %dma_wait3A_105] : memref<25x128xi32, #tpu.memory_space<vmem>> -> memref<1x128xi32, #tpu.memory_space<vmem>>
    %dma_wait3A_107 = tpu.memref_squeeze %dma_wait3A_106 : memref<1x128xi32, #tpu.memory_space<vmem>> -> memref<128xi32, #tpu.memory_space<vmem>>
    %dma_wait3A_108 = arith.constant 0 : i32
    %dma_wait3A_109 = arith.constant 0 : i32
    %dma_wait3A_110 = tpu.memref_slice %arg3[%dma_wait3A_108, %dma_wait3A_109] : memref<1003520x64xf32, #tpu.memory_space<hbm>> -> memref<1003520x64xf32, #tpu.memory_space<hbm>>
    tpu.wait_indirect_dma semaphore(%arg8 : memref<!tpu.dma_semaphore, #tpu.memory_space<semaphore_mem>>) src(%dma_wait3A_110 : memref<1003520x64xf32, #tpu.memory_space<hbm>>) dst(%dma_wait3A_104 : memref<128x64xf32, #tpu.memory_space<vmem>>)
    %dma_wait3A_111 = arith.constant 1 : i32
    %dma_wait3A_112 = arith.constant 128 : i32
    %dma_wait3A_113 = arith.constant 0 : i32
    %dma_wait3A_114 = tpu.memref_slice %arg6[%dma_wait3A_112, %dma_wait3A_113] : memref<640x64xf32, #tpu.memory_space<vmem>> -> memref<128x64xf32, #tpu.memory_space<vmem>>
    %dma_wait3A_115 = arith.constant 0 : i32
    %dma_wait3A_116 = tpu.memref_slice %arg5[%dma_wait3A_111, %dma_wait3A_115] : memref<25x128xi32, #tpu.memory_space<vmem>> -> memref<1x128xi32, #tpu.memory_space<vmem>>
    %dma_wait3A_117 = tpu.memref_squeeze %dma_wait3A_116 : memref<1x128xi32, #tpu.memory_space<vmem>> -> memref<128xi32, #tpu.memory_space<vmem>>
    %dma_wait3A_118 = arith.constant 0 : i32
    %dma_wait3A_119 = arith.constant 0 : i32
    %dma_wait3A_120 = tpu.memref_slice %arg3[%dma_wait3A_118, %dma_wait3A_119] : memref<1003520x64xf32, #tpu.memory_space<hbm>> -> memref<1003520x64xf32, #tpu.memory_space<hbm>>
    tpu.wait_indirect_dma semaphore(%arg8 : memref<!tpu.dma_semaphore, #tpu.memory_space<semaphore_mem>>) src(%dma_wait3A_120 : memref<1003520x64xf32, #tpu.memory_space<hbm>>) dst(%dma_wait3A_114 : memref<128x64xf32, #tpu.memory_space<vmem>>)
    %dma_wait3A_121 = arith.constant 2 : i32
    %dma_wait3A_122 = arith.constant 256 : i32
    %dma_wait3A_123 = arith.constant 0 : i32
    %dma_wait3A_124 = tpu.memref_slice %arg6[%dma_wait3A_122, %dma_wait3A_123] : memref<640x64xf32, #tpu.memory_space<vmem>> -> memref<128x64xf32, #tpu.memory_space<vmem>>
    %dma_wait3A_125 = arith.constant 0 : i32
    %dma_wait3A_126 = tpu.memref_slice %arg5[%dma_wait3A_121, %dma_wait3A_125] : memref<25x128xi32, #tpu.memory_space<vmem>> -> memref<1x128xi32, #tpu.memory_space<vmem>>
    %dma_wait3A_127 = tpu.memref_squeeze %dma_wait3A_126 : memref<1x128xi32, #tpu.memory_space<vmem>> -> memref<128xi32, #tpu.memory_space<vmem>>
    %dma_wait3A_128 = arith.constant 0 : i32
    %dma_wait3A_129 = arith.constant 0 : i32
    %dma_wait3A_130 = tpu.memref_slice %arg3[%dma_wait3A_128, %dma_wait3A_129] : memref<1003520x64xf32, #tpu.memory_space<hbm>> -> memref<1003520x64xf32, #tpu.memory_space<hbm>>
    tpu.wait_indirect_dma semaphore(%arg8 : memref<!tpu.dma_semaphore, #tpu.memory_space<semaphore_mem>>) src(%dma_wait3A_130 : memref<1003520x64xf32, #tpu.memory_space<hbm>>) dst(%dma_wait3A_124 : memref<128x64xf32, #tpu.memory_space<vmem>>)
    %dma_wait3A_131 = arith.constant 3 : i32
    %dma_wait3A_132 = arith.constant 384 : i32
    %dma_wait3A_133 = arith.constant 0 : i32
    %dma_wait3A_134 = tpu.memref_slice %arg6[%dma_wait3A_132, %dma_wait3A_133] : memref<640x64xf32, #tpu.memory_space<vmem>> -> memref<128x64xf32, #tpu.memory_space<vmem>>
    %dma_wait3A_135 = arith.constant 0 : i32
    %dma_wait3A_136 = tpu.memref_slice %arg5[%dma_wait3A_131, %dma_wait3A_135] : memref<25x128xi32, #tpu.memory_space<vmem>> -> memref<1x128xi32, #tpu.memory_space<vmem>>
    %dma_wait3A_137 = tpu.memref_squeeze %dma_wait3A_136 : memref<1x128xi32, #tpu.memory_space<vmem>> -> memref<128xi32, #tpu.memory_space<vmem>>
    %dma_wait3A_138 = arith.constant 0 : i32
    %dma_wait3A_139 = arith.constant 0 : i32
    %dma_wait3A_140 = tpu.memref_slice %arg3[%dma_wait3A_138, %dma_wait3A_139] : memref<1003520x64xf32, #tpu.memory_space<hbm>> -> memref<1003520x64xf32, #tpu.memory_space<hbm>>
    tpu.wait_indirect_dma semaphore(%arg8 : memref<!tpu.dma_semaphore, #tpu.memory_space<semaphore_mem>>) src(%dma_wait3A_140 : memref<1003520x64xf32, #tpu.memory_space<hbm>>) dst(%dma_wait3A_134 : memref<128x64xf32, #tpu.memory_space<vmem>>)
    %dma_wait3A_141 = arith.constant 4 : i32
    %dma_wait3A_142 = arith.constant 512 : i32
    %dma_wait3A_143 = arith.constant 0 : i32
    %dma_wait3A_144 = tpu.memref_slice %arg6[%dma_wait3A_142, %dma_wait3A_143] : memref<640x64xf32, #tpu.memory_space<vmem>> -> memref<128x64xf32, #tpu.memory_space<vmem>>
    %dma_wait3A_145 = arith.constant 0 : i32
    %dma_wait3A_146 = tpu.memref_slice %arg5[%dma_wait3A_141, %dma_wait3A_145] : memref<25x128xi32, #tpu.memory_space<vmem>> -> memref<1x128xi32, #tpu.memory_space<vmem>>
    %dma_wait3A_147 = tpu.memref_squeeze %dma_wait3A_146 : memref<1x128xi32, #tpu.memory_space<vmem>> -> memref<128xi32, #tpu.memory_space<vmem>>
    %dma_wait3A_148 = arith.constant 0 : i32
    %dma_wait3A_149 = arith.constant 0 : i32
    %dma_wait3A_150 = tpu.memref_slice %arg3[%dma_wait3A_148, %dma_wait3A_149] : memref<1003520x64xf32, #tpu.memory_space<hbm>> -> memref<1003520x64xf32, #tpu.memory_space<hbm>>
    tpu.wait_indirect_dma semaphore(%arg8 : memref<!tpu.dma_semaphore, #tpu.memory_space<semaphore_mem>>) src(%dma_wait3A_150 : memref<1003520x64xf32, #tpu.memory_space<hbm>>) dst(%dma_wait3A_144 : memref<128x64xf32, #tpu.memory_space<vmem>>)
    %add3A_151 = arith.constant 0 : i32
    %add3A_152 = arith.addi %mul3A_2, %add3A_151 : i32
    %dma_start3A_153 = arith.constant 0 : i32
    %dma_start3A_154 = tpu.memref_slice %arg4[%add3A_152, %dma_start3A_153] : memref<102400x64xf32, #tpu.memory_space<hbm>> -> memref<640x64xf32, #tpu.memory_space<hbm>>
    %dma_start3A_155 = arith.constant 0 : i32
    %dma_start3A_156 = tpu.memref_slice %arg4[%add3A_152, %dma_start3A_155] : memref<102400x64xf32, #tpu.memory_space<hbm>> -> memref<640x64xf32, #tpu.memory_space<hbm>>
    tpu.enqueue_dma source(%arg6 : memref<640x64xf32, #tpu.memory_space<vmem>>) target(%dma_start3A_156 : memref<640x64xf32, #tpu.memory_space<hbm>>) target_semaphore(%arg10 : memref<!tpu.dma_semaphore, #tpu.memory_space<semaphore_mem>>)
    %scan3A = arith.constant 0 : i32
    %scan3A_157 = arith.constant 1 : i32
    %mul3A_158 = arith.constant 2 : i32
    %mul3A_159 = arith.muli %mul3A_158, %scan3A_157 : i32
    %sub3A = arith.constant 2 : i32
    %sub3A_160 = arith.subi %mul3A_159, %sub3A : i32
    %mul3A_161 = arith.constant 640 : i32
    %mul3A_162 = arith.muli %sub3A_160, %mul3A_161 : i32
    %add3A_163 = arith.addi %mul3A_2, %mul3A_162 : i32
    %dma_wait3A_164 = arith.constant 0 : i32
    %dma_wait3A_165 = tpu.memref_slice %arg4[%add3A_163, %dma_wait3A_164] : memref<102400x64xf32, #tpu.memory_space<hbm>> -> memref<640x64xf32, #tpu.memory_space<hbm>>
    %dma_wait3A_166 = arith.constant 0 : i32
    %dma_wait3A_167 = tpu.memref_slice %arg4[%add3A_163, %dma_wait3A_166] : memref<102400x64xf32, #tpu.memory_space<hbm>> -> memref<640x64xf32, #tpu.memory_space<hbm>>
    tpu.wait_dma2 semaphore(%arg10 : memref<!tpu.dma_semaphore, #tpu.memory_space<semaphore_mem>>) src(%arg6 : memref<640x64xf32, #tpu.memory_space<vmem>>) dst(%dma_wait3A_167 : memref<640x64xf32, #tpu.memory_space<hbm>>)
    %mul3A_168 = arith.constant 5 : i32
    %mul3A_169 = arith.muli %mul3A_159, %mul3A_168 : i32
    %add3A_170 = arith.constant 0 : i32
    %add3A_171 = arith.addi %mul3A_169, %add3A_170 : i32
    %dma_start3A_172 = arith.constant 0 : i32
    %dma_start3A_173 = arith.constant 0 : i32
    %dma_start3A_174 = tpu.memref_slice %arg6[%dma_start3A_172, %dma_start3A_173] : memref<640x64xf32, #tpu.memory_space<vmem>> -> memref<128x64xf32, #tpu.memory_space<vmem>>
    %dma_start3A_175 = arith.constant 0 : i32
    %dma_start3A_176 = tpu.memref_slice %arg5[%add3A_171, %dma_start3A_175] : memref<25x128xi32, #tpu.memory_space<vmem>> -> memref<1x128xi32, #tpu.memory_space<vmem>>
    %dma_start3A_177 = tpu.memref_squeeze %dma_start3A_176 : memref<1x128xi32, #tpu.memory_space<vmem>> -> memref<128xi32, #tpu.memory_space<vmem>>
    %dma_start3A_178 = arith.constant 0 : i32
    %dma_start3A_179 = arith.constant 0 : i32
    %dma_start3A_180 = tpu.memref_slice %arg3[%dma_start3A_178, %dma_start3A_179] : memref<1003520x64xf32, #tpu.memory_space<hbm>> -> memref<1003520x64xf32, #tpu.memory_space<hbm>>
    tpu.enqueue_indirect_dma source(%dma_start3A_180 : memref<1003520x64xf32, #tpu.memory_space<hbm>>) target(%dma_start3A_174 : memref<128x64xf32, #tpu.memory_space<vmem>>) offsets(%dma_start3A_177 : memref<128xi32, #tpu.memory_space<vmem>>) semaphore(%arg8 : memref<!tpu.dma_semaphore, #tpu.memory_space<semaphore_mem>>)
    %mul3A_181 = arith.constant 5 : i32
    %mul3A_182 = arith.muli %mul3A_159, %mul3A_181 : i32
    %add3A_183 = arith.constant 1 : i32
    %add3A_184 = arith.addi %mul3A_182, %add3A_183 : i32
    %dma_start3A_185 = arith.constant 128 : i32
    %dma_start3A_186 = arith.constant 0 : i32
    %dma_start3A_187 = tpu.memref_slice %arg6[%dma_start3A_185, %dma_start3A_186] : memref<640x64xf32, #tpu.memory_space<vmem>> -> memref<128x64xf32, #tpu.memory_space<vmem>>
    %dma_start3A_188 = arith.constant 0 : i32
    %dma_start3A_189 = tpu.memref_slice %arg5[%add3A_184, %dma_start3A_188] : memref<25x128xi32, #tpu.memory_space<vmem>> -> memref<1x128xi32, #tpu.memory_space<vmem>>
    %dma_start3A_190 = tpu.memref_squeeze %dma_start3A_189 : memref<1x128xi32, #tpu.memory_space<vmem>> -> memref<128xi32, #tpu.memory_space<vmem>>
    %dma_start3A_191 = arith.constant 0 : i32
    %dma_start3A_192 = arith.constant 0 : i32
    %dma_start3A_193 = tpu.memref_slice %arg3[%dma_start3A_191, %dma_start3A_192] : memref<1003520x64xf32, #tpu.memory_space<hbm>> -> memref<1003520x64xf32, #tpu.memory_space<hbm>>
    tpu.enqueue_indirect_dma source(%dma_start3A_193 : memref<1003520x64xf32, #tpu.memory_space<hbm>>) target(%dma_start3A_187 : memref<128x64xf32, #tpu.memory_space<vmem>>) offsets(%dma_start3A_190 : memref<128xi32, #tpu.memory_space<vmem>>) semaphore(%arg8 : memref<!tpu.dma_semaphore, #tpu.memory_space<semaphore_mem>>)
    %mul3A_194 = arith.constant 5 : i32
    %mul3A_195 = arith.muli %mul3A_159, %mul3A_194 : i32
    %add3A_196 = arith.constant 2 : i32
    %add3A_197 = arith.addi %mul3A_195, %add3A_196 : i32
    %dma_start3A_198 = arith.constant 256 : i32
    %dma_start3A_199 = arith.constant 0 : i32
    %dma_start3A_200 = tpu.memref_slice %arg6[%dma_start3A_198, %dma_start3A_199] : memref<640x64xf32, #tpu.memory_space<vmem>> -> memref<128x64xf32, #tpu.memory_space<vmem>>
    %dma_start3A_201 = arith.constant 0 : i32
    %dma_start3A_202 = tpu.memref_slice %arg5[%add3A_197, %dma_start3A_201] : memref<25x128xi32, #tpu.memory_space<vmem>> -> memref<1x128xi32, #tpu.memory_space<vmem>>
    %dma_start3A_203 = tpu.memref_squeeze %dma_start3A_202 : memref<1x128xi32, #tpu.memory_space<vmem>> -> memref<128xi32, #tpu.memory_space<vmem>>
    %dma_start3A_204 = arith.constant 0 : i32
    %dma_start3A_205 = arith.constant 0 : i32
    %dma_start3A_206 = tpu.memref_slice %arg3[%dma_start3A_204, %dma_start3A_205] : memref<1003520x64xf32, #tpu.memory_space<hbm>> -> memref<1003520x64xf32, #tpu.memory_space<hbm>>
    tpu.enqueue_indirect_dma source(%dma_start3A_206 : memref<1003520x64xf32, #tpu.memory_space<hbm>>) target(%dma_start3A_200 : memref<128x64xf32, #tpu.memory_space<vmem>>) offsets(%dma_start3A_203 : memref<128xi32, #tpu.memory_space<vmem>>) semaphore(%arg8 : memref<!tpu.dma_semaphore, #tpu.memory_space<semaphore_mem>>)
    %mul3A_207 = arith.constant 5 : i32
    %mul3A_208 = arith.muli %mul3A_159, %mul3A_207 : i32
    %add3A_209 = arith.constant 3 : i32
    %add3A_210 = arith.addi %mul3A_208, %add3A_209 : i32
    %dma_start3A_211 = arith.constant 384 : i32
    %dma_start3A_212 = arith.constant 0 : i32
    %dma_start3A_213 = tpu.memref_slice %arg6[%dma_start3A_211, %dma_start3A_212] : memref<640x64xf32, #tpu.memory_space<vmem>> -> memref<128x64xf32, #tpu.memory_space<vmem>>
    %dma_start3A_214 = arith.constant 0 : i32
    %dma_start3A_215 = tpu.memref_slice %arg5[%add3A_210, %dma_start3A_214] : memref<25x128xi32, #tpu.memory_space<vmem>> -> memref<1x128xi32, #tpu.memory_space<vmem>>
    %dma_start3A_216 = tpu.memref_squeeze %dma_start3A_215 : memref<1x128xi32, #tpu.memory_space<vmem>> -> memref<128xi32, #tpu.memory_space<vmem>>
    %dma_start3A_217 = arith.constant 0 : i32
    %dma_start3A_218 = arith.constant 0 : i32
    %dma_start3A_219 = tpu.memref_slice %arg3[%dma_start3A_217, %dma_start3A_218] : memref<1003520x64xf32, #tpu.memory_space<hbm>> -> memref<1003520x64xf32, #tpu.memory_space<hbm>>
    tpu.enqueue_indirect_dma source(%dma_start3A_219 : memref<1003520x64xf32, #tpu.memory_space<hbm>>) target(%dma_start3A_213 : memref<128x64xf32, #tpu.memory_space<vmem>>) offsets(%dma_start3A_216 : memref<128xi32, #tpu.memory_space<vmem>>) semaphore(%arg8 : memref<!tpu.dma_semaphore, #tpu.memory_space<semaphore_mem>>)
    %mul3A_220 = arith.constant 5 : i32
    %mul3A_221 = arith.muli %mul3A_159, %mul3A_220 : i32
    %add3A_222 = arith.constant 4 : i32
    %add3A_223 = arith.addi %mul3A_221, %add3A_222 : i32
    %dma_start3A_224 = arith.constant 512 : i32
    %dma_start3A_225 = arith.constant 0 : i32
    %dma_start3A_226 = tpu.memref_slice %arg6[%dma_start3A_224, %dma_start3A_225] : memref<640x64xf32, #tpu.memory_space<vmem>> -> memref<128x64xf32, #tpu.memory_space<vmem>>
    %dma_start3A_227 = arith.constant 0 : i32
    %dma_start3A_228 = tpu.memref_slice %arg5[%add3A_223, %dma_start3A_227] : memref<25x128xi32, #tpu.memory_space<vmem>> -> memref<1x128xi32, #tpu.memory_space<vmem>>
    %dma_start3A_229 = tpu.memref_squeeze %dma_start3A_228 : memref<1x128xi32, #tpu.memory_space<vmem>> -> memref<128xi32, #tpu.memory_space<vmem>>
    %dma_start3A_230 = arith.constant 0 : i32
    %dma_start3A_231 = arith.constant 0 : i32
    %dma_start3A_232 = tpu.memref_slice %arg3[%dma_start3A_230, %dma_start3A_231] : memref<1003520x64xf32, #tpu.memory_space<hbm>> -> memref<1003520x64xf32, #tpu.memory_space<hbm>>
    tpu.enqueue_indirect_dma source(%dma_start3A_232 : memref<1003520x64xf32, #tpu.memory_space<hbm>>) target(%dma_start3A_226 : memref<128x64xf32, #tpu.memory_space<vmem>>) offsets(%dma_start3A_229 : memref<128xi32, #tpu.memory_space<vmem>>) semaphore(%arg8 : memref<!tpu.dma_semaphore, #tpu.memory_space<semaphore_mem>>)
    %sub3A_233 = arith.constant 1 : i32
    %sub3A_234 = arith.subi %mul3A_159, %sub3A_233 : i32
    %mul3A_235 = arith.constant 5 : i32
    %mul3A_236 = arith.muli %sub3A_234, %mul3A_235 : i32
    %add3A_237 = arith.constant 0 : i32
    %add3A_238 = arith.addi %mul3A_236, %add3A_237 : i32
    %dma_wait3A_239 = arith.constant 0 : i32
    %dma_wait3A_240 = arith.constant 0 : i32
    %dma_wait3A_241 = tpu.memref_slice %arg7[%dma_wait3A_239, %dma_wait3A_240] : memref<640x64xf32, #tpu.memory_space<vmem>> -> memref<128x64xf32, #tpu.memory_space<vmem>>
    %dma_wait3A_242 = arith.constant 0 : i32
    %dma_wait3A_243 = tpu.memref_slice %arg5[%add3A_238, %dma_wait3A_242] : memref<25x128xi32, #tpu.memory_space<vmem>> -> memref<1x128xi32, #tpu.memory_space<vmem>>
    %dma_wait3A_244 = tpu.memref_squeeze %dma_wait3A_243 : memref<1x128xi32, #tpu.memory_space<vmem>> -> memref<128xi32, #tpu.memory_space<vmem>>
    %dma_wait3A_245 = arith.constant 0 : i32
    %dma_wait3A_246 = arith.constant 0 : i32
    %dma_wait3A_247 = tpu.memref_slice %arg3[%dma_wait3A_245, %dma_wait3A_246] : memref<1003520x64xf32, #tpu.memory_space<hbm>> -> memref<1003520x64xf32, #tpu.memory_space<hbm>>
    tpu.wait_indirect_dma semaphore(%arg9 : memref<!tpu.dma_semaphore, #tpu.memory_space<semaphore_mem>>) src(%dma_wait3A_247 : memref<1003520x64xf32, #tpu.memory_space<hbm>>) dst(%dma_wait3A_241 : memref<128x64xf32, #tpu.memory_space<vmem>>)
    %mul3A_248 = arith.constant 5 : i32
    %mul3A_249 = arith.muli %sub3A_234, %mul3A_248 : i32
    %add3A_250 = arith.constant 1 : i32
    %add3A_251 = arith.addi %mul3A_249, %add3A_250 : i32
    %dma_wait3A_252 = arith.constant 128 : i32
    %dma_wait3A_253 = arith.constant 0 : i32
    %dma_wait3A_254 = tpu.memref_slice %arg7[%dma_wait3A_252, %dma_wait3A_253] : memref<640x64xf32, #tpu.memory_space<vmem>> -> memref<128x64xf32, #tpu.memory_space<vmem>>
    %dma_wait3A_255 = arith.constant 0 : i32
    %dma_wait3A_256 = tpu.memref_slice %arg5[%add3A_251, %dma_wait3A_255] : memref<25x128xi32, #tpu.memory_space<vmem>> -> memref<1x128xi32, #tpu.memory_space<vmem>>
    %dma_wait3A_257 = tpu.memref_squeeze %dma_wait3A_256 : memref<1x128xi32, #tpu.memory_space<vmem>> -> memref<128xi32, #tpu.memory_space<vmem>>
    %dma_wait3A_258 = arith.constant 0 : i32
    %dma_wait3A_259 = arith.constant 0 : i32
    %dma_wait3A_260 = tpu.memref_slice %arg3[%dma_wait3A_258, %dma_wait3A_259] : memref<1003520x64xf32, #tpu.memory_space<hbm>> -> memref<1003520x64xf32, #tpu.memory_space<hbm>>
    tpu.wait_indirect_dma semaphore(%arg9 : memref<!tpu.dma_semaphore, #tpu.memory_space<semaphore_mem>>) src(%dma_wait3A_260 : memref<1003520x64xf32, #tpu.memory_space<hbm>>) dst(%dma_wait3A_254 : memref<128x64xf32, #tpu.memory_space<vmem>>)
    %mul3A_261 = arith.constant 5 : i32
    %mul3A_262 = arith.muli %sub3A_234, %mul3A_261 : i32
    %add3A_263 = arith.constant 2 : i32
    %add3A_264 = arith.addi %mul3A_262, %add3A_263 : i32
    %dma_wait3A_265 = arith.constant 256 : i32
    %dma_wait3A_266 = arith.constant 0 : i32
    %dma_wait3A_267 = tpu.memref_slice %arg7[%dma_wait3A_265, %dma_wait3A_266] : memref<640x64xf32, #tpu.memory_space<vmem>> -> memref<128x64xf32, #tpu.memory_space<vmem>>
    %dma_wait3A_268 = arith.constant 0 : i32
    %dma_wait3A_269 = tpu.memref_slice %arg5[%add3A_264, %dma_wait3A_268] : memref<25x128xi32, #tpu.memory_space<vmem>> -> memref<1x128xi32, #tpu.memory_space<vmem>>
    %dma_wait3A_270 = tpu.memref_squeeze %dma_wait3A_269 : memref<1x128xi32, #tpu.memory_space<vmem>> -> memref<128xi32, #tpu.memory_space<vmem>>
    %dma_wait3A_271 = arith.constant 0 : i32
    %dma_wait3A_272 = arith.constant 0 : i32
    %dma_wait3A_273 = tpu.memref_slice %arg3[%dma_wait3A_271, %dma_wait3A_272] : memref<1003520x64xf32, #tpu.memory_space<hbm>> -> memref<1003520x64xf32, #tpu.memory_space<hbm>>
    tpu.wait_indirect_dma semaphore(%arg9 : memref<!tpu.dma_semaphore, #tpu.memory_space<semaphore_mem>>) src(%dma_wait3A_273 : memref<1003520x64xf32, #tpu.memory_space<hbm>>) dst(%dma_wait3A_267 : memref<128x64xf32, #tpu.memory_space<vmem>>)
    %mul3A_274 = arith.constant 5 : i32
    %mul3A_275 = arith.muli %sub3A_234, %mul3A_274 : i32
    %add3A_276 = arith.constant 3 : i32
    %add3A_277 = arith.addi %mul3A_275, %add3A_276 : i32
    %dma_wait3A_278 = arith.constant 384 : i32
    %dma_wait3A_279 = arith.constant 0 : i32
    %dma_wait3A_280 = tpu.memref_slice %arg7[%dma_wait3A_278, %dma_wait3A_279] : memref<640x64xf32, #tpu.memory_space<vmem>> -> memref<128x64xf32, #tpu.memory_space<vmem>>
    %dma_wait3A_281 = arith.constant 0 : i32
    %dma_wait3A_282 = tpu.memref_slice %arg5[%add3A_277, %dma_wait3A_281] : memref<25x128xi32, #tpu.memory_space<vmem>> -> memref<1x128xi32, #tpu.memory_space<vmem>>
    %dma_wait3A_283 = tpu.memref_squeeze %dma_wait3A_282 : memref<1x128xi32, #tpu.memory_space<vmem>> -> memref<128xi32, #tpu.memory_space<vmem>>
    %dma_wait3A_284 = arith.constant 0 : i32
    %dma_wait3A_285 = arith.constant 0 : i32
    %dma_wait3A_286 = tpu.memref_slice %arg3[%dma_wait3A_284, %dma_wait3A_285] : memref<1003520x64xf32, #tpu.memory_space<hbm>> -> memref<1003520x64xf32, #tpu.memory_space<hbm>>
    tpu.wait_indirect_dma semaphore(%arg9 : memref<!tpu.dma_semaphore, #tpu.memory_space<semaphore_mem>>) src(%dma_wait3A_286 : memref<1003520x64xf32, #tpu.memory_space<hbm>>) dst(%dma_wait3A_280 : memref<128x64xf32, #tpu.memory_space<vmem>>)
    %mul3A_287 = arith.constant 5 : i32
    %mul3A_288 = arith.muli %sub3A_234, %mul3A_287 : i32
    %add3A_289 = arith.constant 4 : i32
    %add3A_290 = arith.addi %mul3A_288, %add3A_289 : i32
    %dma_wait3A_291 = arith.constant 512 : i32
    %dma_wait3A_292 = arith.constant 0 : i32
    %dma_wait3A_293 = tpu.memref_slice %arg7[%dma_wait3A_291, %dma_wait3A_292] : memref<640x64xf32, #tpu.memory_space<vmem>> -> memref<128x64xf32, #tpu.memory_space<vmem>>
    %dma_wait3A_294 = arith.constant 0 : i32
    %dma_wait3A_295 = tpu.memref_slice %arg5[%add3A_290, %dma_wait3A_294] : memref<25x128xi32, #tpu.memory_space<vmem>> -> memref<1x128xi32, #tpu.memory_space<vmem>>
    %dma_wait3A_296 = tpu.memref_squeeze %dma_wait3A_295 : memref<1x128xi32, #tpu.memory_space<vmem>> -> memref<128xi32, #tpu.memory_space<vmem>>
    %dma_wait3A_297 = arith.constant 0 : i32
    %dma_wait3A_298 = arith.constant 0 : i32
    %dma_wait3A_299 = tpu.memref_slice %arg3[%dma_wait3A_297, %dma_wait3A_298] : memref<1003520x64xf32, #tpu.memory_space<hbm>> -> memref<1003520x64xf32, #tpu.memory_space<hbm>>
    tpu.wait_indirect_dma semaphore(%arg9 : memref<!tpu.dma_semaphore, #tpu.memory_space<semaphore_mem>>) src(%dma_wait3A_299 : memref<1003520x64xf32, #tpu.memory_space<hbm>>) dst(%dma_wait3A_293 : memref<128x64xf32, #tpu.memory_space<vmem>>)
    %sub3A_300 = arith.constant 1 : i32
    %sub3A_301 = arith.subi %mul3A_159, %sub3A_300 : i32
    %mul3A_302 = arith.constant 640 : i32
    %mul3A_303 = arith.muli %sub3A_301, %mul3A_302 : i32
    %add3A_304 = arith.addi %mul3A_2, %mul3A_303 : i32
    %dma_start3A_305 = arith.constant 0 : i32
    %dma_start3A_306 = tpu.memref_slice %arg4[%add3A_304, %dma_start3A_305] : memref<102400x64xf32, #tpu.memory_space<hbm>> -> memref<640x64xf32, #tpu.memory_space<hbm>>
    %dma_start3A_307 = arith.constant 0 : i32
    %dma_start3A_308 = tpu.memref_slice %arg4[%add3A_304, %dma_start3A_307] : memref<102400x64xf32, #tpu.memory_space<hbm>> -> memref<640x64xf32, #tpu.memory_space<hbm>>
    tpu.enqueue_dma source(%arg7 : memref<640x64xf32, #tpu.memory_space<vmem>>) target(%dma_start3A_308 : memref<640x64xf32, #tpu.memory_space<hbm>>) target_semaphore(%arg11 : memref<!tpu.dma_semaphore, #tpu.memory_space<semaphore_mem>>)
    %mul3A_309 = arith.constant 2 : i32
    %mul3A_310 = arith.muli %mul3A_309, %scan3A_157 : i32
    %add3A_311 = arith.constant 1 : i32
    %add3A_312 = arith.addi %mul3A_310, %add3A_311 : i32
    %sub3A_313 = arith.constant 2 : i32
    %sub3A_314 = arith.subi %add3A_312, %sub3A_313 : i32
    %mul3A_315 = arith.constant 640 : i32
    %mul3A_316 = arith.muli %sub3A_314, %mul3A_315 : i32
    %add3A_317 = arith.addi %mul3A_2, %mul3A_316 : i32
    %dma_wait3A_318 = arith.constant 0 : i32
    %dma_wait3A_319 = tpu.memref_slice %arg4[%add3A_317, %dma_wait3A_318] : memref<102400x64xf32, #tpu.memory_space<hbm>> -> memref<640x64xf32, #tpu.memory_space<hbm>>
    %dma_wait3A_320 = arith.constant 0 : i32
    %dma_wait3A_321 = tpu.memref_slice %arg4[%add3A_317, %dma_wait3A_320] : memref<102400x64xf32, #tpu.memory_space<hbm>> -> memref<640x64xf32, #tpu.memory_space<hbm>>
    tpu.wait_dma2 semaphore(%arg11 : memref<!tpu.dma_semaphore, #tpu.memory_space<semaphore_mem>>) src(%arg7 : memref<640x64xf32, #tpu.memory_space<vmem>>) dst(%dma_wait3A_321 : memref<640x64xf32, #tpu.memory_space<hbm>>)
    %mul3A_322 = arith.constant 5 : i32
    %mul3A_323 = arith.muli %add3A_312, %mul3A_322 : i32
    %add3A_324 = arith.constant 0 : i32
    %add3A_325 = arith.addi %mul3A_323, %add3A_324 : i32
    %dma_start3A_326 = arith.constant 0 : i32
    %dma_start3A_327 = arith.constant 0 : i32
    %dma_start3A_328 = tpu.memref_slice %arg7[%dma_start3A_326, %dma_start3A_327] : memref<640x64xf32, #tpu.memory_space<vmem>> -> memref<128x64xf32, #tpu.memory_space<vmem>>
    %dma_start3A_329 = arith.constant 0 : i32
    %dma_start3A_330 = tpu.memref_slice %arg5[%add3A_325, %dma_start3A_329] : memref<25x128xi32, #tpu.memory_space<vmem>> -> memref<1x128xi32, #tpu.memory_space<vmem>>
    %dma_start3A_331 = tpu.memref_squeeze %dma_start3A_330 : memref<1x128xi32, #tpu.memory_space<vmem>> -> memref<128xi32, #tpu.memory_space<vmem>>
    %dma_start3A_332 = arith.constant 0 : i32
    %dma_start3A_333 = arith.constant 0 : i32
    %dma_start3A_334 = tpu.memref_slice %arg3[%dma_start3A_332, %dma_start3A_333] : memref<1003520x64xf32, #tpu.memory_space<hbm>> -> memref<1003520x64xf32, #tpu.memory_space<hbm>>
    tpu.enqueue_indirect_dma source(%dma_start3A_334 : memref<1003520x64xf32, #tpu.memory_space<hbm>>) target(%dma_start3A_328 : memref<128x64xf32, #tpu.memory_space<vmem>>) offsets(%dma_start3A_331 : memref<128xi32, #tpu.memory_space<vmem>>) semaphore(%arg9 : memref<!tpu.dma_semaphore, #tpu.memory_space<semaphore_mem>>)
    %mul3A_335 = arith.constant 5 : i32
    %mul3A_336 = arith.muli %add3A_312, %mul3A_335 : i32
    %add3A_337 = arith.constant 1 : i32
    %add3A_338 = arith.addi %mul3A_336, %add3A_337 : i32
    %dma_start3A_339 = arith.constant 128 : i32
    %dma_start3A_340 = arith.constant 0 : i32
    %dma_start3A_341 = tpu.memref_slice %arg7[%dma_start3A_339, %dma_start3A_340] : memref<640x64xf32, #tpu.memory_space<vmem>> -> memref<128x64xf32, #tpu.memory_space<vmem>>
    %dma_start3A_342 = arith.constant 0 : i32
    %dma_start3A_343 = tpu.memref_slice %arg5[%add3A_338, %dma_start3A_342] : memref<25x128xi32, #tpu.memory_space<vmem>> -> memref<1x128xi32, #tpu.memory_space<vmem>>
    %dma_start3A_344 = tpu.memref_squeeze %dma_start3A_343 : memref<1x128xi32, #tpu.memory_space<vmem>> -> memref<128xi32, #tpu.memory_space<vmem>>
    %dma_start3A_345 = arith.constant 0 : i32
    %dma_start3A_346 = arith.constant 0 : i32
    %dma_start3A_347 = tpu.memref_slice %arg3[%dma_start3A_345, %dma_start3A_346] : memref<1003520x64xf32, #tpu.memory_space<hbm>> -> memref<1003520x64xf32, #tpu.memory_space<hbm>>
    tpu.enqueue_indirect_dma source(%dma_start3A_347 : memref<1003520x64xf32, #tpu.memory_space<hbm>>) target(%dma_start3A_341 : memref<128x64xf32, #tpu.memory_space<vmem>>) offsets(%dma_start3A_344 : memref<128xi32, #tpu.memory_space<vmem>>) semaphore(%arg9 : memref<!tpu.dma_semaphore, #tpu.memory_space<semaphore_mem>>)
    %mul3A_348 = arith.constant 5 : i32
    %mul3A_349 = arith.muli %add3A_312, %mul3A_348 : i32
    %add3A_350 = arith.constant 2 : i32
    %add3A_351 = arith.addi %mul3A_349, %add3A_350 : i32
    %dma_start3A_352 = arith.constant 256 : i32
    %dma_start3A_353 = arith.constant 0 : i32
    %dma_start3A_354 = tpu.memref_slice %arg7[%dma_start3A_352, %dma_start3A_353] : memref<640x64xf32, #tpu.memory_space<vmem>> -> memref<128x64xf32, #tpu.memory_space<vmem>>
    %dma_start3A_355 = arith.constant 0 : i32
    %dma_start3A_356 = tpu.memref_slice %arg5[%add3A_351, %dma_start3A_355] : memref<25x128xi32, #tpu.memory_space<vmem>> -> memref<1x128xi32, #tpu.memory_space<vmem>>
    %dma_start3A_357 = tpu.memref_squeeze %dma_start3A_356 : memref<1x128xi32, #tpu.memory_space<vmem>> -> memref<128xi32, #tpu.memory_space<vmem>>
    %dma_start3A_358 = arith.constant 0 : i32
    %dma_start3A_359 = arith.constant 0 : i32
    %dma_start3A_360 = tpu.memref_slice %arg3[%dma_start3A_358, %dma_start3A_359] : memref<1003520x64xf32, #tpu.memory_space<hbm>> -> memref<1003520x64xf32, #tpu.memory_space<hbm>>
    tpu.enqueue_indirect_dma source(%dma_start3A_360 : memref<1003520x64xf32, #tpu.memory_space<hbm>>) target(%dma_start3A_354 : memref<128x64xf32, #tpu.memory_space<vmem>>) offsets(%dma_start3A_357 : memref<128xi32, #tpu.memory_space<vmem>>) semaphore(%arg9 : memref<!tpu.dma_semaphore, #tpu.memory_space<semaphore_mem>>)
    %mul3A_361 = arith.constant 5 : i32
    %mul3A_362 = arith.muli %add3A_312, %mul3A_361 : i32
    %add3A_363 = arith.constant 3 : i32
    %add3A_364 = arith.addi %mul3A_362, %add3A_363 : i32
    %dma_start3A_365 = arith.constant 384 : i32
    %dma_start3A_366 = arith.constant 0 : i32
    %dma_start3A_367 = tpu.memref_slice %arg7[%dma_start3A_365, %dma_start3A_366] : memref<640x64xf32, #tpu.memory_space<vmem>> -> memref<128x64xf32, #tpu.memory_space<vmem>>
    %dma_start3A_368 = arith.constant 0 : i32
    %dma_start3A_369 = tpu.memref_slice %arg5[%add3A_364, %dma_start3A_368] : memref<25x128xi32, #tpu.memory_space<vmem>> -> memref<1x128xi32, #tpu.memory_space<vmem>>
    %dma_start3A_370 = tpu.memref_squeeze %dma_start3A_369 : memref<1x128xi32, #tpu.memory_space<vmem>> -> memref<128xi32, #tpu.memory_space<vmem>>
    %dma_start3A_371 = arith.constant 0 : i32
    %dma_start3A_372 = arith.constant 0 : i32
    %dma_start3A_373 = tpu.memref_slice %arg3[%dma_start3A_371, %dma_start3A_372] : memref<1003520x64xf32, #tpu.memory_space<hbm>> -> memref<1003520x64xf32, #tpu.memory_space<hbm>>
    tpu.enqueue_indirect_dma source(%dma_start3A_373 : memref<1003520x64xf32, #tpu.memory_space<hbm>>) target(%dma_start3A_367 : memref<128x64xf32, #tpu.memory_space<vmem>>) offsets(%dma_start3A_370 : memref<128xi32, #tpu.memory_space<vmem>>) semaphore(%arg9 : memref<!tpu.dma_semaphore, #tpu.memory_space<semaphore_mem>>)
    %mul3A_374 = arith.constant 5 : i32
    %mul3A_375 = arith.muli %add3A_312, %mul3A_374 : i32
    %add3A_376 = arith.constant 4 : i32
    %add3A_377 = arith.addi %mul3A_375, %add3A_376 : i32
    %dma_start3A_378 = arith.constant 512 : i32
    %dma_start3A_379 = arith.constant 0 : i32
    %dma_start3A_380 = tpu.memref_slice %arg7[%dma_start3A_378, %dma_start3A_379] : memref<640x64xf32, #tpu.memory_space<vmem>> -> memref<128x64xf32, #tpu.memory_space<vmem>>
    %dma_start3A_381 = arith.constant 0 : i32
    %dma_start3A_382 = tpu.memref_slice %arg5[%add3A_377, %dma_start3A_381] : memref<25x128xi32, #tpu.memory_space<vmem>> -> memref<1x128xi32, #tpu.memory_space<vmem>>
    %dma_start3A_383 = tpu.memref_squeeze %dma_start3A_382 : memref<1x128xi32, #tpu.memory_space<vmem>> -> memref<128xi32, #tpu.memory_space<vmem>>
    %dma_start3A_384 = arith.constant 0 : i32
    %dma_start3A_385 = arith.constant 0 : i32
    %dma_start3A_386 = tpu.memref_slice %arg3[%dma_start3A_384, %dma_start3A_385] : memref<1003520x64xf32, #tpu.memory_space<hbm>> -> memref<1003520x64xf32, #tpu.memory_space<hbm>>
    tpu.enqueue_indirect_dma source(%dma_start3A_386 : memref<1003520x64xf32, #tpu.memory_space<hbm>>) target(%dma_start3A_380 : memref<128x64xf32, #tpu.memory_space<vmem>>) offsets(%dma_start3A_383 : memref<128xi32, #tpu.memory_space<vmem>>) semaphore(%arg9 : memref<!tpu.dma_semaphore, #tpu.memory_space<semaphore_mem>>)
    %sub3A_387 = arith.constant 1 : i32
    %sub3A_388 = arith.subi %add3A_312, %sub3A_387 : i32
    %mul3A_389 = arith.constant 5 : i32
    %mul3A_390 = arith.muli %sub3A_388, %mul3A_389 : i32
    %add3A_391 = arith.constant 0 : i32
    %add3A_392 = arith.addi %mul3A_390, %add3A_391 : i32
    %dma_wait3A_393 = arith.constant 0 : i32
    %dma_wait3A_394 = arith.constant 0 : i32
    %dma_wait3A_395 = tpu.memref_slice %arg6[%dma_wait3A_393, %dma_wait3A_394] : memref<640x64xf32, #tpu.memory_space<vmem>> -> memref<128x64xf32, #tpu.memory_space<vmem>>
    %dma_wait3A_396 = arith.constant 0 : i32
    %dma_wait3A_397 = tpu.memref_slice %arg5[%add3A_392, %dma_wait3A_396] : memref<25x128xi32, #tpu.memory_space<vmem>> -> memref<1x128xi32, #tpu.memory_space<vmem>>
    %dma_wait3A_398 = tpu.memref_squeeze %dma_wait3A_397 : memref<1x128xi32, #tpu.memory_space<vmem>> -> memref<128xi32, #tpu.memory_space<vmem>>
    %dma_wait3A_399 = arith.constant 0 : i32
    %dma_wait3A_400 = arith.constant 0 : i32
    %dma_wait3A_401 = tpu.memref_slice %arg3[%dma_wait3A_399, %dma_wait3A_400] : memref<1003520x64xf32, #tpu.memory_space<hbm>> -> memref<1003520x64xf32, #tpu.memory_space<hbm>>
    tpu.wait_indirect_dma semaphore(%arg8 : memref<!tpu.dma_semaphore, #tpu.memory_space<semaphore_mem>>) src(%dma_wait3A_401 : memref<1003520x64xf32, #tpu.memory_space<hbm>>) dst(%dma_wait3A_395 : memref<128x64xf32, #tpu.memory_space<vmem>>)
    %mul3A_402 = arith.constant 5 : i32
    %mul3A_403 = arith.muli %sub3A_388, %mul3A_402 : i32
    %add3A_404 = arith.constant 1 : i32
    %add3A_405 = arith.addi %mul3A_403, %add3A_404 : i32
    %dma_wait3A_406 = arith.constant 128 : i32
    %dma_wait3A_407 = arith.constant 0 : i32
    %dma_wait3A_408 = tpu.memref_slice %arg6[%dma_wait3A_406, %dma_wait3A_407] : memref<640x64xf32, #tpu.memory_space<vmem>> -> memref<128x64xf32, #tpu.memory_space<vmem>>
    %dma_wait3A_409 = arith.constant 0 : i32
    %dma_wait3A_410 = tpu.memref_slice %arg5[%add3A_405, %dma_wait3A_409] : memref<25x128xi32, #tpu.memory_space<vmem>> -> memref<1x128xi32, #tpu.memory_space<vmem>>
    %dma_wait3A_411 = tpu.memref_squeeze %dma_wait3A_410 : memref<1x128xi32, #tpu.memory_space<vmem>> -> memref<128xi32, #tpu.memory_space<vmem>>
    %dma_wait3A_412 = arith.constant 0 : i32
    %dma_wait3A_413 = arith.constant 0 : i32
    %dma_wait3A_414 = tpu.memref_slice %arg3[%dma_wait3A_412, %dma_wait3A_413] : memref<1003520x64xf32, #tpu.memory_space<hbm>> -> memref<1003520x64xf32, #tpu.memory_space<hbm>>
    tpu.wait_indirect_dma semaphore(%arg8 : memref<!tpu.dma_semaphore, #tpu.memory_space<semaphore_mem>>) src(%dma_wait3A_414 : memref<1003520x64xf32, #tpu.memory_space<hbm>>) dst(%dma_wait3A_408 : memref<128x64xf32, #tpu.memory_space<vmem>>)
    %mul3A_415 = arith.constant 5 : i32
    %mul3A_416 = arith.muli %sub3A_388, %mul3A_415 : i32
    %add3A_417 = arith.constant 2 : i32
    %add3A_418 = arith.addi %mul3A_416, %add3A_417 : i32
    %dma_wait3A_419 = arith.constant 256 : i32
    %dma_wait3A_420 = arith.constant 0 : i32
    %dma_wait3A_421 = tpu.memref_slice %arg6[%dma_wait3A_419, %dma_wait3A_420] : memref<640x64xf32, #tpu.memory_space<vmem>> -> memref<128x64xf32, #tpu.memory_space<vmem>>
    %dma_wait3A_422 = arith.constant 0 : i32
    %dma_wait3A_423 = tpu.memref_slice %arg5[%add3A_418, %dma_wait3A_422] : memref<25x128xi32, #tpu.memory_space<vmem>> -> memref<1x128xi32, #tpu.memory_space<vmem>>
    %dma_wait3A_424 = tpu.memref_squeeze %dma_wait3A_423 : memref<1x128xi32, #tpu.memory_space<vmem>> -> memref<128xi32, #tpu.memory_space<vmem>>
    %dma_wait3A_425 = arith.constant 0 : i32
    %dma_wait3A_426 = arith.constant 0 : i32
    %dma_wait3A_427 = tpu.memref_slice %arg3[%dma_wait3A_425, %dma_wait3A_426] : memref<1003520x64xf32, #tpu.memory_space<hbm>> -> memref<1003520x64xf32, #tpu.memory_space<hbm>>
    tpu.wait_indirect_dma semaphore(%arg8 : memref<!tpu.dma_semaphore, #tpu.memory_space<semaphore_mem>>) src(%dma_wait3A_427 : memref<1003520x64xf32, #tpu.memory_space<hbm>>) dst(%dma_wait3A_421 : memref<128x64xf32, #tpu.memory_space<vmem>>)
    %mul3A_428 = arith.constant 5 : i32
    %mul3A_429 = arith.muli %sub3A_388, %mul3A_428 : i32
    %add3A_430 = arith.constant 3 : i32
    %add3A_431 = arith.addi %mul3A_429, %add3A_430 : i32
    %dma_wait3A_432 = arith.constant 384 : i32
    %dma_wait3A_433 = arith.constant 0 : i32
    %dma_wait3A_434 = tpu.memref_slice %arg6[%dma_wait3A_432, %dma_wait3A_433] : memref<640x64xf32, #tpu.memory_space<vmem>> -> memref<128x64xf32, #tpu.memory_space<vmem>>
    %dma_wait3A_435 = arith.constant 0 : i32
    %dma_wait3A_436 = tpu.memref_slice %arg5[%add3A_431, %dma_wait3A_435] : memref<25x128xi32, #tpu.memory_space<vmem>> -> memref<1x128xi32, #tpu.memory_space<vmem>>
    %dma_wait3A_437 = tpu.memref_squeeze %dma_wait3A_436 : memref<1x128xi32, #tpu.memory_space<vmem>> -> memref<128xi32, #tpu.memory_space<vmem>>
    %dma_wait3A_438 = arith.constant 0 : i32
    %dma_wait3A_439 = arith.constant 0 : i32
    %dma_wait3A_440 = tpu.memref_slice %arg3[%dma_wait3A_438, %dma_wait3A_439] : memref<1003520x64xf32, #tpu.memory_space<hbm>> -> memref<1003520x64xf32, #tpu.memory_space<hbm>>
    tpu.wait_indirect_dma semaphore(%arg8 : memref<!tpu.dma_semaphore, #tpu.memory_space<semaphore_mem>>) src(%dma_wait3A_440 : memref<1003520x64xf32, #tpu.memory_space<hbm>>) dst(%dma_wait3A_434 : memref<128x64xf32, #tpu.memory_space<vmem>>)
    %mul3A_441 = arith.constant 5 : i32
    %mul3A_442 = arith.muli %sub3A_388, %mul3A_441 : i32
    %add3A_443 = arith.constant 4 : i32
    %add3A_444 = arith.addi %mul3A_442, %add3A_443 : i32
    %dma_wait3A_445 = arith.constant 512 : i32
    %dma_wait3A_446 = arith.constant 0 : i32
    %dma_wait3A_447 = tpu.memref_slice %arg6[%dma_wait3A_445, %dma_wait3A_446] : memref<640x64xf32, #tpu.memory_space<vmem>> -> memref<128x64xf32, #tpu.memory_space<vmem>>
    %dma_wait3A_448 = arith.constant 0 : i32
    %dma_wait3A_449 = tpu.memref_slice %arg5[%add3A_444, %dma_wait3A_448] : memref<25x128xi32, #tpu.memory_space<vmem>> -> memref<1x128xi32, #tpu.memory_space<vmem>>
    %dma_wait3A_450 = tpu.memref_squeeze %dma_wait3A_449 : memref<1x128xi32, #tpu.memory_space<vmem>> -> memref<128xi32, #tpu.memory_space<vmem>>
    %dma_wait3A_451 = arith.constant 0 : i32
    %dma_wait3A_452 = arith.constant 0 : i32
    %dma_wait3A_453 = tpu.memref_slice %arg3[%dma_wait3A_451, %dma_wait3A_452] : memref<1003520x64xf32, #tpu.memory_space<hbm>> -> memref<1003520x64xf32, #tpu.memory_space<hbm>>
    tpu.wait_indirect_dma semaphore(%arg8 : memref<!tpu.dma_semaphore, #tpu.memory_space<semaphore_mem>>) src(%dma_wait3A_453 : memref<1003520x64xf32, #tpu.memory_space<hbm>>) dst(%dma_wait3A_447 : memref<128x64xf32, #tpu.memory_space<vmem>>)
    %sub3A_454 = arith.constant 1 : i32
    %sub3A_455 = arith.subi %add3A_312, %sub3A_454 : i32
    %mul3A_456 = arith.constant 640 : i32
    %mul3A_457 = arith.muli %sub3A_455, %mul3A_456 : i32
    %add3A_458 = arith.addi %mul3A_2, %mul3A_457 : i32
    %dma_start3A_459 = arith.constant 0 : i32
    %dma_start3A_460 = tpu.memref_slice %arg4[%add3A_458, %dma_start3A_459] : memref<102400x64xf32, #tpu.memory_space<hbm>> -> memref<640x64xf32, #tpu.memory_space<hbm>>
    %dma_start3A_461 = arith.constant 0 : i32
    %dma_start3A_462 = tpu.memref_slice %arg4[%add3A_458, %dma_start3A_461] : memref<102400x64xf32, #tpu.memory_space<hbm>> -> memref<640x64xf32, #tpu.memory_space<hbm>>
    tpu.enqueue_dma source(%arg6 : memref<640x64xf32, #tpu.memory_space<vmem>>) target(%dma_start3A_462 : memref<640x64xf32, #tpu.memory_space<hbm>>) target_semaphore(%arg10 : memref<!tpu.dma_semaphore, #tpu.memory_space<semaphore_mem>>)
    %scan3A_463 = arith.constant 1 : i32
    %add3A_464 = arith.constant 1280 : i32
    %add3A_465 = arith.addi %mul3A_2, %add3A_464 : i32
    %dma_wait3A_466 = arith.constant 0 : i32
    %dma_wait3A_467 = tpu.memref_slice %arg4[%add3A_465, %dma_wait3A_466] : memref<102400x64xf32, #tpu.memory_space<hbm>> -> memref<640x64xf32, #tpu.memory_space<hbm>>
    %dma_wait3A_468 = arith.constant 0 : i32
    %dma_wait3A_469 = tpu.memref_slice %arg4[%add3A_465, %dma_wait3A_468] : memref<102400x64xf32, #tpu.memory_space<hbm>> -> memref<640x64xf32, #tpu.memory_space<hbm>>
    tpu.wait_dma2 semaphore(%arg10 : memref<!tpu.dma_semaphore, #tpu.memory_space<semaphore_mem>>) src(%arg6 : memref<640x64xf32, #tpu.memory_space<vmem>>) dst(%dma_wait3A_469 : memref<640x64xf32, #tpu.memory_space<hbm>>)
    %dma_start3A_470 = arith.constant 20 : i32
    %dma_start3A_471 = arith.constant 0 : i32
    %dma_start3A_472 = arith.constant 0 : i32
    %dma_start3A_473 = tpu.memref_slice %arg6[%dma_start3A_471, %dma_start3A_472] : memref<640x64xf32, #tpu.memory_space<vmem>> -> memref<128x64xf32, #tpu.memory_space<vmem>>
    %dma_start3A_474 = arith.constant 0 : i32
    %dma_start3A_475 = tpu.memref_slice %arg5[%dma_start3A_470, %dma_start3A_474] : memref<25x128xi32, #tpu.memory_space<vmem>> -> memref<1x128xi32, #tpu.memory_space<vmem>>
    %dma_start3A_476 = tpu.memref_squeeze %dma_start3A_475 : memref<1x128xi32, #tpu.memory_space<vmem>> -> memref<128xi32, #tpu.memory_space<vmem>>
    %dma_start3A_477 = arith.constant 0 : i32
    %dma_start3A_478 = arith.constant 0 : i32
    %dma_start3A_479 = tpu.memref_slice %arg3[%dma_start3A_477, %dma_start3A_478] : memref<1003520x64xf32, #tpu.memory_space<hbm>> -> memref<1003520x64xf32, #tpu.memory_space<hbm>>
    tpu.enqueue_indirect_dma source(%dma_start3A_479 : memref<1003520x64xf32, #tpu.memory_space<hbm>>) target(%dma_start3A_473 : memref<128x64xf32, #tpu.memory_space<vmem>>) offsets(%dma_start3A_476 : memref<128xi32, #tpu.memory_space<vmem>>) semaphore(%arg8 : memref<!tpu.dma_semaphore, #tpu.memory_space<semaphore_mem>>)
    %dma_start3A_480 = arith.constant 21 : i32
    %dma_start3A_481 = arith.constant 128 : i32
    %dma_start3A_482 = arith.constant 0 : i32
    %dma_start3A_483 = tpu.memref_slice %arg6[%dma_start3A_481, %dma_start3A_482] : memref<640x64xf32, #tpu.memory_space<vmem>> -> memref<128x64xf32, #tpu.memory_space<vmem>>
    %dma_start3A_484 = arith.constant 0 : i32
    %dma_start3A_485 = tpu.memref_slice %arg5[%dma_start3A_480, %dma_start3A_484] : memref<25x128xi32, #tpu.memory_space<vmem>> -> memref<1x128xi32, #tpu.memory_space<vmem>>
    %dma_start3A_486 = tpu.memref_squeeze %dma_start3A_485 : memref<1x128xi32, #tpu.memory_space<vmem>> -> memref<128xi32, #tpu.memory_space<vmem>>
    %dma_start3A_487 = arith.constant 0 : i32
    %dma_start3A_488 = arith.constant 0 : i32
    %dma_start3A_489 = tpu.memref_slice %arg3[%dma_start3A_487, %dma_start3A_488] : memref<1003520x64xf32, #tpu.memory_space<hbm>> -> memref<1003520x64xf32, #tpu.memory_space<hbm>>
    tpu.enqueue_indirect_dma source(%dma_start3A_489 : memref<1003520x64xf32, #tpu.memory_space<hbm>>) target(%dma_start3A_483 : memref<128x64xf32, #tpu.memory_space<vmem>>) offsets(%dma_start3A_486 : memref<128xi32, #tpu.memory_space<vmem>>) semaphore(%arg8 : memref<!tpu.dma_semaphore, #tpu.memory_space<semaphore_mem>>)
    %dma_start3A_490 = arith.constant 22 : i32
    %dma_start3A_491 = arith.constant 256 : i32
    %dma_start3A_492 = arith.constant 0 : i32
    %dma_start3A_493 = tpu.memref_slice %arg6[%dma_start3A_491, %dma_start3A_492] : memref<640x64xf32, #tpu.memory_space<vmem>> -> memref<128x64xf32, #tpu.memory_space<vmem>>
    %dma_start3A_494 = arith.constant 0 : i32
    %dma_start3A_495 = tpu.memref_slice %arg5[%dma_start3A_490, %dma_start3A_494] : memref<25x128xi32, #tpu.memory_space<vmem>> -> memref<1x128xi32, #tpu.memory_space<vmem>>
    %dma_start3A_496 = tpu.memref_squeeze %dma_start3A_495 : memref<1x128xi32, #tpu.memory_space<vmem>> -> memref<128xi32, #tpu.memory_space<vmem>>
    %dma_start3A_497 = arith.constant 0 : i32
    %dma_start3A_498 = arith.constant 0 : i32
    %dma_start3A_499 = tpu.memref_slice %arg3[%dma_start3A_497, %dma_start3A_498] : memref<1003520x64xf32, #tpu.memory_space<hbm>> -> memref<1003520x64xf32, #tpu.memory_space<hbm>>
    tpu.enqueue_indirect_dma source(%dma_start3A_499 : memref<1003520x64xf32, #tpu.memory_space<hbm>>) target(%dma_start3A_493 : memref<128x64xf32, #tpu.memory_space<vmem>>) offsets(%dma_start3A_496 : memref<128xi32, #tpu.memory_space<vmem>>) semaphore(%arg8 : memref<!tpu.dma_semaphore, #tpu.memory_space<semaphore_mem>>)
    %dma_start3A_500 = arith.constant 23 : i32
    %dma_start3A_501 = arith.constant 384 : i32
    %dma_start3A_502 = arith.constant 0 : i32
    %dma_start3A_503 = tpu.memref_slice %arg6[%dma_start3A_501, %dma_start3A_502] : memref<640x64xf32, #tpu.memory_space<vmem>> -> memref<128x64xf32, #tpu.memory_space<vmem>>
    %dma_start3A_504 = arith.constant 0 : i32
    %dma_start3A_505 = tpu.memref_slice %arg5[%dma_start3A_500, %dma_start3A_504] : memref<25x128xi32, #tpu.memory_space<vmem>> -> memref<1x128xi32, #tpu.memory_space<vmem>>
    %dma_start3A_506 = tpu.memref_squeeze %dma_start3A_505 : memref<1x128xi32, #tpu.memory_space<vmem>> -> memref<128xi32, #tpu.memory_space<vmem>>
    %dma_start3A_507 = arith.constant 0 : i32
    %dma_start3A_508 = arith.constant 0 : i32
    %dma_start3A_509 = tpu.memref_slice %arg3[%dma_start3A_507, %dma_start3A_508] : memref<1003520x64xf32, #tpu.memory_space<hbm>> -> memref<1003520x64xf32, #tpu.memory_space<hbm>>
    tpu.enqueue_indirect_dma source(%dma_start3A_509 : memref<1003520x64xf32, #tpu.memory_space<hbm>>) target(%dma_start3A_503 : memref<128x64xf32, #tpu.memory_space<vmem>>) offsets(%dma_start3A_506 : memref<128xi32, #tpu.memory_space<vmem>>) semaphore(%arg8 : memref<!tpu.dma_semaphore, #tpu.memory_space<semaphore_mem>>)
    %dma_start3A_510 = arith.constant 24 : i32
    %dma_start3A_511 = arith.constant 512 : i32
    %dma_start3A_512 = arith.constant 0 : i32
    %dma_start3A_513 = tpu.memref_slice %arg6[%dma_start3A_511, %dma_start3A_512] : memref<640x64xf32, #tpu.memory_space<vmem>> -> memref<128x64xf32, #tpu.memory_space<vmem>>
    %dma_start3A_514 = arith.constant 0 : i32
    %dma_start3A_515 = tpu.memref_slice %arg5[%dma_start3A_510, %dma_start3A_514] : memref<25x128xi32, #tpu.memory_space<vmem>> -> memref<1x128xi32, #tpu.memory_space<vmem>>
    %dma_start3A_516 = tpu.memref_squeeze %dma_start3A_515 : memref<1x128xi32, #tpu.memory_space<vmem>> -> memref<128xi32, #tpu.memory_space<vmem>>
    %dma_start3A_517 = arith.constant 0 : i32
    %dma_start3A_518 = arith.constant 0 : i32
    %dma_start3A_519 = tpu.memref_slice %arg3[%dma_start3A_517, %dma_start3A_518] : memref<1003520x64xf32, #tpu.memory_space<hbm>> -> memref<1003520x64xf32, #tpu.memory_space<hbm>>
    tpu.enqueue_indirect_dma source(%dma_start3A_519 : memref<1003520x64xf32, #tpu.memory_space<hbm>>) target(%dma_start3A_513 : memref<128x64xf32, #tpu.memory_space<vmem>>) offsets(%dma_start3A_516 : memref<128xi32, #tpu.memory_space<vmem>>) semaphore(%arg8 : memref<!tpu.dma_semaphore, #tpu.memory_space<semaphore_mem>>)
    %dma_wait3A_520 = arith.constant 15 : i32
    %dma_wait3A_521 = arith.constant 0 : i32
    %dma_wait3A_522 = arith.constant 0 : i32
    %dma_wait3A_523 = tpu.memref_slice %arg7[%dma_wait3A_521, %dma_wait3A_522] : memref<640x64xf32, #tpu.memory_space<vmem>> -> memref<128x64xf32, #tpu.memory_space<vmem>>
    %dma_wait3A_524 = arith.constant 0 : i32
    %dma_wait3A_525 = tpu.memref_slice %arg5[%dma_wait3A_520, %dma_wait3A_524] : memref<25x128xi32, #tpu.memory_space<vmem>> -> memref<1x128xi32, #tpu.memory_space<vmem>>
    %dma_wait3A_526 = tpu.memref_squeeze %dma_wait3A_525 : memref<1x128xi32, #tpu.memory_space<vmem>> -> memref<128xi32, #tpu.memory_space<vmem>>
    %dma_wait3A_527 = arith.constant 0 : i32
    %dma_wait3A_528 = arith.constant 0 : i32
    %dma_wait3A_529 = tpu.memref_slice %arg3[%dma_wait3A_527, %dma_wait3A_528] : memref<1003520x64xf32, #tpu.memory_space<hbm>> -> memref<1003520x64xf32, #tpu.memory_space<hbm>>
    tpu.wait_indirect_dma semaphore(%arg9 : memref<!tpu.dma_semaphore, #tpu.memory_space<semaphore_mem>>) src(%dma_wait3A_529 : memref<1003520x64xf32, #tpu.memory_space<hbm>>) dst(%dma_wait3A_523 : memref<128x64xf32, #tpu.memory_space<vmem>>)
    %dma_wait3A_530 = arith.constant 16 : i32
    %dma_wait3A_531 = arith.constant 128 : i32
    %dma_wait3A_532 = arith.constant 0 : i32
    %dma_wait3A_533 = tpu.memref_slice %arg7[%dma_wait3A_531, %dma_wait3A_532] : memref<640x64xf32, #tpu.memory_space<vmem>> -> memref<128x64xf32, #tpu.memory_space<vmem>>
    %dma_wait3A_534 = arith.constant 0 : i32
    %dma_wait3A_535 = tpu.memref_slice %arg5[%dma_wait3A_530, %dma_wait3A_534] : memref<25x128xi32, #tpu.memory_space<vmem>> -> memref<1x128xi32, #tpu.memory_space<vmem>>
    %dma_wait3A_536 = tpu.memref_squeeze %dma_wait3A_535 : memref<1x128xi32, #tpu.memory_space<vmem>> -> memref<128xi32, #tpu.memory_space<vmem>>
    %dma_wait3A_537 = arith.constant 0 : i32
    %dma_wait3A_538 = arith.constant 0 : i32
    %dma_wait3A_539 = tpu.memref_slice %arg3[%dma_wait3A_537, %dma_wait3A_538] : memref<1003520x64xf32, #tpu.memory_space<hbm>> -> memref<1003520x64xf32, #tpu.memory_space<hbm>>
    tpu.wait_indirect_dma semaphore(%arg9 : memref<!tpu.dma_semaphore, #tpu.memory_space<semaphore_mem>>) src(%dma_wait3A_539 : memref<1003520x64xf32, #tpu.memory_space<hbm>>) dst(%dma_wait3A_533 : memref<128x64xf32, #tpu.memory_space<vmem>>)
    %dma_wait3A_540 = arith.constant 17 : i32
    %dma_wait3A_541 = arith.constant 256 : i32
    %dma_wait3A_542 = arith.constant 0 : i32
    %dma_wait3A_543 = tpu.memref_slice %arg7[%dma_wait3A_541, %dma_wait3A_542] : memref<640x64xf32, #tpu.memory_space<vmem>> -> memref<128x64xf32, #tpu.memory_space<vmem>>
    %dma_wait3A_544 = arith.constant 0 : i32
    %dma_wait3A_545 = tpu.memref_slice %arg5[%dma_wait3A_540, %dma_wait3A_544] : memref<25x128xi32, #tpu.memory_space<vmem>> -> memref<1x128xi32, #tpu.memory_space<vmem>>
    %dma_wait3A_546 = tpu.memref_squeeze %dma_wait3A_545 : memref<1x128xi32, #tpu.memory_space<vmem>> -> memref<128xi32, #tpu.memory_space<vmem>>
    %dma_wait3A_547 = arith.constant 0 : i32
    %dma_wait3A_548 = arith.constant 0 : i32
    %dma_wait3A_549 = tpu.memref_slice %arg3[%dma_wait3A_547, %dma_wait3A_548] : memref<1003520x64xf32, #tpu.memory_space<hbm>> -> memref<1003520x64xf32, #tpu.memory_space<hbm>>
    tpu.wait_indirect_dma semaphore(%arg9 : memref<!tpu.dma_semaphore, #tpu.memory_space<semaphore_mem>>) src(%dma_wait3A_549 : memref<1003520x64xf32, #tpu.memory_space<hbm>>) dst(%dma_wait3A_543 : memref<128x64xf32, #tpu.memory_space<vmem>>)
    %dma_wait3A_550 = arith.constant 18 : i32
    %dma_wait3A_551 = arith.constant 384 : i32
    %dma_wait3A_552 = arith.constant 0 : i32
    %dma_wait3A_553 = tpu.memref_slice %arg7[%dma_wait3A_551, %dma_wait3A_552] : memref<640x64xf32, #tpu.memory_space<vmem>> -> memref<128x64xf32, #tpu.memory_space<vmem>>
    %dma_wait3A_554 = arith.constant 0 : i32
    %dma_wait3A_555 = tpu.memref_slice %arg5[%dma_wait3A_550, %dma_wait3A_554] : memref<25x128xi32, #tpu.memory_space<vmem>> -> memref<1x128xi32, #tpu.memory_space<vmem>>
    %dma_wait3A_556 = tpu.memref_squeeze %dma_wait3A_555 : memref<1x128xi32, #tpu.memory_space<vmem>> -> memref<128xi32, #tpu.memory_space<vmem>>
    %dma_wait3A_557 = arith.constant 0 : i32
    %dma_wait3A_558 = arith.constant 0 : i32
    %dma_wait3A_559 = tpu.memref_slice %arg3[%dma_wait3A_557, %dma_wait3A_558] : memref<1003520x64xf32, #tpu.memory_space<hbm>> -> memref<1003520x64xf32, #tpu.memory_space<hbm>>
    tpu.wait_indirect_dma semaphore(%arg9 : memref<!tpu.dma_semaphore, #tpu.memory_space<semaphore_mem>>) src(%dma_wait3A_559 : memref<1003520x64xf32, #tpu.memory_space<hbm>>) dst(%dma_wait3A_553 : memref<128x64xf32, #tpu.memory_space<vmem>>)
    %dma_wait3A_560 = arith.constant 19 : i32
    %dma_wait3A_561 = arith.constant 512 : i32
    %dma_wait3A_562 = arith.constant 0 : i32
    %dma_wait3A_563 = tpu.memref_slice %arg7[%dma_wait3A_561, %dma_wait3A_562] : memref<640x64xf32, #tpu.memory_space<vmem>> -> memref<128x64xf32, #tpu.memory_space<vmem>>
    %dma_wait3A_564 = arith.constant 0 : i32
    %dma_wait3A_565 = tpu.memref_slice %arg5[%dma_wait3A_560, %dma_wait3A_564] : memref<25x128xi32, #tpu.memory_space<vmem>> -> memref<1x128xi32, #tpu.memory_space<vmem>>
    %dma_wait3A_566 = tpu.memref_squeeze %dma_wait3A_565 : memref<1x128xi32, #tpu.memory_space<vmem>> -> memref<128xi32, #tpu.memory_space<vmem>>
    %dma_wait3A_567 = arith.constant 0 : i32
    %dma_wait3A_568 = arith.constant 0 : i32
    %dma_wait3A_569 = tpu.memref_slice %arg3[%dma_wait3A_567, %dma_wait3A_568] : memref<1003520x64xf32, #tpu.memory_space<hbm>> -> memref<1003520x64xf32, #tpu.memory_space<hbm>>
    tpu.wait_indirect_dma semaphore(%arg9 : memref<!tpu.dma_semaphore, #tpu.memory_space<semaphore_mem>>) src(%dma_wait3A_569 : memref<1003520x64xf32, #tpu.memory_space<hbm>>) dst(%dma_wait3A_563 : memref<128x64xf32, #tpu.memory_space<vmem>>)
    %add3A_570 = arith.constant 1920 : i32
    %add3A_571 = arith.addi %mul3A_2, %add3A_570 : i32
    %dma_start3A_572 = arith.constant 0 : i32
    %dma_start3A_573 = tpu.memref_slice %arg4[%add3A_571, %dma_start3A_572] : memref<102400x64xf32, #tpu.memory_space<hbm>> -> memref<640x64xf32, #tpu.memory_space<hbm>>
    %dma_start3A_574 = arith.constant 0 : i32
    %dma_start3A_575 = tpu.memref_slice %arg4[%add3A_571, %dma_start3A_574] : memref<102400x64xf32, #tpu.memory_space<hbm>> -> memref<640x64xf32, #tpu.memory_space<hbm>>
    tpu.enqueue_dma source(%arg7 : memref<640x64xf32, #tpu.memory_space<vmem>>) target(%dma_start3A_575 : memref<640x64xf32, #tpu.memory_space<hbm>>) target_semaphore(%arg11 : memref<!tpu.dma_semaphore, #tpu.memory_space<semaphore_mem>>)
    %dma_wait3A_576 = arith.constant 20 : i32
    %dma_wait3A_577 = arith.constant 0 : i32
    %dma_wait3A_578 = arith.constant 0 : i32
    %dma_wait3A_579 = tpu.memref_slice %arg6[%dma_wait3A_577, %dma_wait3A_578] : memref<640x64xf32, #tpu.memory_space<vmem>> -> memref<128x64xf32, #tpu.memory_space<vmem>>
    %dma_wait3A_580 = arith.constant 0 : i32
    %dma_wait3A_581 = tpu.memref_slice %arg5[%dma_wait3A_576, %dma_wait3A_580] : memref<25x128xi32, #tpu.memory_space<vmem>> -> memref<1x128xi32, #tpu.memory_space<vmem>>
    %dma_wait3A_582 = tpu.memref_squeeze %dma_wait3A_581 : memref<1x128xi32, #tpu.memory_space<vmem>> -> memref<128xi32, #tpu.memory_space<vmem>>
    %dma_wait3A_583 = arith.constant 0 : i32
    %dma_wait3A_584 = arith.constant 0 : i32
    %dma_wait3A_585 = tpu.memref_slice %arg3[%dma_wait3A_583, %dma_wait3A_584] : memref<1003520x64xf32, #tpu.memory_space<hbm>> -> memref<1003520x64xf32, #tpu.memory_space<hbm>>
    tpu.wait_indirect_dma semaphore(%arg8 : memref<!tpu.dma_semaphore, #tpu.memory_space<semaphore_mem>>) src(%dma_wait3A_585 : memref<1003520x64xf32, #tpu.memory_space<hbm>>) dst(%dma_wait3A_579 : memref<128x64xf32, #tpu.memory_space<vmem>>)
    %dma_wait3A_586 = arith.constant 21 : i32
    %dma_wait3A_587 = arith.constant 128 : i32
    %dma_wait3A_588 = arith.constant 0 : i32
    %dma_wait3A_589 = tpu.memref_slice %arg6[%dma_wait3A_587, %dma_wait3A_588] : memref<640x64xf32, #tpu.memory_space<vmem>> -> memref<128x64xf32, #tpu.memory_space<vmem>>
    %dma_wait3A_590 = arith.constant 0 : i32
    %dma_wait3A_591 = tpu.memref_slice %arg5[%dma_wait3A_586, %dma_wait3A_590] : memref<25x128xi32, #tpu.memory_space<vmem>> -> memref<1x128xi32, #tpu.memory_space<vmem>>
    %dma_wait3A_592 = tpu.memref_squeeze %dma_wait3A_591 : memref<1x128xi32, #tpu.memory_space<vmem>> -> memref<128xi32, #tpu.memory_space<vmem>>
    %dma_wait3A_593 = arith.constant 0 : i32
    %dma_wait3A_594 = arith.constant 0 : i32
    %dma_wait3A_595 = tpu.memref_slice %arg3[%dma_wait3A_593, %dma_wait3A_594] : memref<1003520x64xf32, #tpu.memory_space<hbm>> -> memref<1003520x64xf32, #tpu.memory_space<hbm>>
    tpu.wait_indirect_dma semaphore(%arg8 : memref<!tpu.dma_semaphore, #tpu.memory_space<semaphore_mem>>) src(%dma_wait3A_595 : memref<1003520x64xf32, #tpu.memory_space<hbm>>) dst(%dma_wait3A_589 : memref<128x64xf32, #tpu.memory_space<vmem>>)
    %dma_wait3A_596 = arith.constant 22 : i32
    %dma_wait3A_597 = arith.constant 256 : i32
    %dma_wait3A_598 = arith.constant 0 : i32
    %dma_wait3A_599 = tpu.memref_slice %arg6[%dma_wait3A_597, %dma_wait3A_598] : memref<640x64xf32, #tpu.memory_space<vmem>> -> memref<128x64xf32, #tpu.memory_space<vmem>>
    %dma_wait3A_600 = arith.constant 0 : i32
    %dma_wait3A_601 = tpu.memref_slice %arg5[%dma_wait3A_596, %dma_wait3A_600] : memref<25x128xi32, #tpu.memory_space<vmem>> -> memref<1x128xi32, #tpu.memory_space<vmem>>
    %dma_wait3A_602 = tpu.memref_squeeze %dma_wait3A_601 : memref<1x128xi32, #tpu.memory_space<vmem>> -> memref<128xi32, #tpu.memory_space<vmem>>
    %dma_wait3A_603 = arith.constant 0 : i32
    %dma_wait3A_604 = arith.constant 0 : i32
    %dma_wait3A_605 = tpu.memref_slice %arg3[%dma_wait3A_603, %dma_wait3A_604] : memref<1003520x64xf32, #tpu.memory_space<hbm>> -> memref<1003520x64xf32, #tpu.memory_space<hbm>>
    tpu.wait_indirect_dma semaphore(%arg8 : memref<!tpu.dma_semaphore, #tpu.memory_space<semaphore_mem>>) src(%dma_wait3A_605 : memref<1003520x64xf32, #tpu.memory_space<hbm>>) dst(%dma_wait3A_599 : memref<128x64xf32, #tpu.memory_space<vmem>>)
    %dma_wait3A_606 = arith.constant 23 : i32
    %dma_wait3A_607 = arith.constant 384 : i32
    %dma_wait3A_608 = arith.constant 0 : i32
    %dma_wait3A_609 = tpu.memref_slice %arg6[%dma_wait3A_607, %dma_wait3A_608] : memref<640x64xf32, #tpu.memory_space<vmem>> -> memref<128x64xf32, #tpu.memory_space<vmem>>
    %dma_wait3A_610 = arith.constant 0 : i32
    %dma_wait3A_611 = tpu.memref_slice %arg5[%dma_wait3A_606, %dma_wait3A_610] : memref<25x128xi32, #tpu.memory_space<vmem>> -> memref<1x128xi32, #tpu.memory_space<vmem>>
    %dma_wait3A_612 = tpu.memref_squeeze %dma_wait3A_611 : memref<1x128xi32, #tpu.memory_space<vmem>> -> memref<128xi32, #tpu.memory_space<vmem>>
    %dma_wait3A_613 = arith.constant 0 : i32
    %dma_wait3A_614 = arith.constant 0 : i32
    %dma_wait3A_615 = tpu.memref_slice %arg3[%dma_wait3A_613, %dma_wait3A_614] : memref<1003520x64xf32, #tpu.memory_space<hbm>> -> memref<1003520x64xf32, #tpu.memory_space<hbm>>
    tpu.wait_indirect_dma semaphore(%arg8 : memref<!tpu.dma_semaphore, #tpu.memory_space<semaphore_mem>>) src(%dma_wait3A_615 : memref<1003520x64xf32, #tpu.memory_space<hbm>>) dst(%dma_wait3A_609 : memref<128x64xf32, #tpu.memory_space<vmem>>)
    %dma_wait3A_616 = arith.constant 24 : i32
    %dma_wait3A_617 = arith.constant 512 : i32
    %dma_wait3A_618 = arith.constant 0 : i32
    %dma_wait3A_619 = tpu.memref_slice %arg6[%dma_wait3A_617, %dma_wait3A_618] : memref<640x64xf32, #tpu.memory_space<vmem>> -> memref<128x64xf32, #tpu.memory_space<vmem>>
    %dma_wait3A_620 = arith.constant 0 : i32
    %dma_wait3A_621 = tpu.memref_slice %arg5[%dma_wait3A_616, %dma_wait3A_620] : memref<25x128xi32, #tpu.memory_space<vmem>> -> memref<1x128xi32, #tpu.memory_space<vmem>>
    %dma_wait3A_622 = tpu.memref_squeeze %dma_wait3A_621 : memref<1x128xi32, #tpu.memory_space<vmem>> -> memref<128xi32, #tpu.memory_space<vmem>>
    %dma_wait3A_623 = arith.constant 0 : i32
    %dma_wait3A_624 = arith.constant 0 : i32
    %dma_wait3A_625 = tpu.memref_slice %arg3[%dma_wait3A_623, %dma_wait3A_624] : memref<1003520x64xf32, #tpu.memory_space<hbm>> -> memref<1003520x64xf32, #tpu.memory_space<hbm>>
    tpu.wait_indirect_dma semaphore(%arg8 : memref<!tpu.dma_semaphore, #tpu.memory_space<semaphore_mem>>) src(%dma_wait3A_625 : memref<1003520x64xf32, #tpu.memory_space<hbm>>) dst(%dma_wait3A_619 : memref<128x64xf32, #tpu.memory_space<vmem>>)
    %add3A_626 = arith.constant 2560 : i32
    %add3A_627 = arith.addi %mul3A_2, %add3A_626 : i32
    %dma_start3A_628 = arith.constant 0 : i32
    %dma_start3A_629 = tpu.memref_slice %arg4[%add3A_627, %dma_start3A_628] : memref<102400x64xf32, #tpu.memory_space<hbm>> -> memref<640x64xf32, #tpu.memory_space<hbm>>
    %dma_start3A_630 = arith.constant 0 : i32
    %dma_start3A_631 = tpu.memref_slice %arg4[%add3A_627, %dma_start3A_630] : memref<102400x64xf32, #tpu.memory_space<hbm>> -> memref<640x64xf32, #tpu.memory_space<hbm>>
    tpu.enqueue_dma source(%arg6 : memref<640x64xf32, #tpu.memory_space<vmem>>) target(%dma_start3A_631 : memref<640x64xf32, #tpu.memory_space<hbm>>) target_semaphore(%arg10 : memref<!tpu.dma_semaphore, #tpu.memory_space<semaphore_mem>>)
    %add3A_632 = arith.constant 1920 : i32
    %add3A_633 = arith.addi %mul3A_2, %add3A_632 : i32
    %dma_wait3A_634 = arith.constant 0 : i32
    %dma_wait3A_635 = tpu.memref_slice %arg4[%add3A_633, %dma_wait3A_634] : memref<102400x64xf32, #tpu.memory_space<hbm>> -> memref<640x64xf32, #tpu.memory_space<hbm>>
    %dma_wait3A_636 = arith.constant 0 : i32
    %dma_wait3A_637 = tpu.memref_slice %arg4[%add3A_633, %dma_wait3A_636] : memref<102400x64xf32, #tpu.memory_space<hbm>> -> memref<640x64xf32, #tpu.memory_space<hbm>>
    tpu.wait_dma2 semaphore(%arg11 : memref<!tpu.dma_semaphore, #tpu.memory_space<semaphore_mem>>) src(%arg7 : memref<640x64xf32, #tpu.memory_space<vmem>>) dst(%dma_wait3A_637 : memref<640x64xf32, #tpu.memory_space<hbm>>)
    %add3A_638 = arith.constant 2560 : i32
    %add3A_639 = arith.addi %mul3A_2, %add3A_638 : i32
    %dma_wait3A_640 = arith.constant 0 : i32
    %dma_wait3A_641 = tpu.memref_slice %arg4[%add3A_639, %dma_wait3A_640] : memref<102400x64xf32, #tpu.memory_space<hbm>> -> memref<640x64xf32, #tpu.memory_space<hbm>>
    %dma_wait3A_642 = arith.constant 0 : i32
    %dma_wait3A_643 = tpu.memref_slice %arg4[%add3A_639, %dma_wait3A_642] : memref<102400x64xf32, #tpu.memory_space<hbm>> -> memref<640x64xf32, #tpu.memory_space<hbm>>
    tpu.wait_dma2 semaphore(%arg10 : memref<!tpu.dma_semaphore, #tpu.memory_space<semaphore_mem>>) src(%arg6 : memref<640x64xf32, #tpu.memory_space<vmem>>) dst(%dma_wait3A_643 : memref<640x64xf32, #tpu.memory_space<hbm>>)
    return
  }
}

#map = affine_map<(d0, d1) -> (0, 0, 0)>
#map1 = affine_map<(d0, d1) -> (0, 0)>
module attributes {stable_mosaic.version = 14 : i64} {
  func.func @gather_kernel(%arg0: i32, %arg1: i32, %arg2: memref<32x100x128xi32, #tpu.memory_space<hbm>>, %arg3: memref<1003520x64xf32, #tpu.memory_space<hbm>>, %arg4: memref<409600x64xf32, #tpu.memory_space<hbm>>, %arg5: memref<100x128xi32, #tpu.memory_space<vmem>>, %arg6: memref<640x64xf32, #tpu.memory_space<vmem>>, %arg7: memref<640x64xf32, #tpu.memory_space<vmem>>, %arg8: memref<!tpu.dma_semaphore, #tpu.memory_space<semaphore_mem>>, %arg9: memref<!tpu.dma_semaphore, #tpu.memory_space<semaphore_mem>>, %arg10: memref<!tpu.dma_semaphore, #tpu.memory_space<semaphore_mem>>, %arg11: memref<!tpu.dma_semaphore, #tpu.memory_space<semaphore_mem>>) attributes {dimension_semantics = [#tpu.dimension_semantics<core_parallel>, #tpu.dimension_semantics<subcore_parallel>], iteration_bounds = array<i64: 2, 16>, scalar_prefetch = 0 : i64, scratch_operands = 7 : i64, tpu.core_type = #tpu.core_type<sc_vector_subcore>, window_params = [{transform_indices = #map}, {transform_indices = #map1}, {transform_indices = #map1}]} {
    %mul3A = arith.constant 16 : i32
    %mul3A_0 = arith.muli %arg0, %mul3A : i32
    %add3A = arith.addi %mul3A_0, %arg1 : i32
    %mul3A_1 = arith.constant 12800 : i32
    %mul3A_2 = arith.muli %add3A, %mul3A_1 : i32
    "tpu.region"() ({
      %run_scoped3A = tpu.sem_alloc : memref<!tpu.dma_semaphore, #tpu.memory_space<semaphore_mem>>
      %dma_start3A_230 = arith.constant 0 : i32
      %dma_start3A_231 = arith.constant 0 : i32
      %dma_start3A_232 = tpu.memref_slice %arg2[%add3A, %dma_start3A_230, %dma_start3A_231] : memref<32x100x128xi32, #tpu.memory_space<hbm>> -> memref<1x100x128xi32, #tpu.memory_space<hbm>>
      %dma_start3A_233 = tpu.memref_squeeze %dma_start3A_232 : memref<1x100x128xi32, #tpu.memory_space<hbm>> -> memref<100x128xi32, #tpu.memory_space<hbm>>
      %dma_start3A_234 = arith.constant 0 : i32
      %dma_start3A_235 = arith.constant 0 : i32
      %dma_start3A_236 = tpu.memref_slice %arg2[%add3A, %dma_start3A_234, %dma_start3A_235] : memref<32x100x128xi32, #tpu.memory_space<hbm>> -> memref<1x100x128xi32, #tpu.memory_space<hbm>>
      %dma_start3A_237 = tpu.memref_squeeze %dma_start3A_236 : memref<1x100x128xi32, #tpu.memory_space<hbm>> -> memref<100x128xi32, #tpu.memory_space<hbm>>
      tpu.enqueue_dma source(%dma_start3A_237 : memref<100x128xi32, #tpu.memory_space<hbm>>) target(%arg5 : memref<100x128xi32, #tpu.memory_space<vmem>>) target_semaphore(%run_scoped3A : memref<!tpu.dma_semaphore, #tpu.memory_space<semaphore_mem>>)
      %dma_wait3A_238 = arith.constant 0 : i32
      %dma_wait3A_239 = arith.constant 0 : i32
      %dma_wait3A_240 = tpu.memref_slice %arg2[%add3A, %dma_wait3A_238, %dma_wait3A_239] : memref<32x100x128xi32, #tpu.memory_space<hbm>> -> memref<1x100x128xi32, #tpu.memory_space<hbm>>
      %dma_wait3A_241 = tpu.memref_squeeze %dma_wait3A_240 : memref<1x100x128xi32, #tpu.memory_space<hbm>> -> memref<100x128xi32, #tpu.memory_space<hbm>>
      %dma_wait3A_242 = arith.constant 0 : i32
      %dma_wait3A_243 = arith.constant 0 : i32
      %dma_wait3A_244 = tpu.memref_slice %arg2[%add3A, %dma_wait3A_242, %dma_wait3A_243] : memref<32x100x128xi32, #tpu.memory_space<hbm>> -> memref<1x100x128xi32, #tpu.memory_space<hbm>>
      %dma_wait3A_245 = tpu.memref_squeeze %dma_wait3A_244 : memref<1x100x128xi32, #tpu.memory_space<hbm>> -> memref<100x128xi32, #tpu.memory_space<hbm>>
      tpu.wait_dma2 semaphore(%run_scoped3A : memref<!tpu.dma_semaphore, #tpu.memory_space<semaphore_mem>>) src(%dma_wait3A_245 : memref<100x128xi32, #tpu.memory_space<hbm>>) dst(%arg5 : memref<100x128xi32, #tpu.memory_space<vmem>>)
      tpu.yield
    }) : () -> ()
    %dma_start3A = arith.constant 0 : i32
    %dma_start3A_3 = arith.constant 0 : i32
    %dma_start3A_4 = arith.constant 0 : i32
    %dma_start3A_5 = tpu.memref_slice %arg6[%dma_start3A_3, %dma_start3A_4] : memref<640x64xf32, #tpu.memory_space<vmem>> -> memref<128x64xf32, #tpu.memory_space<vmem>>
    %dma_start3A_6 = arith.constant 0 : i32
    %dma_start3A_7 = tpu.memref_slice %arg5[%dma_start3A, %dma_start3A_6] : memref<100x128xi32, #tpu.memory_space<vmem>> -> memref<1x128xi32, #tpu.memory_space<vmem>>
    %dma_start3A_8 = tpu.memref_squeeze %dma_start3A_7 : memref<1x128xi32, #tpu.memory_space<vmem>> -> memref<128xi32, #tpu.memory_space<vmem>>
    %dma_start3A_9 = arith.constant 0 : i32
    %dma_start3A_10 = arith.constant 0 : i32
    %dma_start3A_11 = tpu.memref_slice %arg3[%dma_start3A_9, %dma_start3A_10] : memref<1003520x64xf32, #tpu.memory_space<hbm>> -> memref<1003520x64xf32, #tpu.memory_space<hbm>>
    tpu.enqueue_indirect_dma source(%dma_start3A_11 : memref<1003520x64xf32, #tpu.memory_space<hbm>>) target(%dma_start3A_5 : memref<128x64xf32, #tpu.memory_space<vmem>>) offsets(%dma_start3A_8 : memref<128xi32, #tpu.memory_space<vmem>>) semaphore(%arg8 : memref<!tpu.dma_semaphore, #tpu.memory_space<semaphore_mem>>)
    %dma_start3A_12 = arith.constant 1 : i32
    %dma_start3A_13 = arith.constant 128 : i32
    %dma_start3A_14 = arith.constant 0 : i32
    %dma_start3A_15 = tpu.memref_slice %arg6[%dma_start3A_13, %dma_start3A_14] : memref<640x64xf32, #tpu.memory_space<vmem>> -> memref<128x64xf32, #tpu.memory_space<vmem>>
    %dma_start3A_16 = arith.constant 0 : i32
    %dma_start3A_17 = tpu.memref_slice %arg5[%dma_start3A_12, %dma_start3A_16] : memref<100x128xi32, #tpu.memory_space<vmem>> -> memref<1x128xi32, #tpu.memory_space<vmem>>
    %dma_start3A_18 = tpu.memref_squeeze %dma_start3A_17 : memref<1x128xi32, #tpu.memory_space<vmem>> -> memref<128xi32, #tpu.memory_space<vmem>>
    %dma_start3A_19 = arith.constant 0 : i32
    %dma_start3A_20 = arith.constant 0 : i32
    %dma_start3A_21 = tpu.memref_slice %arg3[%dma_start3A_19, %dma_start3A_20] : memref<1003520x64xf32, #tpu.memory_space<hbm>> -> memref<1003520x64xf32, #tpu.memory_space<hbm>>
    tpu.enqueue_indirect_dma source(%dma_start3A_21 : memref<1003520x64xf32, #tpu.memory_space<hbm>>) target(%dma_start3A_15 : memref<128x64xf32, #tpu.memory_space<vmem>>) offsets(%dma_start3A_18 : memref<128xi32, #tpu.memory_space<vmem>>) semaphore(%arg8 : memref<!tpu.dma_semaphore, #tpu.memory_space<semaphore_mem>>)
    %dma_start3A_22 = arith.constant 2 : i32
    %dma_start3A_23 = arith.constant 256 : i32
    %dma_start3A_24 = arith.constant 0 : i32
    %dma_start3A_25 = tpu.memref_slice %arg6[%dma_start3A_23, %dma_start3A_24] : memref<640x64xf32, #tpu.memory_space<vmem>> -> memref<128x64xf32, #tpu.memory_space<vmem>>
    %dma_start3A_26 = arith.constant 0 : i32
    %dma_start3A_27 = tpu.memref_slice %arg5[%dma_start3A_22, %dma_start3A_26] : memref<100x128xi32, #tpu.memory_space<vmem>> -> memref<1x128xi32, #tpu.memory_space<vmem>>
    %dma_start3A_28 = tpu.memref_squeeze %dma_start3A_27 : memref<1x128xi32, #tpu.memory_space<vmem>> -> memref<128xi32, #tpu.memory_space<vmem>>
    %dma_start3A_29 = arith.constant 0 : i32
    %dma_start3A_30 = arith.constant 0 : i32
    %dma_start3A_31 = tpu.memref_slice %arg3[%dma_start3A_29, %dma_start3A_30] : memref<1003520x64xf32, #tpu.memory_space<hbm>> -> memref<1003520x64xf32, #tpu.memory_space<hbm>>
    tpu.enqueue_indirect_dma source(%dma_start3A_31 : memref<1003520x64xf32, #tpu.memory_space<hbm>>) target(%dma_start3A_25 : memref<128x64xf32, #tpu.memory_space<vmem>>) offsets(%dma_start3A_28 : memref<128xi32, #tpu.memory_space<vmem>>) semaphore(%arg8 : memref<!tpu.dma_semaphore, #tpu.memory_space<semaphore_mem>>)
    %dma_start3A_32 = arith.constant 3 : i32
    %dma_start3A_33 = arith.constant 384 : i32
    %dma_start3A_34 = arith.constant 0 : i32
    %dma_start3A_35 = tpu.memref_slice %arg6[%dma_start3A_33, %dma_start3A_34] : memref<640x64xf32, #tpu.memory_space<vmem>> -> memref<128x64xf32, #tpu.memory_space<vmem>>
    %dma_start3A_36 = arith.constant 0 : i32
    %dma_start3A_37 = tpu.memref_slice %arg5[%dma_start3A_32, %dma_start3A_36] : memref<100x128xi32, #tpu.memory_space<vmem>> -> memref<1x128xi32, #tpu.memory_space<vmem>>
    %dma_start3A_38 = tpu.memref_squeeze %dma_start3A_37 : memref<1x128xi32, #tpu.memory_space<vmem>> -> memref<128xi32, #tpu.memory_space<vmem>>
    %dma_start3A_39 = arith.constant 0 : i32
    %dma_start3A_40 = arith.constant 0 : i32
    %dma_start3A_41 = tpu.memref_slice %arg3[%dma_start3A_39, %dma_start3A_40] : memref<1003520x64xf32, #tpu.memory_space<hbm>> -> memref<1003520x64xf32, #tpu.memory_space<hbm>>
    tpu.enqueue_indirect_dma source(%dma_start3A_41 : memref<1003520x64xf32, #tpu.memory_space<hbm>>) target(%dma_start3A_35 : memref<128x64xf32, #tpu.memory_space<vmem>>) offsets(%dma_start3A_38 : memref<128xi32, #tpu.memory_space<vmem>>) semaphore(%arg8 : memref<!tpu.dma_semaphore, #tpu.memory_space<semaphore_mem>>)
    %dma_start3A_42 = arith.constant 4 : i32
    %dma_start3A_43 = arith.constant 512 : i32
    %dma_start3A_44 = arith.constant 0 : i32
    %dma_start3A_45 = tpu.memref_slice %arg6[%dma_start3A_43, %dma_start3A_44] : memref<640x64xf32, #tpu.memory_space<vmem>> -> memref<128x64xf32, #tpu.memory_space<vmem>>
    %dma_start3A_46 = arith.constant 0 : i32
    %dma_start3A_47 = tpu.memref_slice %arg5[%dma_start3A_42, %dma_start3A_46] : memref<100x128xi32, #tpu.memory_space<vmem>> -> memref<1x128xi32, #tpu.memory_space<vmem>>
    %dma_start3A_48 = tpu.memref_squeeze %dma_start3A_47 : memref<1x128xi32, #tpu.memory_space<vmem>> -> memref<128xi32, #tpu.memory_space<vmem>>
    %dma_start3A_49 = arith.constant 0 : i32
    %dma_start3A_50 = arith.constant 0 : i32
    %dma_start3A_51 = tpu.memref_slice %arg3[%dma_start3A_49, %dma_start3A_50] : memref<1003520x64xf32, #tpu.memory_space<hbm>> -> memref<1003520x64xf32, #tpu.memory_space<hbm>>
    tpu.enqueue_indirect_dma source(%dma_start3A_51 : memref<1003520x64xf32, #tpu.memory_space<hbm>>) target(%dma_start3A_45 : memref<128x64xf32, #tpu.memory_space<vmem>>) offsets(%dma_start3A_48 : memref<128xi32, #tpu.memory_space<vmem>>) semaphore(%arg8 : memref<!tpu.dma_semaphore, #tpu.memory_space<semaphore_mem>>)
    %dma_start3A_52 = arith.constant 5 : i32
    %dma_start3A_53 = arith.constant 0 : i32
    %dma_start3A_54 = arith.constant 0 : i32
    %dma_start3A_55 = tpu.memref_slice %arg7[%dma_start3A_53, %dma_start3A_54] : memref<640x64xf32, #tpu.memory_space<vmem>> -> memref<128x64xf32, #tpu.memory_space<vmem>>
    %dma_start3A_56 = arith.constant 0 : i32
    %dma_start3A_57 = tpu.memref_slice %arg5[%dma_start3A_52, %dma_start3A_56] : memref<100x128xi32, #tpu.memory_space<vmem>> -> memref<1x128xi32, #tpu.memory_space<vmem>>
    %dma_start3A_58 = tpu.memref_squeeze %dma_start3A_57 : memref<1x128xi32, #tpu.memory_space<vmem>> -> memref<128xi32, #tpu.memory_space<vmem>>
    %dma_start3A_59 = arith.constant 0 : i32
    %dma_start3A_60 = arith.constant 0 : i32
    %dma_start3A_61 = tpu.memref_slice %arg3[%dma_start3A_59, %dma_start3A_60] : memref<1003520x64xf32, #tpu.memory_space<hbm>> -> memref<1003520x64xf32, #tpu.memory_space<hbm>>
    tpu.enqueue_indirect_dma source(%dma_start3A_61 : memref<1003520x64xf32, #tpu.memory_space<hbm>>) target(%dma_start3A_55 : memref<128x64xf32, #tpu.memory_space<vmem>>) offsets(%dma_start3A_58 : memref<128xi32, #tpu.memory_space<vmem>>) semaphore(%arg9 : memref<!tpu.dma_semaphore, #tpu.memory_space<semaphore_mem>>)
    %dma_start3A_62 = arith.constant 6 : i32
    %dma_start3A_63 = arith.constant 128 : i32
    %dma_start3A_64 = arith.constant 0 : i32
    %dma_start3A_65 = tpu.memref_slice %arg7[%dma_start3A_63, %dma_start3A_64] : memref<640x64xf32, #tpu.memory_space<vmem>> -> memref<128x64xf32, #tpu.memory_space<vmem>>
    %dma_start3A_66 = arith.constant 0 : i32
    %dma_start3A_67 = tpu.memref_slice %arg5[%dma_start3A_62, %dma_start3A_66] : memref<100x128xi32, #tpu.memory_space<vmem>> -> memref<1x128xi32, #tpu.memory_space<vmem>>
    %dma_start3A_68 = tpu.memref_squeeze %dma_start3A_67 : memref<1x128xi32, #tpu.memory_space<vmem>> -> memref<128xi32, #tpu.memory_space<vmem>>
    %dma_start3A_69 = arith.constant 0 : i32
    %dma_start3A_70 = arith.constant 0 : i32
    %dma_start3A_71 = tpu.memref_slice %arg3[%dma_start3A_69, %dma_start3A_70] : memref<1003520x64xf32, #tpu.memory_space<hbm>> -> memref<1003520x64xf32, #tpu.memory_space<hbm>>
    tpu.enqueue_indirect_dma source(%dma_start3A_71 : memref<1003520x64xf32, #tpu.memory_space<hbm>>) target(%dma_start3A_65 : memref<128x64xf32, #tpu.memory_space<vmem>>) offsets(%dma_start3A_68 : memref<128xi32, #tpu.memory_space<vmem>>) semaphore(%arg9 : memref<!tpu.dma_semaphore, #tpu.memory_space<semaphore_mem>>)
    %dma_start3A_72 = arith.constant 7 : i32
    %dma_start3A_73 = arith.constant 256 : i32
    %dma_start3A_74 = arith.constant 0 : i32
    %dma_start3A_75 = tpu.memref_slice %arg7[%dma_start3A_73, %dma_start3A_74] : memref<640x64xf32, #tpu.memory_space<vmem>> -> memref<128x64xf32, #tpu.memory_space<vmem>>
    %dma_start3A_76 = arith.constant 0 : i32
    %dma_start3A_77 = tpu.memref_slice %arg5[%dma_start3A_72, %dma_start3A_76] : memref<100x128xi32, #tpu.memory_space<vmem>> -> memref<1x128xi32, #tpu.memory_space<vmem>>
    %dma_start3A_78 = tpu.memref_squeeze %dma_start3A_77 : memref<1x128xi32, #tpu.memory_space<vmem>> -> memref<128xi32, #tpu.memory_space<vmem>>
    %dma_start3A_79 = arith.constant 0 : i32
    %dma_start3A_80 = arith.constant 0 : i32
    %dma_start3A_81 = tpu.memref_slice %arg3[%dma_start3A_79, %dma_start3A_80] : memref<1003520x64xf32, #tpu.memory_space<hbm>> -> memref<1003520x64xf32, #tpu.memory_space<hbm>>
    tpu.enqueue_indirect_dma source(%dma_start3A_81 : memref<1003520x64xf32, #tpu.memory_space<hbm>>) target(%dma_start3A_75 : memref<128x64xf32, #tpu.memory_space<vmem>>) offsets(%dma_start3A_78 : memref<128xi32, #tpu.memory_space<vmem>>) semaphore(%arg9 : memref<!tpu.dma_semaphore, #tpu.memory_space<semaphore_mem>>)
    %dma_start3A_82 = arith.constant 8 : i32
    %dma_start3A_83 = arith.constant 384 : i32
    %dma_start3A_84 = arith.constant 0 : i32
    %dma_start3A_85 = tpu.memref_slice %arg7[%dma_start3A_83, %dma_start3A_84] : memref<640x64xf32, #tpu.memory_space<vmem>> -> memref<128x64xf32, #tpu.memory_space<vmem>>
    %dma_start3A_86 = arith.constant 0 : i32
    %dma_start3A_87 = tpu.memref_slice %arg5[%dma_start3A_82, %dma_start3A_86] : memref<100x128xi32, #tpu.memory_space<vmem>> -> memref<1x128xi32, #tpu.memory_space<vmem>>
    %dma_start3A_88 = tpu.memref_squeeze %dma_start3A_87 : memref<1x128xi32, #tpu.memory_space<vmem>> -> memref<128xi32, #tpu.memory_space<vmem>>
    %dma_start3A_89 = arith.constant 0 : i32
    %dma_start3A_90 = arith.constant 0 : i32
    %dma_start3A_91 = tpu.memref_slice %arg3[%dma_start3A_89, %dma_start3A_90] : memref<1003520x64xf32, #tpu.memory_space<hbm>> -> memref<1003520x64xf32, #tpu.memory_space<hbm>>
    tpu.enqueue_indirect_dma source(%dma_start3A_91 : memref<1003520x64xf32, #tpu.memory_space<hbm>>) target(%dma_start3A_85 : memref<128x64xf32, #tpu.memory_space<vmem>>) offsets(%dma_start3A_88 : memref<128xi32, #tpu.memory_space<vmem>>) semaphore(%arg9 : memref<!tpu.dma_semaphore, #tpu.memory_space<semaphore_mem>>)
    %dma_start3A_92 = arith.constant 9 : i32
    %dma_start3A_93 = arith.constant 512 : i32
    %dma_start3A_94 = arith.constant 0 : i32
    %dma_start3A_95 = tpu.memref_slice %arg7[%dma_start3A_93, %dma_start3A_94] : memref<640x64xf32, #tpu.memory_space<vmem>> -> memref<128x64xf32, #tpu.memory_space<vmem>>
    %dma_start3A_96 = arith.constant 0 : i32
    %dma_start3A_97 = tpu.memref_slice %arg5[%dma_start3A_92, %dma_start3A_96] : memref<100x128xi32, #tpu.memory_space<vmem>> -> memref<1x128xi32, #tpu.memory_space<vmem>>
    %dma_start3A_98 = tpu.memref_squeeze %dma_start3A_97 : memref<1x128xi32, #tpu.memory_space<vmem>> -> memref<128xi32, #tpu.memory_space<vmem>>
    %dma_start3A_99 = arith.constant 0 : i32
    %dma_start3A_100 = arith.constant 0 : i32
    %dma_start3A_101 = tpu.memref_slice %arg3[%dma_start3A_99, %dma_start3A_100] : memref<1003520x64xf32, #tpu.memory_space<hbm>> -> memref<1003520x64xf32, #tpu.memory_space<hbm>>
    tpu.enqueue_indirect_dma source(%dma_start3A_101 : memref<1003520x64xf32, #tpu.memory_space<hbm>>) target(%dma_start3A_95 : memref<128x64xf32, #tpu.memory_space<vmem>>) offsets(%dma_start3A_98 : memref<128xi32, #tpu.memory_space<vmem>>) semaphore(%arg9 : memref<!tpu.dma_semaphore, #tpu.memory_space<semaphore_mem>>)
    %dma_wait3A = arith.constant 0 : i32
    %dma_wait3A_102 = arith.constant 0 : i32
    %dma_wait3A_103 = arith.constant 0 : i32
    %dma_wait3A_104 = tpu.memref_slice %arg6[%dma_wait3A_102, %dma_wait3A_103] : memref<640x64xf32, #tpu.memory_space<vmem>> -> memref<128x64xf32, #tpu.memory_space<vmem>>
    %dma_wait3A_105 = arith.constant 0 : i32
    %dma_wait3A_106 = tpu.memref_slice %arg5[%dma_wait3A, %dma_wait3A_105] : memref<100x128xi32, #tpu.memory_space<vmem>> -> memref<1x128xi32, #tpu.memory_space<vmem>>
    %dma_wait3A_107 = tpu.memref_squeeze %dma_wait3A_106 : memref<1x128xi32, #tpu.memory_space<vmem>> -> memref<128xi32, #tpu.memory_space<vmem>>
    %dma_wait3A_108 = arith.constant 0 : i32
    %dma_wait3A_109 = arith.constant 0 : i32
    %dma_wait3A_110 = tpu.memref_slice %arg3[%dma_wait3A_108, %dma_wait3A_109] : memref<1003520x64xf32, #tpu.memory_space<hbm>> -> memref<1003520x64xf32, #tpu.memory_space<hbm>>
    tpu.wait_indirect_dma semaphore(%arg8 : memref<!tpu.dma_semaphore, #tpu.memory_space<semaphore_mem>>) src(%dma_wait3A_110 : memref<1003520x64xf32, #tpu.memory_space<hbm>>) dst(%dma_wait3A_104 : memref<128x64xf32, #tpu.memory_space<vmem>>)
    %dma_wait3A_111 = arith.constant 1 : i32
    %dma_wait3A_112 = arith.constant 128 : i32
    %dma_wait3A_113 = arith.constant 0 : i32
    %dma_wait3A_114 = tpu.memref_slice %arg6[%dma_wait3A_112, %dma_wait3A_113] : memref<640x64xf32, #tpu.memory_space<vmem>> -> memref<128x64xf32, #tpu.memory_space<vmem>>
    %dma_wait3A_115 = arith.constant 0 : i32
    %dma_wait3A_116 = tpu.memref_slice %arg5[%dma_wait3A_111, %dma_wait3A_115] : memref<100x128xi32, #tpu.memory_space<vmem>> -> memref<1x128xi32, #tpu.memory_space<vmem>>
    %dma_wait3A_117 = tpu.memref_squeeze %dma_wait3A_116 : memref<1x128xi32, #tpu.memory_space<vmem>> -> memref<128xi32, #tpu.memory_space<vmem>>
    %dma_wait3A_118 = arith.constant 0 : i32
    %dma_wait3A_119 = arith.constant 0 : i32
    %dma_wait3A_120 = tpu.memref_slice %arg3[%dma_wait3A_118, %dma_wait3A_119] : memref<1003520x64xf32, #tpu.memory_space<hbm>> -> memref<1003520x64xf32, #tpu.memory_space<hbm>>
    tpu.wait_indirect_dma semaphore(%arg8 : memref<!tpu.dma_semaphore, #tpu.memory_space<semaphore_mem>>) src(%dma_wait3A_120 : memref<1003520x64xf32, #tpu.memory_space<hbm>>) dst(%dma_wait3A_114 : memref<128x64xf32, #tpu.memory_space<vmem>>)
    %dma_wait3A_121 = arith.constant 2 : i32
    %dma_wait3A_122 = arith.constant 256 : i32
    %dma_wait3A_123 = arith.constant 0 : i32
    %dma_wait3A_124 = tpu.memref_slice %arg6[%dma_wait3A_122, %dma_wait3A_123] : memref<640x64xf32, #tpu.memory_space<vmem>> -> memref<128x64xf32, #tpu.memory_space<vmem>>
    %dma_wait3A_125 = arith.constant 0 : i32
    %dma_wait3A_126 = tpu.memref_slice %arg5[%dma_wait3A_121, %dma_wait3A_125] : memref<100x128xi32, #tpu.memory_space<vmem>> -> memref<1x128xi32, #tpu.memory_space<vmem>>
    %dma_wait3A_127 = tpu.memref_squeeze %dma_wait3A_126 : memref<1x128xi32, #tpu.memory_space<vmem>> -> memref<128xi32, #tpu.memory_space<vmem>>
    %dma_wait3A_128 = arith.constant 0 : i32
    %dma_wait3A_129 = arith.constant 0 : i32
    %dma_wait3A_130 = tpu.memref_slice %arg3[%dma_wait3A_128, %dma_wait3A_129] : memref<1003520x64xf32, #tpu.memory_space<hbm>> -> memref<1003520x64xf32, #tpu.memory_space<hbm>>
    tpu.wait_indirect_dma semaphore(%arg8 : memref<!tpu.dma_semaphore, #tpu.memory_space<semaphore_mem>>) src(%dma_wait3A_130 : memref<1003520x64xf32, #tpu.memory_space<hbm>>) dst(%dma_wait3A_124 : memref<128x64xf32, #tpu.memory_space<vmem>>)
    %dma_wait3A_131 = arith.constant 3 : i32
    %dma_wait3A_132 = arith.constant 384 : i32
    %dma_wait3A_133 = arith.constant 0 : i32
    %dma_wait3A_134 = tpu.memref_slice %arg6[%dma_wait3A_132, %dma_wait3A_133] : memref<640x64xf32, #tpu.memory_space<vmem>> -> memref<128x64xf32, #tpu.memory_space<vmem>>
    %dma_wait3A_135 = arith.constant 0 : i32
    %dma_wait3A_136 = tpu.memref_slice %arg5[%dma_wait3A_131, %dma_wait3A_135] : memref<100x128xi32, #tpu.memory_space<vmem>> -> memref<1x128xi32, #tpu.memory_space<vmem>>
    %dma_wait3A_137 = tpu.memref_squeeze %dma_wait3A_136 : memref<1x128xi32, #tpu.memory_space<vmem>> -> memref<128xi32, #tpu.memory_space<vmem>>
    %dma_wait3A_138 = arith.constant 0 : i32
    %dma_wait3A_139 = arith.constant 0 : i32
    %dma_wait3A_140 = tpu.memref_slice %arg3[%dma_wait3A_138, %dma_wait3A_139] : memref<1003520x64xf32, #tpu.memory_space<hbm>> -> memref<1003520x64xf32, #tpu.memory_space<hbm>>
    tpu.wait_indirect_dma semaphore(%arg8 : memref<!tpu.dma_semaphore, #tpu.memory_space<semaphore_mem>>) src(%dma_wait3A_140 : memref<1003520x64xf32, #tpu.memory_space<hbm>>) dst(%dma_wait3A_134 : memref<128x64xf32, #tpu.memory_space<vmem>>)
    %dma_wait3A_141 = arith.constant 4 : i32
    %dma_wait3A_142 = arith.constant 512 : i32
    %dma_wait3A_143 = arith.constant 0 : i32
    %dma_wait3A_144 = tpu.memref_slice %arg6[%dma_wait3A_142, %dma_wait3A_143] : memref<640x64xf32, #tpu.memory_space<vmem>> -> memref<128x64xf32, #tpu.memory_space<vmem>>
    %dma_wait3A_145 = arith.constant 0 : i32
    %dma_wait3A_146 = tpu.memref_slice %arg5[%dma_wait3A_141, %dma_wait3A_145] : memref<100x128xi32, #tpu.memory_space<vmem>> -> memref<1x128xi32, #tpu.memory_space<vmem>>
    %dma_wait3A_147 = tpu.memref_squeeze %dma_wait3A_146 : memref<1x128xi32, #tpu.memory_space<vmem>> -> memref<128xi32, #tpu.memory_space<vmem>>
    %dma_wait3A_148 = arith.constant 0 : i32
    %dma_wait3A_149 = arith.constant 0 : i32
    %dma_wait3A_150 = tpu.memref_slice %arg3[%dma_wait3A_148, %dma_wait3A_149] : memref<1003520x64xf32, #tpu.memory_space<hbm>> -> memref<1003520x64xf32, #tpu.memory_space<hbm>>
    tpu.wait_indirect_dma semaphore(%arg8 : memref<!tpu.dma_semaphore, #tpu.memory_space<semaphore_mem>>) src(%dma_wait3A_150 : memref<1003520x64xf32, #tpu.memory_space<hbm>>) dst(%dma_wait3A_144 : memref<128x64xf32, #tpu.memory_space<vmem>>)
    %add3A_151 = arith.constant 0 : i32
    %add3A_152 = arith.addi %mul3A_2, %add3A_151 : i32
    %dma_start3A_153 = arith.constant 0 : i32
    %dma_start3A_154 = tpu.memref_slice %arg4[%add3A_152, %dma_start3A_153] : memref<409600x64xf32, #tpu.memory_space<hbm>> -> memref<640x64xf32, #tpu.memory_space<hbm>>
    %dma_start3A_155 = arith.constant 0 : i32
    %dma_start3A_156 = tpu.memref_slice %arg4[%add3A_152, %dma_start3A_155] : memref<409600x64xf32, #tpu.memory_space<hbm>> -> memref<640x64xf32, #tpu.memory_space<hbm>>
    tpu.enqueue_dma source(%arg6 : memref<640x64xf32, #tpu.memory_space<vmem>>) target(%dma_start3A_156 : memref<640x64xf32, #tpu.memory_space<hbm>>) target_semaphore(%arg10 : memref<!tpu.dma_semaphore, #tpu.memory_space<semaphore_mem>>)
    %scan3A = arith.constant 0 : i32
    %scan3A_157 = arith.constant 1 : i32
    %scan3A_158 = arith.constant 9 : i32
    %scan3A_159 = arith.addi %scan3A_157, %scan3A_158 : i32
    %scan3A_160 = arith.constant 1 : i32
    scf.for %scan3A_230 = %scan3A_157 to %scan3A_159 step %scan3A_160  : i32 {
      %mul3A_231 = arith.constant 2 : i32
      %mul3A_232 = arith.muli %mul3A_231, %scan3A_230 : i32
      %sub3A = arith.constant 2 : i32
      %sub3A_233 = arith.subi %mul3A_232, %sub3A : i32
      %mul3A_234 = arith.constant 640 : i32
      %mul3A_235 = arith.muli %sub3A_233, %mul3A_234 : i32
      %add3A_236 = arith.addi %mul3A_2, %mul3A_235 : i32
      %dma_wait3A_237 = arith.constant 0 : i32
      %dma_wait3A_238 = tpu.memref_slice %arg4[%add3A_236, %dma_wait3A_237] : memref<409600x64xf32, #tpu.memory_space<hbm>> -> memref<640x64xf32, #tpu.memory_space<hbm>>
      %dma_wait3A_239 = arith.constant 0 : i32
      %dma_wait3A_240 = tpu.memref_slice %arg4[%add3A_236, %dma_wait3A_239] : memref<409600x64xf32, #tpu.memory_space<hbm>> -> memref<640x64xf32, #tpu.memory_space<hbm>>
      tpu.wait_dma2 semaphore(%arg10 : memref<!tpu.dma_semaphore, #tpu.memory_space<semaphore_mem>>) src(%arg6 : memref<640x64xf32, #tpu.memory_space<vmem>>) dst(%dma_wait3A_240 : memref<640x64xf32, #tpu.memory_space<hbm>>)
      %mul3A_241 = arith.constant 5 : i32
      %mul3A_242 = arith.muli %mul3A_232, %mul3A_241 : i32
      %add3A_243 = arith.constant 0 : i32
      %add3A_244 = arith.addi %mul3A_242, %add3A_243 : i32
      %dma_start3A_245 = arith.constant 0 : i32
      %dma_start3A_246 = arith.constant 0 : i32
      %dma_start3A_247 = tpu.memref_slice %arg6[%dma_start3A_245, %dma_start3A_246] : memref<640x64xf32, #tpu.memory_space<vmem>> -> memref<128x64xf32, #tpu.memory_space<vmem>>
      %dma_start3A_248 = arith.constant 0 : i32
      %dma_start3A_249 = tpu.memref_slice %arg5[%add3A_244, %dma_start3A_248] : memref<100x128xi32, #tpu.memory_space<vmem>> -> memref<1x128xi32, #tpu.memory_space<vmem>>
      %dma_start3A_250 = tpu.memref_squeeze %dma_start3A_249 : memref<1x128xi32, #tpu.memory_space<vmem>> -> memref<128xi32, #tpu.memory_space<vmem>>
      %dma_start3A_251 = arith.constant 0 : i32
      %dma_start3A_252 = arith.constant 0 : i32
      %dma_start3A_253 = tpu.memref_slice %arg3[%dma_start3A_251, %dma_start3A_252] : memref<1003520x64xf32, #tpu.memory_space<hbm>> -> memref<1003520x64xf32, #tpu.memory_space<hbm>>
      tpu.enqueue_indirect_dma source(%dma_start3A_253 : memref<1003520x64xf32, #tpu.memory_space<hbm>>) target(%dma_start3A_247 : memref<128x64xf32, #tpu.memory_space<vmem>>) offsets(%dma_start3A_250 : memref<128xi32, #tpu.memory_space<vmem>>) semaphore(%arg8 : memref<!tpu.dma_semaphore, #tpu.memory_space<semaphore_mem>>)
      %mul3A_254 = arith.constant 5 : i32
      %mul3A_255 = arith.muli %mul3A_232, %mul3A_254 : i32
      %add3A_256 = arith.constant 1 : i32
      %add3A_257 = arith.addi %mul3A_255, %add3A_256 : i32
      %dma_start3A_258 = arith.constant 128 : i32
      %dma_start3A_259 = arith.constant 0 : i32
      %dma_start3A_260 = tpu.memref_slice %arg6[%dma_start3A_258, %dma_start3A_259] : memref<640x64xf32, #tpu.memory_space<vmem>> -> memref<128x64xf32, #tpu.memory_space<vmem>>
      %dma_start3A_261 = arith.constant 0 : i32
      %dma_start3A_262 = tpu.memref_slice %arg5[%add3A_257, %dma_start3A_261] : memref<100x128xi32, #tpu.memory_space<vmem>> -> memref<1x128xi32, #tpu.memory_space<vmem>>
      %dma_start3A_263 = tpu.memref_squeeze %dma_start3A_262 : memref<1x128xi32, #tpu.memory_space<vmem>> -> memref<128xi32, #tpu.memory_space<vmem>>
      %dma_start3A_264 = arith.constant 0 : i32
      %dma_start3A_265 = arith.constant 0 : i32
      %dma_start3A_266 = tpu.memref_slice %arg3[%dma_start3A_264, %dma_start3A_265] : memref<1003520x64xf32, #tpu.memory_space<hbm>> -> memref<1003520x64xf32, #tpu.memory_space<hbm>>
      tpu.enqueue_indirect_dma source(%dma_start3A_266 : memref<1003520x64xf32, #tpu.memory_space<hbm>>) target(%dma_start3A_260 : memref<128x64xf32, #tpu.memory_space<vmem>>) offsets(%dma_start3A_263 : memref<128xi32, #tpu.memory_space<vmem>>) semaphore(%arg8 : memref<!tpu.dma_semaphore, #tpu.memory_space<semaphore_mem>>)
      %mul3A_267 = arith.constant 5 : i32
      %mul3A_268 = arith.muli %mul3A_232, %mul3A_267 : i32
      %add3A_269 = arith.constant 2 : i32
      %add3A_270 = arith.addi %mul3A_268, %add3A_269 : i32
      %dma_start3A_271 = arith.constant 256 : i32
      %dma_start3A_272 = arith.constant 0 : i32
      %dma_start3A_273 = tpu.memref_slice %arg6[%dma_start3A_271, %dma_start3A_272] : memref<640x64xf32, #tpu.memory_space<vmem>> -> memref<128x64xf32, #tpu.memory_space<vmem>>
      %dma_start3A_274 = arith.constant 0 : i32
      %dma_start3A_275 = tpu.memref_slice %arg5[%add3A_270, %dma_start3A_274] : memref<100x128xi32, #tpu.memory_space<vmem>> -> memref<1x128xi32, #tpu.memory_space<vmem>>
      %dma_start3A_276 = tpu.memref_squeeze %dma_start3A_275 : memref<1x128xi32, #tpu.memory_space<vmem>> -> memref<128xi32, #tpu.memory_space<vmem>>
      %dma_start3A_277 = arith.constant 0 : i32
      %dma_start3A_278 = arith.constant 0 : i32
      %dma_start3A_279 = tpu.memref_slice %arg3[%dma_start3A_277, %dma_start3A_278] : memref<1003520x64xf32, #tpu.memory_space<hbm>> -> memref<1003520x64xf32, #tpu.memory_space<hbm>>
      tpu.enqueue_indirect_dma source(%dma_start3A_279 : memref<1003520x64xf32, #tpu.memory_space<hbm>>) target(%dma_start3A_273 : memref<128x64xf32, #tpu.memory_space<vmem>>) offsets(%dma_start3A_276 : memref<128xi32, #tpu.memory_space<vmem>>) semaphore(%arg8 : memref<!tpu.dma_semaphore, #tpu.memory_space<semaphore_mem>>)
      %mul3A_280 = arith.constant 5 : i32
      %mul3A_281 = arith.muli %mul3A_232, %mul3A_280 : i32
      %add3A_282 = arith.constant 3 : i32
      %add3A_283 = arith.addi %mul3A_281, %add3A_282 : i32
      %dma_start3A_284 = arith.constant 384 : i32
      %dma_start3A_285 = arith.constant 0 : i32
      %dma_start3A_286 = tpu.memref_slice %arg6[%dma_start3A_284, %dma_start3A_285] : memref<640x64xf32, #tpu.memory_space<vmem>> -> memref<128x64xf32, #tpu.memory_space<vmem>>
      %dma_start3A_287 = arith.constant 0 : i32
      %dma_start3A_288 = tpu.memref_slice %arg5[%add3A_283, %dma_start3A_287] : memref<100x128xi32, #tpu.memory_space<vmem>> -> memref<1x128xi32, #tpu.memory_space<vmem>>
      %dma_start3A_289 = tpu.memref_squeeze %dma_start3A_288 : memref<1x128xi32, #tpu.memory_space<vmem>> -> memref<128xi32, #tpu.memory_space<vmem>>
      %dma_start3A_290 = arith.constant 0 : i32
      %dma_start3A_291 = arith.constant 0 : i32
      %dma_start3A_292 = tpu.memref_slice %arg3[%dma_start3A_290, %dma_start3A_291] : memref<1003520x64xf32, #tpu.memory_space<hbm>> -> memref<1003520x64xf32, #tpu.memory_space<hbm>>
      tpu.enqueue_indirect_dma source(%dma_start3A_292 : memref<1003520x64xf32, #tpu.memory_space<hbm>>) target(%dma_start3A_286 : memref<128x64xf32, #tpu.memory_space<vmem>>) offsets(%dma_start3A_289 : memref<128xi32, #tpu.memory_space<vmem>>) semaphore(%arg8 : memref<!tpu.dma_semaphore, #tpu.memory_space<semaphore_mem>>)
      %mul3A_293 = arith.constant 5 : i32
      %mul3A_294 = arith.muli %mul3A_232, %mul3A_293 : i32
      %add3A_295 = arith.constant 4 : i32
      %add3A_296 = arith.addi %mul3A_294, %add3A_295 : i32
      %dma_start3A_297 = arith.constant 512 : i32
      %dma_start3A_298 = arith.constant 0 : i32
      %dma_start3A_299 = tpu.memref_slice %arg6[%dma_start3A_297, %dma_start3A_298] : memref<640x64xf32, #tpu.memory_space<vmem>> -> memref<128x64xf32, #tpu.memory_space<vmem>>
      %dma_start3A_300 = arith.constant 0 : i32
      %dma_start3A_301 = tpu.memref_slice %arg5[%add3A_296, %dma_start3A_300] : memref<100x128xi32, #tpu.memory_space<vmem>> -> memref<1x128xi32, #tpu.memory_space<vmem>>
      %dma_start3A_302 = tpu.memref_squeeze %dma_start3A_301 : memref<1x128xi32, #tpu.memory_space<vmem>> -> memref<128xi32, #tpu.memory_space<vmem>>
      %dma_start3A_303 = arith.constant 0 : i32
      %dma_start3A_304 = arith.constant 0 : i32
      %dma_start3A_305 = tpu.memref_slice %arg3[%dma_start3A_303, %dma_start3A_304] : memref<1003520x64xf32, #tpu.memory_space<hbm>> -> memref<1003520x64xf32, #tpu.memory_space<hbm>>
      tpu.enqueue_indirect_dma source(%dma_start3A_305 : memref<1003520x64xf32, #tpu.memory_space<hbm>>) target(%dma_start3A_299 : memref<128x64xf32, #tpu.memory_space<vmem>>) offsets(%dma_start3A_302 : memref<128xi32, #tpu.memory_space<vmem>>) semaphore(%arg8 : memref<!tpu.dma_semaphore, #tpu.memory_space<semaphore_mem>>)
      %sub3A_306 = arith.constant 1 : i32
      %sub3A_307 = arith.subi %mul3A_232, %sub3A_306 : i32
      %mul3A_308 = arith.constant 5 : i32
      %mul3A_309 = arith.muli %sub3A_307, %mul3A_308 : i32
      %add3A_310 = arith.constant 0 : i32
      %add3A_311 = arith.addi %mul3A_309, %add3A_310 : i32
      %dma_wait3A_312 = arith.constant 0 : i32
      %dma_wait3A_313 = arith.constant 0 : i32
      %dma_wait3A_314 = tpu.memref_slice %arg7[%dma_wait3A_312, %dma_wait3A_313] : memref<640x64xf32, #tpu.memory_space<vmem>> -> memref<128x64xf32, #tpu.memory_space<vmem>>
      %dma_wait3A_315 = arith.constant 0 : i32
      %dma_wait3A_316 = tpu.memref_slice %arg5[%add3A_311, %dma_wait3A_315] : memref<100x128xi32, #tpu.memory_space<vmem>> -> memref<1x128xi32, #tpu.memory_space<vmem>>
      %dma_wait3A_317 = tpu.memref_squeeze %dma_wait3A_316 : memref<1x128xi32, #tpu.memory_space<vmem>> -> memref<128xi32, #tpu.memory_space<vmem>>
      %dma_wait3A_318 = arith.constant 0 : i32
      %dma_wait3A_319 = arith.constant 0 : i32
      %dma_wait3A_320 = tpu.memref_slice %arg3[%dma_wait3A_318, %dma_wait3A_319] : memref<1003520x64xf32, #tpu.memory_space<hbm>> -> memref<1003520x64xf32, #tpu.memory_space<hbm>>
      tpu.wait_indirect_dma semaphore(%arg9 : memref<!tpu.dma_semaphore, #tpu.memory_space<semaphore_mem>>) src(%dma_wait3A_320 : memref<1003520x64xf32, #tpu.memory_space<hbm>>) dst(%dma_wait3A_314 : memref<128x64xf32, #tpu.memory_space<vmem>>)
      %mul3A_321 = arith.constant 5 : i32
      %mul3A_322 = arith.muli %sub3A_307, %mul3A_321 : i32
      %add3A_323 = arith.constant 1 : i32
      %add3A_324 = arith.addi %mul3A_322, %add3A_323 : i32
      %dma_wait3A_325 = arith.constant 128 : i32
      %dma_wait3A_326 = arith.constant 0 : i32
      %dma_wait3A_327 = tpu.memref_slice %arg7[%dma_wait3A_325, %dma_wait3A_326] : memref<640x64xf32, #tpu.memory_space<vmem>> -> memref<128x64xf32, #tpu.memory_space<vmem>>
      %dma_wait3A_328 = arith.constant 0 : i32
      %dma_wait3A_329 = tpu.memref_slice %arg5[%add3A_324, %dma_wait3A_328] : memref<100x128xi32, #tpu.memory_space<vmem>> -> memref<1x128xi32, #tpu.memory_space<vmem>>
      %dma_wait3A_330 = tpu.memref_squeeze %dma_wait3A_329 : memref<1x128xi32, #tpu.memory_space<vmem>> -> memref<128xi32, #tpu.memory_space<vmem>>
      %dma_wait3A_331 = arith.constant 0 : i32
      %dma_wait3A_332 = arith.constant 0 : i32
      %dma_wait3A_333 = tpu.memref_slice %arg3[%dma_wait3A_331, %dma_wait3A_332] : memref<1003520x64xf32, #tpu.memory_space<hbm>> -> memref<1003520x64xf32, #tpu.memory_space<hbm>>
      tpu.wait_indirect_dma semaphore(%arg9 : memref<!tpu.dma_semaphore, #tpu.memory_space<semaphore_mem>>) src(%dma_wait3A_333 : memref<1003520x64xf32, #tpu.memory_space<hbm>>) dst(%dma_wait3A_327 : memref<128x64xf32, #tpu.memory_space<vmem>>)
      %mul3A_334 = arith.constant 5 : i32
      %mul3A_335 = arith.muli %sub3A_307, %mul3A_334 : i32
      %add3A_336 = arith.constant 2 : i32
      %add3A_337 = arith.addi %mul3A_335, %add3A_336 : i32
      %dma_wait3A_338 = arith.constant 256 : i32
      %dma_wait3A_339 = arith.constant 0 : i32
      %dma_wait3A_340 = tpu.memref_slice %arg7[%dma_wait3A_338, %dma_wait3A_339] : memref<640x64xf32, #tpu.memory_space<vmem>> -> memref<128x64xf32, #tpu.memory_space<vmem>>
      %dma_wait3A_341 = arith.constant 0 : i32
      %dma_wait3A_342 = tpu.memref_slice %arg5[%add3A_337, %dma_wait3A_341] : memref<100x128xi32, #tpu.memory_space<vmem>> -> memref<1x128xi32, #tpu.memory_space<vmem>>
      %dma_wait3A_343 = tpu.memref_squeeze %dma_wait3A_342 : memref<1x128xi32, #tpu.memory_space<vmem>> -> memref<128xi32, #tpu.memory_space<vmem>>
      %dma_wait3A_344 = arith.constant 0 : i32
      %dma_wait3A_345 = arith.constant 0 : i32
      %dma_wait3A_346 = tpu.memref_slice %arg3[%dma_wait3A_344, %dma_wait3A_345] : memref<1003520x64xf32, #tpu.memory_space<hbm>> -> memref<1003520x64xf32, #tpu.memory_space<hbm>>
      tpu.wait_indirect_dma semaphore(%arg9 : memref<!tpu.dma_semaphore, #tpu.memory_space<semaphore_mem>>) src(%dma_wait3A_346 : memref<1003520x64xf32, #tpu.memory_space<hbm>>) dst(%dma_wait3A_340 : memref<128x64xf32, #tpu.memory_space<vmem>>)
      %mul3A_347 = arith.constant 5 : i32
      %mul3A_348 = arith.muli %sub3A_307, %mul3A_347 : i32
      %add3A_349 = arith.constant 3 : i32
      %add3A_350 = arith.addi %mul3A_348, %add3A_349 : i32
      %dma_wait3A_351 = arith.constant 384 : i32
      %dma_wait3A_352 = arith.constant 0 : i32
      %dma_wait3A_353 = tpu.memref_slice %arg7[%dma_wait3A_351, %dma_wait3A_352] : memref<640x64xf32, #tpu.memory_space<vmem>> -> memref<128x64xf32, #tpu.memory_space<vmem>>
      %dma_wait3A_354 = arith.constant 0 : i32
      %dma_wait3A_355 = tpu.memref_slice %arg5[%add3A_350, %dma_wait3A_354] : memref<100x128xi32, #tpu.memory_space<vmem>> -> memref<1x128xi32, #tpu.memory_space<vmem>>
      %dma_wait3A_356 = tpu.memref_squeeze %dma_wait3A_355 : memref<1x128xi32, #tpu.memory_space<vmem>> -> memref<128xi32, #tpu.memory_space<vmem>>
      %dma_wait3A_357 = arith.constant 0 : i32
      %dma_wait3A_358 = arith.constant 0 : i32
      %dma_wait3A_359 = tpu.memref_slice %arg3[%dma_wait3A_357, %dma_wait3A_358] : memref<1003520x64xf32, #tpu.memory_space<hbm>> -> memref<1003520x64xf32, #tpu.memory_space<hbm>>
      tpu.wait_indirect_dma semaphore(%arg9 : memref<!tpu.dma_semaphore, #tpu.memory_space<semaphore_mem>>) src(%dma_wait3A_359 : memref<1003520x64xf32, #tpu.memory_space<hbm>>) dst(%dma_wait3A_353 : memref<128x64xf32, #tpu.memory_space<vmem>>)
      %mul3A_360 = arith.constant 5 : i32
      %mul3A_361 = arith.muli %sub3A_307, %mul3A_360 : i32
      %add3A_362 = arith.constant 4 : i32
      %add3A_363 = arith.addi %mul3A_361, %add3A_362 : i32
      %dma_wait3A_364 = arith.constant 512 : i32
      %dma_wait3A_365 = arith.constant 0 : i32
      %dma_wait3A_366 = tpu.memref_slice %arg7[%dma_wait3A_364, %dma_wait3A_365] : memref<640x64xf32, #tpu.memory_space<vmem>> -> memref<128x64xf32, #tpu.memory_space<vmem>>
      %dma_wait3A_367 = arith.constant 0 : i32
      %dma_wait3A_368 = tpu.memref_slice %arg5[%add3A_363, %dma_wait3A_367] : memref<100x128xi32, #tpu.memory_space<vmem>> -> memref<1x128xi32, #tpu.memory_space<vmem>>
      %dma_wait3A_369 = tpu.memref_squeeze %dma_wait3A_368 : memref<1x128xi32, #tpu.memory_space<vmem>> -> memref<128xi32, #tpu.memory_space<vmem>>
      %dma_wait3A_370 = arith.constant 0 : i32
      %dma_wait3A_371 = arith.constant 0 : i32
      %dma_wait3A_372 = tpu.memref_slice %arg3[%dma_wait3A_370, %dma_wait3A_371] : memref<1003520x64xf32, #tpu.memory_space<hbm>> -> memref<1003520x64xf32, #tpu.memory_space<hbm>>
      tpu.wait_indirect_dma semaphore(%arg9 : memref<!tpu.dma_semaphore, #tpu.memory_space<semaphore_mem>>) src(%dma_wait3A_372 : memref<1003520x64xf32, #tpu.memory_space<hbm>>) dst(%dma_wait3A_366 : memref<128x64xf32, #tpu.memory_space<vmem>>)
      %sub3A_373 = arith.constant 1 : i32
      %sub3A_374 = arith.subi %mul3A_232, %sub3A_373 : i32
      %mul3A_375 = arith.constant 640 : i32
      %mul3A_376 = arith.muli %sub3A_374, %mul3A_375 : i32
      %add3A_377 = arith.addi %mul3A_2, %mul3A_376 : i32
      %dma_start3A_378 = arith.constant 0 : i32
      %dma_start3A_379 = tpu.memref_slice %arg4[%add3A_377, %dma_start3A_378] : memref<409600x64xf32, #tpu.memory_space<hbm>> -> memref<640x64xf32, #tpu.memory_space<hbm>>
      %dma_start3A_380 = arith.constant 0 : i32
      %dma_start3A_381 = tpu.memref_slice %arg4[%add3A_377, %dma_start3A_380] : memref<409600x64xf32, #tpu.memory_space<hbm>> -> memref<640x64xf32, #tpu.memory_space<hbm>>
      tpu.enqueue_dma source(%arg7 : memref<640x64xf32, #tpu.memory_space<vmem>>) target(%dma_start3A_381 : memref<640x64xf32, #tpu.memory_space<hbm>>) target_semaphore(%arg11 : memref<!tpu.dma_semaphore, #tpu.memory_space<semaphore_mem>>)
      %mul3A_382 = arith.constant 2 : i32
      %mul3A_383 = arith.muli %mul3A_382, %scan3A_230 : i32
      %add3A_384 = arith.constant 1 : i32
      %add3A_385 = arith.addi %mul3A_383, %add3A_384 : i32
      %sub3A_386 = arith.constant 2 : i32
      %sub3A_387 = arith.subi %add3A_385, %sub3A_386 : i32
      %mul3A_388 = arith.constant 640 : i32
      %mul3A_389 = arith.muli %sub3A_387, %mul3A_388 : i32
      %add3A_390 = arith.addi %mul3A_2, %mul3A_389 : i32
      %dma_wait3A_391 = arith.constant 0 : i32
      %dma_wait3A_392 = tpu.memref_slice %arg4[%add3A_390, %dma_wait3A_391] : memref<409600x64xf32, #tpu.memory_space<hbm>> -> memref<640x64xf32, #tpu.memory_space<hbm>>
      %dma_wait3A_393 = arith.constant 0 : i32
      %dma_wait3A_394 = tpu.memref_slice %arg4[%add3A_390, %dma_wait3A_393] : memref<409600x64xf32, #tpu.memory_space<hbm>> -> memref<640x64xf32, #tpu.memory_space<hbm>>
      tpu.wait_dma2 semaphore(%arg11 : memref<!tpu.dma_semaphore, #tpu.memory_space<semaphore_mem>>) src(%arg7 : memref<640x64xf32, #tpu.memory_space<vmem>>) dst(%dma_wait3A_394 : memref<640x64xf32, #tpu.memory_space<hbm>>)
      %mul3A_395 = arith.constant 5 : i32
      %mul3A_396 = arith.muli %add3A_385, %mul3A_395 : i32
      %add3A_397 = arith.constant 0 : i32
      %add3A_398 = arith.addi %mul3A_396, %add3A_397 : i32
      %dma_start3A_399 = arith.constant 0 : i32
      %dma_start3A_400 = arith.constant 0 : i32
      %dma_start3A_401 = tpu.memref_slice %arg7[%dma_start3A_399, %dma_start3A_400] : memref<640x64xf32, #tpu.memory_space<vmem>> -> memref<128x64xf32, #tpu.memory_space<vmem>>
      %dma_start3A_402 = arith.constant 0 : i32
      %dma_start3A_403 = tpu.memref_slice %arg5[%add3A_398, %dma_start3A_402] : memref<100x128xi32, #tpu.memory_space<vmem>> -> memref<1x128xi32, #tpu.memory_space<vmem>>
      %dma_start3A_404 = tpu.memref_squeeze %dma_start3A_403 : memref<1x128xi32, #tpu.memory_space<vmem>> -> memref<128xi32, #tpu.memory_space<vmem>>
      %dma_start3A_405 = arith.constant 0 : i32
      %dma_start3A_406 = arith.constant 0 : i32
      %dma_start3A_407 = tpu.memref_slice %arg3[%dma_start3A_405, %dma_start3A_406] : memref<1003520x64xf32, #tpu.memory_space<hbm>> -> memref<1003520x64xf32, #tpu.memory_space<hbm>>
      tpu.enqueue_indirect_dma source(%dma_start3A_407 : memref<1003520x64xf32, #tpu.memory_space<hbm>>) target(%dma_start3A_401 : memref<128x64xf32, #tpu.memory_space<vmem>>) offsets(%dma_start3A_404 : memref<128xi32, #tpu.memory_space<vmem>>) semaphore(%arg9 : memref<!tpu.dma_semaphore, #tpu.memory_space<semaphore_mem>>)
      %mul3A_408 = arith.constant 5 : i32
      %mul3A_409 = arith.muli %add3A_385, %mul3A_408 : i32
      %add3A_410 = arith.constant 1 : i32
      %add3A_411 = arith.addi %mul3A_409, %add3A_410 : i32
      %dma_start3A_412 = arith.constant 128 : i32
      %dma_start3A_413 = arith.constant 0 : i32
      %dma_start3A_414 = tpu.memref_slice %arg7[%dma_start3A_412, %dma_start3A_413] : memref<640x64xf32, #tpu.memory_space<vmem>> -> memref<128x64xf32, #tpu.memory_space<vmem>>
      %dma_start3A_415 = arith.constant 0 : i32
      %dma_start3A_416 = tpu.memref_slice %arg5[%add3A_411, %dma_start3A_415] : memref<100x128xi32, #tpu.memory_space<vmem>> -> memref<1x128xi32, #tpu.memory_space<vmem>>
      %dma_start3A_417 = tpu.memref_squeeze %dma_start3A_416 : memref<1x128xi32, #tpu.memory_space<vmem>> -> memref<128xi32, #tpu.memory_space<vmem>>
      %dma_start3A_418 = arith.constant 0 : i32
      %dma_start3A_419 = arith.constant 0 : i32
      %dma_start3A_420 = tpu.memref_slice %arg3[%dma_start3A_418, %dma_start3A_419] : memref<1003520x64xf32, #tpu.memory_space<hbm>> -> memref<1003520x64xf32, #tpu.memory_space<hbm>>
      tpu.enqueue_indirect_dma source(%dma_start3A_420 : memref<1003520x64xf32, #tpu.memory_space<hbm>>) target(%dma_start3A_414 : memref<128x64xf32, #tpu.memory_space<vmem>>) offsets(%dma_start3A_417 : memref<128xi32, #tpu.memory_space<vmem>>) semaphore(%arg9 : memref<!tpu.dma_semaphore, #tpu.memory_space<semaphore_mem>>)
      %mul3A_421 = arith.constant 5 : i32
      %mul3A_422 = arith.muli %add3A_385, %mul3A_421 : i32
      %add3A_423 = arith.constant 2 : i32
      %add3A_424 = arith.addi %mul3A_422, %add3A_423 : i32
      %dma_start3A_425 = arith.constant 256 : i32
      %dma_start3A_426 = arith.constant 0 : i32
      %dma_start3A_427 = tpu.memref_slice %arg7[%dma_start3A_425, %dma_start3A_426] : memref<640x64xf32, #tpu.memory_space<vmem>> -> memref<128x64xf32, #tpu.memory_space<vmem>>
      %dma_start3A_428 = arith.constant 0 : i32
      %dma_start3A_429 = tpu.memref_slice %arg5[%add3A_424, %dma_start3A_428] : memref<100x128xi32, #tpu.memory_space<vmem>> -> memref<1x128xi32, #tpu.memory_space<vmem>>
      %dma_start3A_430 = tpu.memref_squeeze %dma_start3A_429 : memref<1x128xi32, #tpu.memory_space<vmem>> -> memref<128xi32, #tpu.memory_space<vmem>>
      %dma_start3A_431 = arith.constant 0 : i32
      %dma_start3A_432 = arith.constant 0 : i32
      %dma_start3A_433 = tpu.memref_slice %arg3[%dma_start3A_431, %dma_start3A_432] : memref<1003520x64xf32, #tpu.memory_space<hbm>> -> memref<1003520x64xf32, #tpu.memory_space<hbm>>
      tpu.enqueue_indirect_dma source(%dma_start3A_433 : memref<1003520x64xf32, #tpu.memory_space<hbm>>) target(%dma_start3A_427 : memref<128x64xf32, #tpu.memory_space<vmem>>) offsets(%dma_start3A_430 : memref<128xi32, #tpu.memory_space<vmem>>) semaphore(%arg9 : memref<!tpu.dma_semaphore, #tpu.memory_space<semaphore_mem>>)
      %mul3A_434 = arith.constant 5 : i32
      %mul3A_435 = arith.muli %add3A_385, %mul3A_434 : i32
      %add3A_436 = arith.constant 3 : i32
      %add3A_437 = arith.addi %mul3A_435, %add3A_436 : i32
      %dma_start3A_438 = arith.constant 384 : i32
      %dma_start3A_439 = arith.constant 0 : i32
      %dma_start3A_440 = tpu.memref_slice %arg7[%dma_start3A_438, %dma_start3A_439] : memref<640x64xf32, #tpu.memory_space<vmem>> -> memref<128x64xf32, #tpu.memory_space<vmem>>
      %dma_start3A_441 = arith.constant 0 : i32
      %dma_start3A_442 = tpu.memref_slice %arg5[%add3A_437, %dma_start3A_441] : memref<100x128xi32, #tpu.memory_space<vmem>> -> memref<1x128xi32, #tpu.memory_space<vmem>>
      %dma_start3A_443 = tpu.memref_squeeze %dma_start3A_442 : memref<1x128xi32, #tpu.memory_space<vmem>> -> memref<128xi32, #tpu.memory_space<vmem>>
      %dma_start3A_444 = arith.constant 0 : i32
      %dma_start3A_445 = arith.constant 0 : i32
      %dma_start3A_446 = tpu.memref_slice %arg3[%dma_start3A_444, %dma_start3A_445] : memref<1003520x64xf32, #tpu.memory_space<hbm>> -> memref<1003520x64xf32, #tpu.memory_space<hbm>>
      tpu.enqueue_indirect_dma source(%dma_start3A_446 : memref<1003520x64xf32, #tpu.memory_space<hbm>>) target(%dma_start3A_440 : memref<128x64xf32, #tpu.memory_space<vmem>>) offsets(%dma_start3A_443 : memref<128xi32, #tpu.memory_space<vmem>>) semaphore(%arg9 : memref<!tpu.dma_semaphore, #tpu.memory_space<semaphore_mem>>)
      %mul3A_447 = arith.constant 5 : i32
      %mul3A_448 = arith.muli %add3A_385, %mul3A_447 : i32
      %add3A_449 = arith.constant 4 : i32
      %add3A_450 = arith.addi %mul3A_448, %add3A_449 : i32
      %dma_start3A_451 = arith.constant 512 : i32
      %dma_start3A_452 = arith.constant 0 : i32
      %dma_start3A_453 = tpu.memref_slice %arg7[%dma_start3A_451, %dma_start3A_452] : memref<640x64xf32, #tpu.memory_space<vmem>> -> memref<128x64xf32, #tpu.memory_space<vmem>>
      %dma_start3A_454 = arith.constant 0 : i32
      %dma_start3A_455 = tpu.memref_slice %arg5[%add3A_450, %dma_start3A_454] : memref<100x128xi32, #tpu.memory_space<vmem>> -> memref<1x128xi32, #tpu.memory_space<vmem>>
      %dma_start3A_456 = tpu.memref_squeeze %dma_start3A_455 : memref<1x128xi32, #tpu.memory_space<vmem>> -> memref<128xi32, #tpu.memory_space<vmem>>
      %dma_start3A_457 = arith.constant 0 : i32
      %dma_start3A_458 = arith.constant 0 : i32
      %dma_start3A_459 = tpu.memref_slice %arg3[%dma_start3A_457, %dma_start3A_458] : memref<1003520x64xf32, #tpu.memory_space<hbm>> -> memref<1003520x64xf32, #tpu.memory_space<hbm>>
      tpu.enqueue_indirect_dma source(%dma_start3A_459 : memref<1003520x64xf32, #tpu.memory_space<hbm>>) target(%dma_start3A_453 : memref<128x64xf32, #tpu.memory_space<vmem>>) offsets(%dma_start3A_456 : memref<128xi32, #tpu.memory_space<vmem>>) semaphore(%arg9 : memref<!tpu.dma_semaphore, #tpu.memory_space<semaphore_mem>>)
      %sub3A_460 = arith.constant 1 : i32
      %sub3A_461 = arith.subi %add3A_385, %sub3A_460 : i32
      %mul3A_462 = arith.constant 5 : i32
      %mul3A_463 = arith.muli %sub3A_461, %mul3A_462 : i32
      %add3A_464 = arith.constant 0 : i32
      %add3A_465 = arith.addi %mul3A_463, %add3A_464 : i32
      %dma_wait3A_466 = arith.constant 0 : i32
      %dma_wait3A_467 = arith.constant 0 : i32
      %dma_wait3A_468 = tpu.memref_slice %arg6[%dma_wait3A_466, %dma_wait3A_467] : memref<640x64xf32, #tpu.memory_space<vmem>> -> memref<128x64xf32, #tpu.memory_space<vmem>>
      %dma_wait3A_469 = arith.constant 0 : i32
      %dma_wait3A_470 = tpu.memref_slice %arg5[%add3A_465, %dma_wait3A_469] : memref<100x128xi32, #tpu.memory_space<vmem>> -> memref<1x128xi32, #tpu.memory_space<vmem>>
      %dma_wait3A_471 = tpu.memref_squeeze %dma_wait3A_470 : memref<1x128xi32, #tpu.memory_space<vmem>> -> memref<128xi32, #tpu.memory_space<vmem>>
      %dma_wait3A_472 = arith.constant 0 : i32
      %dma_wait3A_473 = arith.constant 0 : i32
      %dma_wait3A_474 = tpu.memref_slice %arg3[%dma_wait3A_472, %dma_wait3A_473] : memref<1003520x64xf32, #tpu.memory_space<hbm>> -> memref<1003520x64xf32, #tpu.memory_space<hbm>>
      tpu.wait_indirect_dma semaphore(%arg8 : memref<!tpu.dma_semaphore, #tpu.memory_space<semaphore_mem>>) src(%dma_wait3A_474 : memref<1003520x64xf32, #tpu.memory_space<hbm>>) dst(%dma_wait3A_468 : memref<128x64xf32, #tpu.memory_space<vmem>>)
      %mul3A_475 = arith.constant 5 : i32
      %mul3A_476 = arith.muli %sub3A_461, %mul3A_475 : i32
      %add3A_477 = arith.constant 1 : i32
      %add3A_478 = arith.addi %mul3A_476, %add3A_477 : i32
      %dma_wait3A_479 = arith.constant 128 : i32
      %dma_wait3A_480 = arith.constant 0 : i32
      %dma_wait3A_481 = tpu.memref_slice %arg6[%dma_wait3A_479, %dma_wait3A_480] : memref<640x64xf32, #tpu.memory_space<vmem>> -> memref<128x64xf32, #tpu.memory_space<vmem>>
      %dma_wait3A_482 = arith.constant 0 : i32
      %dma_wait3A_483 = tpu.memref_slice %arg5[%add3A_478, %dma_wait3A_482] : memref<100x128xi32, #tpu.memory_space<vmem>> -> memref<1x128xi32, #tpu.memory_space<vmem>>
      %dma_wait3A_484 = tpu.memref_squeeze %dma_wait3A_483 : memref<1x128xi32, #tpu.memory_space<vmem>> -> memref<128xi32, #tpu.memory_space<vmem>>
      %dma_wait3A_485 = arith.constant 0 : i32
      %dma_wait3A_486 = arith.constant 0 : i32
      %dma_wait3A_487 = tpu.memref_slice %arg3[%dma_wait3A_485, %dma_wait3A_486] : memref<1003520x64xf32, #tpu.memory_space<hbm>> -> memref<1003520x64xf32, #tpu.memory_space<hbm>>
      tpu.wait_indirect_dma semaphore(%arg8 : memref<!tpu.dma_semaphore, #tpu.memory_space<semaphore_mem>>) src(%dma_wait3A_487 : memref<1003520x64xf32, #tpu.memory_space<hbm>>) dst(%dma_wait3A_481 : memref<128x64xf32, #tpu.memory_space<vmem>>)
      %mul3A_488 = arith.constant 5 : i32
      %mul3A_489 = arith.muli %sub3A_461, %mul3A_488 : i32
      %add3A_490 = arith.constant 2 : i32
      %add3A_491 = arith.addi %mul3A_489, %add3A_490 : i32
      %dma_wait3A_492 = arith.constant 256 : i32
      %dma_wait3A_493 = arith.constant 0 : i32
      %dma_wait3A_494 = tpu.memref_slice %arg6[%dma_wait3A_492, %dma_wait3A_493] : memref<640x64xf32, #tpu.memory_space<vmem>> -> memref<128x64xf32, #tpu.memory_space<vmem>>
      %dma_wait3A_495 = arith.constant 0 : i32
      %dma_wait3A_496 = tpu.memref_slice %arg5[%add3A_491, %dma_wait3A_495] : memref<100x128xi32, #tpu.memory_space<vmem>> -> memref<1x128xi32, #tpu.memory_space<vmem>>
      %dma_wait3A_497 = tpu.memref_squeeze %dma_wait3A_496 : memref<1x128xi32, #tpu.memory_space<vmem>> -> memref<128xi32, #tpu.memory_space<vmem>>
      %dma_wait3A_498 = arith.constant 0 : i32
      %dma_wait3A_499 = arith.constant 0 : i32
      %dma_wait3A_500 = tpu.memref_slice %arg3[%dma_wait3A_498, %dma_wait3A_499] : memref<1003520x64xf32, #tpu.memory_space<hbm>> -> memref<1003520x64xf32, #tpu.memory_space<hbm>>
      tpu.wait_indirect_dma semaphore(%arg8 : memref<!tpu.dma_semaphore, #tpu.memory_space<semaphore_mem>>) src(%dma_wait3A_500 : memref<1003520x64xf32, #tpu.memory_space<hbm>>) dst(%dma_wait3A_494 : memref<128x64xf32, #tpu.memory_space<vmem>>)
      %mul3A_501 = arith.constant 5 : i32
      %mul3A_502 = arith.muli %sub3A_461, %mul3A_501 : i32
      %add3A_503 = arith.constant 3 : i32
      %add3A_504 = arith.addi %mul3A_502, %add3A_503 : i32
      %dma_wait3A_505 = arith.constant 384 : i32
      %dma_wait3A_506 = arith.constant 0 : i32
      %dma_wait3A_507 = tpu.memref_slice %arg6[%dma_wait3A_505, %dma_wait3A_506] : memref<640x64xf32, #tpu.memory_space<vmem>> -> memref<128x64xf32, #tpu.memory_space<vmem>>
      %dma_wait3A_508 = arith.constant 0 : i32
      %dma_wait3A_509 = tpu.memref_slice %arg5[%add3A_504, %dma_wait3A_508] : memref<100x128xi32, #tpu.memory_space<vmem>> -> memref<1x128xi32, #tpu.memory_space<vmem>>
      %dma_wait3A_510 = tpu.memref_squeeze %dma_wait3A_509 : memref<1x128xi32, #tpu.memory_space<vmem>> -> memref<128xi32, #tpu.memory_space<vmem>>
      %dma_wait3A_511 = arith.constant 0 : i32
      %dma_wait3A_512 = arith.constant 0 : i32
      %dma_wait3A_513 = tpu.memref_slice %arg3[%dma_wait3A_511, %dma_wait3A_512] : memref<1003520x64xf32, #tpu.memory_space<hbm>> -> memref<1003520x64xf32, #tpu.memory_space<hbm>>
      tpu.wait_indirect_dma semaphore(%arg8 : memref<!tpu.dma_semaphore, #tpu.memory_space<semaphore_mem>>) src(%dma_wait3A_513 : memref<1003520x64xf32, #tpu.memory_space<hbm>>) dst(%dma_wait3A_507 : memref<128x64xf32, #tpu.memory_space<vmem>>)
      %mul3A_514 = arith.constant 5 : i32
      %mul3A_515 = arith.muli %sub3A_461, %mul3A_514 : i32
      %add3A_516 = arith.constant 4 : i32
      %add3A_517 = arith.addi %mul3A_515, %add3A_516 : i32
      %dma_wait3A_518 = arith.constant 512 : i32
      %dma_wait3A_519 = arith.constant 0 : i32
      %dma_wait3A_520 = tpu.memref_slice %arg6[%dma_wait3A_518, %dma_wait3A_519] : memref<640x64xf32, #tpu.memory_space<vmem>> -> memref<128x64xf32, #tpu.memory_space<vmem>>
      %dma_wait3A_521 = arith.constant 0 : i32
      %dma_wait3A_522 = tpu.memref_slice %arg5[%add3A_517, %dma_wait3A_521] : memref<100x128xi32, #tpu.memory_space<vmem>> -> memref<1x128xi32, #tpu.memory_space<vmem>>
      %dma_wait3A_523 = tpu.memref_squeeze %dma_wait3A_522 : memref<1x128xi32, #tpu.memory_space<vmem>> -> memref<128xi32, #tpu.memory_space<vmem>>
      %dma_wait3A_524 = arith.constant 0 : i32
      %dma_wait3A_525 = arith.constant 0 : i32
      %dma_wait3A_526 = tpu.memref_slice %arg3[%dma_wait3A_524, %dma_wait3A_525] : memref<1003520x64xf32, #tpu.memory_space<hbm>> -> memref<1003520x64xf32, #tpu.memory_space<hbm>>
      tpu.wait_indirect_dma semaphore(%arg8 : memref<!tpu.dma_semaphore, #tpu.memory_space<semaphore_mem>>) src(%dma_wait3A_526 : memref<1003520x64xf32, #tpu.memory_space<hbm>>) dst(%dma_wait3A_520 : memref<128x64xf32, #tpu.memory_space<vmem>>)
      %sub3A_527 = arith.constant 1 : i32
      %sub3A_528 = arith.subi %add3A_385, %sub3A_527 : i32
      %mul3A_529 = arith.constant 640 : i32
      %mul3A_530 = arith.muli %sub3A_528, %mul3A_529 : i32
      %add3A_531 = arith.addi %mul3A_2, %mul3A_530 : i32
      %dma_start3A_532 = arith.constant 0 : i32
      %dma_start3A_533 = tpu.memref_slice %arg4[%add3A_531, %dma_start3A_532] : memref<409600x64xf32, #tpu.memory_space<hbm>> -> memref<640x64xf32, #tpu.memory_space<hbm>>
      %dma_start3A_534 = arith.constant 0 : i32
      %dma_start3A_535 = tpu.memref_slice %arg4[%add3A_531, %dma_start3A_534] : memref<409600x64xf32, #tpu.memory_space<hbm>> -> memref<640x64xf32, #tpu.memory_space<hbm>>
      tpu.enqueue_dma source(%arg6 : memref<640x64xf32, #tpu.memory_space<vmem>>) target(%dma_start3A_535 : memref<640x64xf32, #tpu.memory_space<hbm>>) target_semaphore(%arg10 : memref<!tpu.dma_semaphore, #tpu.memory_space<semaphore_mem>>)
    }
    %scan3A_161 = arith.constant 9 : i32
    %dma_wait3A_162 = arith.constant 95 : i32
    %dma_wait3A_163 = arith.constant 0 : i32
    %dma_wait3A_164 = arith.constant 0 : i32
    %dma_wait3A_165 = tpu.memref_slice %arg7[%dma_wait3A_163, %dma_wait3A_164] : memref<640x64xf32, #tpu.memory_space<vmem>> -> memref<128x64xf32, #tpu.memory_space<vmem>>
    %dma_wait3A_166 = arith.constant 0 : i32
    %dma_wait3A_167 = tpu.memref_slice %arg5[%dma_wait3A_162, %dma_wait3A_166] : memref<100x128xi32, #tpu.memory_space<vmem>> -> memref<1x128xi32, #tpu.memory_space<vmem>>
    %dma_wait3A_168 = tpu.memref_squeeze %dma_wait3A_167 : memref<1x128xi32, #tpu.memory_space<vmem>> -> memref<128xi32, #tpu.memory_space<vmem>>
    %dma_wait3A_169 = arith.constant 0 : i32
    %dma_wait3A_170 = arith.constant 0 : i32
    %dma_wait3A_171 = tpu.memref_slice %arg3[%dma_wait3A_169, %dma_wait3A_170] : memref<1003520x64xf32, #tpu.memory_space<hbm>> -> memref<1003520x64xf32, #tpu.memory_space<hbm>>
    tpu.wait_indirect_dma semaphore(%arg9 : memref<!tpu.dma_semaphore, #tpu.memory_space<semaphore_mem>>) src(%dma_wait3A_171 : memref<1003520x64xf32, #tpu.memory_space<hbm>>) dst(%dma_wait3A_165 : memref<128x64xf32, #tpu.memory_space<vmem>>)
    %dma_wait3A_172 = arith.constant 96 : i32
    %dma_wait3A_173 = arith.constant 128 : i32
    %dma_wait3A_174 = arith.constant 0 : i32
    %dma_wait3A_175 = tpu.memref_slice %arg7[%dma_wait3A_173, %dma_wait3A_174] : memref<640x64xf32, #tpu.memory_space<vmem>> -> memref<128x64xf32, #tpu.memory_space<vmem>>
    %dma_wait3A_176 = arith.constant 0 : i32
    %dma_wait3A_177 = tpu.memref_slice %arg5[%dma_wait3A_172, %dma_wait3A_176] : memref<100x128xi32, #tpu.memory_space<vmem>> -> memref<1x128xi32, #tpu.memory_space<vmem>>
    %dma_wait3A_178 = tpu.memref_squeeze %dma_wait3A_177 : memref<1x128xi32, #tpu.memory_space<vmem>> -> memref<128xi32, #tpu.memory_space<vmem>>
    %dma_wait3A_179 = arith.constant 0 : i32
    %dma_wait3A_180 = arith.constant 0 : i32
    %dma_wait3A_181 = tpu.memref_slice %arg3[%dma_wait3A_179, %dma_wait3A_180] : memref<1003520x64xf32, #tpu.memory_space<hbm>> -> memref<1003520x64xf32, #tpu.memory_space<hbm>>
    tpu.wait_indirect_dma semaphore(%arg9 : memref<!tpu.dma_semaphore, #tpu.memory_space<semaphore_mem>>) src(%dma_wait3A_181 : memref<1003520x64xf32, #tpu.memory_space<hbm>>) dst(%dma_wait3A_175 : memref<128x64xf32, #tpu.memory_space<vmem>>)
    %dma_wait3A_182 = arith.constant 97 : i32
    %dma_wait3A_183 = arith.constant 256 : i32
    %dma_wait3A_184 = arith.constant 0 : i32
    %dma_wait3A_185 = tpu.memref_slice %arg7[%dma_wait3A_183, %dma_wait3A_184] : memref<640x64xf32, #tpu.memory_space<vmem>> -> memref<128x64xf32, #tpu.memory_space<vmem>>
    %dma_wait3A_186 = arith.constant 0 : i32
    %dma_wait3A_187 = tpu.memref_slice %arg5[%dma_wait3A_182, %dma_wait3A_186] : memref<100x128xi32, #tpu.memory_space<vmem>> -> memref<1x128xi32, #tpu.memory_space<vmem>>
    %dma_wait3A_188 = tpu.memref_squeeze %dma_wait3A_187 : memref<1x128xi32, #tpu.memory_space<vmem>> -> memref<128xi32, #tpu.memory_space<vmem>>
    %dma_wait3A_189 = arith.constant 0 : i32
    %dma_wait3A_190 = arith.constant 0 : i32
    %dma_wait3A_191 = tpu.memref_slice %arg3[%dma_wait3A_189, %dma_wait3A_190] : memref<1003520x64xf32, #tpu.memory_space<hbm>> -> memref<1003520x64xf32, #tpu.memory_space<hbm>>
    tpu.wait_indirect_dma semaphore(%arg9 : memref<!tpu.dma_semaphore, #tpu.memory_space<semaphore_mem>>) src(%dma_wait3A_191 : memref<1003520x64xf32, #tpu.memory_space<hbm>>) dst(%dma_wait3A_185 : memref<128x64xf32, #tpu.memory_space<vmem>>)
    %dma_wait3A_192 = arith.constant 98 : i32
    %dma_wait3A_193 = arith.constant 384 : i32
    %dma_wait3A_194 = arith.constant 0 : i32
    %dma_wait3A_195 = tpu.memref_slice %arg7[%dma_wait3A_193, %dma_wait3A_194] : memref<640x64xf32, #tpu.memory_space<vmem>> -> memref<128x64xf32, #tpu.memory_space<vmem>>
    %dma_wait3A_196 = arith.constant 0 : i32
    %dma_wait3A_197 = tpu.memref_slice %arg5[%dma_wait3A_192, %dma_wait3A_196] : memref<100x128xi32, #tpu.memory_space<vmem>> -> memref<1x128xi32, #tpu.memory_space<vmem>>
    %dma_wait3A_198 = tpu.memref_squeeze %dma_wait3A_197 : memref<1x128xi32, #tpu.memory_space<vmem>> -> memref<128xi32, #tpu.memory_space<vmem>>
    %dma_wait3A_199 = arith.constant 0 : i32
    %dma_wait3A_200 = arith.constant 0 : i32
    %dma_wait3A_201 = tpu.memref_slice %arg3[%dma_wait3A_199, %dma_wait3A_200] : memref<1003520x64xf32, #tpu.memory_space<hbm>> -> memref<1003520x64xf32, #tpu.memory_space<hbm>>
    tpu.wait_indirect_dma semaphore(%arg9 : memref<!tpu.dma_semaphore, #tpu.memory_space<semaphore_mem>>) src(%dma_wait3A_201 : memref<1003520x64xf32, #tpu.memory_space<hbm>>) dst(%dma_wait3A_195 : memref<128x64xf32, #tpu.memory_space<vmem>>)
    %dma_wait3A_202 = arith.constant 99 : i32
    %dma_wait3A_203 = arith.constant 512 : i32
    %dma_wait3A_204 = arith.constant 0 : i32
    %dma_wait3A_205 = tpu.memref_slice %arg7[%dma_wait3A_203, %dma_wait3A_204] : memref<640x64xf32, #tpu.memory_space<vmem>> -> memref<128x64xf32, #tpu.memory_space<vmem>>
    %dma_wait3A_206 = arith.constant 0 : i32
    %dma_wait3A_207 = tpu.memref_slice %arg5[%dma_wait3A_202, %dma_wait3A_206] : memref<100x128xi32, #tpu.memory_space<vmem>> -> memref<1x128xi32, #tpu.memory_space<vmem>>
    %dma_wait3A_208 = tpu.memref_squeeze %dma_wait3A_207 : memref<1x128xi32, #tpu.memory_space<vmem>> -> memref<128xi32, #tpu.memory_space<vmem>>
    %dma_wait3A_209 = arith.constant 0 : i32
    %dma_wait3A_210 = arith.constant 0 : i32
    %dma_wait3A_211 = tpu.memref_slice %arg3[%dma_wait3A_209, %dma_wait3A_210] : memref<1003520x64xf32, #tpu.memory_space<hbm>> -> memref<1003520x64xf32, #tpu.memory_space<hbm>>
    tpu.wait_indirect_dma semaphore(%arg9 : memref<!tpu.dma_semaphore, #tpu.memory_space<semaphore_mem>>) src(%dma_wait3A_211 : memref<1003520x64xf32, #tpu.memory_space<hbm>>) dst(%dma_wait3A_205 : memref<128x64xf32, #tpu.memory_space<vmem>>)
    %add3A_212 = arith.constant 12160 : i32
    %add3A_213 = arith.addi %mul3A_2, %add3A_212 : i32
    %dma_start3A_214 = arith.constant 0 : i32
    %dma_start3A_215 = tpu.memref_slice %arg4[%add3A_213, %dma_start3A_214] : memref<409600x64xf32, #tpu.memory_space<hbm>> -> memref<640x64xf32, #tpu.memory_space<hbm>>
    %dma_start3A_216 = arith.constant 0 : i32
    %dma_start3A_217 = tpu.memref_slice %arg4[%add3A_213, %dma_start3A_216] : memref<409600x64xf32, #tpu.memory_space<hbm>> -> memref<640x64xf32, #tpu.memory_space<hbm>>
    tpu.enqueue_dma source(%arg7 : memref<640x64xf32, #tpu.memory_space<vmem>>) target(%dma_start3A_217 : memref<640x64xf32, #tpu.memory_space<hbm>>) target_semaphore(%arg11 : memref<!tpu.dma_semaphore, #tpu.memory_space<semaphore_mem>>)
    %add3A_218 = arith.constant 11520 : i32
    %add3A_219 = arith.addi %mul3A_2, %add3A_218 : i32
    %dma_wait3A_220 = arith.constant 0 : i32
    %dma_wait3A_221 = tpu.memref_slice %arg4[%add3A_219, %dma_wait3A_220] : memref<409600x64xf32, #tpu.memory_space<hbm>> -> memref<640x64xf32, #tpu.memory_space<hbm>>
    %dma_wait3A_222 = arith.constant 0 : i32
    %dma_wait3A_223 = tpu.memref_slice %arg4[%add3A_219, %dma_wait3A_222] : memref<409600x64xf32, #tpu.memory_space<hbm>> -> memref<640x64xf32, #tpu.memory_space<hbm>>
    tpu.wait_dma2 semaphore(%arg10 : memref<!tpu.dma_semaphore, #tpu.memory_space<semaphore_mem>>) src(%arg6 : memref<640x64xf32, #tpu.memory_space<vmem>>) dst(%dma_wait3A_223 : memref<640x64xf32, #tpu.memory_space<hbm>>)
    %add3A_224 = arith.constant 12160 : i32
    %add3A_225 = arith.addi %mul3A_2, %add3A_224 : i32
    %dma_wait3A_226 = arith.constant 0 : i32
    %dma_wait3A_227 = tpu.memref_slice %arg4[%add3A_225, %dma_wait3A_226] : memref<409600x64xf32, #tpu.memory_space<hbm>> -> memref<640x64xf32, #tpu.memory_space<hbm>>
    %dma_wait3A_228 = arith.constant 0 : i32
    %dma_wait3A_229 = tpu.memref_slice %arg4[%add3A_225, %dma_wait3A_228] : memref<409600x64xf32, #tpu.memory_space<hbm>> -> memref<640x64xf32, #tpu.memory_space<hbm>>
    tpu.wait_dma2 semaphore(%arg11 : memref<!tpu.dma_semaphore, #tpu.memory_space<semaphore_mem>>) src(%arg7 : memref<640x64xf32, #tpu.memory_space<vmem>>) dst(%dma_wait3A_229 : memref<640x64xf32, #tpu.memory_space<hbm>>)
    return
  }
}

module attributes {stable_mosaic.version = 14 : i64} {
  func.func @_t1_body(%arg0: i32, %arg1: memref<64x2048xf32, #tpu.memory_space<vmem>>, %arg2: memref<64x2048xf32, #tpu.memory_space<vmem>>, %arg3: memref<2048x128xf32, #tpu.memory_space<vmem>>) attributes {dimension_semantics = [#tpu.dimension_semantics<arbitrary>], iteration_bounds = array<i64: 245>, scalar_prefetch = 0 : i64, scratch_operands = 0 : i64, tpu.core_type = #tpu.core_type<tc>, window_params = [{transform_indices = @transform_0, window_bounds = array<i64: 64, 2048>}, {transform_indices = @transform_1, window_bounds = array<i64: 64, 2048>}, {transform_indices = @transform_2, window_bounds = array<i64: 2048, 128>}]} {
    %get3A = arith.constant 0 : index
    %get3A_0 = arith.constant 0 : index
    %get3A_1 = vector.load %arg1[%get3A, %get3A_0] : memref<64x2048xf32, #tpu.memory_space<vmem>>, vector<64x2048xf32>
    %get3A_2 = arith.constant 0 : index
    %get3A_3 = arith.constant 0 : index
    %get3A_4 = vector.load %arg2[%get3A_2, %get3A_3] : memref<64x2048xf32, #tpu.memory_space<vmem>>, vector<64x2048xf32>
    %concatenate3A = tpu.concatenate %get3A_1, %get3A_4 in 0 : vector<64x2048xf32>, vector<64x2048xf32> -> vector<128x2048xf32>
    %transpose3A = tpu.transpose %concatenate3A, [1, 0] : vector<128x2048xf32> -> vector<2048x128xf32>
    %swap3A = arith.constant 0 : index
    %swap3A_5 = arith.constant 0 : index
    %swap3A_6 = vector.load %arg3[%swap3A, %swap3A_5] : memref<2048x128xf32, #tpu.memory_space<vmem>>, vector<2048x128xf32>
    tpu.vector_store %arg3[%swap3A, %swap3A_5], %transpose3A {strides = array<i32>} : memref<2048x128xf32, #tpu.memory_space<vmem>>, vector<2048x128xf32>,
    return
  }
  func.func @transform_0(%arg0: i32) -> (i32, i32) {
    %mul3A = arith.constant 2 : i32
    %mul3A_0 = arith.muli %mul3A, %arg0 : i32
    %c0_i32 = arith.constant 0 : i32
    %c0_i32_1 = arith.constant 0 : i32
    return %c0_i32, %mul3A_0 : i32, i32
  }
  func.func @transform_1(%arg0: i32) -> (i32, i32) {
    %mul3A = arith.constant 2 : i32
    %mul3A_0 = arith.muli %mul3A, %arg0 : i32
    %add3A = arith.constant 1 : i32
    %add3A_1 = arith.addi %mul3A_0, %add3A : i32
    %min3A = arith.constant 488 : i32
    %min3A_2 = arith.minsi %add3A_1, %min3A : i32
    %c0_i32 = arith.constant 0 : i32
    %c0_i32_3 = arith.constant 0 : i32
    return %c0_i32, %min3A_2 : i32, i32
  }
  func.func @transform_2(%arg0: i32) -> (i32, i32) {
    %c0_i32 = arith.constant 0 : i32
    %c0_i32_0 = arith.constant 0 : i32
    return %arg0, %c0_i32 : i32, i32
  }
}

module attributes {stable_mosaic.version = 14 : i64} {
  func.func @_t2_first_body(%arg0: i32, %arg1: memref<6400x128xf32, #tpu.memory_space<vmem>>, %arg2: memref<3200x256xf32, #tpu.memory_space<vmem>>) attributes {dimension_semantics = [#tpu.dimension_semantics<arbitrary>], iteration_bounds = array<i64: 8>, scalar_prefetch = 0 : i64, scratch_operands = 0 : i64, tpu.core_type = #tpu.core_type<tc>, window_params = [{transform_indices = @transform_0, window_bounds = array<i64: 6400, 128>}, {transform_indices = @transform_1, window_bounds = array<i64: 3200, 256>}]} {
    %get3A = arith.constant 0 : index
    %get3A_0 = arith.constant 0 : index
    %get3A_1 = vector.load %arg1[%get3A, %get3A_0] : memref<6400x128xf32, #tpu.memory_space<vmem>>, vector<6400x128xf32>
    %reshape3A = vector.shape_cast %get3A_1 : vector<6400x128xf32> to vector<256x25x128xf32>
    %slice3A = vector.extract_strided_slice %reshape3A {offsets = [0, 0, 0], sizes = [256, 1, 128], strides = [1, 1, 1]} : vector<256x25x128xf32> to vector<256x1x128xf32>
    %squeeze3A = vector.shape_cast %slice3A : vector<256x1x128xf32> to vector<256x128xf32>
    %transpose3A = tpu.transpose %squeeze3A, [1, 0] : vector<256x128xf32> -> vector<128x256xf32>
    %swap3A = arith.constant 0 : index
    %swap3A_2 = arith.constant 0 : index
    %swap3A_3 = vector.load %arg2[%swap3A, %swap3A_2] : memref<3200x256xf32, #tpu.memory_space<vmem>>, vector<128x256xf32>
    tpu.vector_store %arg2[%swap3A, %swap3A_2], %transpose3A {strides = array<i32>} : memref<3200x256xf32, #tpu.memory_space<vmem>>, vector<128x256xf32>,
    %slice3A_4 = vector.extract_strided_slice %reshape3A {offsets = [0, 1, 0], sizes = [256, 1, 128], strides = [1, 1, 1]} : vector<256x25x128xf32> to vector<256x1x128xf32>
    %squeeze3A_5 = vector.shape_cast %slice3A_4 : vector<256x1x128xf32> to vector<256x128xf32>
    %transpose3A_6 = tpu.transpose %squeeze3A_5, [1, 0] : vector<256x128xf32> -> vector<128x256xf32>
    %swap3A_7 = arith.constant 128 : index
    %swap3A_8 = arith.constant 0 : index
    %swap3A_9 = vector.load %arg2[%swap3A_7, %swap3A_8] : memref<3200x256xf32, #tpu.memory_space<vmem>>, vector<128x256xf32>
    tpu.vector_store %arg2[%swap3A_7, %swap3A_8], %transpose3A_6 {strides = array<i32>} : memref<3200x256xf32, #tpu.memory_space<vmem>>, vector<128x256xf32>,
    %slice3A_10 = vector.extract_strided_slice %reshape3A {offsets = [0, 2, 0], sizes = [256, 1, 128], strides = [1, 1, 1]} : vector<256x25x128xf32> to vector<256x1x128xf32>
    %squeeze3A_11 = vector.shape_cast %slice3A_10 : vector<256x1x128xf32> to vector<256x128xf32>
    %transpose3A_12 = tpu.transpose %squeeze3A_11, [1, 0] : vector<256x128xf32> -> vector<128x256xf32>
    %swap3A_13 = arith.constant 256 : index
    %swap3A_14 = arith.constant 0 : index
    %swap3A_15 = vector.load %arg2[%swap3A_13, %swap3A_14] : memref<3200x256xf32, #tpu.memory_space<vmem>>, vector<128x256xf32>
    tpu.vector_store %arg2[%swap3A_13, %swap3A_14], %transpose3A_12 {strides = array<i32>} : memref<3200x256xf32, #tpu.memory_space<vmem>>, vector<128x256xf32>,
    %slice3A_16 = vector.extract_strided_slice %reshape3A {offsets = [0, 3, 0], sizes = [256, 1, 128], strides = [1, 1, 1]} : vector<256x25x128xf32> to vector<256x1x128xf32>
    %squeeze3A_17 = vector.shape_cast %slice3A_16 : vector<256x1x128xf32> to vector<256x128xf32>
    %transpose3A_18 = tpu.transpose %squeeze3A_17, [1, 0] : vector<256x128xf32> -> vector<128x256xf32>
    %swap3A_19 = arith.constant 384 : index
    %swap3A_20 = arith.constant 0 : index
    %swap3A_21 = vector.load %arg2[%swap3A_19, %swap3A_20] : memref<3200x256xf32, #tpu.memory_space<vmem>>, vector<128x256xf32>
    tpu.vector_store %arg2[%swap3A_19, %swap3A_20], %transpose3A_18 {strides = array<i32>} : memref<3200x256xf32, #tpu.memory_space<vmem>>, vector<128x256xf32>,
    %slice3A_22 = vector.extract_strided_slice %reshape3A {offsets = [0, 4, 0], sizes = [256, 1, 128], strides = [1, 1, 1]} : vector<256x25x128xf32> to vector<256x1x128xf32>
    %squeeze3A_23 = vector.shape_cast %slice3A_22 : vector<256x1x128xf32> to vector<256x128xf32>
    %transpose3A_24 = tpu.transpose %squeeze3A_23, [1, 0] : vector<256x128xf32> -> vector<128x256xf32>
    %swap3A_25 = arith.constant 512 : index
    %swap3A_26 = arith.constant 0 : index
    %swap3A_27 = vector.load %arg2[%swap3A_25, %swap3A_26] : memref<3200x256xf32, #tpu.memory_space<vmem>>, vector<128x256xf32>
    tpu.vector_store %arg2[%swap3A_25, %swap3A_26], %transpose3A_24 {strides = array<i32>} : memref<3200x256xf32, #tpu.memory_space<vmem>>, vector<128x256xf32>,
    %slice3A_28 = vector.extract_strided_slice %reshape3A {offsets = [0, 5, 0], sizes = [256, 1, 128], strides = [1, 1, 1]} : vector<256x25x128xf32> to vector<256x1x128xf32>
    %squeeze3A_29 = vector.shape_cast %slice3A_28 : vector<256x1x128xf32> to vector<256x128xf32>
    %transpose3A_30 = tpu.transpose %squeeze3A_29, [1, 0] : vector<256x128xf32> -> vector<128x256xf32>
    %swap3A_31 = arith.constant 640 : index
    %swap3A_32 = arith.constant 0 : index
    %swap3A_33 = vector.load %arg2[%swap3A_31, %swap3A_32] : memref<3200x256xf32, #tpu.memory_space<vmem>>, vector<128x256xf32>
    tpu.vector_store %arg2[%swap3A_31, %swap3A_32], %transpose3A_30 {strides = array<i32>} : memref<3200x256xf32, #tpu.memory_space<vmem>>, vector<128x256xf32>,
    %slice3A_34 = vector.extract_strided_slice %reshape3A {offsets = [0, 6, 0], sizes = [256, 1, 128], strides = [1, 1, 1]} : vector<256x25x128xf32> to vector<256x1x128xf32>
    %squeeze3A_35 = vector.shape_cast %slice3A_34 : vector<256x1x128xf32> to vector<256x128xf32>
    %transpose3A_36 = tpu.transpose %squeeze3A_35, [1, 0] : vector<256x128xf32> -> vector<128x256xf32>
    %swap3A_37 = arith.constant 768 : index
    %swap3A_38 = arith.constant 0 : index
    %swap3A_39 = vector.load %arg2[%swap3A_37, %swap3A_38] : memref<3200x256xf32, #tpu.memory_space<vmem>>, vector<128x256xf32>
    tpu.vector_store %arg2[%swap3A_37, %swap3A_38], %transpose3A_36 {strides = array<i32>} : memref<3200x256xf32, #tpu.memory_space<vmem>>, vector<128x256xf32>,
    %slice3A_40 = vector.extract_strided_slice %reshape3A {offsets = [0, 7, 0], sizes = [256, 1, 128], strides = [1, 1, 1]} : vector<256x25x128xf32> to vector<256x1x128xf32>
    %squeeze3A_41 = vector.shape_cast %slice3A_40 : vector<256x1x128xf32> to vector<256x128xf32>
    %transpose3A_42 = tpu.transpose %squeeze3A_41, [1, 0] : vector<256x128xf32> -> vector<128x256xf32>
    %swap3A_43 = arith.constant 896 : index
    %swap3A_44 = arith.constant 0 : index
    %swap3A_45 = vector.load %arg2[%swap3A_43, %swap3A_44] : memref<3200x256xf32, #tpu.memory_space<vmem>>, vector<128x256xf32>
    tpu.vector_store %arg2[%swap3A_43, %swap3A_44], %transpose3A_42 {strides = array<i32>} : memref<3200x256xf32, #tpu.memory_space<vmem>>, vector<128x256xf32>,
    %slice3A_46 = vector.extract_strided_slice %reshape3A {offsets = [0, 8, 0], sizes = [256, 1, 128], strides = [1, 1, 1]} : vector<256x25x128xf32> to vector<256x1x128xf32>
    %squeeze3A_47 = vector.shape_cast %slice3A_46 : vector<256x1x128xf32> to vector<256x128xf32>
    %transpose3A_48 = tpu.transpose %squeeze3A_47, [1, 0] : vector<256x128xf32> -> vector<128x256xf32>
    %swap3A_49 = arith.constant 1024 : index
    %swap3A_50 = arith.constant 0 : index
    %swap3A_51 = vector.load %arg2[%swap3A_49, %swap3A_50] : memref<3200x256xf32, #tpu.memory_space<vmem>>, vector<128x256xf32>
    tpu.vector_store %arg2[%swap3A_49, %swap3A_50], %transpose3A_48 {strides = array<i32>} : memref<3200x256xf32, #tpu.memory_space<vmem>>, vector<128x256xf32>,
    %slice3A_52 = vector.extract_strided_slice %reshape3A {offsets = [0, 9, 0], sizes = [256, 1, 128], strides = [1, 1, 1]} : vector<256x25x128xf32> to vector<256x1x128xf32>
    %squeeze3A_53 = vector.shape_cast %slice3A_52 : vector<256x1x128xf32> to vector<256x128xf32>
    %transpose3A_54 = tpu.transpose %squeeze3A_53, [1, 0] : vector<256x128xf32> -> vector<128x256xf32>
    %swap3A_55 = arith.constant 1152 : index
    %swap3A_56 = arith.constant 0 : index
    %swap3A_57 = vector.load %arg2[%swap3A_55, %swap3A_56] : memref<3200x256xf32, #tpu.memory_space<vmem>>, vector<128x256xf32>
    tpu.vector_store %arg2[%swap3A_55, %swap3A_56], %transpose3A_54 {strides = array<i32>} : memref<3200x256xf32, #tpu.memory_space<vmem>>, vector<128x256xf32>,
    %slice3A_58 = vector.extract_strided_slice %reshape3A {offsets = [0, 10, 0], sizes = [256, 1, 128], strides = [1, 1, 1]} : vector<256x25x128xf32> to vector<256x1x128xf32>
    %squeeze3A_59 = vector.shape_cast %slice3A_58 : vector<256x1x128xf32> to vector<256x128xf32>
    %transpose3A_60 = tpu.transpose %squeeze3A_59, [1, 0] : vector<256x128xf32> -> vector<128x256xf32>
    %swap3A_61 = arith.constant 1280 : index
    %swap3A_62 = arith.constant 0 : index
    %swap3A_63 = vector.load %arg2[%swap3A_61, %swap3A_62] : memref<3200x256xf32, #tpu.memory_space<vmem>>, vector<128x256xf32>
    tpu.vector_store %arg2[%swap3A_61, %swap3A_62], %transpose3A_60 {strides = array<i32>} : memref<3200x256xf32, #tpu.memory_space<vmem>>, vector<128x256xf32>,
    %slice3A_64 = vector.extract_strided_slice %reshape3A {offsets = [0, 11, 0], sizes = [256, 1, 128], strides = [1, 1, 1]} : vector<256x25x128xf32> to vector<256x1x128xf32>
    %squeeze3A_65 = vector.shape_cast %slice3A_64 : vector<256x1x128xf32> to vector<256x128xf32>
    %transpose3A_66 = tpu.transpose %squeeze3A_65, [1, 0] : vector<256x128xf32> -> vector<128x256xf32>
    %swap3A_67 = arith.constant 1408 : index
    %swap3A_68 = arith.constant 0 : index
    %swap3A_69 = vector.load %arg2[%swap3A_67, %swap3A_68] : memref<3200x256xf32, #tpu.memory_space<vmem>>, vector<128x256xf32>
    tpu.vector_store %arg2[%swap3A_67, %swap3A_68], %transpose3A_66 {strides = array<i32>} : memref<3200x256xf32, #tpu.memory_space<vmem>>, vector<128x256xf32>,
    %slice3A_70 = vector.extract_strided_slice %reshape3A {offsets = [0, 12, 0], sizes = [256, 1, 128], strides = [1, 1, 1]} : vector<256x25x128xf32> to vector<256x1x128xf32>
    %squeeze3A_71 = vector.shape_cast %slice3A_70 : vector<256x1x128xf32> to vector<256x128xf32>
    %transpose3A_72 = tpu.transpose %squeeze3A_71, [1, 0] : vector<256x128xf32> -> vector<128x256xf32>
    %swap3A_73 = arith.constant 1536 : index
    %swap3A_74 = arith.constant 0 : index
    %swap3A_75 = vector.load %arg2[%swap3A_73, %swap3A_74] : memref<3200x256xf32, #tpu.memory_space<vmem>>, vector<128x256xf32>
    tpu.vector_store %arg2[%swap3A_73, %swap3A_74], %transpose3A_72 {strides = array<i32>} : memref<3200x256xf32, #tpu.memory_space<vmem>>, vector<128x256xf32>,
    %slice3A_76 = vector.extract_strided_slice %reshape3A {offsets = [0, 13, 0], sizes = [256, 1, 128], strides = [1, 1, 1]} : vector<256x25x128xf32> to vector<256x1x128xf32>
    %squeeze3A_77 = vector.shape_cast %slice3A_76 : vector<256x1x128xf32> to vector<256x128xf32>
    %transpose3A_78 = tpu.transpose %squeeze3A_77, [1, 0] : vector<256x128xf32> -> vector<128x256xf32>
    %swap3A_79 = arith.constant 1664 : index
    %swap3A_80 = arith.constant 0 : index
    %swap3A_81 = vector.load %arg2[%swap3A_79, %swap3A_80] : memref<3200x256xf32, #tpu.memory_space<vmem>>, vector<128x256xf32>
    tpu.vector_store %arg2[%swap3A_79, %swap3A_80], %transpose3A_78 {strides = array<i32>} : memref<3200x256xf32, #tpu.memory_space<vmem>>, vector<128x256xf32>,
    %slice3A_82 = vector.extract_strided_slice %reshape3A {offsets = [0, 14, 0], sizes = [256, 1, 128], strides = [1, 1, 1]} : vector<256x25x128xf32> to vector<256x1x128xf32>
    %squeeze3A_83 = vector.shape_cast %slice3A_82 : vector<256x1x128xf32> to vector<256x128xf32>
    %transpose3A_84 = tpu.transpose %squeeze3A_83, [1, 0] : vector<256x128xf32> -> vector<128x256xf32>
    %swap3A_85 = arith.constant 1792 : index
    %swap3A_86 = arith.constant 0 : index
    %swap3A_87 = vector.load %arg2[%swap3A_85, %swap3A_86] : memref<3200x256xf32, #tpu.memory_space<vmem>>, vector<128x256xf32>
    tpu.vector_store %arg2[%swap3A_85, %swap3A_86], %transpose3A_84 {strides = array<i32>} : memref<3200x256xf32, #tpu.memory_space<vmem>>, vector<128x256xf32>,
    %slice3A_88 = vector.extract_strided_slice %reshape3A {offsets = [0, 15, 0], sizes = [256, 1, 128], strides = [1, 1, 1]} : vector<256x25x128xf32> to vector<256x1x128xf32>
    %squeeze3A_89 = vector.shape_cast %slice3A_88 : vector<256x1x128xf32> to vector<256x128xf32>
    %transpose3A_90 = tpu.transpose %squeeze3A_89, [1, 0] : vector<256x128xf32> -> vector<128x256xf32>
    %swap3A_91 = arith.constant 1920 : index
    %swap3A_92 = arith.constant 0 : index
    %swap3A_93 = vector.load %arg2[%swap3A_91, %swap3A_92] : memref<3200x256xf32, #tpu.memory_space<vmem>>, vector<128x256xf32>
    tpu.vector_store %arg2[%swap3A_91, %swap3A_92], %transpose3A_90 {strides = array<i32>} : memref<3200x256xf32, #tpu.memory_space<vmem>>, vector<128x256xf32>,
    %slice3A_94 = vector.extract_strided_slice %reshape3A {offsets = [0, 16, 0], sizes = [256, 1, 128], strides = [1, 1, 1]} : vector<256x25x128xf32> to vector<256x1x128xf32>
    %squeeze3A_95 = vector.shape_cast %slice3A_94 : vector<256x1x128xf32> to vector<256x128xf32>
    %transpose3A_96 = tpu.transpose %squeeze3A_95, [1, 0] : vector<256x128xf32> -> vector<128x256xf32>
    %swap3A_97 = arith.constant 2048 : index
    %swap3A_98 = arith.constant 0 : index
    %swap3A_99 = vector.load %arg2[%swap3A_97, %swap3A_98] : memref<3200x256xf32, #tpu.memory_space<vmem>>, vector<128x256xf32>
    tpu.vector_store %arg2[%swap3A_97, %swap3A_98], %transpose3A_96 {strides = array<i32>} : memref<3200x256xf32, #tpu.memory_space<vmem>>, vector<128x256xf32>,
    %slice3A_100 = vector.extract_strided_slice %reshape3A {offsets = [0, 17, 0], sizes = [256, 1, 128], strides = [1, 1, 1]} : vector<256x25x128xf32> to vector<256x1x128xf32>
    %squeeze3A_101 = vector.shape_cast %slice3A_100 : vector<256x1x128xf32> to vector<256x128xf32>
    %transpose3A_102 = tpu.transpose %squeeze3A_101, [1, 0] : vector<256x128xf32> -> vector<128x256xf32>
    %swap3A_103 = arith.constant 2176 : index
    %swap3A_104 = arith.constant 0 : index
    %swap3A_105 = vector.load %arg2[%swap3A_103, %swap3A_104] : memref<3200x256xf32, #tpu.memory_space<vmem>>, vector<128x256xf32>
    tpu.vector_store %arg2[%swap3A_103, %swap3A_104], %transpose3A_102 {strides = array<i32>} : memref<3200x256xf32, #tpu.memory_space<vmem>>, vector<128x256xf32>,
    %slice3A_106 = vector.extract_strided_slice %reshape3A {offsets = [0, 18, 0], sizes = [256, 1, 128], strides = [1, 1, 1]} : vector<256x25x128xf32> to vector<256x1x128xf32>
    %squeeze3A_107 = vector.shape_cast %slice3A_106 : vector<256x1x128xf32> to vector<256x128xf32>
    %transpose3A_108 = tpu.transpose %squeeze3A_107, [1, 0] : vector<256x128xf32> -> vector<128x256xf32>
    %swap3A_109 = arith.constant 2304 : index
    %swap3A_110 = arith.constant 0 : index
    %swap3A_111 = vector.load %arg2[%swap3A_109, %swap3A_110] : memref<3200x256xf32, #tpu.memory_space<vmem>>, vector<128x256xf32>
    tpu.vector_store %arg2[%swap3A_109, %swap3A_110], %transpose3A_108 {strides = array<i32>} : memref<3200x256xf32, #tpu.memory_space<vmem>>, vector<128x256xf32>,
    %slice3A_112 = vector.extract_strided_slice %reshape3A {offsets = [0, 19, 0], sizes = [256, 1, 128], strides = [1, 1, 1]} : vector<256x25x128xf32> to vector<256x1x128xf32>
    %squeeze3A_113 = vector.shape_cast %slice3A_112 : vector<256x1x128xf32> to vector<256x128xf32>
    %transpose3A_114 = tpu.transpose %squeeze3A_113, [1, 0] : vector<256x128xf32> -> vector<128x256xf32>
    %swap3A_115 = arith.constant 2432 : index
    %swap3A_116 = arith.constant 0 : index
    %swap3A_117 = vector.load %arg2[%swap3A_115, %swap3A_116] : memref<3200x256xf32, #tpu.memory_space<vmem>>, vector<128x256xf32>
    tpu.vector_store %arg2[%swap3A_115, %swap3A_116], %transpose3A_114 {strides = array<i32>} : memref<3200x256xf32, #tpu.memory_space<vmem>>, vector<128x256xf32>,
    %slice3A_118 = vector.extract_strided_slice %reshape3A {offsets = [0, 20, 0], sizes = [256, 1, 128], strides = [1, 1, 1]} : vector<256x25x128xf32> to vector<256x1x128xf32>
    %squeeze3A_119 = vector.shape_cast %slice3A_118 : vector<256x1x128xf32> to vector<256x128xf32>
    %transpose3A_120 = tpu.transpose %squeeze3A_119, [1, 0] : vector<256x128xf32> -> vector<128x256xf32>
    %swap3A_121 = arith.constant 2560 : index
    %swap3A_122 = arith.constant 0 : index
    %swap3A_123 = vector.load %arg2[%swap3A_121, %swap3A_122] : memref<3200x256xf32, #tpu.memory_space<vmem>>, vector<128x256xf32>
    tpu.vector_store %arg2[%swap3A_121, %swap3A_122], %transpose3A_120 {strides = array<i32>} : memref<3200x256xf32, #tpu.memory_space<vmem>>, vector<128x256xf32>,
    %slice3A_124 = vector.extract_strided_slice %reshape3A {offsets = [0, 21, 0], sizes = [256, 1, 128], strides = [1, 1, 1]} : vector<256x25x128xf32> to vector<256x1x128xf32>
    %squeeze3A_125 = vector.shape_cast %slice3A_124 : vector<256x1x128xf32> to vector<256x128xf32>
    %transpose3A_126 = tpu.transpose %squeeze3A_125, [1, 0] : vector<256x128xf32> -> vector<128x256xf32>
    %swap3A_127 = arith.constant 2688 : index
    %swap3A_128 = arith.constant 0 : index
    %swap3A_129 = vector.load %arg2[%swap3A_127, %swap3A_128] : memref<3200x256xf32, #tpu.memory_space<vmem>>, vector<128x256xf32>
    tpu.vector_store %arg2[%swap3A_127, %swap3A_128], %transpose3A_126 {strides = array<i32>} : memref<3200x256xf32, #tpu.memory_space<vmem>>, vector<128x256xf32>,
    %slice3A_130 = vector.extract_strided_slice %reshape3A {offsets = [0, 22, 0], sizes = [256, 1, 128], strides = [1, 1, 1]} : vector<256x25x128xf32> to vector<256x1x128xf32>
    %squeeze3A_131 = vector.shape_cast %slice3A_130 : vector<256x1x128xf32> to vector<256x128xf32>
    %transpose3A_132 = tpu.transpose %squeeze3A_131, [1, 0] : vector<256x128xf32> -> vector<128x256xf32>
    %swap3A_133 = arith.constant 2816 : index
    %swap3A_134 = arith.constant 0 : index
    %swap3A_135 = vector.load %arg2[%swap3A_133, %swap3A_134] : memref<3200x256xf32, #tpu.memory_space<vmem>>, vector<128x256xf32>
    tpu.vector_store %arg2[%swap3A_133, %swap3A_134], %transpose3A_132 {strides = array<i32>} : memref<3200x256xf32, #tpu.memory_space<vmem>>, vector<128x256xf32>,
    %slice3A_136 = vector.extract_strided_slice %reshape3A {offsets = [0, 23, 0], sizes = [256, 1, 128], strides = [1, 1, 1]} : vector<256x25x128xf32> to vector<256x1x128xf32>
    %squeeze3A_137 = vector.shape_cast %slice3A_136 : vector<256x1x128xf32> to vector<256x128xf32>
    %transpose3A_138 = tpu.transpose %squeeze3A_137, [1, 0] : vector<256x128xf32> -> vector<128x256xf32>
    %swap3A_139 = arith.constant 2944 : index
    %swap3A_140 = arith.constant 0 : index
    %swap3A_141 = vector.load %arg2[%swap3A_139, %swap3A_140] : memref<3200x256xf32, #tpu.memory_space<vmem>>, vector<128x256xf32>
    tpu.vector_store %arg2[%swap3A_139, %swap3A_140], %transpose3A_138 {strides = array<i32>} : memref<3200x256xf32, #tpu.memory_space<vmem>>, vector<128x256xf32>,
    %slice3A_142 = vector.extract_strided_slice %reshape3A {offsets = [0, 24, 0], sizes = [256, 1, 128], strides = [1, 1, 1]} : vector<256x25x128xf32> to vector<256x1x128xf32>
    %squeeze3A_143 = vector.shape_cast %slice3A_142 : vector<256x1x128xf32> to vector<256x128xf32>
    %transpose3A_144 = tpu.transpose %squeeze3A_143, [1, 0] : vector<256x128xf32> -> vector<128x256xf32>
    %swap3A_145 = arith.constant 3072 : index
    %swap3A_146 = arith.constant 0 : index
    %swap3A_147 = vector.load %arg2[%swap3A_145, %swap3A_146] : memref<3200x256xf32, #tpu.memory_space<vmem>>, vector<128x256xf32>
    tpu.vector_store %arg2[%swap3A_145, %swap3A_146], %transpose3A_144 {strides = array<i32>} : memref<3200x256xf32, #tpu.memory_space<vmem>>, vector<128x256xf32>,
    return
  }
  func.func @transform_0(%arg0: i32) -> (i32, i32) {
    %c0_i32 = arith.constant 0 : i32
    %c0_i32_0 = arith.constant 0 : i32
    return %arg0, %c0_i32 : i32, i32
  }
  func.func @transform_1(%arg0: i32) -> (i32, i32) {
    %add3A = arith.constant 0 : i32
    %add3A_0 = arith.addi %arg0, %add3A : i32
    %c0_i32 = arith.constant 0 : i32
    %c0_i32_1 = arith.constant 0 : i32
    return %c0_i32, %add3A_0 : i32, i32
  }
}

module attributes {stable_mosaic.version = 14 : i64} {
  func.func @_t2_next_body(%arg0: i32, %arg1: memref<6400x128xf32, #tpu.memory_space<vmem>>, %arg2: memref<3200x16384xf32, #tpu.memory_space<any>>, %arg3: memref<3200x256xf32, #tpu.memory_space<vmem>>) attributes {dimension_semantics = [#tpu.dimension_semantics<arbitrary>], iteration_bounds = array<i64: 24>, scalar_prefetch = 0 : i64, scratch_operands = 0 : i64, tpu.core_type = #tpu.core_type<tc>, window_params = [{transform_indices = @transform_0, window_bounds = array<i64: 6400, 128>}, {}, {transform_indices = @transform_2, window_bounds = array<i64: 3200, 256>}]} {
    %get3A = arith.constant 0 : index
    %get3A_0 = arith.constant 0 : index
    %get3A_1 = vector.load %arg1[%get3A, %get3A_0] : memref<6400x128xf32, #tpu.memory_space<vmem>>, vector<6400x128xf32>
    %reshape3A = vector.shape_cast %get3A_1 : vector<6400x128xf32> to vector<256x25x128xf32>
    %slice3A = vector.extract_strided_slice %reshape3A {offsets = [0, 0, 0], sizes = [256, 1, 128], strides = [1, 1, 1]} : vector<256x25x128xf32> to vector<256x1x128xf32>
    %squeeze3A = vector.shape_cast %slice3A : vector<256x1x128xf32> to vector<256x128xf32>
    %transpose3A = tpu.transpose %squeeze3A, [1, 0] : vector<256x128xf32> -> vector<128x256xf32>
    %swap3A = arith.constant 0 : index
    %swap3A_2 = arith.constant 0 : index
    %swap3A_3 = vector.load %arg3[%swap3A, %swap3A_2] : memref<3200x256xf32, #tpu.memory_space<vmem>>, vector<128x256xf32>
    tpu.vector_store %arg3[%swap3A, %swap3A_2], %transpose3A {strides = array<i32>} : memref<3200x256xf32, #tpu.memory_space<vmem>>, vector<128x256xf32>,
    %slice3A_4 = vector.extract_strided_slice %reshape3A {offsets = [0, 1, 0], sizes = [256, 1, 128], strides = [1, 1, 1]} : vector<256x25x128xf32> to vector<256x1x128xf32>
    %squeeze3A_5 = vector.shape_cast %slice3A_4 : vector<256x1x128xf32> to vector<256x128xf32>
    %transpose3A_6 = tpu.transpose %squeeze3A_5, [1, 0] : vector<256x128xf32> -> vector<128x256xf32>
    %swap3A_7 = arith.constant 128 : index
    %swap3A_8 = arith.constant 0 : index
    %swap3A_9 = vector.load %arg3[%swap3A_7, %swap3A_8] : memref<3200x256xf32, #tpu.memory_space<vmem>>, vector<128x256xf32>
    tpu.vector_store %arg3[%swap3A_7, %swap3A_8], %transpose3A_6 {strides = array<i32>} : memref<3200x256xf32, #tpu.memory_space<vmem>>, vector<128x256xf32>,
    %slice3A_10 = vector.extract_strided_slice %reshape3A {offsets = [0, 2, 0], sizes = [256, 1, 128], strides = [1, 1, 1]} : vector<256x25x128xf32> to vector<256x1x128xf32>
    %squeeze3A_11 = vector.shape_cast %slice3A_10 : vector<256x1x128xf32> to vector<256x128xf32>
    %transpose3A_12 = tpu.transpose %squeeze3A_11, [1, 0] : vector<256x128xf32> -> vector<128x256xf32>
    %swap3A_13 = arith.constant 256 : index
    %swap3A_14 = arith.constant 0 : index
    %swap3A_15 = vector.load %arg3[%swap3A_13, %swap3A_14] : memref<3200x256xf32, #tpu.memory_space<vmem>>, vector<128x256xf32>
    tpu.vector_store %arg3[%swap3A_13, %swap3A_14], %transpose3A_12 {strides = array<i32>} : memref<3200x256xf32, #tpu.memory_space<vmem>>, vector<128x256xf32>,
    %slice3A_16 = vector.extract_strided_slice %reshape3A {offsets = [0, 3, 0], sizes = [256, 1, 128], strides = [1, 1, 1]} : vector<256x25x128xf32> to vector<256x1x128xf32>
    %squeeze3A_17 = vector.shape_cast %slice3A_16 : vector<256x1x128xf32> to vector<256x128xf32>
    %transpose3A_18 = tpu.transpose %squeeze3A_17, [1, 0] : vector<256x128xf32> -> vector<128x256xf32>
    %swap3A_19 = arith.constant 384 : index
    %swap3A_20 = arith.constant 0 : index
    %swap3A_21 = vector.load %arg3[%swap3A_19, %swap3A_20] : memref<3200x256xf32, #tpu.memory_space<vmem>>, vector<128x256xf32>
    tpu.vector_store %arg3[%swap3A_19, %swap3A_20], %transpose3A_18 {strides = array<i32>} : memref<3200x256xf32, #tpu.memory_space<vmem>>, vector<128x256xf32>,
    %slice3A_22 = vector.extract_strided_slice %reshape3A {offsets = [0, 4, 0], sizes = [256, 1, 128], strides = [1, 1, 1]} : vector<256x25x128xf32> to vector<256x1x128xf32>
    %squeeze3A_23 = vector.shape_cast %slice3A_22 : vector<256x1x128xf32> to vector<256x128xf32>
    %transpose3A_24 = tpu.transpose %squeeze3A_23, [1, 0] : vector<256x128xf32> -> vector<128x256xf32>
    %swap3A_25 = arith.constant 512 : index
    %swap3A_26 = arith.constant 0 : index
    %swap3A_27 = vector.load %arg3[%swap3A_25, %swap3A_26] : memref<3200x256xf32, #tpu.memory_space<vmem>>, vector<128x256xf32>
    tpu.vector_store %arg3[%swap3A_25, %swap3A_26], %transpose3A_24 {strides = array<i32>} : memref<3200x256xf32, #tpu.memory_space<vmem>>, vector<128x256xf32>,
    %slice3A_28 = vector.extract_strided_slice %reshape3A {offsets = [0, 5, 0], sizes = [256, 1, 128], strides = [1, 1, 1]} : vector<256x25x128xf32> to vector<256x1x128xf32>
    %squeeze3A_29 = vector.shape_cast %slice3A_28 : vector<256x1x128xf32> to vector<256x128xf32>
    %transpose3A_30 = tpu.transpose %squeeze3A_29, [1, 0] : vector<256x128xf32> -> vector<128x256xf32>
    %swap3A_31 = arith.constant 640 : index
    %swap3A_32 = arith.constant 0 : index
    %swap3A_33 = vector.load %arg3[%swap3A_31, %swap3A_32] : memref<3200x256xf32, #tpu.memory_space<vmem>>, vector<128x256xf32>
    tpu.vector_store %arg3[%swap3A_31, %swap3A_32], %transpose3A_30 {strides = array<i32>} : memref<3200x256xf32, #tpu.memory_space<vmem>>, vector<128x256xf32>,
    %slice3A_34 = vector.extract_strided_slice %reshape3A {offsets = [0, 6, 0], sizes = [256, 1, 128], strides = [1, 1, 1]} : vector<256x25x128xf32> to vector<256x1x128xf32>
    %squeeze3A_35 = vector.shape_cast %slice3A_34 : vector<256x1x128xf32> to vector<256x128xf32>
    %transpose3A_36 = tpu.transpose %squeeze3A_35, [1, 0] : vector<256x128xf32> -> vector<128x256xf32>
    %swap3A_37 = arith.constant 768 : index
    %swap3A_38 = arith.constant 0 : index
    %swap3A_39 = vector.load %arg3[%swap3A_37, %swap3A_38] : memref<3200x256xf32, #tpu.memory_space<vmem>>, vector<128x256xf32>
    tpu.vector_store %arg3[%swap3A_37, %swap3A_38], %transpose3A_36 {strides = array<i32>} : memref<3200x256xf32, #tpu.memory_space<vmem>>, vector<128x256xf32>,
    %slice3A_40 = vector.extract_strided_slice %reshape3A {offsets = [0, 7, 0], sizes = [256, 1, 128], strides = [1, 1, 1]} : vector<256x25x128xf32> to vector<256x1x128xf32>
    %squeeze3A_41 = vector.shape_cast %slice3A_40 : vector<256x1x128xf32> to vector<256x128xf32>
    %transpose3A_42 = tpu.transpose %squeeze3A_41, [1, 0] : vector<256x128xf32> -> vector<128x256xf32>
    %swap3A_43 = arith.constant 896 : index
    %swap3A_44 = arith.constant 0 : index
    %swap3A_45 = vector.load %arg3[%swap3A_43, %swap3A_44] : memref<3200x256xf32, #tpu.memory_space<vmem>>, vector<128x256xf32>
    tpu.vector_store %arg3[%swap3A_43, %swap3A_44], %transpose3A_42 {strides = array<i32>} : memref<3200x256xf32, #tpu.memory_space<vmem>>, vector<128x256xf32>,
    %slice3A_46 = vector.extract_strided_slice %reshape3A {offsets = [0, 8, 0], sizes = [256, 1, 128], strides = [1, 1, 1]} : vector<256x25x128xf32> to vector<256x1x128xf32>
    %squeeze3A_47 = vector.shape_cast %slice3A_46 : vector<256x1x128xf32> to vector<256x128xf32>
    %transpose3A_48 = tpu.transpose %squeeze3A_47, [1, 0] : vector<256x128xf32> -> vector<128x256xf32>
    %swap3A_49 = arith.constant 1024 : index
    %swap3A_50 = arith.constant 0 : index
    %swap3A_51 = vector.load %arg3[%swap3A_49, %swap3A_50] : memref<3200x256xf32, #tpu.memory_space<vmem>>, vector<128x256xf32>
    tpu.vector_store %arg3[%swap3A_49, %swap3A_50], %transpose3A_48 {strides = array<i32>} : memref<3200x256xf32, #tpu.memory_space<vmem>>, vector<128x256xf32>,
    %slice3A_52 = vector.extract_strided_slice %reshape3A {offsets = [0, 9, 0], sizes = [256, 1, 128], strides = [1, 1, 1]} : vector<256x25x128xf32> to vector<256x1x128xf32>
    %squeeze3A_53 = vector.shape_cast %slice3A_52 : vector<256x1x128xf32> to vector<256x128xf32>
    %transpose3A_54 = tpu.transpose %squeeze3A_53, [1, 0] : vector<256x128xf32> -> vector<128x256xf32>
    %swap3A_55 = arith.constant 1152 : index
    %swap3A_56 = arith.constant 0 : index
    %swap3A_57 = vector.load %arg3[%swap3A_55, %swap3A_56] : memref<3200x256xf32, #tpu.memory_space<vmem>>, vector<128x256xf32>
    tpu.vector_store %arg3[%swap3A_55, %swap3A_56], %transpose3A_54 {strides = array<i32>} : memref<3200x256xf32, #tpu.memory_space<vmem>>, vector<128x256xf32>,
    %slice3A_58 = vector.extract_strided_slice %reshape3A {offsets = [0, 10, 0], sizes = [256, 1, 128], strides = [1, 1, 1]} : vector<256x25x128xf32> to vector<256x1x128xf32>
    %squeeze3A_59 = vector.shape_cast %slice3A_58 : vector<256x1x128xf32> to vector<256x128xf32>
    %transpose3A_60 = tpu.transpose %squeeze3A_59, [1, 0] : vector<256x128xf32> -> vector<128x256xf32>
    %swap3A_61 = arith.constant 1280 : index
    %swap3A_62 = arith.constant 0 : index
    %swap3A_63 = vector.load %arg3[%swap3A_61, %swap3A_62] : memref<3200x256xf32, #tpu.memory_space<vmem>>, vector<128x256xf32>
    tpu.vector_store %arg3[%swap3A_61, %swap3A_62], %transpose3A_60 {strides = array<i32>} : memref<3200x256xf32, #tpu.memory_space<vmem>>, vector<128x256xf32>,
    %slice3A_64 = vector.extract_strided_slice %reshape3A {offsets = [0, 11, 0], sizes = [256, 1, 128], strides = [1, 1, 1]} : vector<256x25x128xf32> to vector<256x1x128xf32>
    %squeeze3A_65 = vector.shape_cast %slice3A_64 : vector<256x1x128xf32> to vector<256x128xf32>
    %transpose3A_66 = tpu.transpose %squeeze3A_65, [1, 0] : vector<256x128xf32> -> vector<128x256xf32>
    %swap3A_67 = arith.constant 1408 : index
    %swap3A_68 = arith.constant 0 : index
    %swap3A_69 = vector.load %arg3[%swap3A_67, %swap3A_68] : memref<3200x256xf32, #tpu.memory_space<vmem>>, vector<128x256xf32>
    tpu.vector_store %arg3[%swap3A_67, %swap3A_68], %transpose3A_66 {strides = array<i32>} : memref<3200x256xf32, #tpu.memory_space<vmem>>, vector<128x256xf32>,
    %slice3A_70 = vector.extract_strided_slice %reshape3A {offsets = [0, 12, 0], sizes = [256, 1, 128], strides = [1, 1, 1]} : vector<256x25x128xf32> to vector<256x1x128xf32>
    %squeeze3A_71 = vector.shape_cast %slice3A_70 : vector<256x1x128xf32> to vector<256x128xf32>
    %transpose3A_72 = tpu.transpose %squeeze3A_71, [1, 0] : vector<256x128xf32> -> vector<128x256xf32>
    %swap3A_73 = arith.constant 1536 : index
    %swap3A_74 = arith.constant 0 : index
    %swap3A_75 = vector.load %arg3[%swap3A_73, %swap3A_74] : memref<3200x256xf32, #tpu.memory_space<vmem>>, vector<128x256xf32>
    tpu.vector_store %arg3[%swap3A_73, %swap3A_74], %transpose3A_72 {strides = array<i32>} : memref<3200x256xf32, #tpu.memory_space<vmem>>, vector<128x256xf32>,
    %slice3A_76 = vector.extract_strided_slice %reshape3A {offsets = [0, 13, 0], sizes = [256, 1, 128], strides = [1, 1, 1]} : vector<256x25x128xf32> to vector<256x1x128xf32>
    %squeeze3A_77 = vector.shape_cast %slice3A_76 : vector<256x1x128xf32> to vector<256x128xf32>
    %transpose3A_78 = tpu.transpose %squeeze3A_77, [1, 0] : vector<256x128xf32> -> vector<128x256xf32>
    %swap3A_79 = arith.constant 1664 : index
    %swap3A_80 = arith.constant 0 : index
    %swap3A_81 = vector.load %arg3[%swap3A_79, %swap3A_80] : memref<3200x256xf32, #tpu.memory_space<vmem>>, vector<128x256xf32>
    tpu.vector_store %arg3[%swap3A_79, %swap3A_80], %transpose3A_78 {strides = array<i32>} : memref<3200x256xf32, #tpu.memory_space<vmem>>, vector<128x256xf32>,
    %slice3A_82 = vector.extract_strided_slice %reshape3A {offsets = [0, 14, 0], sizes = [256, 1, 128], strides = [1, 1, 1]} : vector<256x25x128xf32> to vector<256x1x128xf32>
    %squeeze3A_83 = vector.shape_cast %slice3A_82 : vector<256x1x128xf32> to vector<256x128xf32>
    %transpose3A_84 = tpu.transpose %squeeze3A_83, [1, 0] : vector<256x128xf32> -> vector<128x256xf32>
    %swap3A_85 = arith.constant 1792 : index
    %swap3A_86 = arith.constant 0 : index
    %swap3A_87 = vector.load %arg3[%swap3A_85, %swap3A_86] : memref<3200x256xf32, #tpu.memory_space<vmem>>, vector<128x256xf32>
    tpu.vector_store %arg3[%swap3A_85, %swap3A_86], %transpose3A_84 {strides = array<i32>} : memref<3200x256xf32, #tpu.memory_space<vmem>>, vector<128x256xf32>,
    %slice3A_88 = vector.extract_strided_slice %reshape3A {offsets = [0, 15, 0], sizes = [256, 1, 128], strides = [1, 1, 1]} : vector<256x25x128xf32> to vector<256x1x128xf32>
    %squeeze3A_89 = vector.shape_cast %slice3A_88 : vector<256x1x128xf32> to vector<256x128xf32>
    %transpose3A_90 = tpu.transpose %squeeze3A_89, [1, 0] : vector<256x128xf32> -> vector<128x256xf32>
    %swap3A_91 = arith.constant 1920 : index
    %swap3A_92 = arith.constant 0 : index
    %swap3A_93 = vector.load %arg3[%swap3A_91, %swap3A_92] : memref<3200x256xf32, #tpu.memory_space<vmem>>, vector<128x256xf32>
    tpu.vector_store %arg3[%swap3A_91, %swap3A_92], %transpose3A_90 {strides = array<i32>} : memref<3200x256xf32, #tpu.memory_space<vmem>>, vector<128x256xf32>,
    %slice3A_94 = vector.extract_strided_slice %reshape3A {offsets = [0, 16, 0], sizes = [256, 1, 128], strides = [1, 1, 1]} : vector<256x25x128xf32> to vector<256x1x128xf32>
    %squeeze3A_95 = vector.shape_cast %slice3A_94 : vector<256x1x128xf32> to vector<256x128xf32>
    %transpose3A_96 = tpu.transpose %squeeze3A_95, [1, 0] : vector<256x128xf32> -> vector<128x256xf32>
    %swap3A_97 = arith.constant 2048 : index
    %swap3A_98 = arith.constant 0 : index
    %swap3A_99 = vector.load %arg3[%swap3A_97, %swap3A_98] : memref<3200x256xf32, #tpu.memory_space<vmem>>, vector<128x256xf32>
    tpu.vector_store %arg3[%swap3A_97, %swap3A_98], %transpose3A_96 {strides = array<i32>} : memref<3200x256xf32, #tpu.memory_space<vmem>>, vector<128x256xf32>,
    %slice3A_100 = vector.extract_strided_slice %reshape3A {offsets = [0, 17, 0], sizes = [256, 1, 128], strides = [1, 1, 1]} : vector<256x25x128xf32> to vector<256x1x128xf32>
    %squeeze3A_101 = vector.shape_cast %slice3A_100 : vector<256x1x128xf32> to vector<256x128xf32>
    %transpose3A_102 = tpu.transpose %squeeze3A_101, [1, 0] : vector<256x128xf32> -> vector<128x256xf32>
    %swap3A_103 = arith.constant 2176 : index
    %swap3A_104 = arith.constant 0 : index
    %swap3A_105 = vector.load %arg3[%swap3A_103, %swap3A_104] : memref<3200x256xf32, #tpu.memory_space<vmem>>, vector<128x256xf32>
    tpu.vector_store %arg3[%swap3A_103, %swap3A_104], %transpose3A_102 {strides = array<i32>} : memref<3200x256xf32, #tpu.memory_space<vmem>>, vector<128x256xf32>,
    %slice3A_106 = vector.extract_strided_slice %reshape3A {offsets = [0, 18, 0], sizes = [256, 1, 128], strides = [1, 1, 1]} : vector<256x25x128xf32> to vector<256x1x128xf32>
    %squeeze3A_107 = vector.shape_cast %slice3A_106 : vector<256x1x128xf32> to vector<256x128xf32>
    %transpose3A_108 = tpu.transpose %squeeze3A_107, [1, 0] : vector<256x128xf32> -> vector<128x256xf32>
    %swap3A_109 = arith.constant 2304 : index
    %swap3A_110 = arith.constant 0 : index
    %swap3A_111 = vector.load %arg3[%swap3A_109, %swap3A_110] : memref<3200x256xf32, #tpu.memory_space<vmem>>, vector<128x256xf32>
    tpu.vector_store %arg3[%swap3A_109, %swap3A_110], %transpose3A_108 {strides = array<i32>} : memref<3200x256xf32, #tpu.memory_space<vmem>>, vector<128x256xf32>,
    %slice3A_112 = vector.extract_strided_slice %reshape3A {offsets = [0, 19, 0], sizes = [256, 1, 128], strides = [1, 1, 1]} : vector<256x25x128xf32> to vector<256x1x128xf32>
    %squeeze3A_113 = vector.shape_cast %slice3A_112 : vector<256x1x128xf32> to vector<256x128xf32>
    %transpose3A_114 = tpu.transpose %squeeze3A_113, [1, 0] : vector<256x128xf32> -> vector<128x256xf32>
    %swap3A_115 = arith.constant 2432 : index
    %swap3A_116 = arith.constant 0 : index
    %swap3A_117 = vector.load %arg3[%swap3A_115, %swap3A_116] : memref<3200x256xf32, #tpu.memory_space<vmem>>, vector<128x256xf32>
    tpu.vector_store %arg3[%swap3A_115, %swap3A_116], %transpose3A_114 {strides = array<i32>} : memref<3200x256xf32, #tpu.memory_space<vmem>>, vector<128x256xf32>,
    %slice3A_118 = vector.extract_strided_slice %reshape3A {offsets = [0, 20, 0], sizes = [256, 1, 128], strides = [1, 1, 1]} : vector<256x25x128xf32> to vector<256x1x128xf32>
    %squeeze3A_119 = vector.shape_cast %slice3A_118 : vector<256x1x128xf32> to vector<256x128xf32>
    %transpose3A_120 = tpu.transpose %squeeze3A_119, [1, 0] : vector<256x128xf32> -> vector<128x256xf32>
    %swap3A_121 = arith.constant 2560 : index
    %swap3A_122 = arith.constant 0 : index
    %swap3A_123 = vector.load %arg3[%swap3A_121, %swap3A_122] : memref<3200x256xf32, #tpu.memory_space<vmem>>, vector<128x256xf32>
    tpu.vector_store %arg3[%swap3A_121, %swap3A_122], %transpose3A_120 {strides = array<i32>} : memref<3200x256xf32, #tpu.memory_space<vmem>>, vector<128x256xf32>,
    %slice3A_124 = vector.extract_strided_slice %reshape3A {offsets = [0, 21, 0], sizes = [256, 1, 128], strides = [1, 1, 1]} : vector<256x25x128xf32> to vector<256x1x128xf32>
    %squeeze3A_125 = vector.shape_cast %slice3A_124 : vector<256x1x128xf32> to vector<256x128xf32>
    %transpose3A_126 = tpu.transpose %squeeze3A_125, [1, 0] : vector<256x128xf32> -> vector<128x256xf32>
    %swap3A_127 = arith.constant 2688 : index
    %swap3A_128 = arith.constant 0 : index
    %swap3A_129 = vector.load %arg3[%swap3A_127, %swap3A_128] : memref<3200x256xf32, #tpu.memory_space<vmem>>, vector<128x256xf32>
    tpu.vector_store %arg3[%swap3A_127, %swap3A_128], %transpose3A_126 {strides = array<i32>} : memref<3200x256xf32, #tpu.memory_space<vmem>>, vector<128x256xf32>,
    %slice3A_130 = vector.extract_strided_slice %reshape3A {offsets = [0, 22, 0], sizes = [256, 1, 128], strides = [1, 1, 1]} : vector<256x25x128xf32> to vector<256x1x128xf32>
    %squeeze3A_131 = vector.shape_cast %slice3A_130 : vector<256x1x128xf32> to vector<256x128xf32>
    %transpose3A_132 = tpu.transpose %squeeze3A_131, [1, 0] : vector<256x128xf32> -> vector<128x256xf32>
    %swap3A_133 = arith.constant 2816 : index
    %swap3A_134 = arith.constant 0 : index
    %swap3A_135 = vector.load %arg3[%swap3A_133, %swap3A_134] : memref<3200x256xf32, #tpu.memory_space<vmem>>, vector<128x256xf32>
    tpu.vector_store %arg3[%swap3A_133, %swap3A_134], %transpose3A_132 {strides = array<i32>} : memref<3200x256xf32, #tpu.memory_space<vmem>>, vector<128x256xf32>,
    %slice3A_136 = vector.extract_strided_slice %reshape3A {offsets = [0, 23, 0], sizes = [256, 1, 128], strides = [1, 1, 1]} : vector<256x25x128xf32> to vector<256x1x128xf32>
    %squeeze3A_137 = vector.shape_cast %slice3A_136 : vector<256x1x128xf32> to vector<256x128xf32>
    %transpose3A_138 = tpu.transpose %squeeze3A_137, [1, 0] : vector<256x128xf32> -> vector<128x256xf32>
    %swap3A_139 = arith.constant 2944 : index
    %swap3A_140 = arith.constant 0 : index
    %swap3A_141 = vector.load %arg3[%swap3A_139, %swap3A_140] : memref<3200x256xf32, #tpu.memory_space<vmem>>, vector<128x256xf32>
    tpu.vector_store %arg3[%swap3A_139, %swap3A_140], %transpose3A_138 {strides = array<i32>} : memref<3200x256xf32, #tpu.memory_space<vmem>>, vector<128x256xf32>,
    %slice3A_142 = vector.extract_strided_slice %reshape3A {offsets = [0, 24, 0], sizes = [256, 1, 128], strides = [1, 1, 1]} : vector<256x25x128xf32> to vector<256x1x128xf32>
    %squeeze3A_143 = vector.shape_cast %slice3A_142 : vector<256x1x128xf32> to vector<256x128xf32>
    %transpose3A_144 = tpu.transpose %squeeze3A_143, [1, 0] : vector<256x128xf32> -> vector<128x256xf32>
    %swap3A_145 = arith.constant 3072 : index
    %swap3A_146 = arith.constant 0 : index
    %swap3A_147 = vector.load %arg3[%swap3A_145, %swap3A_146] : memref<3200x256xf32, #tpu.memory_space<vmem>>, vector<128x256xf32>
    tpu.vector_store %arg3[%swap3A_145, %swap3A_146], %transpose3A_144 {strides = array<i32>} : memref<3200x256xf32, #tpu.memory_space<vmem>>, vector<128x256xf32>,
    return
  }
  func.func @transform_0(%arg0: i32) -> (i32, i32) {
    %c0_i32 = arith.constant 0 : i32
    %c0_i32_0 = arith.constant 0 : i32
    return %arg0, %c0_i32 : i32, i32
  }
  func.func @transform_2(%arg0: i32) -> (i32, i32) {
    %add3A = arith.constant 8 : i32
    %add3A_0 = arith.addi %arg0, %add3A : i32
    %c0_i32 = arith.constant 0 : i32
    %c0_i32_1 = arith.constant 0 : i32
    return %c0_i32, %add3A_0 : i32, i32
  }
}

module attributes {stable_mosaic.version = 14 : i64} {
  func.func @_t2_next_body(%arg0: i32, %arg1: memref<6400x128xf32, #tpu.memory_space<vmem>>, %arg2: memref<3200x16384xf32, #tpu.memory_space<any>>, %arg3: memref<3200x256xf32, #tpu.memory_space<vmem>>) attributes {dimension_semantics = [#tpu.dimension_semantics<arbitrary>], iteration_bounds = array<i64: 32>, scalar_prefetch = 0 : i64, scratch_operands = 0 : i64, tpu.core_type = #tpu.core_type<tc>, window_params = [{transform_indices = @transform_0, window_bounds = array<i64: 6400, 128>}, {}, {transform_indices = @transform_2, window_bounds = array<i64: 3200, 256>}]} {
    %get3A = arith.constant 0 : index
    %get3A_0 = arith.constant 0 : index
    %get3A_1 = vector.load %arg1[%get3A, %get3A_0] : memref<6400x128xf32, #tpu.memory_space<vmem>>, vector<6400x128xf32>
    %reshape3A = vector.shape_cast %get3A_1 : vector<6400x128xf32> to vector<256x25x128xf32>
    %slice3A = vector.extract_strided_slice %reshape3A {offsets = [0, 0, 0], sizes = [256, 1, 128], strides = [1, 1, 1]} : vector<256x25x128xf32> to vector<256x1x128xf32>
    %squeeze3A = vector.shape_cast %slice3A : vector<256x1x128xf32> to vector<256x128xf32>
    %transpose3A = tpu.transpose %squeeze3A, [1, 0] : vector<256x128xf32> -> vector<128x256xf32>
    %swap3A = arith.constant 0 : index
    %swap3A_2 = arith.constant 0 : index
    %swap3A_3 = vector.load %arg3[%swap3A, %swap3A_2] : memref<3200x256xf32, #tpu.memory_space<vmem>>, vector<128x256xf32>
    tpu.vector_store %arg3[%swap3A, %swap3A_2], %transpose3A {strides = array<i32>} : memref<3200x256xf32, #tpu.memory_space<vmem>>, vector<128x256xf32>,
    %slice3A_4 = vector.extract_strided_slice %reshape3A {offsets = [0, 1, 0], sizes = [256, 1, 128], strides = [1, 1, 1]} : vector<256x25x128xf32> to vector<256x1x128xf32>
    %squeeze3A_5 = vector.shape_cast %slice3A_4 : vector<256x1x128xf32> to vector<256x128xf32>
    %transpose3A_6 = tpu.transpose %squeeze3A_5, [1, 0] : vector<256x128xf32> -> vector<128x256xf32>
    %swap3A_7 = arith.constant 128 : index
    %swap3A_8 = arith.constant 0 : index
    %swap3A_9 = vector.load %arg3[%swap3A_7, %swap3A_8] : memref<3200x256xf32, #tpu.memory_space<vmem>>, vector<128x256xf32>
    tpu.vector_store %arg3[%swap3A_7, %swap3A_8], %transpose3A_6 {strides = array<i32>} : memref<3200x256xf32, #tpu.memory_space<vmem>>, vector<128x256xf32>,
    %slice3A_10 = vector.extract_strided_slice %reshape3A {offsets = [0, 2, 0], sizes = [256, 1, 128], strides = [1, 1, 1]} : vector<256x25x128xf32> to vector<256x1x128xf32>
    %squeeze3A_11 = vector.shape_cast %slice3A_10 : vector<256x1x128xf32> to vector<256x128xf32>
    %transpose3A_12 = tpu.transpose %squeeze3A_11, [1, 0] : vector<256x128xf32> -> vector<128x256xf32>
    %swap3A_13 = arith.constant 256 : index
    %swap3A_14 = arith.constant 0 : index
    %swap3A_15 = vector.load %arg3[%swap3A_13, %swap3A_14] : memref<3200x256xf32, #tpu.memory_space<vmem>>, vector<128x256xf32>
    tpu.vector_store %arg3[%swap3A_13, %swap3A_14], %transpose3A_12 {strides = array<i32>} : memref<3200x256xf32, #tpu.memory_space<vmem>>, vector<128x256xf32>,
    %slice3A_16 = vector.extract_strided_slice %reshape3A {offsets = [0, 3, 0], sizes = [256, 1, 128], strides = [1, 1, 1]} : vector<256x25x128xf32> to vector<256x1x128xf32>
    %squeeze3A_17 = vector.shape_cast %slice3A_16 : vector<256x1x128xf32> to vector<256x128xf32>
    %transpose3A_18 = tpu.transpose %squeeze3A_17, [1, 0] : vector<256x128xf32> -> vector<128x256xf32>
    %swap3A_19 = arith.constant 384 : index
    %swap3A_20 = arith.constant 0 : index
    %swap3A_21 = vector.load %arg3[%swap3A_19, %swap3A_20] : memref<3200x256xf32, #tpu.memory_space<vmem>>, vector<128x256xf32>
    tpu.vector_store %arg3[%swap3A_19, %swap3A_20], %transpose3A_18 {strides = array<i32>} : memref<3200x256xf32, #tpu.memory_space<vmem>>, vector<128x256xf32>,
    %slice3A_22 = vector.extract_strided_slice %reshape3A {offsets = [0, 4, 0], sizes = [256, 1, 128], strides = [1, 1, 1]} : vector<256x25x128xf32> to vector<256x1x128xf32>
    %squeeze3A_23 = vector.shape_cast %slice3A_22 : vector<256x1x128xf32> to vector<256x128xf32>
    %transpose3A_24 = tpu.transpose %squeeze3A_23, [1, 0] : vector<256x128xf32> -> vector<128x256xf32>
    %swap3A_25 = arith.constant 512 : index
    %swap3A_26 = arith.constant 0 : index
    %swap3A_27 = vector.load %arg3[%swap3A_25, %swap3A_26] : memref<3200x256xf32, #tpu.memory_space<vmem>>, vector<128x256xf32>
    tpu.vector_store %arg3[%swap3A_25, %swap3A_26], %transpose3A_24 {strides = array<i32>} : memref<3200x256xf32, #tpu.memory_space<vmem>>, vector<128x256xf32>,
    %slice3A_28 = vector.extract_strided_slice %reshape3A {offsets = [0, 5, 0], sizes = [256, 1, 128], strides = [1, 1, 1]} : vector<256x25x128xf32> to vector<256x1x128xf32>
    %squeeze3A_29 = vector.shape_cast %slice3A_28 : vector<256x1x128xf32> to vector<256x128xf32>
    %transpose3A_30 = tpu.transpose %squeeze3A_29, [1, 0] : vector<256x128xf32> -> vector<128x256xf32>
    %swap3A_31 = arith.constant 640 : index
    %swap3A_32 = arith.constant 0 : index
    %swap3A_33 = vector.load %arg3[%swap3A_31, %swap3A_32] : memref<3200x256xf32, #tpu.memory_space<vmem>>, vector<128x256xf32>
    tpu.vector_store %arg3[%swap3A_31, %swap3A_32], %transpose3A_30 {strides = array<i32>} : memref<3200x256xf32, #tpu.memory_space<vmem>>, vector<128x256xf32>,
    %slice3A_34 = vector.extract_strided_slice %reshape3A {offsets = [0, 6, 0], sizes = [256, 1, 128], strides = [1, 1, 1]} : vector<256x25x128xf32> to vector<256x1x128xf32>
    %squeeze3A_35 = vector.shape_cast %slice3A_34 : vector<256x1x128xf32> to vector<256x128xf32>
    %transpose3A_36 = tpu.transpose %squeeze3A_35, [1, 0] : vector<256x128xf32> -> vector<128x256xf32>
    %swap3A_37 = arith.constant 768 : index
    %swap3A_38 = arith.constant 0 : index
    %swap3A_39 = vector.load %arg3[%swap3A_37, %swap3A_38] : memref<3200x256xf32, #tpu.memory_space<vmem>>, vector<128x256xf32>
    tpu.vector_store %arg3[%swap3A_37, %swap3A_38], %transpose3A_36 {strides = array<i32>} : memref<3200x256xf32, #tpu.memory_space<vmem>>, vector<128x256xf32>,
    %slice3A_40 = vector.extract_strided_slice %reshape3A {offsets = [0, 7, 0], sizes = [256, 1, 128], strides = [1, 1, 1]} : vector<256x25x128xf32> to vector<256x1x128xf32>
    %squeeze3A_41 = vector.shape_cast %slice3A_40 : vector<256x1x128xf32> to vector<256x128xf32>
    %transpose3A_42 = tpu.transpose %squeeze3A_41, [1, 0] : vector<256x128xf32> -> vector<128x256xf32>
    %swap3A_43 = arith.constant 896 : index
    %swap3A_44 = arith.constant 0 : index
    %swap3A_45 = vector.load %arg3[%swap3A_43, %swap3A_44] : memref<3200x256xf32, #tpu.memory_space<vmem>>, vector<128x256xf32>
    tpu.vector_store %arg3[%swap3A_43, %swap3A_44], %transpose3A_42 {strides = array<i32>} : memref<3200x256xf32, #tpu.memory_space<vmem>>, vector<128x256xf32>,
    %slice3A_46 = vector.extract_strided_slice %reshape3A {offsets = [0, 8, 0], sizes = [256, 1, 128], strides = [1, 1, 1]} : vector<256x25x128xf32> to vector<256x1x128xf32>
    %squeeze3A_47 = vector.shape_cast %slice3A_46 : vector<256x1x128xf32> to vector<256x128xf32>
    %transpose3A_48 = tpu.transpose %squeeze3A_47, [1, 0] : vector<256x128xf32> -> vector<128x256xf32>
    %swap3A_49 = arith.constant 1024 : index
    %swap3A_50 = arith.constant 0 : index
    %swap3A_51 = vector.load %arg3[%swap3A_49, %swap3A_50] : memref<3200x256xf32, #tpu.memory_space<vmem>>, vector<128x256xf32>
    tpu.vector_store %arg3[%swap3A_49, %swap3A_50], %transpose3A_48 {strides = array<i32>} : memref<3200x256xf32, #tpu.memory_space<vmem>>, vector<128x256xf32>,
    %slice3A_52 = vector.extract_strided_slice %reshape3A {offsets = [0, 9, 0], sizes = [256, 1, 128], strides = [1, 1, 1]} : vector<256x25x128xf32> to vector<256x1x128xf32>
    %squeeze3A_53 = vector.shape_cast %slice3A_52 : vector<256x1x128xf32> to vector<256x128xf32>
    %transpose3A_54 = tpu.transpose %squeeze3A_53, [1, 0] : vector<256x128xf32> -> vector<128x256xf32>
    %swap3A_55 = arith.constant 1152 : index
    %swap3A_56 = arith.constant 0 : index
    %swap3A_57 = vector.load %arg3[%swap3A_55, %swap3A_56] : memref<3200x256xf32, #tpu.memory_space<vmem>>, vector<128x256xf32>
    tpu.vector_store %arg3[%swap3A_55, %swap3A_56], %transpose3A_54 {strides = array<i32>} : memref<3200x256xf32, #tpu.memory_space<vmem>>, vector<128x256xf32>,
    %slice3A_58 = vector.extract_strided_slice %reshape3A {offsets = [0, 10, 0], sizes = [256, 1, 128], strides = [1, 1, 1]} : vector<256x25x128xf32> to vector<256x1x128xf32>
    %squeeze3A_59 = vector.shape_cast %slice3A_58 : vector<256x1x128xf32> to vector<256x128xf32>
    %transpose3A_60 = tpu.transpose %squeeze3A_59, [1, 0] : vector<256x128xf32> -> vector<128x256xf32>
    %swap3A_61 = arith.constant 1280 : index
    %swap3A_62 = arith.constant 0 : index
    %swap3A_63 = vector.load %arg3[%swap3A_61, %swap3A_62] : memref<3200x256xf32, #tpu.memory_space<vmem>>, vector<128x256xf32>
    tpu.vector_store %arg3[%swap3A_61, %swap3A_62], %transpose3A_60 {strides = array<i32>} : memref<3200x256xf32, #tpu.memory_space<vmem>>, vector<128x256xf32>,
    %slice3A_64 = vector.extract_strided_slice %reshape3A {offsets = [0, 11, 0], sizes = [256, 1, 128], strides = [1, 1, 1]} : vector<256x25x128xf32> to vector<256x1x128xf32>
    %squeeze3A_65 = vector.shape_cast %slice3A_64 : vector<256x1x128xf32> to vector<256x128xf32>
    %transpose3A_66 = tpu.transpose %squeeze3A_65, [1, 0] : vector<256x128xf32> -> vector<128x256xf32>
    %swap3A_67 = arith.constant 1408 : index
    %swap3A_68 = arith.constant 0 : index
    %swap3A_69 = vector.load %arg3[%swap3A_67, %swap3A_68] : memref<3200x256xf32, #tpu.memory_space<vmem>>, vector<128x256xf32>
    tpu.vector_store %arg3[%swap3A_67, %swap3A_68], %transpose3A_66 {strides = array<i32>} : memref<3200x256xf32, #tpu.memory_space<vmem>>, vector<128x256xf32>,
    %slice3A_70 = vector.extract_strided_slice %reshape3A {offsets = [0, 12, 0], sizes = [256, 1, 128], strides = [1, 1, 1]} : vector<256x25x128xf32> to vector<256x1x128xf32>
    %squeeze3A_71 = vector.shape_cast %slice3A_70 : vector<256x1x128xf32> to vector<256x128xf32>
    %transpose3A_72 = tpu.transpose %squeeze3A_71, [1, 0] : vector<256x128xf32> -> vector<128x256xf32>
    %swap3A_73 = arith.constant 1536 : index
    %swap3A_74 = arith.constant 0 : index
    %swap3A_75 = vector.load %arg3[%swap3A_73, %swap3A_74] : memref<3200x256xf32, #tpu.memory_space<vmem>>, vector<128x256xf32>
    tpu.vector_store %arg3[%swap3A_73, %swap3A_74], %transpose3A_72 {strides = array<i32>} : memref<3200x256xf32, #tpu.memory_space<vmem>>, vector<128x256xf32>,
    %slice3A_76 = vector.extract_strided_slice %reshape3A {offsets = [0, 13, 0], sizes = [256, 1, 128], strides = [1, 1, 1]} : vector<256x25x128xf32> to vector<256x1x128xf32>
    %squeeze3A_77 = vector.shape_cast %slice3A_76 : vector<256x1x128xf32> to vector<256x128xf32>
    %transpose3A_78 = tpu.transpose %squeeze3A_77, [1, 0] : vector<256x128xf32> -> vector<128x256xf32>
    %swap3A_79 = arith.constant 1664 : index
    %swap3A_80 = arith.constant 0 : index
    %swap3A_81 = vector.load %arg3[%swap3A_79, %swap3A_80] : memref<3200x256xf32, #tpu.memory_space<vmem>>, vector<128x256xf32>
    tpu.vector_store %arg3[%swap3A_79, %swap3A_80], %transpose3A_78 {strides = array<i32>} : memref<3200x256xf32, #tpu.memory_space<vmem>>, vector<128x256xf32>,
    %slice3A_82 = vector.extract_strided_slice %reshape3A {offsets = [0, 14, 0], sizes = [256, 1, 128], strides = [1, 1, 1]} : vector<256x25x128xf32> to vector<256x1x128xf32>
    %squeeze3A_83 = vector.shape_cast %slice3A_82 : vector<256x1x128xf32> to vector<256x128xf32>
    %transpose3A_84 = tpu.transpose %squeeze3A_83, [1, 0] : vector<256x128xf32> -> vector<128x256xf32>
    %swap3A_85 = arith.constant 1792 : index
    %swap3A_86 = arith.constant 0 : index
    %swap3A_87 = vector.load %arg3[%swap3A_85, %swap3A_86] : memref<3200x256xf32, #tpu.memory_space<vmem>>, vector<128x256xf32>
    tpu.vector_store %arg3[%swap3A_85, %swap3A_86], %transpose3A_84 {strides = array<i32>} : memref<3200x256xf32, #tpu.memory_space<vmem>>, vector<128x256xf32>,
    %slice3A_88 = vector.extract_strided_slice %reshape3A {offsets = [0, 15, 0], sizes = [256, 1, 128], strides = [1, 1, 1]} : vector<256x25x128xf32> to vector<256x1x128xf32>
    %squeeze3A_89 = vector.shape_cast %slice3A_88 : vector<256x1x128xf32> to vector<256x128xf32>
    %transpose3A_90 = tpu.transpose %squeeze3A_89, [1, 0] : vector<256x128xf32> -> vector<128x256xf32>
    %swap3A_91 = arith.constant 1920 : index
    %swap3A_92 = arith.constant 0 : index
    %swap3A_93 = vector.load %arg3[%swap3A_91, %swap3A_92] : memref<3200x256xf32, #tpu.memory_space<vmem>>, vector<128x256xf32>
    tpu.vector_store %arg3[%swap3A_91, %swap3A_92], %transpose3A_90 {strides = array<i32>} : memref<3200x256xf32, #tpu.memory_space<vmem>>, vector<128x256xf32>,
    %slice3A_94 = vector.extract_strided_slice %reshape3A {offsets = [0, 16, 0], sizes = [256, 1, 128], strides = [1, 1, 1]} : vector<256x25x128xf32> to vector<256x1x128xf32>
    %squeeze3A_95 = vector.shape_cast %slice3A_94 : vector<256x1x128xf32> to vector<256x128xf32>
    %transpose3A_96 = tpu.transpose %squeeze3A_95, [1, 0] : vector<256x128xf32> -> vector<128x256xf32>
    %swap3A_97 = arith.constant 2048 : index
    %swap3A_98 = arith.constant 0 : index
    %swap3A_99 = vector.load %arg3[%swap3A_97, %swap3A_98] : memref<3200x256xf32, #tpu.memory_space<vmem>>, vector<128x256xf32>
    tpu.vector_store %arg3[%swap3A_97, %swap3A_98], %transpose3A_96 {strides = array<i32>} : memref<3200x256xf32, #tpu.memory_space<vmem>>, vector<128x256xf32>,
    %slice3A_100 = vector.extract_strided_slice %reshape3A {offsets = [0, 17, 0], sizes = [256, 1, 128], strides = [1, 1, 1]} : vector<256x25x128xf32> to vector<256x1x128xf32>
    %squeeze3A_101 = vector.shape_cast %slice3A_100 : vector<256x1x128xf32> to vector<256x128xf32>
    %transpose3A_102 = tpu.transpose %squeeze3A_101, [1, 0] : vector<256x128xf32> -> vector<128x256xf32>
    %swap3A_103 = arith.constant 2176 : index
    %swap3A_104 = arith.constant 0 : index
    %swap3A_105 = vector.load %arg3[%swap3A_103, %swap3A_104] : memref<3200x256xf32, #tpu.memory_space<vmem>>, vector<128x256xf32>
    tpu.vector_store %arg3[%swap3A_103, %swap3A_104], %transpose3A_102 {strides = array<i32>} : memref<3200x256xf32, #tpu.memory_space<vmem>>, vector<128x256xf32>,
    %slice3A_106 = vector.extract_strided_slice %reshape3A {offsets = [0, 18, 0], sizes = [256, 1, 128], strides = [1, 1, 1]} : vector<256x25x128xf32> to vector<256x1x128xf32>
    %squeeze3A_107 = vector.shape_cast %slice3A_106 : vector<256x1x128xf32> to vector<256x128xf32>
    %transpose3A_108 = tpu.transpose %squeeze3A_107, [1, 0] : vector<256x128xf32> -> vector<128x256xf32>
    %swap3A_109 = arith.constant 2304 : index
    %swap3A_110 = arith.constant 0 : index
    %swap3A_111 = vector.load %arg3[%swap3A_109, %swap3A_110] : memref<3200x256xf32, #tpu.memory_space<vmem>>, vector<128x256xf32>
    tpu.vector_store %arg3[%swap3A_109, %swap3A_110], %transpose3A_108 {strides = array<i32>} : memref<3200x256xf32, #tpu.memory_space<vmem>>, vector<128x256xf32>,
    %slice3A_112 = vector.extract_strided_slice %reshape3A {offsets = [0, 19, 0], sizes = [256, 1, 128], strides = [1, 1, 1]} : vector<256x25x128xf32> to vector<256x1x128xf32>
    %squeeze3A_113 = vector.shape_cast %slice3A_112 : vector<256x1x128xf32> to vector<256x128xf32>
    %transpose3A_114 = tpu.transpose %squeeze3A_113, [1, 0] : vector<256x128xf32> -> vector<128x256xf32>
    %swap3A_115 = arith.constant 2432 : index
    %swap3A_116 = arith.constant 0 : index
    %swap3A_117 = vector.load %arg3[%swap3A_115, %swap3A_116] : memref<3200x256xf32, #tpu.memory_space<vmem>>, vector<128x256xf32>
    tpu.vector_store %arg3[%swap3A_115, %swap3A_116], %transpose3A_114 {strides = array<i32>} : memref<3200x256xf32, #tpu.memory_space<vmem>>, vector<128x256xf32>,
    %slice3A_118 = vector.extract_strided_slice %reshape3A {offsets = [0, 20, 0], sizes = [256, 1, 128], strides = [1, 1, 1]} : vector<256x25x128xf32> to vector<256x1x128xf32>
    %squeeze3A_119 = vector.shape_cast %slice3A_118 : vector<256x1x128xf32> to vector<256x128xf32>
    %transpose3A_120 = tpu.transpose %squeeze3A_119, [1, 0] : vector<256x128xf32> -> vector<128x256xf32>
    %swap3A_121 = arith.constant 2560 : index
    %swap3A_122 = arith.constant 0 : index
    %swap3A_123 = vector.load %arg3[%swap3A_121, %swap3A_122] : memref<3200x256xf32, #tpu.memory_space<vmem>>, vector<128x256xf32>
    tpu.vector_store %arg3[%swap3A_121, %swap3A_122], %transpose3A_120 {strides = array<i32>} : memref<3200x256xf32, #tpu.memory_space<vmem>>, vector<128x256xf32>,
    %slice3A_124 = vector.extract_strided_slice %reshape3A {offsets = [0, 21, 0], sizes = [256, 1, 128], strides = [1, 1, 1]} : vector<256x25x128xf32> to vector<256x1x128xf32>
    %squeeze3A_125 = vector.shape_cast %slice3A_124 : vector<256x1x128xf32> to vector<256x128xf32>
    %transpose3A_126 = tpu.transpose %squeeze3A_125, [1, 0] : vector<256x128xf32> -> vector<128x256xf32>
    %swap3A_127 = arith.constant 2688 : index
    %swap3A_128 = arith.constant 0 : index
    %swap3A_129 = vector.load %arg3[%swap3A_127, %swap3A_128] : memref<3200x256xf32, #tpu.memory_space<vmem>>, vector<128x256xf32>
    tpu.vector_store %arg3[%swap3A_127, %swap3A_128], %transpose3A_126 {strides = array<i32>} : memref<3200x256xf32, #tpu.memory_space<vmem>>, vector<128x256xf32>,
    %slice3A_130 = vector.extract_strided_slice %reshape3A {offsets = [0, 22, 0], sizes = [256, 1, 128], strides = [1, 1, 1]} : vector<256x25x128xf32> to vector<256x1x128xf32>
    %squeeze3A_131 = vector.shape_cast %slice3A_130 : vector<256x1x128xf32> to vector<256x128xf32>
    %transpose3A_132 = tpu.transpose %squeeze3A_131, [1, 0] : vector<256x128xf32> -> vector<128x256xf32>
    %swap3A_133 = arith.constant 2816 : index
    %swap3A_134 = arith.constant 0 : index
    %swap3A_135 = vector.load %arg3[%swap3A_133, %swap3A_134] : memref<3200x256xf32, #tpu.memory_space<vmem>>, vector<128x256xf32>
    tpu.vector_store %arg3[%swap3A_133, %swap3A_134], %transpose3A_132 {strides = array<i32>} : memref<3200x256xf32, #tpu.memory_space<vmem>>, vector<128x256xf32>,
    %slice3A_136 = vector.extract_strided_slice %reshape3A {offsets = [0, 23, 0], sizes = [256, 1, 128], strides = [1, 1, 1]} : vector<256x25x128xf32> to vector<256x1x128xf32>
    %squeeze3A_137 = vector.shape_cast %slice3A_136 : vector<256x1x128xf32> to vector<256x128xf32>
    %transpose3A_138 = tpu.transpose %squeeze3A_137, [1, 0] : vector<256x128xf32> -> vector<128x256xf32>
    %swap3A_139 = arith.constant 2944 : index
    %swap3A_140 = arith.constant 0 : index
    %swap3A_141 = vector.load %arg3[%swap3A_139, %swap3A_140] : memref<3200x256xf32, #tpu.memory_space<vmem>>, vector<128x256xf32>
    tpu.vector_store %arg3[%swap3A_139, %swap3A_140], %transpose3A_138 {strides = array<i32>} : memref<3200x256xf32, #tpu.memory_space<vmem>>, vector<128x256xf32>,
    %slice3A_142 = vector.extract_strided_slice %reshape3A {offsets = [0, 24, 0], sizes = [256, 1, 128], strides = [1, 1, 1]} : vector<256x25x128xf32> to vector<256x1x128xf32>
    %squeeze3A_143 = vector.shape_cast %slice3A_142 : vector<256x1x128xf32> to vector<256x128xf32>
    %transpose3A_144 = tpu.transpose %squeeze3A_143, [1, 0] : vector<256x128xf32> -> vector<128x256xf32>
    %swap3A_145 = arith.constant 3072 : index
    %swap3A_146 = arith.constant 0 : index
    %swap3A_147 = vector.load %arg3[%swap3A_145, %swap3A_146] : memref<3200x256xf32, #tpu.memory_space<vmem>>, vector<128x256xf32>
    tpu.vector_store %arg3[%swap3A_145, %swap3A_146], %transpose3A_144 {strides = array<i32>} : memref<3200x256xf32, #tpu.memory_space<vmem>>, vector<128x256xf32>,
    return
  }
  func.func @transform_0(%arg0: i32) -> (i32, i32) {
    %c0_i32 = arith.constant 0 : i32
    %c0_i32_0 = arith.constant 0 : i32
    return %arg0, %c0_i32 : i32, i32
  }
  func.func @transform_2(%arg0: i32) -> (i32, i32) {
    %add3A = arith.constant 32 : i32
    %add3A_0 = arith.addi %arg0, %add3A : i32
    %c0_i32 = arith.constant 0 : i32
    %c0_i32_1 = arith.constant 0 : i32
    return %c0_i32, %add3A_0 : i32, i32
  }
}

</mosaic_0001>

<sc_bundles>
// kernel: kernel.12.cloned.1.call-start
scs
__scs_entry_jumppad:
0x0: {  	(pc) =	sbr.rel $0x88, $3  }
0x1: {  	(tag) =	ssettag $0x0;
	lr =	simm.s32 $0x1  }
0x2: {  	[smem:$0x3F9F] =	sst lr;
	_ =	strace $0xD0000000  }
0x3: {  	_ = 	snop  }
0x4: {  	_ = 	snop  }
0x5: {  	_ = 	snop  }
0x6: {  	_ = 	snop  }
0x7: {  	_ = 	snop  }
__scs_overlays_trampoline_lowered:
0x8: {  	[smem:$0x3FAE] =	sst s0  }
0x9: {  	[smem:$0x3FAF] =	sst s1  }
0xa: {  	[smem:$0x3FB0] =	sst s2  }
0xb: {  	[smem:$0x3FB1] =	sst s3  }
0xc: {  	[smem:$0x3FB2] =	sst s4  }
0xd: {  	[smem:$0x3FB3] =	sst s5  }
0xe: {  	[smem:$0x3FB4] =	sst s6  }
0xf: {  	[smem:$0x3FB5] =	sst s7  }
0x10: {  	[smem:$0x3FB6] =	sst s8  }
0x11: {  	[smem:$0x3FB7] =	sst s9;
	s0 =	simm.s32 @!p0 $0x0  }
0x12: {  	s1 =	sld [smem:$0x3F9D];
	s0 =	simm.s32 @p0 $0x1  }
0x13: {  	[smem:$0x3FB8] =	sst s0;
	s0 =	simm.s32 @!p1 $0x0  }
0x14: {  	s2 =	sld [smem:$0x3F9C];
	s0 =	simm.s32 @p1 $0x1  }
0x15: {  	[smem:$0x3FB9] =	sst s0;
	s0 =	simm.s32 @!p2 $0x0  }
0x16: {  	s3 =	sld [smem:$0x3FDB];
	s0 =	simm.s32 @p2 $0x1  }
0x17: {  	s4 =	simm.s32 $0x1BF5;
	[smem:$0x3FBB] =	sst s0  }
0x18: {  	s0 =	sld [smem:$0x3F9E];
	_ =	swait.ge [sflag:s4], $0x0  }
0x19: {  	s7 =	sld [smem:$0x3F9F]  }
0x1a: {  	s8 =	sadd.s32 $0xFFFFE003, lr  }
0x1b: {  	s9 =	sadd.s32 $0xFFFFFEF7, lr;
	s5 =	simm.s32 $0xFFFFFFFF;
	p2 =	slt.u32 s8, $0xFFFFF086  }
0x1c: {  	p1 =	slt.u32 s9, $0xF7A;
	s5 =	simm.s32 @!p2 $0x0  }
0x1d: {  	s5 =	simm.s32 @p1 $0x1;
	p0 =	seq.s32 s7, s2  }
0x1e: {  	s7 =	smul.u32 @!p0 $0xF7A, s2;
	p2 =	seq.s32 @!p0 s5, $0x0  }
0x1f: {  	s9 =	smul.u32 $0xF7A, s1;
	s8 =	simm.s32 @!p0 $0x1BF5;
	p2 =	por !p2, p0  }
0x20: {  	[sflag:s8] =	ssyncset.s32 @!p0 $0xFFFFF086;
	s6 =	sadd.s32 @!p0 s3, s7;
	s7 =	simm.s32 @!p0 $0x108  }
0x21: {  	s3 =	sadd.s32 s3, s9;
	s6 =	sadd.s32 @!p0 $0x88, s6;
	s7 =	simm.s32 @p2 $0x1082  }
0x22: {  	[simem:s7], [sflag:s8] =	dma.local @!p0 [hbm:s6], $0xF7A  }
0x23: {  	s9 =	sor.u32 $0xD0000000, s2;
	s6 =	simm.s32 $0x108;
	_ =	swait.ge @!p0 [sflag:s8], $0x0  }
0x24: {  	s3 =	sadd.s32 $0x88, s3;
	s6 =	simm.s32 @!p1 $0x1082;
	[sflag:s4] =	ssyncset.s32 $0xFFFFF086  }
0x25: {  	[simem:s6], [sflag:s4] =	dma.local [hbm:s3], $0xF7A  }
0x26: {  	[smem:$0x3F9F] =	sst s1;
	(tag) =	ssettag s2;
	_ =	strace s9  }
0x27: {  	s1 =	sld [smem:$0x3FAF]  }
0x28: {  	s2 =	sld [smem:$0x3FB0]  }
0x29: {  	s4 =	sld [smem:$0x3FB2]  }
0x2a: {  	p0 =	seq.s32 s5, $0x0;
	s5 =	sld [smem:$0x3FB3]  }
0x2b: {  	s6 =	sld [smem:$0x3FB4]  }
0x2c: {  	s7 =	sld [smem:$0x3FB5]  }
0x2d: {  	s3 =	simm.s32 $0x108;
	s8 =	sld [smem:$0x3FB6]  }
0x2e: {  	s3 =	simm.s32 @!p0 $0x1082;
	s9 =	sld [smem:$0x3FB7]  }
0x2f: {  	lr =	sadd.s32 s0, s3;
	s0 =	sld [smem:$0x3FAE]  }
0x30: {  	s3 =	sld [smem:$0x3FB1]  }
0x31: {  	[smem:$0x3FBA] =	sst s10  }
0x32: {  	s10 =	sld [smem:$0x3FB8];
	_ =	sdelay $0x3  }
0x33: {  	p0 =	seq.s32 s10, $0x1;
	s10 =	sld [smem:$0x3FBA];
	_ =	sdelay $0x3  }
0x34: {  	[smem:$0x3FBA] =	sst s10  }
0x35: {  	s10 =	sld [smem:$0x3FB9];
	_ =	sdelay $0x3  }
0x36: {  	p1 =	seq.s32 s10, $0x1;
	s10 =	sld [smem:$0x3FBA];
	_ =	sdelay $0x3  }
0x37: {  	[smem:$0x3FBA] =	sst s10  }
0x38: {  	s10 =	sld [smem:$0x3FBB]  }
0x39: {  	_ = 	snop;
	(pc) =	sbr.ind lr, $3  }
0x3a: {  	_ = 	snop  }
0x3b: {  	_ = 	snop  }
0x3c: {  	p2 =	seq.s32 s10, $0x1;
	s10 =	sld [smem:$0x3FBA]  }
0x3d: {  	_ =	shalt  }
0x3e: {  	_ =	shalt  }
0x3f: {  	_ =	shalt  }
0x40: {  	_ =	shalt  }
0x41: {  	_ =	shalt  }
0x42: {  	_ =	shalt  }
0x43: {  	_ =	shalt  }
0x44: {  	_ =	shalt  }
0x45: {  	_ =	shalt  }
0x46: {  	_ =	shalt  }
0x47: {  	_ =	shalt  }
0x48: {  	_ =	shalt  }
0x49: {  	_ =	shalt  }
0x4a: {  	_ =	shalt  }
0x4b: {  	_ =	shalt  }
0x4c: {  	_ =	shalt  }
0x4d: {  	_ =	shalt  }
0x4e: {  	_ =	shalt  }
0x4f: {  	_ =	shalt  }
0x50: {  	_ =	shalt  }
0x51: {  	_ =	shalt  }
0x52: {  	_ =	shalt  }
0x53: {  	_ =	shalt  }
0x54: {  	_ =	shalt  }
0x55: {  	_ =	shalt  }
0x56: {  	_ =	shalt  }
0x57: {  	_ =	shalt  }
0x58: {  	_ =	shalt  }
0x59: {  	_ =	shalt  }
0x5a: {  	_ =	shalt  }
0x5b: {  	_ =	shalt  }
0x5c: {  	_ =	shalt  }
0x5d: {  	_ =	shalt  }
0x5e: {  	_ =	shalt  }
0x5f: {  	_ =	shalt  }
0x60: {  	_ =	shalt  }
0x61: {  	_ =	shalt  }
0x62: {  	_ =	shalt  }
0x63: {  	_ =	shalt  }
0x64: {  	_ =	shalt  }
0x65: {  	_ =	shalt  }
0x66: {  	_ =	shalt  }
0x67: {  	_ =	shalt  }
0x68: {  	_ =	shalt  }
0x69: {  	_ =	shalt  }
0x6a: {  	_ =	shalt  }
0x6b: {  	_ =	shalt  }
0x6c: {  	_ =	shalt  }
0x6d: {  	_ =	shalt  }
0x6e: {  	_ =	shalt  }
0x6f: {  	_ =	shalt  }
0x70: {  	_ =	shalt  }
0x71: {  	_ =	shalt  }
0x72: {  	_ =	shalt  }
0x73: {  	_ =	shalt  }
0x74: {  	_ =	shalt  }
0x75: {  	_ =	shalt  }
0x76: {  	_ =	shalt  }
0x77: {  	_ =	shalt  }
0x78: {  	_ =	shalt  }
0x79: {  	_ =	shalt  }
0x7a: {  	_ =	shalt  }
0x7b: {  	_ =	shalt  }
0x7c: {  	_ =	shalt  }
0x7d: {  	_ =	shalt  }
0x7e: {  	_ =	shalt  }
0x7f: {  	_ =	shalt  }
0x80: {  	_ =	shalt  }
0x81: {  	_ =	shalt  }
0x82: {  	_ =	shalt  }
0x83: {  	_ =	shalt  }
0x84: {  	_ =	shalt  }
0x85: {  	_ =	shalt  }
0x86: {  	_ =	shalt  }
0x87: {  	_ =	shalt  }
.Lfunc_end0:
.L_simem_size_0:
called_computation.1_lowered:
.L_overlay_start_0:
0x88: {  	s2 =	sld [smem:$0x3FD9]  }
0x89: {  	s3 =	sld [smem:$0x3FFE];
	_ =	sdelay $0x1  }
0x8a: {  	s1 =	srdreg.scid  }
0x8b: {  	s0 =	sand.u32 $0x1, s1  }
0x8c: {  	s17 =	sshll.u32 s0, $0xA;
	s2 =	sadd.s32 s3, s2  }
0x8d: {  	s2 =	sadd.s32 s2, s17  }
0x8e: {  	[smem:$0x3FC6] =	sst s2  }
0x8f: {  	_ = 	snop  }
0x90: {  	(tm) =	ssettm $0x1  }
0x91: {  	s18 =	sld [smem:$0x3FFB];
	_ =	sdelay $0x3  }
0x92: {  	_ =	strace s18  }
0x93: {  	s2 =	sld [smem:$0x3FFC];
	_ =	sdelay $0x3  }
0x94: {  	_ =	strace s2  }
0x95: {  	s2 =	sld [smem:$0x3FFD];
	_ =	sdelay $0x3  }
0x96: {  	_ =	strace s2  }
0x97: {  	_ =	strace $0x8FFFFFFF  }
0x98: {  	s19 =	sld [smem:$0x3FDB];
	_ =	sdelay $0x1  }
0x99: {  	s20 =	simm.s32 $_scs_section_size  }
0x9a: {  	s4 =	simm.s32 $_size__tile_overlayer_lowered;
	s5 =	simm.s32 $_tile_overlayer_lowered  }
0x9b: {  	s6 =	simm.s32 $0x1BFF;
	s21 =	sshll.u32 s5, $0x1;
	s3 =	sadd.s32 s20, s19  }
0x9c: {  	s22 =	simm.s32 $0x0;
	s4 =	sshll.u32 s4, $0x1;
	s5 =	sadd.s32 s21, s3  }
0x9d: {  	[timem:s22], [sflag:s6] =	dma.local [hbm:s5], s4  }
0x9e: {  	_ =	swait.ge [sflag:s6], s4  }
0x9f: {  	s4 =	ssub.s32 $0x0, s4;
	[sflag:s6] =	ssyncset.done $0x0  }
0xa0: {  	[sflag:s6] =	ssyncadd.s32 s4;
	_ =	sdelay $0x1  }
0xa1: {  	s23 =	simm.s32 $0x1B8B  }
0xa2: {  	_ =	swait.ge [sflag:s23], $0x1  }
0xa3: {  	[sflag:s23] =	ssyncset.done $0x0  }
0xa4: {  	[sflag:s23] =	ssyncadd.s32 $0xFFFFFFFF  }
0xa5: {  	s4 =	sld [smem:$0x0]  }
0xa6: {  	s5 =	sand.u32 $0xFFFFFFFE, s1  }
0xa7: {  	p0 =	sne.s32 s1, s5  }
0xa8: {  	s5 =	sshll.u32 @p0 s5, $0xE  }
0xa9: {  	s5 =	sadd.s32 @p0 $0x11B8D, s5;
	s6 =	sshll.u32 @p0 s4, $0x11  }
0xaa: {  	s5 =	sor.u32 @p0 s6, s5  }
0xab: {  	[sflag:s5] =	ssyncadd.remote.s32 @p0 $0x1;
	_ =	sdelay $0x1  }
0xac: {  	s5 =	simm.s32 @p0 $0x1B8D  }
0xad: {  	_ =	swait.eq @p0 [sflag:s5], $0x1  }
0xae: {  	[sflag:s5] =	ssyncadd.s32 @p0 $0xFFFFFFFF  }
0xaf: {  	s6 =	sshll.u32 @!p0 s1, $0xE  }
0xb0: {  	s6 =	sor.u32 @!p0 $0x4000, s6;
	s5 =	simm.s32 @!p0 $0x1B8D  }
0xb1: {  	s4 =	sshll.u32 @!p0 s4, $0x11;
	s6 =	sadd.s32 @!p0 $0x11B8D, s6;
	_ =	swait.eq @!p0 [sflag:s5], $0x1  }
0xb2: {  	s4 =	sor.u32 @!p0 s4, s6;
	[sflag:s5] =	ssyncadd.s32 @!p0 $0xFFFFFFFF  }
0xb3: {  	s25 =	simm.s32 $0x1B8E;
	s24 =	sld [smem:$0x3FFE];
	[sflag:s4] =	ssyncadd.remote.s32 @!p0 $0x1  }
0xb4: {  	s26 =	simm.s32 $execute0_lowered;
	[smem:$0x3FD2] =	sst s25  }
0xb5: {  	s5 =	sshll.u32 s26, $0x1;
	_ =	strace $0x80000049;
	[dreg:$0x1] =	wrdreg $0xFFFFFFFF  }
0xb6: {  	s28 =	simm.s32 $_size_execute0_lowered;
	s3 =	sadd.s32 s3, s5;
	[dreg:$0x0] =	wrdreg $0x0  }
0xb7: {  	s5 =	sshll.u32 s28, $0x1;
	[dreg:$0x2] =	wrdreg s3  }
0xb8: {  	[dreg:$0x3] =	wrdreg s5  }
0xb9: {  	[dreg:$0x4] =	wrdreg $0xC0  }
0xba: {  	_ =	task [dreg:s22], $0x5FFFF  }
0xbb: {  	[dreg:$0x1] =	wrdreg $0xFFFFFFFF  }
0xbc: {  	[dreg:$0x0] =	wrdreg $0x60  }
0xbd: {  	[dreg:$0x2] =	wrdreg s24  }
0xbe: {  	[dreg:$0x3] =	wrdreg $0xA  }
0xbf: {  	_ =	task.clear_ibuf [dreg:s22], $0x4FFFF;
	_ =	strace $0x90000049  }
0xc0: {  	s29 =	simm.s32 $0xA;
	_ =	strace $0x8000004B  }
0xc1: {  	_ =	swait.ge [sflag:s29], $0x1  }
0xc2: {  	[sflag:s29] =	ssyncadd.s32 $0xFFFFFFFF  }
0xc3: {  	_ =	strace $0x9000004B  }
0xc4: {  	_ =	sfence  }
0xc5: {  	s30 =	sld [smem:$0x0];
	_ =	sdelay $0x2  }
0xc6: {  	s31 =	sshll.u32 s1, $0xD;
	s1 =	sshrl.u32 s1, $0x2  }
0xc7: {  	s4 =	sand.u32 $0x4000, s31;
	s1 =	sadd.s32 s1, s30  }
0xc8: {  	s0 =	sor.u32 s4, s0;
	s1 =	sshll.u32 s1, $0x11  }
0xc9: {  	s0 =	sor.u32 s1, s0  }
0xca: {  	s0 =	sadd.s32 $0x8F2B, s0  }
0xcb: {  	[sflag:s0] =	ssyncadd.remote.s32 $0x1  }
0xcc: {  	_ =	sfence.sel $0xFFFF  }
0xcd: {  	[dreg:$0x0] =	wrdreg $0xFFFFFFFF;
	(pc) =	sbr.abs _section_cstart, $3  }
0xce: {  	[dreg:$0x1] =	wrdreg $0xFFFFFFFF  }
0xcf: {  	_ =	task.clear_ibuf [dreg:s22], $0x2FFFF;
	_ =	strace $0x9FFFFFFF  }
0xd0: {  	(tm) =	ssettm $0x7FFFFFFF  }
0xd1: {  	_ =	shalt  }
tec
execute0_lowered:
.L_overlay_start_1:
0x0: {  	(tag) =	ssettag $0x1  }
0x1: {  	s0 =	srdreg.scid;
	s1 =	rddreg [dreg:$0x0]  }
0x2: {  	s9 =	stileid.u32;
	s2 =	simm.s32 $0x0;
	s11 =	simm.s32 $0x5  }
0x3: {  	s12 =	simm.s32 $0x80;
	s13 =	simm.s32 $0x2580;
	s14 =	simm.s32 $0x4580  }
0x4: {  	s16 =	simm.s32 $0x6580;
	s18 =	simm.s32 $0x8580;
	s20 =	simm.s32 $0xA580  }
0x5: {  	s22 =	simm.s32 $0xC580;
	s29 =	simm.s32 $0x12580;
	s31 =	simm.s32 $0x14580  }
0x6: {  	s15 =	simm.s32 $0x2;
	s17 =	simm.s32 $0x4;
	s0 =	sand.u32 $0x1, s0  }
0x7: {  	s3 =	sshll.u32 s0, $0x4;
	s6 =	ssub.s32 $0x2, s0;
	s0 =	smul.u32 $0x25800, s0  }
0x8: {  	s30 =	simm.s32 $0x0;
	s4 =	sor.u32 s9, s3;
	s9 =	smul.u32 $0x2580, s9  }
0x9: {  	[smem:$0x7FF] =	sst s2;
	s8 =	sshrl.u32 s6, $0x1;
	s3 =	smul.u32 $0x2580, s4  }
0xa: {  	_ =	strace $0x8000004A;
	s5 =	smul.u32 $0x96000, s4;
	s8 =	ssub.s32 s6, s8  }
0xb: {  	s24 =	smul.u32 $0x12C00, s4;
	s0 =	sadd.s32 s9, s0;
	s8 =	smax.u32 s8, $0x1  }
0xc: {  	s3 =	sshrl.u32 s3, $0x3;
	s5 =	sshrl.u32 s5, $0x3;
	s0 =	sshll.u32 s0, $0x3  }
0xd: {  	s7 =	sadd.s32 s3, s1;
	s3 =	sadd.s32 $0x4800, s1;
	s1 =	sadd.s32 $0x87DE00, s1  }
0xe: {  	s28 =	sadd.s32 $0x20001400, s0;
	s25 =	sadd.s32 $0x874800, s7;
	s26 =	sadd.s32 s1, s5  }
0xf: {  	s5 =	sadd.s32 s1, s24;
	s9 =	sand.u32 $0x7FFC00, s28;
	s0 =	sadd.s32 s1, s0  }
0x10: {  	s24 =	simm.s32 $0xE580;
	[dreg:$0x2] =	wrdreg s25;
	s6 =	sadd.s32 $0x10400, s26  }
0x11: {  	s7 =	sadd.s32 $0x11800, s26;
	s9 =	sadd.s32 s9, s1;
	s25 =	sadd.s32 $0x2800, s0  }
0x12: {  	s26 =	simm.s32 $0x10580;
	s0 =	simm.s32 $0x1;
	s1 =	simm.s32 $0x3  }
.LBB2_1:
0x13: {  	s4 =	rddreg [dreg:$0x2]  }
0x14: {  	[tilespmem:s2], [sflag:$0x5] =	stream.linear.gather [hbm4b:s4+s2], $0x2580, $0x38;
	[tilespmem:$0x16580] =	vst v63  }
0x15: {  	_ =	swait.ge [sflag:s11], $0x2580  }
0x16: {  	[sflag:s11] =	ssyncset.done $0x0  }
0x17: {  	[sflag:s11] =	ssyncadd.s32 $0xFFFFDA80  }
0x18: {  	[tilespmem:s13], [sflag:$0x1] =	stream.indirect.gather [hbm4b:s3+s12], $0x40, s2, s12, $0xb8;
	[tilespmem:$0x16580] =	vst v63  }
0x19: {  	_ = 	snop  }
0x1a: {  	[tilespmem:s14], [sflag:$0x1] =	stream.indirect.gather [hbm4b:s3+s12], $0x40, s12, s12, $0xb8;
	[tilespmem:$0x16580] =	vst v63  }
0x1b: {  	s23 =	simm.s32 $0x100  }
0x1c: {  	[tilespmem:s16], [sflag:$0x1] =	stream.indirect.gather [hbm4b:s3+s12], $0x40, s23, s12, $0xb8;
	[tilespmem:$0x16580] =	vst v63  }
0x1d: {  	s28 =	simm.s32 $0x180  }
0x1e: {  	[tilespmem:s18], [sflag:$0x1] =	stream.indirect.gather [hbm4b:s3+s12], $0x40, s28, s12, $0xb8;
	[tilespmem:$0x16580] =	vst v63  }
0x1f: {  	s10 =	simm.s32 $0x200  }
0x20: {  	[tilespmem:s20], [sflag:$0x1] =	stream.indirect.gather [hbm4b:s3+s12], $0x40, s10, s12, $0xb8;
	[tilespmem:$0x16580] =	vst v63  }
0x21: {  	s19 =	simm.s32 $0x280  }
0x22: {  	[tilespmem:s22], [sflag:$0x2] =	stream.indirect.gather [hbm4b:s3+s12], $0x40, s19, s12, $0xb8;
	[tilespmem:$0x16580] =	vst v63  }
0x23: {  	s21 =	simm.s32 $0x300  }
0x24: {  	[tilespmem:s24], [sflag:$0x2] =	stream.indirect.gather [hbm4b:s3+s12], $0x40, s21, s12, $0xb8;
	[tilespmem:$0x16580] =	vst v63  }
0x25: {  	s23 =	simm.s32 $0x380  }
0x26: {  	[tilespmem:s26], [sflag:$0x2] =	stream.indirect.gather [hbm4b:s3+s12], $0x40, s23, s12, $0xb8;
	[tilespmem:$0x16580] =	vst v63  }
0x27: {  	s28 =	simm.s32 $0x400  }
0x28: {  	[tilespmem:s29], [sflag:$0x2] =	stream.indirect.gather [hbm4b:s3+s12], $0x40, s28, s12, $0xb8;
	[tilespmem:$0x16580] =	vst v63  }
0x29: {  	s10 =	simm.s32 $0x480  }
0x2a: {  	[tilespmem:s31], [sflag:$0x2] =	stream.indirect.gather [hbm4b:s3+s12], $0x40, s10, s12, $0xb8;
	[tilespmem:$0x16580] =	vst v63  }
0x2b: {  	_ =	swait.ge [sflag:s0], $0x2000  }
0x2c: {  	[sflag:s0] =	ssyncset.done $0x0  }
0x2d: {  	[sflag:s0] =	ssyncadd.s32 $0xFFFFE000  }
0x2e: {  	_ =	swait.ge [sflag:s0], $0x2000  }
0x2f: {  	[sflag:s0] =	ssyncset.done $0x0  }
0x30: {  	[sflag:s0] =	ssyncadd.s32 $0xFFFFE000  }
0x31: {  	_ =	swait.ge [sflag:s0], $0x2000  }
0x32: {  	[sflag:s0] =	ssyncset.done $0x0  }
0x33: {  	[sflag:s0] =	ssyncadd.s32 $0xFFFFE000  }
0x34: {  	_ =	swait.ge [sflag:s0], $0x2000  }
0x35: {  	[sflag:s0] =	ssyncset.done $0x0  }
0x36: {  	[sflag:s0] =	ssyncadd.s32 $0xFFFFE000  }
0x37: {  	_ =	swait.ge [sflag:s0], $0x2000  }
0x38: {  	[sflag:s0] =	ssyncset.done $0x0  }
0x39: {  	[sflag:s0] =	ssyncadd.s32 $0xFFFFE000  }
0x3a: {  	[hbm4b:s5+s2] =	stream.linear.scatter [tilespmem:s13], [sflag:$0x3], $0xA000, $0x38;
	[tilespmem:$0x16580] =	vst v63  }
0x3b: {  	_ =	swait.ge [sflag:s1], $0xA000  }
0x3c: {  	[sflag:s1] =	ssyncset.done $0x0  }
0x3d: {  	s10 =	simm.s32 $0x500;
	[sflag:s1] =	ssyncadd.s32 $0xFFFF6000  }
0x3e: {  	[tilespmem:s13], [sflag:$0x1] =	stream.indirect.gather [hbm4b:s3+s12], $0x40, s10, s12, $0xb8;
	[tilespmem:$0x16580] =	vst v63  }
0x3f: {  	s19 =	simm.s32 $0x580  }
0x40: {  	[tilespmem:s14], [sflag:$0x1] =	stream.indirect.gather [hbm4b:s3+s12], $0x40, s19, s12, $0xb8;
	[tilespmem:$0x16580] =	vst v63  }
0x41: {  	s21 =	simm.s32 $0x600  }
0x42: {  	[tilespmem:s16], [sflag:$0x1] =	stream.indirect.gather [hbm4b:s3+s12], $0x40, s21, s12, $0xb8;
	[tilespmem:$0x16580] =	vst v63  }
0x43: {  	s23 =	simm.s32 $0x680  }
0x44: {  	[tilespmem:s18], [sflag:$0x1] =	stream.indirect.gather [hbm4b:s3+s12], $0x40, s23, s12, $0xb8;
	[tilespmem:$0x16580] =	vst v63  }
0x45: {  	s28 =	simm.s32 $0x700  }
0x46: {  	[tilespmem:s20], [sflag:$0x1] =	stream.indirect.gather [hbm4b:s3+s12], $0x40, s28, s12, $0xb8;
	[tilespmem:$0x16580] =	vst v63  }
0x47: {  	_ =	swait.ge [sflag:s15], $0x2000  }
0x48: {  	[sflag:s15] =	ssyncset.done $0x0  }
0x49: {  	[sflag:s15] =	ssyncadd.s32 $0xFFFFE000  }
0x4a: {  	_ =	swait.ge [sflag:s15], $0x2000  }
0x4b: {  	[sflag:s15] =	ssyncset.done $0x0  }
0x4c: {  	[sflag:s15] =	ssyncadd.s32 $0xFFFFE000  }
0x4d: {  	_ =	swait.ge [sflag:s15], $0x2000  }
0x4e: {  	[sflag:s15] =	ssyncset.done $0x0  }
0x4f: {  	[sflag:s15] =	ssyncadd.s32 $0xFFFFE000  }
0x50: {  	_ =	swait.ge [sflag:s15], $0x2000  }
0x51: {  	[sflag:s15] =	ssyncset.done $0x0  }
0x52: {  	[sflag:s15] =	ssyncadd.s32 $0xFFFFE000  }
0x53: {  	_ =	swait.ge [sflag:s15], $0x2000  }
0x54: {  	[sflag:s15] =	ssyncset.done $0x0  }
0x55: {  	[sflag:s15] =	ssyncadd.s32 $0xFFFFE000  }
0x56: {  	[hbm4b:s9+s2] =	stream.linear.scatter [tilespmem:s22], [sflag:$0x4], $0xA000, $0x38;
	[tilespmem:$0x16580] =	vst v63  }
0x57: {  	_ =	swait.ge [sflag:s17], $0xA000  }
0x58: {  	[sflag:s17] =	ssyncset.done $0x0  }
0x59: {  	s4 =	simm.s32 $0x780;
	[sflag:s17] =	ssyncadd.s32 $0xFFFF6000  }
0x5a: {  	[tilespmem:s22], [sflag:$0x2] =	stream.indirect.gather [hbm4b:s3+s12], $0x40, s4, s12, $0xb8;
	[tilespmem:$0x16580] =	vst v63  }
0x5b: {  	s19 =	simm.s32 $0x800  }
0x5c: {  	[tilespmem:s24], [sflag:$0x2] =	stream.indirect.gather [hbm4b:s3+s12], $0x40, s19, s12, $0xb8;
	[tilespmem:$0x16580] =	vst v63  }
0x5d: {  	s21 =	simm.s32 $0x880  }
0x5e: {  	[tilespmem:s26], [sflag:$0x2] =	stream.indirect.gather [hbm4b:s3+s12], $0x40, s21, s12, $0xb8;
	[tilespmem:$0x16580] =	vst v63  }
0x5f: {  	s23 =	simm.s32 $0x900  }
0x60: {  	[tilespmem:s29], [sflag:$0x2] =	stream.indirect.gather [hbm4b:s3+s12], $0x40, s23, s12, $0xb8;
	[tilespmem:$0x16580] =	vst v63  }
0x61: {  	s28 =	simm.s32 $0x980  }
0x62: {  	[tilespmem:s31], [sflag:$0x2] =	stream.indirect.gather [hbm4b:s3+s12], $0x40, s28, s12, $0xb8;
	[tilespmem:$0x16580] =	vst v63  }
0x63: {  	_ =	swait.ge [sflag:s0], $0x2000  }
0x64: {  	[sflag:s0] =	ssyncset.done $0x0  }
0x65: {  	[sflag:s0] =	ssyncadd.s32 $0xFFFFE000  }
0x66: {  	_ =	swait.ge [sflag:s0], $0x2000  }
0x67: {  	[sflag:s0] =	ssyncset.done $0x0  }
0x68: {  	[sflag:s0] =	ssyncadd.s32 $0xFFFFE000  }
0x69: {  	_ =	swait.ge [sflag:s0], $0x2000  }
0x6a: {  	[sflag:s0] =	ssyncset.done $0x0  }
0x6b: {  	[sflag:s0] =	ssyncadd.s32 $0xFFFFE000  }
0x6c: {  	_ =	swait.ge [sflag:s0], $0x2000  }
0x6d: {  	[sflag:s0] =	ssyncset.done $0x0  }
0x6e: {  	[sflag:s0] =	ssyncadd.s32 $0xFFFFE000  }
0x6f: {  	_ =	swait.ge [sflag:s0], $0x2000  }
0x70: {  	s10 =	smov.u32 s25;
	s19 =	simm.s32 $0x1400;
	[sflag:s0] =	ssyncset.done $0x0  }
0x71: {  	s21 =	sadd.s32 $0x2800, s9;
	s23 =	sadd.s32 $0x2800, s25;
	[sflag:s0] =	ssyncadd.s32 $0xFFFFE000  }
.LBB2_2:
0x72: {  	[hbm4b:s10+s2] =	stream.linear.scatter [tilespmem:s13], [sflag:$0x3], $0xA000, $0x38;
	[tilespmem:$0x16580] =	vst v63  }
0x73: {  	s28 =	smov.u32 s19;
	s10 =	smov.u32 s23  }
0x74: {  	p0 =	sne.s32 s19, $0x6400;
	s19 =	sadd.s32 $0x1400, s19;
	_ =	swait.ge [sflag:s1], $0xA000  }
0x75: {  	s28 =	sshra.s32 s28, $0x2;
	[sflag:s1] =	ssyncset.done $0x0  }
0x76: {  	s4 =	sadd.s32 $0x500, s28;
	[sflag:s1] =	ssyncadd.s32 $0xFFFF6000  }
0x77: {  	[tilespmem:s13], [sflag:$0x1] =	stream.indirect.gather [hbm4b:s3+s12], $0x40, s4, s12, $0xb8;
	[tilespmem:$0x16580] =	vst v63  }
0x78: {  	s4 =	sadd.s32 $0x580, s28  }
0x79: {  	[tilespmem:s14], [sflag:$0x1] =	stream.indirect.gather [hbm4b:s3+s12], $0x40, s4, s12, $0xb8;
	[tilespmem:$0x16580] =	vst v63  }
0x7a: {  	s4 =	sadd.s32 $0x600, s28  }
0x7b: {  	[tilespmem:s16], [sflag:$0x1] =	stream.indirect.gather [hbm4b:s3+s12], $0x40, s4, s12, $0xb8;
	[tilespmem:$0x16580] =	vst v63  }
0x7c: {  	s4 =	sadd.s32 $0x680, s28  }
0x7d: {  	[tilespmem:s18], [sflag:$0x1] =	stream.indirect.gather [hbm4b:s3+s12], $0x40, s4, s12, $0xb8;
	[tilespmem:$0x16580] =	vst v63  }
0x7e: {  	s4 =	sadd.s32 $0x700, s28  }
0x7f: {  	[tilespmem:s20], [sflag:$0x1] =	stream.indirect.gather [hbm4b:s3+s12], $0x40, s4, s12, $0xb8;
	[tilespmem:$0x16580] =	vst v63  }
0x80: {  	_ =	swait.ge [sflag:s15], $0x2000  }
0x81: {  	[sflag:s15] =	ssyncset.done $0x0  }
0x82: {  	[sflag:s15] =	ssyncadd.s32 $0xFFFFE000  }
0x83: {  	_ =	swait.ge [sflag:s15], $0x2000  }
0x84: {  	[sflag:s15] =	ssyncset.done $0x0  }
0x85: {  	[sflag:s15] =	ssyncadd.s32 $0xFFFFE000  }
0x86: {  	_ =	swait.ge [sflag:s15], $0x2000  }
0x87: {  	[sflag:s15] =	ssyncset.done $0x0  }
0x88: {  	[sflag:s15] =	ssyncadd.s32 $0xFFFFE000  }
0x89: {  	_ =	swait.ge [sflag:s15], $0x2000  }
0x8a: {  	[sflag:s15] =	ssyncset.done $0x0  }
0x8b: {  	[sflag:s15] =	ssyncadd.s32 $0xFFFFE000  }
0x8c: {  	_ =	swait.ge [sflag:s15], $0x2000  }
0x8d: {  	[sflag:s15] =	ssyncset.done $0x0  }
0x8e: {  	[sflag:s15] =	ssyncadd.s32 $0xFFFFE000  }
0x8f: {  	[hbm4b:s21+s2] =	stream.linear.scatter [tilespmem:s22], [sflag:$0x4], $0xA000, $0x38;
	[tilespmem:$0x16580] =	vst v63  }
0x90: {  	_ =	swait.ge [sflag:s17], $0xA000  }
0x91: {  	[sflag:s17] =	ssyncset.done $0x0  }
0x92: {  	s4 =	sadd.s32 $0x780, s28;
	[sflag:s17] =	ssyncadd.s32 $0xFFFF6000  }
0x93: {  	[tilespmem:s22], [sflag:$0x2] =	stream.indirect.gather [hbm4b:s3+s12], $0x40, s4, s12, $0xb8;
	[tilespmem:$0x16580] =	vst v63  }
0x94: {  	s4 =	sadd.s32 $0x800, s28  }
0x95: {  	[tilespmem:s24], [sflag:$0x2] =	stream.indirect.gather [hbm4b:s3+s12], $0x40, s4, s12, $0xb8;
	[tilespmem:$0x16580] =	vst v63  }
0x96: {  	s4 =	sadd.s32 $0x880, s28  }
0x97: {  	[tilespmem:s26], [sflag:$0x2] =	stream.indirect.gather [hbm4b:s3+s12], $0x40, s4, s12, $0xb8;
	[tilespmem:$0x16580] =	vst v63  }
0x98: {  	s4 =	sadd.s32 $0x900, s28  }
0x99: {  	[tilespmem:s29], [sflag:$0x2] =	stream.indirect.gather [hbm4b:s3+s12], $0x40, s4, s12, $0xb8;
	[tilespmem:$0x16580] =	vst v63  }
0x9a: {  	s4 =	sadd.s32 $0x980, s28  }
0x9b: {  	[tilespmem:s31], [sflag:$0x2] =	stream.indirect.gather [hbm4b:s3+s12], $0x40, s4, s12, $0xb8;
	[tilespmem:$0x16580] =	vst v63  }
0x9c: {  	_ =	swait.ge [sflag:s0], $0x2000  }
0x9d: {  	[sflag:s0] =	ssyncset.done $0x0  }
0x9e: {  	[sflag:s0] =	ssyncadd.s32 $0xFFFFE000  }
0x9f: {  	_ =	swait.ge [sflag:s0], $0x2000  }
0xa0: {  	[sflag:s0] =	ssyncset.done $0x0  }
0xa1: {  	[sflag:s0] =	ssyncadd.s32 $0xFFFFE000  }
0xa2: {  	_ =	swait.ge [sflag:s0], $0x2000  }
0xa3: {  	[sflag:s0] =	ssyncset.done $0x0  }
0xa4: {  	[sflag:s0] =	ssyncadd.s32 $0xFFFFE000  }
0xa5: {  	_ =	swait.ge [sflag:s0], $0x2000  }
.Ltmp0:
0xa6: {  	[sflag:s0] =	ssyncset.done $0x0;
	(pc) =	sbr.rel @p0 .LBB2_2-.Ltmp0, $4  }
0xa7: {  	[sflag:s0] =	ssyncadd.s32 $0xFFFFE000  }
0xa8: {  	_ =	swait.ge [sflag:s0], $0x2000  }
0xa9: {  	[sflag:s0] =	ssyncset.done $0x0  }
0xaa: {  	s23 =	sadd.s32 $0x2800, s23;
	s21 =	sadd.s32 $0x2800, s21;
	[sflag:s0] =	ssyncadd.s32 $0xFFFFE000  }
0xab: {  	[hbm4b:s10+s2] =	stream.linear.scatter [tilespmem:s13], [sflag:$0x3], $0xA000, $0x38;
	[tilespmem:$0x16580] =	vst v63  }
0xac: {  	_ =	swait.ge [sflag:s1], $0xA000  }
0xad: {  	[sflag:s1] =	ssyncset.done $0x0  }
0xae: {  	s4 =	simm.s32 $0x2300;
	[sflag:s1] =	ssyncadd.s32 $0xFFFF6000  }
0xaf: {  	[tilespmem:s13], [sflag:$0x1] =	stream.indirect.gather [hbm4b:s3+s12], $0x40, s4, s12, $0xb8;
	[tilespmem:$0x16580] =	vst v63  }
0xb0: {  	s19 =	simm.s32 $0x2380  }
0xb1: {  	[tilespmem:s14], [sflag:$0x1] =	stream.indirect.gather [hbm4b:s3+s12], $0x40, s19, s12, $0xb8;
	[tilespmem:$0x16580] =	vst v63  }
0xb2: {  	s21 =	simm.s32 $0x2400  }
0xb3: {  	[tilespmem:s16], [sflag:$0x1] =	stream.indirect.gather [hbm4b:s3+s12], $0x40, s21, s12, $0xb8;
	[tilespmem:$0x16580] =	vst v63  }
0xb4: {  	s23 =	simm.s32 $0x2480  }
0xb5: {  	[tilespmem:s18], [sflag:$0x1] =	stream.indirect.gather [hbm4b:s3+s12], $0x40, s23, s12, $0xb8;
	[tilespmem:$0x16580] =	vst v63  }
0xb6: {  	s28 =	simm.s32 $0x2500  }
0xb7: {  	[tilespmem:s20], [sflag:$0x1] =	stream.indirect.gather [hbm4b:s3+s12], $0x40, s28, s12, $0xb8;
	[tilespmem:$0x16580] =	vst v63  }
0xb8: {  	_ =	swait.ge [sflag:s15], $0x2000  }
0xb9: {  	[sflag:s15] =	ssyncset.done $0x0  }
0xba: {  	[sflag:s15] =	ssyncadd.s32 $0xFFFFE000  }
0xbb: {  	_ =	swait.ge [sflag:s15], $0x2000  }
0xbc: {  	[sflag:s15] =	ssyncset.done $0x0  }
0xbd: {  	[sflag:s15] =	ssyncadd.s32 $0xFFFFE000  }
0xbe: {  	_ =	swait.ge [sflag:s15], $0x2000  }
0xbf: {  	[sflag:s15] =	ssyncset.done $0x0  }
0xc0: {  	[sflag:s15] =	ssyncadd.s32 $0xFFFFE000  }
0xc1: {  	_ =	swait.ge [sflag:s15], $0x2000  }
0xc2: {  	[sflag:s15] =	ssyncset.done $0x0  }
0xc3: {  	[sflag:s15] =	ssyncadd.s32 $0xFFFFE000  }
0xc4: {  	_ =	swait.ge [sflag:s15], $0x2000  }
0xc5: {  	[sflag:s15] =	ssyncset.done $0x0  }
0xc6: {  	[sflag:s15] =	ssyncadd.s32 $0xFFFFE000  }
0xc7: {  	[hbm4b:s6+s2] =	stream.linear.scatter [tilespmem:s22], [sflag:$0x4], $0xA000, $0x38;
	[tilespmem:$0x16580] =	vst v63  }
0xc8: {  	_ =	swait.ge [sflag:s0], $0x2000  }
0xc9: {  	[sflag:s0] =	ssyncset.done $0x0  }
0xca: {  	[sflag:s0] =	ssyncadd.s32 $0xFFFFE000  }
0xcb: {  	_ =	swait.ge [sflag:s0], $0x2000  }
0xcc: {  	[sflag:s0] =	ssyncset.done $0x0  }
0xcd: {  	[sflag:s0] =	ssyncadd.s32 $0xFFFFE000  }
0xce: {  	_ =	swait.ge [sflag:s0], $0x2000  }
0xcf: {  	[sflag:s0] =	ssyncset.done $0x0  }
0xd0: {  	[sflag:s0] =	ssyncadd.s32 $0xFFFFE000  }
0xd1: {  	_ =	swait.ge [sflag:s0], $0x2000  }
0xd2: {  	[sflag:s0] =	ssyncset.done $0x0  }
0xd3: {  	[sflag:s0] =	ssyncadd.s32 $0xFFFFE000  }
0xd4: {  	_ =	swait.ge [sflag:s0], $0x2000  }
0xd5: {  	[sflag:s0] =	ssyncset.done $0x0  }
0xd6: {  	s30 =	sadd.s32 $0x1, s30;
	[sflag:s0] =	ssyncadd.s32 $0xFFFFE000  }
0xd7: {  	[hbm4b:s7+s2] =	stream.linear.scatter [tilespmem:s13], [sflag:$0x3], $0xA000, $0x38;
	[tilespmem:$0x16580] =	vst v63  }
0xd8: {  	p0 =	sne.s32 s30, s8;
	_ =	swait.ge [sflag:s17], $0xA000  }
.Ltmp1:
0xd9: {  	[sflag:s17] =	ssyncset.done $0x0;
	(pc) =	sbr.rel @p0 .LBB2_1-.Ltmp1, $4  }
0xda: {  	[sflag:s17] =	ssyncadd.s32 $0xFFFF6000  }
0xdb: {  	_ =	swait.ge [sflag:s1], $0xA000  }
0xdc: {  	[sflag:s1] =	ssyncset.done $0x0  }
0xdd: {  	[sflag:s1] =	ssyncadd.s32 $0xFFFF6000  }
0xde: {  	_ =	sfence.sel $0x180000  }
0xdf: {  	[bflag:$0x0] =	sbarrier.arrive $0xFFFF  }
0xe0: {  	_ =	strace $0x9000004A  }
0xe1: {  	s0 =	stileid.u32;
	[bflag:$0x2] =	sbarrier.arrive $0xFFFF  }
0xe2: {  	p0 =	sne.s32 s0, $0x0;
	s0 =	rddreg [dreg:$0x1]  }
0xe3: {  	s0 =	sadd.s32 @!p0 $0x100000, s0  }
0xe4: {  	[sflag:s0] =	ssyncadd.tile.s32 @!p0 $0x1;
	_ =	shalt  }
.Lfunc_end2:
_tile_overlayer_lowered:
.L_overlay_start_2:
0xe5: {  	(tag) =	ssettag $0x2  }
0xe6: {  	s0 =	rddreg [dreg:$0x0];
	s2 =	stileid.u32  }
0xe7: {  	s1 =	rddreg [dreg:$0x1];
	p0 =	sne.s32 s2, $0x0  }
0xe8: {  	s3 =	rddreg [dreg:$0x2];
	[bflag:$0x3] =	sbarrier.arrive $0xFFFF;
	s2 =	simm.s32 @!p0 $0x1C05  }
0xe9: {  	[timem:s3], [sflag:s2] =	dma.local @!p0 [hbm:s0], s1  }
0xea: {  	s0 =	simm.s32 @!p0 $0x5  }
0xeb: {  	_ =	swait.ge @!p0 [sflag:s0], s1  }
0xec: {  	s1 =	ssub.s32 @!p0 $0x0, s1;
	[sflag:s0] =	ssyncset.done @!p0 $0x0  }
0xed: {  	[sflag:s0] =	ssyncadd.s32 @!p0 s1  }
0xee: {  	[bflag:$0x3] =	sbarrier.arrive $0xFFFF  }
0xef: {  	_ =	shalt  }

// kernel: kernel.15.cloned.1.call-start
scs
__scs_entry_jumppad:
0x0: {  	(pc) =	sbr.rel $0x88, $3  }
0x1: {  	(tag) =	ssettag $0x0;
	lr =	simm.s32 $0x1  }
0x2: {  	[smem:$0x3F9F] =	sst lr;
	_ =	strace $0xD0000000  }
0x3: {  	_ = 	snop  }
0x4: {  	_ = 	snop  }
0x5: {  	_ = 	snop  }
0x6: {  	_ = 	snop  }
0x7: {  	_ = 	snop  }
__scs_overlays_trampoline_lowered:
0x8: {  	[smem:$0x3FAE] =	sst s0  }
0x9: {  	[smem:$0x3FAF] =	sst s1  }
0xa: {  	[smem:$0x3FB0] =	sst s2  }
0xb: {  	[smem:$0x3FB1] =	sst s3  }
0xc: {  	[smem:$0x3FB2] =	sst s4  }
0xd: {  	[smem:$0x3FB3] =	sst s5  }
0xe: {  	[smem:$0x3FB4] =	sst s6  }
0xf: {  	[smem:$0x3FB5] =	sst s7  }
0x10: {  	[smem:$0x3FB6] =	sst s8  }
0x11: {  	[smem:$0x3FB7] =	sst s9;
	s0 =	simm.s32 @!p0 $0x0  }
0x12: {  	s1 =	sld [smem:$0x3F9D];
	s0 =	simm.s32 @p0 $0x1  }
0x13: {  	[smem:$0x3FB8] =	sst s0;
	s0 =	simm.s32 @!p1 $0x0  }
0x14: {  	s2 =	sld [smem:$0x3F9C];
	s0 =	simm.s32 @p1 $0x1  }
0x15: {  	[smem:$0x3FB9] =	sst s0;
	s0 =	simm.s32 @!p2 $0x0  }
0x16: {  	s3 =	sld [smem:$0x3FDB];
	s0 =	simm.s32 @p2 $0x1  }
0x17: {  	s4 =	simm.s32 $0x1BF5;
	[smem:$0x3FBB] =	sst s0  }
0x18: {  	s0 =	sld [smem:$0x3F9E];
	_ =	swait.ge [sflag:s4], $0x0  }
0x19: {  	s7 =	sld [smem:$0x3F9F]  }
0x1a: {  	s8 =	sadd.s32 $0xFFFFE003, lr  }
0x1b: {  	s9 =	sadd.s32 $0xFFFFFEF7, lr;
	s5 =	simm.s32 $0xFFFFFFFF;
	p2 =	slt.u32 s8, $0xFFFFF086  }
0x1c: {  	p1 =	slt.u32 s9, $0xF7A;
	s5 =	simm.s32 @!p2 $0x0  }
0x1d: {  	s5 =	simm.s32 @p1 $0x1;
	p0 =	seq.s32 s7, s2  }
0x1e: {  	s7 =	smul.u32 @!p0 $0xF7A, s2;
	p2 =	seq.s32 @!p0 s5, $0x0  }
0x1f: {  	s9 =	smul.u32 $0xF7A, s1;
	s8 =	simm.s32 @!p0 $0x1BF5;
	p2 =	por !p2, p0  }
0x20: {  	[sflag:s8] =	ssyncset.s32 @!p0 $0xFFFFF086;
	s6 =	sadd.s32 @!p0 s3, s7;
	s7 =	simm.s32 @!p0 $0x108  }
0x21: {  	s3 =	sadd.s32 s3, s9;
	s6 =	sadd.s32 @!p0 $0x88, s6;
	s7 =	simm.s32 @p2 $0x1082  }
0x22: {  	[simem:s7], [sflag:s8] =	dma.local @!p0 [hbm:s6], $0xF7A  }
0x23: {  	s9 =	sor.u32 $0xD0000000, s2;
	s6 =	simm.s32 $0x108;
	_ =	swait.ge @!p0 [sflag:s8], $0x0  }
0x24: {  	s3 =	sadd.s32 $0x88, s3;
	s6 =	simm.s32 @!p1 $0x1082;
	[sflag:s4] =	ssyncset.s32 $0xFFFFF086  }
0x25: {  	[simem:s6], [sflag:s4] =	dma.local [hbm:s3], $0xF7A  }
0x26: {  	[smem:$0x3F9F] =	sst s1;
	(tag) =	ssettag s2;
	_ =	strace s9  }
0x27: {  	s1 =	sld [smem:$0x3FAF]  }
0x28: {  	s2 =	sld [smem:$0x3FB0]  }
0x29: {  	s4 =	sld [smem:$0x3FB2]  }
0x2a: {  	p0 =	seq.s32 s5, $0x0;
	s5 =	sld [smem:$0x3FB3]  }
0x2b: {  	s6 =	sld [smem:$0x3FB4]  }
0x2c: {  	s7 =	sld [smem:$0x3FB5]  }
0x2d: {  	s3 =	simm.s32 $0x108;
	s8 =	sld [smem:$0x3FB6]  }
0x2e: {  	s3 =	simm.s32 @!p0 $0x1082;
	s9 =	sld [smem:$0x3FB7]  }
0x2f: {  	lr =	sadd.s32 s0, s3;
	s0 =	sld [smem:$0x3FAE]  }
0x30: {  	s3 =	sld [smem:$0x3FB1]  }
0x31: {  	[smem:$0x3FBA] =	sst s10  }
0x32: {  	s10 =	sld [smem:$0x3FB8];
	_ =	sdelay $0x3  }
0x33: {  	p0 =	seq.s32 s10, $0x1;
	s10 =	sld [smem:$0x3FBA];
	_ =	sdelay $0x3  }
0x34: {  	[smem:$0x3FBA] =	sst s10  }
0x35: {  	s10 =	sld [smem:$0x3FB9];
	_ =	sdelay $0x3  }
0x36: {  	p1 =	seq.s32 s10, $0x1;
	s10 =	sld [smem:$0x3FBA];
	_ =	sdelay $0x3  }
0x37: {  	[smem:$0x3FBA] =	sst s10  }
0x38: {  	s10 =	sld [smem:$0x3FBB]  }
0x39: {  	_ = 	snop;
	(pc) =	sbr.ind lr, $3  }
0x3a: {  	_ = 	snop  }
0x3b: {  	_ = 	snop  }
0x3c: {  	p2 =	seq.s32 s10, $0x1;
	s10 =	sld [smem:$0x3FBA]  }
0x3d: {  	_ =	shalt  }
0x3e: {  	_ =	shalt  }
0x3f: {  	_ =	shalt  }
0x40: {  	_ =	shalt  }
0x41: {  	_ =	shalt  }
0x42: {  	_ =	shalt  }
0x43: {  	_ =	shalt  }
0x44: {  	_ =	shalt  }
0x45: {  	_ =	shalt  }
0x46: {  	_ =	shalt  }
0x47: {  	_ =	shalt  }
0x48: {  	_ =	shalt  }
0x49: {  	_ =	shalt  }
0x4a: {  	_ =	shalt  }
0x4b: {  	_ =	shalt  }
0x4c: {  	_ =	shalt  }
0x4d: {  	_ =	shalt  }
0x4e: {  	_ =	shalt  }
0x4f: {  	_ =	shalt  }
0x50: {  	_ =	shalt  }
0x51: {  	_ =	shalt  }
0x52: {  	_ =	shalt  }
0x53: {  	_ =	shalt  }
0x54: {  	_ =	shalt  }
0x55: {  	_ =	shalt  }
0x56: {  	_ =	shalt  }
0x57: {  	_ =	shalt  }
0x58: {  	_ =	shalt  }
0x59: {  	_ =	shalt  }
0x5a: {  	_ =	shalt  }
0x5b: {  	_ =	shalt  }
0x5c: {  	_ =	shalt  }
0x5d: {  	_ =	shalt  }
0x5e: {  	_ =	shalt  }
0x5f: {  	_ =	shalt  }
0x60: {  	_ =	shalt  }
0x61: {  	_ =	shalt  }
0x62: {  	_ =	shalt  }
0x63: {  	_ =	shalt  }
0x64: {  	_ =	shalt  }
0x65: {  	_ =	shalt  }
0x66: {  	_ =	shalt  }
0x67: {  	_ =	shalt  }
0x68: {  	_ =	shalt  }
0x69: {  	_ =	shalt  }
0x6a: {  	_ =	shalt  }
0x6b: {  	_ =	shalt  }
0x6c: {  	_ =	shalt  }
0x6d: {  	_ =	shalt  }
0x6e: {  	_ =	shalt  }
0x6f: {  	_ =	shalt  }
0x70: {  	_ =	shalt  }
0x71: {  	_ =	shalt  }
0x72: {  	_ =	shalt  }
0x73: {  	_ =	shalt  }
0x74: {  	_ =	shalt  }
0x75: {  	_ =	shalt  }
0x76: {  	_ =	shalt  }
0x77: {  	_ =	shalt  }
0x78: {  	_ =	shalt  }
0x79: {  	_ =	shalt  }
0x7a: {  	_ =	shalt  }
0x7b: {  	_ =	shalt  }
0x7c: {  	_ =	shalt  }
0x7d: {  	_ =	shalt  }
0x7e: {  	_ =	shalt  }
0x7f: {  	_ =	shalt  }
0x80: {  	_ =	shalt  }
0x81: {  	_ =	shalt  }
0x82: {  	_ =	shalt  }
0x83: {  	_ =	shalt  }
0x84: {  	_ =	shalt  }
0x85: {  	_ =	shalt  }
0x86: {  	_ =	shalt  }
0x87: {  	_ =	shalt  }
.Lfunc_end0:
.L_simem_size_0:
called_computation.2_lowered:
.L_overlay_start_0:
0x88: {  	s2 =	sld [smem:$0x3FD9]  }
0x89: {  	s3 =	sld [smem:$0x3FFE];
	_ =	sdelay $0x1  }
0x8a: {  	s1 =	srdreg.scid  }
0x8b: {  	s0 =	sand.u32 $0x1, s1  }
0x8c: {  	s17 =	sshll.u32 s0, $0xA;
	s2 =	sadd.s32 s3, s2  }
0x8d: {  	s2 =	sadd.s32 s2, s17  }
0x8e: {  	[smem:$0x3FC6] =	sst s2  }
0x8f: {  	_ = 	snop  }
0x90: {  	(tm) =	ssettm $0x1  }
0x91: {  	s18 =	sld [smem:$0x3FFB];
	_ =	sdelay $0x3  }
0x92: {  	_ =	strace s18  }
0x93: {  	s2 =	sld [smem:$0x3FFC];
	_ =	sdelay $0x3  }
0x94: {  	_ =	strace s2  }
0x95: {  	s2 =	sld [smem:$0x3FFD];
	_ =	sdelay $0x3  }
0x96: {  	_ =	strace s2  }
0x97: {  	_ =	strace $0x8FFFFFFF  }
0x98: {  	s19 =	sld [smem:$0x3FDB];
	_ =	sdelay $0x1  }
0x99: {  	s20 =	simm.s32 $_scs_section_size  }
0x9a: {  	s4 =	simm.s32 $_size__tile_overlayer_lowered;
	s5 =	simm.s32 $_tile_overlayer_lowered  }
0x9b: {  	s6 =	simm.s32 $0x1BFF;
	s21 =	sshll.u32 s5, $0x1;
	s3 =	sadd.s32 s20, s19  }
0x9c: {  	s22 =	simm.s32 $0x0;
	s4 =	sshll.u32 s4, $0x1;
	s5 =	sadd.s32 s21, s3  }
0x9d: {  	[timem:s22], [sflag:s6] =	dma.local [hbm:s5], s4  }
0x9e: {  	_ =	swait.ge [sflag:s6], s4  }
0x9f: {  	s4 =	ssub.s32 $0x0, s4;
	[sflag:s6] =	ssyncset.done $0x0  }
0xa0: {  	[sflag:s6] =	ssyncadd.s32 s4;
	_ =	sdelay $0x1  }
0xa1: {  	s23 =	simm.s32 $0x1B8B  }
0xa2: {  	_ =	swait.ge [sflag:s23], $0x1  }
0xa3: {  	[sflag:s23] =	ssyncset.done $0x0  }
0xa4: {  	[sflag:s23] =	ssyncadd.s32 $0xFFFFFFFF  }
0xa5: {  	s4 =	sld [smem:$0x0]  }
0xa6: {  	s5 =	sand.u32 $0xFFFFFFFE, s1  }
0xa7: {  	p0 =	sne.s32 s1, s5  }
0xa8: {  	s5 =	sshll.u32 @p0 s5, $0xE  }
0xa9: {  	s5 =	sadd.s32 @p0 $0x11B8D, s5;
	s6 =	sshll.u32 @p0 s4, $0x11  }
0xaa: {  	s5 =	sor.u32 @p0 s6, s5  }
0xab: {  	[sflag:s5] =	ssyncadd.remote.s32 @p0 $0x1;
	_ =	sdelay $0x1  }
0xac: {  	s5 =	simm.s32 @p0 $0x1B8D  }
0xad: {  	_ =	swait.eq @p0 [sflag:s5], $0x1  }
0xae: {  	[sflag:s5] =	ssyncadd.s32 @p0 $0xFFFFFFFF  }
0xaf: {  	s6 =	sshll.u32 @!p0 s1, $0xE  }
0xb0: {  	s6 =	sor.u32 @!p0 $0x4000, s6;
	s5 =	simm.s32 @!p0 $0x1B8D  }
0xb1: {  	s4 =	sshll.u32 @!p0 s4, $0x11;
	s6 =	sadd.s32 @!p0 $0x11B8D, s6;
	_ =	swait.eq @!p0 [sflag:s5], $0x1  }
0xb2: {  	s4 =	sor.u32 @!p0 s4, s6;
	[sflag:s5] =	ssyncadd.s32 @!p0 $0xFFFFFFFF  }
0xb3: {  	s25 =	simm.s32 $0x1B8E;
	s24 =	sld [smem:$0x3FFE];
	[sflag:s4] =	ssyncadd.remote.s32 @!p0 $0x1  }
0xb4: {  	s26 =	simm.s32 $execute0_lowered;
	[smem:$0x3FD2] =	sst s25  }
0xb5: {  	s5 =	sshll.u32 s26, $0x1;
	_ =	strace $0x8000004C;
	[dreg:$0x1] =	wrdreg $0xFFFFFFFF  }
0xb6: {  	s28 =	simm.s32 $_size_execute0_lowered;
	s3 =	sadd.s32 s3, s5;
	[dreg:$0x0] =	wrdreg $0x0  }
0xb7: {  	s5 =	sshll.u32 s28, $0x1;
	[dreg:$0x2] =	wrdreg s3  }
0xb8: {  	[dreg:$0x3] =	wrdreg s5  }
0xb9: {  	[dreg:$0x4] =	wrdreg $0xC0  }
0xba: {  	_ =	task [dreg:s22], $0x5FFFF  }
0xbb: {  	[dreg:$0x1] =	wrdreg $0xFFFFFFFF  }
0xbc: {  	[dreg:$0x0] =	wrdreg $0x60  }
0xbd: {  	[dreg:$0x2] =	wrdreg s24  }
0xbe: {  	[dreg:$0x3] =	wrdreg $0xB  }
0xbf: {  	_ =	task.clear_ibuf [dreg:s22], $0x4FFFF;
	_ =	strace $0x9000004C  }
0xc0: {  	s29 =	simm.s32 $0xB;
	_ =	strace $0x8000004E  }
0xc1: {  	_ =	swait.ge [sflag:s29], $0x1  }
0xc2: {  	[sflag:s29] =	ssyncadd.s32 $0xFFFFFFFF  }
0xc3: {  	_ =	strace $0x9000004E  }
0xc4: {  	_ =	sfence  }
0xc5: {  	s30 =	sld [smem:$0x0];
	_ =	sdelay $0x2  }
0xc6: {  	s31 =	sshll.u32 s1, $0xD;
	s1 =	sshrl.u32 s1, $0x2  }
0xc7: {  	s4 =	sand.u32 $0x4000, s31;
	s1 =	sadd.s32 s1, s30  }
0xc8: {  	s0 =	sor.u32 s4, s0;
	s1 =	sshll.u32 s1, $0x11  }
0xc9: {  	s0 =	sor.u32 s1, s0  }
0xca: {  	s0 =	sadd.s32 $0x8F2B, s0  }
0xcb: {  	[sflag:s0] =	ssyncadd.remote.s32 $0x1  }
0xcc: {  	_ =	sfence.sel $0xFFFF  }
0xcd: {  	[dreg:$0x0] =	wrdreg $0xFFFFFFFF;
	(pc) =	sbr.abs _section_cstart, $3  }
0xce: {  	[dreg:$0x1] =	wrdreg $0xFFFFFFFF  }
0xcf: {  	_ =	task.clear_ibuf [dreg:s22], $0x2FFFF;
	_ =	strace $0x9FFFFFFF  }
0xd0: {  	(tm) =	ssettm $0x7FFFFFFF  }
0xd1: {  	_ =	shalt  }
tec
execute0_lowered:
.L_overlay_start_1:
0x0: {  	(tag) =	ssettag $0x1  }
0x1: {  	s0 =	srdreg.scid  }
0x2: {  	s1 =	rddreg [dreg:$0x0];
	s9 =	stileid.u32  }
0x3: {  	s2 =	simm.s32 $0x0;
	s10 =	simm.s32 $0x5;
	s11 =	simm.s32 $0x80  }
0x4: {  	s12 =	simm.s32 $0x3200;
	s13 =	simm.s32 $0x5200;
	s15 =	simm.s32 $0x7200  }
0x5: {  	s17 =	simm.s32 $0x9200;
	s19 =	simm.s32 $0xB200;
	s21 =	simm.s32 $0xD200  }
0x6: {  	s23 =	simm.s32 $0xF200;
	s28 =	simm.s32 $0x13200;
	s30 =	simm.s32 $0x15200  }
0x7: {  	s31 =	simm.s32 $0x1;
	s14 =	simm.s32 $0x4;
	s0 =	sand.u32 $0x1, s0  }
0x8: {  	s3 =	sshll.u32 s0, $0x4;
	s6 =	ssub.s32 $0x2, s0;
	s0 =	smul.u32 $0x32000, s0  }
0x9: {  	s16 =	simm.s32 $0x0;
	s4 =	sor.u32 s9, s3;
	s9 =	smul.u32 $0x3200, s9  }
0xa: {  	[smem:$0x7FF] =	sst s2;
	s8 =	sshrl.u32 s6, $0x1;
	s3 =	smul.u32 $0x3200, s4  }
0xb: {  	_ =	strace $0x8000004D;
	s5 =	smul.u32 $0xC8000, s4;
	s8 =	ssub.s32 s6, s8  }
0xc: {  	s24 =	smul.u32 $0x19000, s4;
	s0 =	sadd.s32 s9, s0;
	s3 =	sshrl.u32 s3, $0x3  }
0xd: {  	s0 =	sshll.u32 s0, $0x3;
	s7 =	sadd.s32 s3, s1;
	s3 =	sadd.s32 $0x4800, s1  }
0xe: {  	s5 =	sshrl.u32 s5, $0x3;
	s1 =	sadd.s32 $0xAE2600, s1;
	s26 =	sadd.s32 $0x20001400, s0  }
0xf: {  	s4 =	sadd.s32 $0xAD5E00, s7;
	s25 =	sadd.s32 s1, s5;
	s5 =	sadd.s32 s1, s24  }
0x10: {  	s7 =	smax.u32 s8, $0x1;
	s29 =	sand.u32 $0x7FF400, s26;
	s0 =	sadd.s32 s1, s0  }
0x11: {  	s6 =	sadd.s32 $0x17C00, s25;
	s8 =	sadd.s32 s29, s1;
	s24 =	sadd.s32 $0x2800, s0  }
0x12: {  	s25 =	simm.s32 $0x11200;
	s0 =	simm.s32 $0x3;
	s1 =	simm.s32 $0x2  }
.LBB2_1:
0x13: {  	[tilespmem:s2], [sflag:$0x5] =	stream.linear.gather [hbm4b:s4+s2], $0x3200, $0x38;
	[tilespmem:$0x17200] =	vst v63  }
0x14: {  	_ =	swait.ge [sflag:s10], $0x3200  }
0x15: {  	[sflag:s10] =	ssyncset.done $0x0  }
0x16: {  	[sflag:s10] =	ssyncadd.s32 $0xFFFFCE00  }
0x17: {  	[tilespmem:s12], [sflag:$0x1] =	stream.indirect.gather [hbm4b:s3+s11], $0x40, s2, s11, $0xb8;
	[tilespmem:$0x17200] =	vst v63  }
0x18: {  	_ = 	snop  }
0x19: {  	[tilespmem:s13], [sflag:$0x1] =	stream.indirect.gather [hbm4b:s3+s11], $0x40, s11, s11, $0xb8;
	[tilespmem:$0x17200] =	vst v63  }
0x1a: {  	s9 =	simm.s32 $0x100  }
0x1b: {  	[tilespmem:s15], [sflag:$0x1] =	stream.indirect.gather [hbm4b:s3+s11], $0x40, s9, s11, $0xb8;
	[tilespmem:$0x17200] =	vst v63  }
0x1c: {  	s26 =	simm.s32 $0x180  }
0x1d: {  	[tilespmem:s17], [sflag:$0x1] =	stream.indirect.gather [hbm4b:s3+s11], $0x40, s26, s11, $0xb8;
	[tilespmem:$0x17200] =	vst v63  }
0x1e: {  	s29 =	simm.s32 $0x200  }
0x1f: {  	[tilespmem:s19], [sflag:$0x1] =	stream.indirect.gather [hbm4b:s3+s11], $0x40, s29, s11, $0xb8;
	[tilespmem:$0x17200] =	vst v63  }
0x20: {  	s18 =	simm.s32 $0x280  }
0x21: {  	[tilespmem:s21], [sflag:$0x2] =	stream.indirect.gather [hbm4b:s3+s11], $0x40, s18, s11, $0xb8;
	[tilespmem:$0x17200] =	vst v63  }
0x22: {  	s20 =	simm.s32 $0x300  }
0x23: {  	[tilespmem:s23], [sflag:$0x2] =	stream.indirect.gather [hbm4b:s3+s11], $0x40, s20, s11, $0xb8;
	[tilespmem:$0x17200] =	vst v63  }
0x24: {  	s22 =	simm.s32 $0x380  }
0x25: {  	[tilespmem:s25], [sflag:$0x2] =	stream.indirect.gather [hbm4b:s3+s11], $0x40, s22, s11, $0xb8;
	[tilespmem:$0x17200] =	vst v63  }
0x26: {  	s26 =	simm.s32 $0x400  }
0x27: {  	[tilespmem:s28], [sflag:$0x2] =	stream.indirect.gather [hbm4b:s3+s11], $0x40, s26, s11, $0xb8;
	[tilespmem:$0x17200] =	vst v63  }
0x28: {  	s29 =	simm.s32 $0x480  }
0x29: {  	[tilespmem:s30], [sflag:$0x2] =	stream.indirect.gather [hbm4b:s3+s11], $0x40, s29, s11, $0xb8;
	[tilespmem:$0x17200] =	vst v63  }
0x2a: {  	_ =	swait.ge [sflag:s31], $0x2000  }
0x2b: {  	[sflag:s31] =	ssyncset.done $0x0  }
0x2c: {  	[sflag:s31] =	ssyncadd.s32 $0xFFFFE000  }
0x2d: {  	_ =	swait.ge [sflag:s31], $0x2000  }
0x2e: {  	[sflag:s31] =	ssyncset.done $0x0  }
0x2f: {  	[sflag:s31] =	ssyncadd.s32 $0xFFFFE000  }
0x30: {  	_ =	swait.ge [sflag:s31], $0x2000  }
0x31: {  	[sflag:s31] =	ssyncset.done $0x0  }
0x32: {  	[sflag:s31] =	ssyncadd.s32 $0xFFFFE000  }
0x33: {  	_ =	swait.ge [sflag:s31], $0x2000  }
0x34: {  	[sflag:s31] =	ssyncset.done $0x0  }
0x35: {  	[sflag:s31] =	ssyncadd.s32 $0xFFFFE000  }
0x36: {  	_ =	swait.ge [sflag:s31], $0x2000  }
0x37: {  	[sflag:s31] =	ssyncset.done $0x0  }
0x38: {  	[sflag:s31] =	ssyncadd.s32 $0xFFFFE000  }
0x39: {  	[hbm4b:s5+s2] =	stream.linear.scatter [tilespmem:s12], [sflag:$0x3], $0xA000, $0x38;
	[tilespmem:$0x17200] =	vst v63  }
0x3a: {  	_ =	swait.ge [sflag:s0], $0xA000  }
0x3b: {  	[sflag:s0] =	ssyncset.done $0x0  }
0x3c: {  	s18 =	simm.s32 $0x500;
	[sflag:s0] =	ssyncadd.s32 $0xFFFF6000  }
0x3d: {  	[tilespmem:s12], [sflag:$0x1] =	stream.indirect.gather [hbm4b:s3+s11], $0x40, s18, s11, $0xb8;
	[tilespmem:$0x17200] =	vst v63  }
0x3e: {  	s20 =	simm.s32 $0x580  }
0x3f: {  	[tilespmem:s13], [sflag:$0x1] =	stream.indirect.gather [hbm4b:s3+s11], $0x40, s20, s11, $0xb8;
	[tilespmem:$0x17200] =	vst v63  }
0x40: {  	s22 =	simm.s32 $0x600  }
0x41: {  	[tilespmem:s15], [sflag:$0x1] =	stream.indirect.gather [hbm4b:s3+s11], $0x40, s22, s11, $0xb8;
	[tilespmem:$0x17200] =	vst v63  }
0x42: {  	s26 =	simm.s32 $0x680  }
0x43: {  	[tilespmem:s17], [sflag:$0x1] =	stream.indirect.gather [hbm4b:s3+s11], $0x40, s26, s11, $0xb8;
	[tilespmem:$0x17200] =	vst v63  }
0x44: {  	s29 =	simm.s32 $0x700  }
0x45: {  	[tilespmem:s19], [sflag:$0x1] =	stream.indirect.gather [hbm4b:s3+s11], $0x40, s29, s11, $0xb8;
	[tilespmem:$0x17200] =	vst v63  }
0x46: {  	_ =	swait.ge [sflag:s1], $0x2000  }
0x47: {  	[sflag:s1] =	ssyncset.done $0x0  }
0x48: {  	[sflag:s1] =	ssyncadd.s32 $0xFFFFE000  }
0x49: {  	_ =	swait.ge [sflag:s1], $0x2000  }
0x4a: {  	[sflag:s1] =	ssyncset.done $0x0  }
0x4b: {  	[sflag:s1] =	ssyncadd.s32 $0xFFFFE000  }
0x4c: {  	_ =	swait.ge [sflag:s1], $0x2000  }
0x4d: {  	[sflag:s1] =	ssyncset.done $0x0  }
0x4e: {  	[sflag:s1] =	ssyncadd.s32 $0xFFFFE000  }
0x4f: {  	_ =	swait.ge [sflag:s1], $0x2000  }
0x50: {  	[sflag:s1] =	ssyncset.done $0x0  }
0x51: {  	[sflag:s1] =	ssyncadd.s32 $0xFFFFE000  }
0x52: {  	_ =	swait.ge [sflag:s1], $0x2000  }
0x53: {  	[sflag:s1] =	ssyncset.done $0x0  }
0x54: {  	[sflag:s1] =	ssyncadd.s32 $0xFFFFE000  }
0x55: {  	[hbm4b:s8+s2] =	stream.linear.scatter [tilespmem:s21], [sflag:$0x4], $0xA000, $0x38;
	[tilespmem:$0x17200] =	vst v63  }
0x56: {  	_ =	swait.ge [sflag:s14], $0xA000  }
0x57: {  	[sflag:s14] =	ssyncset.done $0x0  }
0x58: {  	s18 =	simm.s32 $0x780;
	[sflag:s14] =	ssyncadd.s32 $0xFFFF6000  }
0x59: {  	[tilespmem:s21], [sflag:$0x2] =	stream.indirect.gather [hbm4b:s3+s11], $0x40, s18, s11, $0xb8;
	[tilespmem:$0x17200] =	vst v63  }
0x5a: {  	s20 =	simm.s32 $0x800  }
0x5b: {  	[tilespmem:s23], [sflag:$0x2] =	stream.indirect.gather [hbm4b:s3+s11], $0x40, s20, s11, $0xb8;
	[tilespmem:$0x17200] =	vst v63  }
0x5c: {  	s22 =	simm.s32 $0x880  }
0x5d: {  	[tilespmem:s25], [sflag:$0x2] =	stream.indirect.gather [hbm4b:s3+s11], $0x40, s22, s11, $0xb8;
	[tilespmem:$0x17200] =	vst v63  }
0x5e: {  	s26 =	simm.s32 $0x900  }
0x5f: {  	[tilespmem:s28], [sflag:$0x2] =	stream.indirect.gather [hbm4b:s3+s11], $0x40, s26, s11, $0xb8;
	[tilespmem:$0x17200] =	vst v63  }
0x60: {  	s29 =	simm.s32 $0x980  }
0x61: {  	[tilespmem:s30], [sflag:$0x2] =	stream.indirect.gather [hbm4b:s3+s11], $0x40, s29, s11, $0xb8;
	[tilespmem:$0x17200] =	vst v63  }
0x62: {  	_ =	swait.ge [sflag:s31], $0x2000  }
0x63: {  	[sflag:s31] =	ssyncset.done $0x0  }
0x64: {  	[sflag:s31] =	ssyncadd.s32 $0xFFFFE000  }
0x65: {  	_ =	swait.ge [sflag:s31], $0x2000  }
0x66: {  	[sflag:s31] =	ssyncset.done $0x0  }
0x67: {  	[sflag:s31] =	ssyncadd.s32 $0xFFFFE000  }
0x68: {  	_ =	swait.ge [sflag:s31], $0x2000  }
0x69: {  	[sflag:s31] =	ssyncset.done $0x0  }
0x6a: {  	[sflag:s31] =	ssyncadd.s32 $0xFFFFE000  }
0x6b: {  	_ =	swait.ge [sflag:s31], $0x2000  }
0x6c: {  	[sflag:s31] =	ssyncset.done $0x0  }
0x6d: {  	[sflag:s31] =	ssyncadd.s32 $0xFFFFE000  }
0x6e: {  	_ =	swait.ge [sflag:s31], $0x2000  }
0x6f: {  	s9 =	smov.u32 s24;
	s18 =	simm.s32 $0x1400;
	[sflag:s31] =	ssyncset.done $0x0  }
0x70: {  	s20 =	sadd.s32 $0x2800, s8;
	s22 =	sadd.s32 $0x2800, s24;
	[sflag:s31] =	ssyncadd.s32 $0xFFFFE000  }
.LBB2_2:
0x71: {  	[hbm4b:s9+s2] =	stream.linear.scatter [tilespmem:s12], [sflag:$0x3], $0xA000, $0x38;
	[tilespmem:$0x17200] =	vst v63  }
0x72: {  	s26 =	smov.u32 s18;
	s9 =	smov.u32 s22  }
0x73: {  	p0 =	sne.s32 s18, $0xA000;
	s18 =	sadd.s32 $0x1400, s18;
	_ =	swait.ge [sflag:s0], $0xA000  }
0x74: {  	s26 =	sshra.s32 s26, $0x2;
	[sflag:s0] =	ssyncset.done $0x0  }
0x75: {  	s29 =	sadd.s32 $0x500, s26;
	[sflag:s0] =	ssyncadd.s32 $0xFFFF6000  }
0x76: {  	[tilespmem:s12], [sflag:$0x1] =	stream.indirect.gather [hbm4b:s3+s11], $0x40, s29, s11, $0xb8;
	[tilespmem:$0x17200] =	vst v63  }
0x77: {  	s29 =	sadd.s32 $0x580, s26  }
0x78: {  	[tilespmem:s13], [sflag:$0x1] =	stream.indirect.gather [hbm4b:s3+s11], $0x40, s29, s11, $0xb8;
	[tilespmem:$0x17200] =	vst v63  }
0x79: {  	s29 =	sadd.s32 $0x600, s26  }
0x7a: {  	[tilespmem:s15], [sflag:$0x1] =	stream.indirect.gather [hbm4b:s3+s11], $0x40, s29, s11, $0xb8;
	[tilespmem:$0x17200] =	vst v63  }
0x7b: {  	s29 =	sadd.s32 $0x680, s26  }
0x7c: {  	[tilespmem:s17], [sflag:$0x1] =	stream.indirect.gather [hbm4b:s3+s11], $0x40, s29, s11, $0xb8;
	[tilespmem:$0x17200] =	vst v63  }
0x7d: {  	s29 =	sadd.s32 $0x700, s26  }
0x7e: {  	[tilespmem:s19], [sflag:$0x1] =	stream.indirect.gather [hbm4b:s3+s11], $0x40, s29, s11, $0xb8;
	[tilespmem:$0x17200] =	vst v63  }
0x7f: {  	_ =	swait.ge [sflag:s1], $0x2000  }
0x80: {  	[sflag:s1] =	ssyncset.done $0x0  }
0x81: {  	[sflag:s1] =	ssyncadd.s32 $0xFFFFE000  }
0x82: {  	_ =	swait.ge [sflag:s1], $0x2000  }
0x83: {  	[sflag:s1] =	ssyncset.done $0x0  }
0x84: {  	[sflag:s1] =	ssyncadd.s32 $0xFFFFE000  }
0x85: {  	_ =	swait.ge [sflag:s1], $0x2000  }
0x86: {  	[sflag:s1] =	ssyncset.done $0x0  }
0x87: {  	[sflag:s1] =	ssyncadd.s32 $0xFFFFE000  }
0x88: {  	_ =	swait.ge [sflag:s1], $0x2000  }
0x89: {  	[sflag:s1] =	ssyncset.done $0x0  }
0x8a: {  	[sflag:s1] =	ssyncadd.s32 $0xFFFFE000  }
0x8b: {  	_ =	swait.ge [sflag:s1], $0x2000  }
0x8c: {  	[sflag:s1] =	ssyncset.done $0x0  }
0x8d: {  	[sflag:s1] =	ssyncadd.s32 $0xFFFFE000  }
0x8e: {  	[hbm4b:s20+s2] =	stream.linear.scatter [tilespmem:s21], [sflag:$0x4], $0xA000, $0x38;
	[tilespmem:$0x17200] =	vst v63  }
0x8f: {  	_ =	swait.ge [sflag:s14], $0xA000  }
0x90: {  	[sflag:s14] =	ssyncset.done $0x0  }
0x91: {  	s29 =	sadd.s32 $0x780, s26;
	[sflag:s14] =	ssyncadd.s32 $0xFFFF6000  }
0x92: {  	[tilespmem:s21], [sflag:$0x2] =	stream.indirect.gather [hbm4b:s3+s11], $0x40, s29, s11, $0xb8;
	[tilespmem:$0x17200] =	vst v63  }
0x93: {  	s29 =	sadd.s32 $0x800, s26  }
0x94: {  	[tilespmem:s23], [sflag:$0x2] =	stream.indirect.gather [hbm4b:s3+s11], $0x40, s29, s11, $0xb8;
	[tilespmem:$0x17200] =	vst v63  }
0x95: {  	s29 =	sadd.s32 $0x880, s26  }
0x96: {  	[tilespmem:s25], [sflag:$0x2] =	stream.indirect.gather [hbm4b:s3+s11], $0x40, s29, s11, $0xb8;
	[tilespmem:$0x17200] =	vst v63  }
0x97: {  	s29 =	sadd.s32 $0x900, s26  }
0x98: {  	[tilespmem:s28], [sflag:$0x2] =	stream.indirect.gather [hbm4b:s3+s11], $0x40, s29, s11, $0xb8;
	[tilespmem:$0x17200] =	vst v63  }
0x99: {  	s26 =	sadd.s32 $0x980, s26  }
0x9a: {  	[tilespmem:s30], [sflag:$0x2] =	stream.indirect.gather [hbm4b:s3+s11], $0x40, s26, s11, $0xb8;
	[tilespmem:$0x17200] =	vst v63  }
0x9b: {  	_ =	swait.ge [sflag:s31], $0x2000  }
0x9c: {  	[sflag:s31] =	ssyncset.done $0x0  }
0x9d: {  	[sflag:s31] =	ssyncadd.s32 $0xFFFFE000  }
0x9e: {  	_ =	swait.ge [sflag:s31], $0x2000  }
0x9f: {  	[sflag:s31] =	ssyncset.done $0x0  }
0xa0: {  	[sflag:s31] =	ssyncadd.s32 $0xFFFFE000  }
0xa1: {  	_ =	swait.ge [sflag:s31], $0x2000  }
0xa2: {  	[sflag:s31] =	ssyncset.done $0x0  }
0xa3: {  	[sflag:s31] =	ssyncadd.s32 $0xFFFFE000  }
0xa4: {  	_ =	swait.ge [sflag:s31], $0x2000  }
.Ltmp0:
0xa5: {  	[sflag:s31] =	ssyncset.done $0x0;
	(pc) =	sbr.rel @p0 .LBB2_2-.Ltmp0, $4  }
0xa6: {  	[sflag:s31] =	ssyncadd.s32 $0xFFFFE000  }
0xa7: {  	_ =	swait.ge [sflag:s31], $0x2000  }
0xa8: {  	[sflag:s31] =	ssyncset.done $0x0  }
0xa9: {  	s22 =	sadd.s32 $0x2800, s22;
	s20 =	sadd.s32 $0x2800, s20;
	[sflag:s31] =	ssyncadd.s32 $0xFFFFE000  }
0xaa: {  	[hbm4b:s9+s2] =	stream.linear.scatter [tilespmem:s12], [sflag:$0x3], $0xA000, $0x38;
	[tilespmem:$0x17200] =	vst v63  }
0xab: {  	_ =	swait.ge [sflag:s1], $0x2000  }
0xac: {  	[sflag:s1] =	ssyncset.done $0x0  }
0xad: {  	[sflag:s1] =	ssyncadd.s32 $0xFFFFE000  }
0xae: {  	_ =	swait.ge [sflag:s1], $0x2000  }
0xaf: {  	[sflag:s1] =	ssyncset.done $0x0  }
0xb0: {  	[sflag:s1] =	ssyncadd.s32 $0xFFFFE000  }
0xb1: {  	_ =	swait.ge [sflag:s1], $0x2000  }
0xb2: {  	[sflag:s1] =	ssyncset.done $0x0  }
0xb3: {  	[sflag:s1] =	ssyncadd.s32 $0xFFFFE000  }
0xb4: {  	_ =	swait.ge [sflag:s1], $0x2000  }
0xb5: {  	[sflag:s1] =	ssyncset.done $0x0  }
0xb6: {  	[sflag:s1] =	ssyncadd.s32 $0xFFFFE000  }
0xb7: {  	_ =	swait.ge [sflag:s1], $0x2000  }
0xb8: {  	[sflag:s1] =	ssyncset.done $0x0  }
0xb9: {  	s16 =	sadd.s32 $0x1, s16;
	[sflag:s1] =	ssyncadd.s32 $0xFFFFE000  }
0xba: {  	[hbm4b:s6+s2] =	stream.linear.scatter [tilespmem:s21], [sflag:$0x4], $0xA000, $0x38;
	[tilespmem:$0x17200] =	vst v63  }
0xbb: {  	p0 =	sne.s32 s16, s7;
	_ =	swait.ge [sflag:s0], $0xA000  }
.Ltmp1:
0xbc: {  	[sflag:s0] =	ssyncset.done $0x0;
	(pc) =	sbr.rel @p0 .LBB2_1-.Ltmp1, $4  }
0xbd: {  	[sflag:s0] =	ssyncadd.s32 $0xFFFF6000  }
0xbe: {  	_ =	swait.ge [sflag:s14], $0xA000  }
0xbf: {  	[sflag:s14] =	ssyncset.done $0x0  }
0xc0: {  	[sflag:s14] =	ssyncadd.s32 $0xFFFF6000  }
0xc1: {  	_ =	sfence.sel $0x180000  }
0xc2: {  	[bflag:$0x0] =	sbarrier.arrive $0xFFFF  }
0xc3: {  	_ =	strace $0x9000004D  }
0xc4: {  	s0 =	stileid.u32;
	[bflag:$0x2] =	sbarrier.arrive $0xFFFF  }
0xc5: {  	p0 =	sne.s32 s0, $0x0;
	s0 =	rddreg [dreg:$0x1]  }
0xc6: {  	s0 =	sadd.s32 @!p0 $0x100000, s0  }
0xc7: {  	[sflag:s0] =	ssyncadd.tile.s32 @!p0 $0x1;
	_ =	shalt  }
.Lfunc_end2:
_tile_overlayer_lowered:
.L_overlay_start_2:
0xc8: {  	(tag) =	ssettag $0x2  }
0xc9: {  	s0 =	rddreg [dreg:$0x0];
	s2 =	stileid.u32  }
0xca: {  	s1 =	rddreg [dreg:$0x1];
	p0 =	sne.s32 s2, $0x0  }
0xcb: {  	s3 =	rddreg [dreg:$0x2];
	[bflag:$0x3] =	sbarrier.arrive $0xFFFF;
	s2 =	simm.s32 @!p0 $0x1C05  }
0xcc: {  	[timem:s3], [sflag:s2] =	dma.local @!p0 [hbm:s0], s1  }
0xcd: {  	s0 =	simm.s32 @!p0 $0x5  }
0xce: {  	_ =	swait.ge @!p0 [sflag:s0], s1  }
0xcf: {  	s1 =	ssub.s32 @!p0 $0x0, s1;
	[sflag:s0] =	ssyncset.done @!p0 $0x0  }
0xd0: {  	[sflag:s0] =	ssyncadd.s32 @!p0 s1  }
0xd1: {  	[bflag:$0x3] =	sbarrier.arrive $0xFFFF  }
0xd2: {  	_ =	shalt  }

// kernel: kernel.9.cloned.1.call-start
scs
__scs_entry_jumppad:
0x0: {  	(pc) =	sbr.rel $0x88, $3  }
0x1: {  	(tag) =	ssettag $0x0;
	lr =	simm.s32 $0x1  }
0x2: {  	[smem:$0x3F9F] =	sst lr;
	_ =	strace $0xD0000000  }
0x3: {  	_ = 	snop  }
0x4: {  	_ = 	snop  }
0x5: {  	_ = 	snop  }
0x6: {  	_ = 	snop  }
0x7: {  	_ = 	snop  }
__scs_overlays_trampoline_lowered:
0x8: {  	[smem:$0x3FAE] =	sst s0  }
0x9: {  	[smem:$0x3FAF] =	sst s1  }
0xa: {  	[smem:$0x3FB0] =	sst s2  }
0xb: {  	[smem:$0x3FB1] =	sst s3  }
0xc: {  	[smem:$0x3FB2] =	sst s4  }
0xd: {  	[smem:$0x3FB3] =	sst s5  }
0xe: {  	[smem:$0x3FB4] =	sst s6  }
0xf: {  	[smem:$0x3FB5] =	sst s7  }
0x10: {  	[smem:$0x3FB6] =	sst s8  }
0x11: {  	[smem:$0x3FB7] =	sst s9;
	s0 =	simm.s32 @!p0 $0x0  }
0x12: {  	s1 =	sld [smem:$0x3F9D];
	s0 =	simm.s32 @p0 $0x1  }
0x13: {  	[smem:$0x3FB8] =	sst s0;
	s0 =	simm.s32 @!p1 $0x0  }
0x14: {  	s2 =	sld [smem:$0x3F9C];
	s0 =	simm.s32 @p1 $0x1  }
0x15: {  	[smem:$0x3FB9] =	sst s0;
	s0 =	simm.s32 @!p2 $0x0  }
0x16: {  	s3 =	sld [smem:$0x3FDB];
	s0 =	simm.s32 @p2 $0x1  }
0x17: {  	s4 =	simm.s32 $0x1BF5;
	[smem:$0x3FBB] =	sst s0  }
0x18: {  	s0 =	sld [smem:$0x3F9E];
	_ =	swait.ge [sflag:s4], $0x0  }
0x19: {  	s7 =	sld [smem:$0x3F9F]  }
0x1a: {  	s8 =	sadd.s32 $0xFFFFE003, lr  }
0x1b: {  	s9 =	sadd.s32 $0xFFFFFEF7, lr;
	s5 =	simm.s32 $0xFFFFFFFF;
	p2 =	slt.u32 s8, $0xFFFFF086  }
0x1c: {  	p1 =	slt.u32 s9, $0xF7A;
	s5 =	simm.s32 @!p2 $0x0  }
0x1d: {  	s5 =	simm.s32 @p1 $0x1;
	p0 =	seq.s32 s7, s2  }
0x1e: {  	s7 =	smul.u32 @!p0 $0xF7A, s2;
	p2 =	seq.s32 @!p0 s5, $0x0  }
0x1f: {  	s9 =	smul.u32 $0xF7A, s1;
	s8 =	simm.s32 @!p0 $0x1BF5;
	p2 =	por !p2, p0  }
0x20: {  	[sflag:s8] =	ssyncset.s32 @!p0 $0xFFFFF086;
	s6 =	sadd.s32 @!p0 s3, s7;
	s7 =	simm.s32 @!p0 $0x108  }
0x21: {  	s3 =	sadd.s32 s3, s9;
	s6 =	sadd.s32 @!p0 $0x88, s6;
	s7 =	simm.s32 @p2 $0x1082  }
0x22: {  	[simem:s7], [sflag:s8] =	dma.local @!p0 [hbm:s6], $0xF7A  }
0x23: {  	s9 =	sor.u32 $0xD0000000, s2;
	s6 =	simm.s32 $0x108;
	_ =	swait.ge @!p0 [sflag:s8], $0x0  }
0x24: {  	s3 =	sadd.s32 $0x88, s3;
	s6 =	simm.s32 @!p1 $0x1082;
	[sflag:s4] =	ssyncset.s32 $0xFFFFF086  }
0x25: {  	[simem:s6], [sflag:s4] =	dma.local [hbm:s3], $0xF7A  }
0x26: {  	[smem:$0x3F9F] =	sst s1;
	(tag) =	ssettag s2;
	_ =	strace s9  }
0x27: {  	s1 =	sld [smem:$0x3FAF]  }
0x28: {  	s2 =	sld [smem:$0x3FB0]  }
0x29: {  	s4 =	sld [smem:$0x3FB2]  }
0x2a: {  	p0 =	seq.s32 s5, $0x0;
	s5 =	sld [smem:$0x3FB3]  }
0x2b: {  	s6 =	sld [smem:$0x3FB4]  }
0x2c: {  	s7 =	sld [smem:$0x3FB5]  }
0x2d: {  	s3 =	simm.s32 $0x108;
	s8 =	sld [smem:$0x3FB6]  }
0x2e: {  	s3 =	simm.s32 @!p0 $0x1082;
	s9 =	sld [smem:$0x3FB7]  }
0x2f: {  	lr =	sadd.s32 s0, s3;
	s0 =	sld [smem:$0x3FAE]  }
0x30: {  	s3 =	sld [smem:$0x3FB1]  }
0x31: {  	[smem:$0x3FBA] =	sst s10  }
0x32: {  	s10 =	sld [smem:$0x3FB8];
	_ =	sdelay $0x3  }
0x33: {  	p0 =	seq.s32 s10, $0x1;
	s10 =	sld [smem:$0x3FBA];
	_ =	sdelay $0x3  }
0x34: {  	[smem:$0x3FBA] =	sst s10  }
0x35: {  	s10 =	sld [smem:$0x3FB9];
	_ =	sdelay $0x3  }
0x36: {  	p1 =	seq.s32 s10, $0x1;
	s10 =	sld [smem:$0x3FBA];
	_ =	sdelay $0x3  }
0x37: {  	[smem:$0x3FBA] =	sst s10  }
0x38: {  	s10 =	sld [smem:$0x3FBB]  }
0x39: {  	_ = 	snop;
	(pc) =	sbr.ind lr, $3  }
0x3a: {  	_ = 	snop  }
0x3b: {  	_ = 	snop  }
0x3c: {  	p2 =	seq.s32 s10, $0x1;
	s10 =	sld [smem:$0x3FBA]  }
0x3d: {  	_ =	shalt  }
0x3e: {  	_ =	shalt  }
0x3f: {  	_ =	shalt  }
0x40: {  	_ =	shalt  }
0x41: {  	_ =	shalt  }
0x42: {  	_ =	shalt  }
0x43: {  	_ =	shalt  }
0x44: {  	_ =	shalt  }
0x45: {  	_ =	shalt  }
0x46: {  	_ =	shalt  }
0x47: {  	_ =	shalt  }
0x48: {  	_ =	shalt  }
0x49: {  	_ =	shalt  }
0x4a: {  	_ =	shalt  }
0x4b: {  	_ =	shalt  }
0x4c: {  	_ =	shalt  }
0x4d: {  	_ =	shalt  }
0x4e: {  	_ =	shalt  }
0x4f: {  	_ =	shalt  }
0x50: {  	_ =	shalt  }
0x51: {  	_ =	shalt  }
0x52: {  	_ =	shalt  }
0x53: {  	_ =	shalt  }
0x54: {  	_ =	shalt  }
0x55: {  	_ =	shalt  }
0x56: {  	_ =	shalt  }
0x57: {  	_ =	shalt  }
0x58: {  	_ =	shalt  }
0x59: {  	_ =	shalt  }
0x5a: {  	_ =	shalt  }
0x5b: {  	_ =	shalt  }
0x5c: {  	_ =	shalt  }
0x5d: {  	_ =	shalt  }
0x5e: {  	_ =	shalt  }
0x5f: {  	_ =	shalt  }
0x60: {  	_ =	shalt  }
0x61: {  	_ =	shalt  }
0x62: {  	_ =	shalt  }
0x63: {  	_ =	shalt  }
0x64: {  	_ =	shalt  }
0x65: {  	_ =	shalt  }
0x66: {  	_ =	shalt  }
0x67: {  	_ =	shalt  }
0x68: {  	_ =	shalt  }
0x69: {  	_ =	shalt  }
0x6a: {  	_ =	shalt  }
0x6b: {  	_ =	shalt  }
0x6c: {  	_ =	shalt  }
0x6d: {  	_ =	shalt  }
0x6e: {  	_ =	shalt  }
0x6f: {  	_ =	shalt  }
0x70: {  	_ =	shalt  }
0x71: {  	_ =	shalt  }
0x72: {  	_ =	shalt  }
0x73: {  	_ =	shalt  }
0x74: {  	_ =	shalt  }
0x75: {  	_ =	shalt  }
0x76: {  	_ =	shalt  }
0x77: {  	_ =	shalt  }
0x78: {  	_ =	shalt  }
0x79: {  	_ =	shalt  }
0x7a: {  	_ =	shalt  }
0x7b: {  	_ =	shalt  }
0x7c: {  	_ =	shalt  }
0x7d: {  	_ =	shalt  }
0x7e: {  	_ =	shalt  }
0x7f: {  	_ =	shalt  }
0x80: {  	_ =	shalt  }
0x81: {  	_ =	shalt  }
0x82: {  	_ =	shalt  }
0x83: {  	_ =	shalt  }
0x84: {  	_ =	shalt  }
0x85: {  	_ =	shalt  }
0x86: {  	_ =	shalt  }
0x87: {  	_ =	shalt  }
.Lfunc_end0:
.L_simem_size_0:
called_computation_lowered:
.L_overlay_start_0:
0x88: {  	s2 =	sld [smem:$0x3FD9]  }
0x89: {  	s3 =	sld [smem:$0x3FFE];
	_ =	sdelay $0x1  }
0x8a: {  	s1 =	srdreg.scid  }
0x8b: {  	s0 =	sand.u32 $0x1, s1  }
0x8c: {  	s16 =	sshll.u32 s0, $0xA;
	s2 =	sadd.s32 s3, s2  }
0x8d: {  	s2 =	sadd.s32 s2, s16  }
0x8e: {  	[smem:$0x3FC6] =	sst s2  }
0x8f: {  	_ = 	snop  }
0x90: {  	(tm) =	ssettm $0x1  }
0x91: {  	s17 =	sld [smem:$0x3FFB];
	_ =	sdelay $0x3  }
0x92: {  	_ =	strace s17  }
0x93: {  	s2 =	sld [smem:$0x3FFC];
	_ =	sdelay $0x3  }
0x94: {  	_ =	strace s2  }
0x95: {  	s2 =	sld [smem:$0x3FFD];
	_ =	sdelay $0x3  }
0x96: {  	_ =	strace s2  }
0x97: {  	_ =	strace $0x8FFFFFFF  }
0x98: {  	s18 =	sld [smem:$0x3FDB];
	_ =	sdelay $0x1  }
0x99: {  	s19 =	simm.s32 $_scs_section_size  }
0x9a: {  	s4 =	simm.s32 $_size__tile_overlayer_lowered;
	s5 =	simm.s32 $_tile_overlayer_lowered  }
0x9b: {  	s22 =	simm.s32 $0x1BFF;
	s21 =	sshll.u32 s5, $0x1;
	s2 =	sadd.s32 s19, s18  }
0x9c: {  	s6 =	simm.s32 $0x0;
	s20 =	sshll.u32 s4, $0x1;
	s4 =	sadd.s32 s21, s2  }
0x9d: {  	[timem:s6], [sflag:s22] =	dma.local [hbm:s4], s20  }
0x9e: {  	_ =	swait.ge [sflag:s22], s20  }
0x9f: {  	s3 =	ssub.s32 $0x0, s20;
	[sflag:s22] =	ssyncset.done $0x0  }
0xa0: {  	[sflag:s22] =	ssyncadd.s32 s3;
	_ =	sdelay $0x1  }
0xa1: {  	s23 =	simm.s32 $0x1B8B  }
0xa2: {  	_ =	swait.ge [sflag:s23], $0x1  }
0xa3: {  	[sflag:s23] =	ssyncset.done $0x0  }
0xa4: {  	s25 =	simm.s32 $0x1B8E;
	s24 =	sld [smem:$0x3FFE];
	[sflag:s23] =	ssyncadd.s32 $0xFFFFFFFF  }
0xa5: {  	s26 =	simm.s32 $execute0_lowered;
	[smem:$0x3FD2] =	sst s25  }
0xa6: {  	s4 =	sshll.u32 s26, $0x1;
	_ =	strace $0x80000046;
	[dreg:$0x1] =	wrdreg $0xFFFFFFFF  }
0xa7: {  	s28 =	simm.s32 $_size_execute0_lowered;
	s2 =	sadd.s32 s2, s4;
	[dreg:$0x0] =	wrdreg $0x0  }
0xa8: {  	s4 =	sshll.u32 s28, $0x1;
	[dreg:$0x2] =	wrdreg s2  }
0xa9: {  	[dreg:$0x3] =	wrdreg s4  }
0xaa: {  	[dreg:$0x4] =	wrdreg $0xC0  }
0xab: {  	_ =	task [dreg:s6], $0x5FFFF  }
0xac: {  	[dreg:$0x1] =	wrdreg $0xFFFFFFFF  }
0xad: {  	[dreg:$0x0] =	wrdreg $0x60  }
0xae: {  	[dreg:$0x2] =	wrdreg s24  }
0xaf: {  	[dreg:$0x3] =	wrdreg $0x9  }
0xb0: {  	_ =	task.clear_ibuf [dreg:s6], $0x4FFFF;
	_ =	strace $0x90000046  }
0xb1: {  	s29 =	simm.s32 $0x9;
	_ =	strace $0x80000048  }
0xb2: {  	_ =	swait.ge [sflag:s29], $0x1  }
0xb3: {  	[sflag:s29] =	ssyncadd.s32 $0xFFFFFFFF  }
0xb4: {  	_ =	strace $0x90000048  }
0xb5: {  	_ =	sfence  }
0xb6: {  	s30 =	sld [smem:$0x0];
	_ =	sdelay $0x2  }
0xb7: {  	s31 =	sshll.u32 s1, $0xD;
	s1 =	sshrl.u32 s1, $0x2  }
0xb8: {  	s3 =	sand.u32 $0x4000, s31;
	s1 =	sadd.s32 s1, s30  }
0xb9: {  	s0 =	sor.u32 s3, s0;
	s1 =	sshll.u32 s1, $0x11  }
0xba: {  	s0 =	sor.u32 s1, s0  }
0xbb: {  	s0 =	sadd.s32 $0x8F2B, s0  }
0xbc: {  	[sflag:s0] =	ssyncadd.remote.s32 $0x1  }
0xbd: {  	_ =	sfence.sel $0xFFFF  }
0xbe: {  	[dreg:$0x0] =	wrdreg $0xFFFFFFFF;
	(pc) =	sbr.abs _section_cstart, $3  }
0xbf: {  	[dreg:$0x1] =	wrdreg $0xFFFFFFFF  }
0xc0: {  	_ =	task.clear_ibuf [dreg:s6], $0x2FFFF;
	_ =	strace $0x9FFFFFFF  }
0xc1: {  	(tm) =	ssettm $0x7FFFFFFF  }
tec
execute0_lowered:
.L_overlay_start_1:
0x0: {  	(tag) =	ssettag $0x1  }
0x1: {  	s0 =	srdreg.scid  }
0x2: {  	s19 =	stileid.u32;
	s3 =	rddreg [dreg:$0x0];
	s2 =	simm.s32 $0x0  }
0x3: {  	s31 =	simm.s32 $0x5;
	s8 =	simm.s32 $0x80;
	s14 =	simm.s32 $0x100  }
0x4: {  	s15 =	simm.s32 $0x180;
	s16 =	simm.s32 $0x200;
	[smem:$0x7FF] =	sst s2  }
0x5: {  	s17 =	simm.s32 $0x280;
	_ =	strace $0x80000047;
	[dreg:$0x8] =	wrdreg s14  }
0x6: {  	s18 =	simm.s32 $0x300;
	s7 =	simm.s32 $0xAC80;
	[dreg:$0x9] =	wrdreg s15  }
0x7: {  	s20 =	simm.s32 $0x380;
	s21 =	simm.s32 $0x400;
	[dreg:$0xa] =	wrdreg s16  }
0x8: {  	s22 =	simm.s32 $0x480;
	s23 =	simm.s32 $0x500;
	[dreg:$0xb] =	wrdreg s17  }
0x9: {  	s24 =	simm.s32 $0x580;
	s25 =	simm.s32 $0x600;
	[dreg:$0xc] =	wrdreg s18  }
0xa: {  	s26 =	simm.s32 $0x680;
	s28 =	simm.s32 $0x880;
	[dreg:$0xd] =	wrdreg s20  }
0xb: {  	s29 =	simm.s32 $0x900;
	p0 =	por $0x0, $0x0;
	[dreg:$0xe] =	wrdreg s21  }
0xc: {  	s30 =	simm.s32 $0x980;
	s0 =	sand.u32 $0x1, s0;
	[dreg:$0xf] =	wrdreg s22  }
0xd: {  	s6 =	sadd.s32 $0x7AC800, s3;
	s1 =	sshll.u32 s0, $0x4;
	[dreg:$0x10] =	wrdreg s23  }
0xe: {  	s0 =	ssub.s32 $0x2, s0;
	s15 =	simm.s32 $0xCC80;
	[dreg:$0x11] =	wrdreg s24  }
0xf: {  	s16 =	simm.s32 $0xEC80;
	s17 =	simm.s32 $0x10C80;
	[dreg:$0x12] =	wrdreg s25  }
0x10: {  	s18 =	simm.s32 $0x12C80;
	[dreg:$0x13] =	wrdreg s26;
	s25 =	simm.s32 $0x700  }
0x11: {  	s14 =	simm.s32 $0x2;
	s26 =	simm.s32 $0x800;
	s1 =	sor.u32 s19, s1  }
0x12: {  	s20 =	simm.s32 $0xA00;
	s21 =	simm.s32 $0xA80;
	s4 =	smul.u32 $0x190, s1  }
0x13: {  	s22 =	simm.s32 $0xB00;
	s11 =	sshrl.u32 s0, $0x1;
	s5 =	smul.u32 $0x32000, s1  }
0x14: {  	s23 =	simm.s32 $0xB80;
	s1 =	smul.u32 $0x6400, s1;
	s0 =	ssub.s32 s0, s11  }
0x15: {  	s24 =	simm.s32 $0xC00;
	s11 =	simm.s32 $0x4C80;
	s0 =	smax.u32 s0, $0x1  }
0x16: {  	s4 =	sadd.s32 s4, s3;
	s5 =	sshrl.u32 s5, $0x3;
	s1 =	sadd.s32 s6, s1  }
0x17: {  	p1 =	sne.s32 s0, $0x1;
	s4 =	sadd.s32 $0x1600, s4;
	s5 =	sadd.s32 s6, s5  }
0x18: {  	[dreg:$0x3] =	wrdreg s1;
	s6 =	simm.s32 $0x1;
	s1 =	sadd.s32 $0xFFFFFFFF, s0  }
0x19: {  	[dreg:$0x2] =	wrdreg s4;
	s4 =	sadd.s32 $0x4800, s3;
	s9 =	sadd.s32 $0x1400, s5  }
.Ltmp0:
0x1a: {  	s10 =	sadd.s32 $0x2800, s5;
	[dreg:$0x4] =	wrdreg s9;
	(pc) =	sbr.rel @!p1 .LBB2_1-.Ltmp0, $4  }
0x1b: {  	s12 =	sadd.s32 $0x3C00, s5;
	s13 =	sadd.s32 $0x5000, s5;
	[dreg:$0x5] =	wrdreg s10  }
0x1c: {  	s3 =	simm.s32 $0xC80;
	s5 =	simm.s32 $0x3;
	[dreg:$0x6] =	wrdreg s12  }
0x1d: {  	[dreg:$0x7] =	wrdreg s13;
	s10 =	simm.s32 $0x2C80;
	s12 =	simm.s32 $0x6C80  }
0x1e: {  	s13 =	simm.s32 $0x8C80;
	s9 =	simm.s32 $0x4;
	s0 =	rddreg [dreg:$0x2]  }
0x1f: {  	[tilespmem:s2], [sflag:$0x5] =	stream.linear.gather [hbm4b:s0+s2], $0xC80, $0x38;
	[tilespmem:$0x14C80] =	vst v63  }
0x20: {  	_ =	swait.ge [sflag:s31], $0xC80  }
0x21: {  	[sflag:s31] =	ssyncset.done $0x0  }
0x22: {  	[sflag:s31] =	ssyncadd.s32 $0xFFFFF380  }
0x23: {  	[tilespmem:s3], [sflag:$0x1] =	stream.indirect.gather [hbm4b:s4+s8], $0x40, s2, s8, $0xb8;
	[tilespmem:$0x14C80] =	vst v63  }
0x24: {  	_ = 	snop  }
0x25: {  	[tilespmem:s10], [sflag:$0x1] =	stream.indirect.gather [hbm4b:s4+s8], $0x40, s8, s8, $0xb8;
	[tilespmem:$0x14C80] =	vst v63  }
0x26: {  	s0 =	rddreg [dreg:$0x8]  }
0x27: {  	[tilespmem:s11], [sflag:$0x1] =	stream.indirect.gather [hbm4b:s4+s8], $0x40, s0, s8, $0xb8;
	[tilespmem:$0x14C80] =	vst v63  }
0x28: {  	s19 =	smov.u32 s1;
	s1 =	rddreg [dreg:$0x9]  }
0x29: {  	[tilespmem:s12], [sflag:$0x1] =	stream.indirect.gather [hbm4b:s4+s8], $0x40, s1, s8, $0xb8;
	[tilespmem:$0x14C80] =	vst v63  }
0x2a: {  	s0 =	rddreg [dreg:$0xa]  }
0x2b: {  	[tilespmem:s13], [sflag:$0x1] =	stream.indirect.gather [hbm4b:s4+s8], $0x40, s0, s8, $0xb8;
	[tilespmem:$0x14C80] =	vst v63  }
0x2c: {  	s1 =	rddreg [dreg:$0xb]  }
0x2d: {  	[tilespmem:s7], [sflag:$0x2] =	stream.indirect.gather [hbm4b:s4+s8], $0x40, s1, s8, $0xb8;
	[tilespmem:$0x14C80] =	vst v63  }
0x2e: {  	s0 =	rddreg [dreg:$0xc]  }
0x2f: {  	[tilespmem:s15], [sflag:$0x2] =	stream.indirect.gather [hbm4b:s4+s8], $0x40, s0, s8, $0xb8;
	[tilespmem:$0x14C80] =	vst v63  }
0x30: {  	s1 =	rddreg [dreg:$0xd]  }
0x31: {  	[tilespmem:s16], [sflag:$0x2] =	stream.indirect.gather [hbm4b:s4+s8], $0x40, s1, s8, $0xb8;
	[tilespmem:$0x14C80] =	vst v63  }
0x32: {  	s0 =	rddreg [dreg:$0xe]  }
0x33: {  	[tilespmem:s17], [sflag:$0x2] =	stream.indirect.gather [hbm4b:s4+s8], $0x40, s0, s8, $0xb8;
	[tilespmem:$0x14C80] =	vst v63  }
0x34: {  	s1 =	rddreg [dreg:$0xf]  }
0x35: {  	[tilespmem:s18], [sflag:$0x2] =	stream.indirect.gather [hbm4b:s4+s8], $0x40, s1, s8, $0xb8;
	[tilespmem:$0x14C80] =	vst v63  }
0x36: {  	_ =	swait.ge [sflag:s6], $0x2000  }
0x37: {  	[sflag:s6] =	ssyncset.done $0x0  }
0x38: {  	[sflag:s6] =	ssyncadd.s32 $0xFFFFE000  }
0x39: {  	_ =	swait.ge [sflag:s6], $0x2000  }
0x3a: {  	[sflag:s6] =	ssyncset.done $0x0  }
0x3b: {  	[sflag:s6] =	ssyncadd.s32 $0xFFFFE000  }
0x3c: {  	_ =	swait.ge [sflag:s6], $0x2000  }
0x3d: {  	[sflag:s6] =	ssyncset.done $0x0  }
0x3e: {  	[sflag:s6] =	ssyncadd.s32 $0xFFFFE000  }
0x3f: {  	_ =	swait.ge [sflag:s6], $0x2000  }
0x40: {  	[sflag:s6] =	ssyncset.done $0x0  }
0x41: {  	[sflag:s6] =	ssyncadd.s32 $0xFFFFE000  }
0x42: {  	_ =	swait.ge [sflag:s6], $0x2000  }
0x43: {  	[sflag:s6] =	ssyncset.done $0x0  }
0x44: {  	s1 =	rddreg [dreg:$0x3];
	[sflag:s6] =	ssyncadd.s32 $0xFFFFE000  }
0x45: {  	[hbm4b:s1+s2] =	stream.linear.scatter [tilespmem:s3], [sflag:$0x3], $0xA000, $0x38;
	[tilespmem:$0x14C80] =	vst v63  }
0x46: {  	_ =	swait.ge [sflag:s5], $0xA000  }
0x47: {  	[sflag:s5] =	ssyncset.done $0x0  }
0x48: {  	s0 =	rddreg [dreg:$0x10];
	[sflag:s5] =	ssyncadd.s32 $0xFFFF6000  }
0x49: {  	[tilespmem:s3], [sflag:$0x1] =	stream.indirect.gather [hbm4b:s4+s8], $0x40, s0, s8, $0xb8;
	[tilespmem:$0x14C80] =	vst v63  }
0x4a: {  	s1 =	rddreg [dreg:$0x11]  }
0x4b: {  	[tilespmem:s10], [sflag:$0x1] =	stream.indirect.gather [hbm4b:s4+s8], $0x40, s1, s8, $0xb8;
	[tilespmem:$0x14C80] =	vst v63  }
0x4c: {  	s0 =	rddreg [dreg:$0x12]  }
0x4d: {  	[tilespmem:s11], [sflag:$0x1] =	stream.indirect.gather [hbm4b:s4+s8], $0x40, s0, s8, $0xb8;
	[tilespmem:$0x14C80] =	vst v63  }
0x4e: {  	s1 =	rddreg [dreg:$0x13]  }
0x4f: {  	[tilespmem:s12], [sflag:$0x1] =	stream.indirect.gather [hbm4b:s4+s8], $0x40, s1, s8, $0xb8;
	[tilespmem:$0x14C80] =	vst v63  }
0x50: {  	_ = 	snop  }
0x51: {  	[tilespmem:s13], [sflag:$0x1] =	stream.indirect.gather [hbm4b:s4+s8], $0x40, s25, s8, $0xb8;
	[tilespmem:$0x14C80] =	vst v63  }
0x52: {  	_ =	swait.ge [sflag:s14], $0x2000  }
0x53: {  	[sflag:s14] =	ssyncset.done $0x0  }
0x54: {  	[sflag:s14] =	ssyncadd.s32 $0xFFFFE000  }
0x55: {  	_ =	swait.ge [sflag:s14], $0x2000  }
0x56: {  	[sflag:s14] =	ssyncset.done $0x0  }
0x57: {  	[sflag:s14] =	ssyncadd.s32 $0xFFFFE000  }
0x58: {  	_ =	swait.ge [sflag:s14], $0x2000  }
0x59: {  	[sflag:s14] =	ssyncset.done $0x0  }
0x5a: {  	[sflag:s14] =	ssyncadd.s32 $0xFFFFE000  }
0x5b: {  	_ =	swait.ge [sflag:s14], $0x2000  }
0x5c: {  	[sflag:s14] =	ssyncset.done $0x0  }
0x5d: {  	[sflag:s14] =	ssyncadd.s32 $0xFFFFE000  }
0x5e: {  	_ =	swait.ge [sflag:s14], $0x2000  }
0x5f: {  	[sflag:s14] =	ssyncset.done $0x0  }
0x60: {  	s1 =	rddreg [dreg:$0x4];
	[sflag:s14] =	ssyncadd.s32 $0xFFFFE000  }
0x61: {  	[hbm4b:s1+s2] =	stream.linear.scatter [tilespmem:s7], [sflag:$0x4], $0xA000, $0x38;
	[tilespmem:$0x14C80] =	vst v63  }
0x62: {  	_ =	swait.ge [sflag:s9], $0xA000  }
0x63: {  	[sflag:s9] =	ssyncset.done $0x0  }
0x64: {  	s1 =	simm.s32 $0x780;
	[sflag:s9] =	ssyncadd.s32 $0xFFFF6000  }
0x65: {  	[tilespmem:s7], [sflag:$0x2] =	stream.indirect.gather [hbm4b:s4+s8], $0x40, s1, s8, $0xb8;
	[tilespmem:$0x14C80] =	vst v63  }
0x66: {  	_ = 	snop  }
0x67: {  	[tilespmem:s15], [sflag:$0x2] =	stream.indirect.gather [hbm4b:s4+s8], $0x40, s26, s8, $0xb8;
	[tilespmem:$0x14C80] =	vst v63  }
0x68: {  	_ = 	snop  }
0x69: {  	[tilespmem:s16], [sflag:$0x2] =	stream.indirect.gather [hbm4b:s4+s8], $0x40, s28, s8, $0xb8;
	[tilespmem:$0x14C80] =	vst v63  }
0x6a: {  	_ = 	snop  }
0x6b: {  	[tilespmem:s17], [sflag:$0x2] =	stream.indirect.gather [hbm4b:s4+s8], $0x40, s29, s8, $0xb8;
	[tilespmem:$0x14C80] =	vst v63  }
0x6c: {  	_ = 	snop  }
0x6d: {  	[tilespmem:s18], [sflag:$0x2] =	stream.indirect.gather [hbm4b:s4+s8], $0x40, s30, s8, $0xb8;
	[tilespmem:$0x14C80] =	vst v63  }
0x6e: {  	_ =	swait.ge [sflag:s6], $0x2000  }
0x6f: {  	[sflag:s6] =	ssyncset.done $0x0  }
0x70: {  	[sflag:s6] =	ssyncadd.s32 $0xFFFFE000  }
0x71: {  	_ =	swait.ge [sflag:s6], $0x2000  }
0x72: {  	[sflag:s6] =	ssyncset.done $0x0  }
0x73: {  	[sflag:s6] =	ssyncadd.s32 $0xFFFFE000  }
0x74: {  	_ =	swait.ge [sflag:s6], $0x2000  }
0x75: {  	[sflag:s6] =	ssyncset.done $0x0  }
0x76: {  	[sflag:s6] =	ssyncadd.s32 $0xFFFFE000  }
0x77: {  	_ =	swait.ge [sflag:s6], $0x2000  }
0x78: {  	[sflag:s6] =	ssyncset.done $0x0  }
0x79: {  	[sflag:s6] =	ssyncadd.s32 $0xFFFFE000  }
0x7a: {  	_ =	swait.ge [sflag:s6], $0x2000  }
0x7b: {  	[sflag:s6] =	ssyncset.done $0x0  }
0x7c: {  	s1 =	rddreg [dreg:$0x5];
	[sflag:s6] =	ssyncadd.s32 $0xFFFFE000  }
0x7d: {  	[hbm4b:s1+s2] =	stream.linear.scatter [tilespmem:s3], [sflag:$0x3], $0xA000, $0x38;
	[tilespmem:$0x14C80] =	vst v63  }
0x7e: {  	_ =	swait.ge [sflag:s5], $0xA000  }
0x7f: {  	[sflag:s5] =	ssyncset.done $0x0  }
0x80: {  	[sflag:s5] =	ssyncadd.s32 $0xFFFF6000  }
0x81: {  	[tilespmem:s3], [sflag:$0x1] =	stream.indirect.gather [hbm4b:s4+s8], $0x40, s20, s8, $0xb8;
	[tilespmem:$0x14C80] =	vst v63  }
0x82: {  	_ = 	snop  }
0x83: {  	[tilespmem:s10], [sflag:$0x1] =	stream.indirect.gather [hbm4b:s4+s8], $0x40, s21, s8, $0xb8;
	[tilespmem:$0x14C80] =	vst v63  }
0x84: {  	_ = 	snop  }
0x85: {  	[tilespmem:s11], [sflag:$0x1] =	stream.indirect.gather [hbm4b:s4+s8], $0x40, s22, s8, $0xb8;
	[tilespmem:$0x14C80] =	vst v63  }
0x86: {  	_ = 	snop  }
0x87: {  	[tilespmem:s12], [sflag:$0x1] =	stream.indirect.gather [hbm4b:s4+s8], $0x40, s23, s8, $0xb8;
	[tilespmem:$0x14C80] =	vst v63  }
0x88: {  	_ = 	snop  }
0x89: {  	[tilespmem:s13], [sflag:$0x1] =	stream.indirect.gather [hbm4b:s4+s8], $0x40, s24, s8, $0xb8;
	[tilespmem:$0x14C80] =	vst v63  }
0x8a: {  	_ =	swait.ge [sflag:s14], $0x2000  }
0x8b: {  	[sflag:s14] =	ssyncset.done $0x0  }
0x8c: {  	[sflag:s14] =	ssyncadd.s32 $0xFFFFE000  }
0x8d: {  	_ =	swait.ge [sflag:s14], $0x2000  }
0x8e: {  	[sflag:s14] =	ssyncset.done $0x0  }
0x8f: {  	[sflag:s14] =	ssyncadd.s32 $0xFFFFE000  }
0x90: {  	_ =	swait.ge [sflag:s14], $0x2000  }
0x91: {  	[sflag:s14] =	ssyncset.done $0x0  }
0x92: {  	[sflag:s14] =	ssyncadd.s32 $0xFFFFE000  }
0x93: {  	_ =	swait.ge [sflag:s14], $0x2000  }
0x94: {  	[sflag:s14] =	ssyncset.done $0x0  }
0x95: {  	[sflag:s14] =	ssyncadd.s32 $0xFFFFE000  }
0x96: {  	_ =	swait.ge [sflag:s14], $0x2000  }
0x97: {  	[sflag:s14] =	ssyncset.done $0x0  }
0x98: {  	s1 =	rddreg [dreg:$0x6];
	[sflag:s14] =	ssyncadd.s32 $0xFFFFE000  }
0x99: {  	[hbm4b:s1+s2] =	stream.linear.scatter [tilespmem:s7], [sflag:$0x4], $0xA000, $0x38;
	[tilespmem:$0x14C80] =	vst v63  }
0x9a: {  	_ =	swait.ge [sflag:s6], $0x2000  }
0x9b: {  	[sflag:s6] =	ssyncset.done $0x0  }
0x9c: {  	[sflag:s6] =	ssyncadd.s32 $0xFFFFE000  }
0x9d: {  	_ =	swait.ge [sflag:s6], $0x2000  }
0x9e: {  	[sflag:s6] =	ssyncset.done $0x0  }
0x9f: {  	[sflag:s6] =	ssyncadd.s32 $0xFFFFE000  }
0xa0: {  	_ =	swait.ge [sflag:s6], $0x2000  }
0xa1: {  	[sflag:s6] =	ssyncset.done $0x0  }
0xa2: {  	[sflag:s6] =	ssyncadd.s32 $0xFFFFE000  }
0xa3: {  	_ =	swait.ge [sflag:s6], $0x2000  }
0xa4: {  	[sflag:s6] =	ssyncset.done $0x0  }
0xa5: {  	[sflag:s6] =	ssyncadd.s32 $0xFFFFE000  }
0xa6: {  	_ =	swait.ge [sflag:s6], $0x2000  }
0xa7: {  	[sflag:s6] =	ssyncset.done $0x0  }
0xa8: {  	p1 =	sne.s32 s19, $0x1;
	s1 =	rddreg [dreg:$0x7];
	[sflag:s6] =	ssyncadd.s32 $0xFFFFE000  }
0xa9: {  	[hbm4b:s1+s2] =	stream.linear.scatter [tilespmem:s3], [sflag:$0x3], $0xA000, $0x38;
	[tilespmem:$0x14C80] =	vst v63  }
.Ltmp1:
0xaa: {  	_ =	swait.ge [sflag:s9], $0xA000;
	(pc) =	sbr.rel @!p1 .LBB2_3-.Ltmp1, $4  }
0xab: {  	[sflag:s9] =	ssyncset.done $0x0  }
0xac: {  	[sflag:s9] =	ssyncadd.s32 $0xFFFF6000  }
0xad: {  	p0 =	por $0x1, $0x1;
	_ =	swait.ge [sflag:s5], $0xA000  }
0xae: {  	s1 =	sadd.s32 $0xFFFFFFFF, s19;
	s0 =	rddreg [dreg:$0x2];
	[sflag:s5] =	ssyncset.done $0x0  }
.LBB2_4:
0xaf: {  	[sflag:s5] =	ssyncadd.s32 $0xFFFF6000  }
0xb0: {  	[tilespmem:s2], [sflag:$0x5] =	stream.linear.gather [hbm4b:s0+s2], $0xC80, $0x38;
	[tilespmem:$0x14C80] =	vst v63  }
0xb1: {  	_ =	swait.ge [sflag:s31], $0xC80  }
0xb2: {  	[sflag:s31] =	ssyncset.done $0x0  }
0xb3: {  	[sflag:s31] =	ssyncadd.s32 $0xFFFFF380  }
0xb4: {  	[tilespmem:s3], [sflag:$0x1] =	stream.indirect.gather [hbm4b:s4+s8], $0x40, s2, s8, $0xb8;
	[tilespmem:$0x14C80] =	vst v63  }
0xb5: {  	_ = 	snop  }
0xb6: {  	[tilespmem:s10], [sflag:$0x1] =	stream.indirect.gather [hbm4b:s4+s8], $0x40, s8, s8, $0xb8;
	[tilespmem:$0x14C80] =	vst v63  }
0xb7: {  	s0 =	rddreg [dreg:$0x8]  }
0xb8: {  	[tilespmem:s11], [sflag:$0x1] =	stream.indirect.gather [hbm4b:s4+s8], $0x40, s0, s8, $0xb8;
	[tilespmem:$0x14C80] =	vst v63  }
0xb9: {  	s19 =	rddreg [dreg:$0x9]  }
0xba: {  	[tilespmem:s12], [sflag:$0x1] =	stream.indirect.gather [hbm4b:s4+s8], $0x40, s19, s8, $0xb8;
	[tilespmem:$0x14C80] =	vst v63  }
0xbb: {  	s0 =	rddreg [dreg:$0xa]  }
0xbc: {  	[tilespmem:s13], [sflag:$0x1] =	stream.indirect.gather [hbm4b:s4+s8], $0x40, s0, s8, $0xb8;
	[tilespmem:$0x14C80] =	vst v63  }
0xbd: {  	s19 =	rddreg [dreg:$0xb]  }
0xbe: {  	[tilespmem:s7], [sflag:$0x2] =	stream.indirect.gather [hbm4b:s4+s8], $0x40, s19, s8, $0xb8;
	[tilespmem:$0x14C80] =	vst v63  }
0xbf: {  	s0 =	rddreg [dreg:$0xc]  }
0xc0: {  	[tilespmem:s15], [sflag:$0x2] =	stream.indirect.gather [hbm4b:s4+s8], $0x40, s0, s8, $0xb8;
	[tilespmem:$0x14C80] =	vst v63  }
0xc1: {  	s19 =	rddreg [dreg:$0xd]  }
0xc2: {  	[tilespmem:s16], [sflag:$0x2] =	stream.indirect.gather [hbm4b:s4+s8], $0x40, s19, s8, $0xb8;
	[tilespmem:$0x14C80] =	vst v63  }
0xc3: {  	s0 =	rddreg [dreg:$0xe]  }
0xc4: {  	[tilespmem:s17], [sflag:$0x2] =	stream.indirect.gather [hbm4b:s4+s8], $0x40, s0, s8, $0xb8;
	[tilespmem:$0x14C80] =	vst v63  }
0xc5: {  	s19 =	rddreg [dreg:$0xf]  }
0xc6: {  	[tilespmem:s18], [sflag:$0x2] =	stream.indirect.gather [hbm4b:s4+s8], $0x40, s19, s8, $0xb8;
	[tilespmem:$0x14C80] =	vst v63  }
0xc7: {  	_ =	swait.ge [sflag:s6], $0x2000  }
0xc8: {  	[sflag:s6] =	ssyncset.done $0x0  }
0xc9: {  	[sflag:s6] =	ssyncadd.s32 $0xFFFFE000  }
0xca: {  	_ =	swait.ge [sflag:s6], $0x2000  }
0xcb: {  	[sflag:s6] =	ssyncset.done $0x0  }
0xcc: {  	[sflag:s6] =	ssyncadd.s32 $0xFFFFE000  }
0xcd: {  	_ =	swait.ge [sflag:s6], $0x2000  }
0xce: {  	[sflag:s6] =	ssyncset.done $0x0  }
0xcf: {  	[sflag:s6] =	ssyncadd.s32 $0xFFFFE000  }
0xd0: {  	_ =	swait.ge [sflag:s6], $0x2000  }
0xd1: {  	[sflag:s6] =	ssyncset.done $0x0  }
0xd2: {  	[sflag:s6] =	ssyncadd.s32 $0xFFFFE000  }
0xd3: {  	_ =	swait.ge [sflag:s6], $0x2000  }
0xd4: {  	[sflag:s6] =	ssyncset.done $0x0  }
0xd5: {  	s19 =	rddreg [dreg:$0x3];
	[sflag:s6] =	ssyncadd.s32 $0xFFFFE000  }
0xd6: {  	[hbm4b:s19+s2] =	stream.linear.scatter [tilespmem:s3], [sflag:$0x3], $0xA000, $0x38;
	[tilespmem:$0x14C80] =	vst v63  }
0xd7: {  	_ =	swait.ge [sflag:s5], $0xA000  }
0xd8: {  	[sflag:s5] =	ssyncset.done $0x0  }
0xd9: {  	s0 =	rddreg [dreg:$0x10];
	[sflag:s5] =	ssyncadd.s32 $0xFFFF6000  }
0xda: {  	[tilespmem:s3], [sflag:$0x1] =	stream.indirect.gather [hbm4b:s4+s8], $0x40, s0, s8, $0xb8;
	[tilespmem:$0x14C80] =	vst v63  }
0xdb: {  	s19 =	rddreg [dreg:$0x11]  }
0xdc: {  	[tilespmem:s10], [sflag:$0x1] =	stream.indirect.gather [hbm4b:s4+s8], $0x40, s19, s8, $0xb8;
	[tilespmem:$0x14C80] =	vst v63  }
0xdd: {  	s0 =	rddreg [dreg:$0x12]  }
0xde: {  	[tilespmem:s11], [sflag:$0x1] =	stream.indirect.gather [hbm4b:s4+s8], $0x40, s0, s8, $0xb8;
	[tilespmem:$0x14C80] =	vst v63  }
0xdf: {  	s19 =	rddreg [dreg:$0x13]  }
0xe0: {  	[tilespmem:s12], [sflag:$0x1] =	stream.indirect.gather [hbm4b:s4+s8], $0x40, s19, s8, $0xb8;
	[tilespmem:$0x14C80] =	vst v63  }
0xe1: {  	_ = 	snop  }
0xe2: {  	[tilespmem:s13], [sflag:$0x1] =	stream.indirect.gather [hbm4b:s4+s8], $0x40, s25, s8, $0xb8;
	[tilespmem:$0x14C80] =	vst v63  }
0xe3: {  	_ =	swait.ge [sflag:s14], $0x2000  }
0xe4: {  	[sflag:s14] =	ssyncset.done $0x0  }
0xe5: {  	[sflag:s14] =	ssyncadd.s32 $0xFFFFE000  }
0xe6: {  	_ =	swait.ge [sflag:s14], $0x2000  }
0xe7: {  	[sflag:s14] =	ssyncset.done $0x0  }
0xe8: {  	[sflag:s14] =	ssyncadd.s32 $0xFFFFE000  }
0xe9: {  	_ =	swait.ge [sflag:s14], $0x2000  }
0xea: {  	[sflag:s14] =	ssyncset.done $0x0  }
0xeb: {  	[sflag:s14] =	ssyncadd.s32 $0xFFFFE000  }
0xec: {  	_ =	swait.ge [sflag:s14], $0x2000  }
0xed: {  	[sflag:s14] =	ssyncset.done $0x0  }
0xee: {  	[sflag:s14] =	ssyncadd.s32 $0xFFFFE000  }
0xef: {  	_ =	swait.ge [sflag:s14], $0x2000  }
0xf0: {  	[sflag:s14] =	ssyncset.done $0x0  }
0xf1: {  	s19 =	rddreg [dreg:$0x4];
	[sflag:s14] =	ssyncadd.s32 $0xFFFFE000  }
0xf2: {  	[hbm4b:s19+s2] =	stream.linear.scatter [tilespmem:s7], [sflag:$0x4], $0xA000, $0x38;
	[tilespmem:$0x14C80] =	vst v63  }
0xf3: {  	_ =	swait.ge [sflag:s9], $0xA000  }
0xf4: {  	[sflag:s9] =	ssyncset.done $0x0  }
0xf5: {  	s19 =	simm.s32 $0x780;
	[sflag:s9] =	ssyncadd.s32 $0xFFFF6000  }
0xf6: {  	[tilespmem:s7], [sflag:$0x2] =	stream.indirect.gather [hbm4b:s4+s8], $0x40, s19, s8, $0xb8;
	[tilespmem:$0x14C80] =	vst v63  }
0xf7: {  	_ = 	snop  }
0xf8: {  	[tilespmem:s15], [sflag:$0x2] =	stream.indirect.gather [hbm4b:s4+s8], $0x40, s26, s8, $0xb8;
	[tilespmem:$0x14C80] =	vst v63  }
0xf9: {  	_ = 	snop  }
0xfa: {  	[tilespmem:s16], [sflag:$0x2] =	stream.indirect.gather [hbm4b:s4+s8], $0x40, s28, s8, $0xb8;
	[tilespmem:$0x14C80] =	vst v63  }
0xfb: {  	_ = 	snop  }
0xfc: {  	[tilespmem:s17], [sflag:$0x2] =	stream.indirect.gather [hbm4b:s4+s8], $0x40, s29, s8, $0xb8;
	[tilespmem:$0x14C80] =	vst v63  }
0xfd: {  	_ = 	snop  }
0xfe: {  	[tilespmem:s18], [sflag:$0x2] =	stream.indirect.gather [hbm4b:s4+s8], $0x40, s30, s8, $0xb8;
	[tilespmem:$0x14C80] =	vst v63  }
0xff: {  	_ =	swait.ge [sflag:s6], $0x2000  }
0x100: {  	[sflag:s6] =	ssyncset.done $0x0  }
0x101: {  	[sflag:s6] =	ssyncadd.s32 $0xFFFFE000  }
0x102: {  	_ =	swait.ge [sflag:s6], $0x2000  }
0x103: {  	[sflag:s6] =	ssyncset.done $0x0  }
0x104: {  	[sflag:s6] =	ssyncadd.s32 $0xFFFFE000  }
0x105: {  	_ =	swait.ge [sflag:s6], $0x2000  }
0x106: {  	[sflag:s6] =	ssyncset.done $0x0  }
0x107: {  	[sflag:s6] =	ssyncadd.s32 $0xFFFFE000  }
0x108: {  	_ =	swait.ge [sflag:s6], $0x2000  }
0x109: {  	[sflag:s6] =	ssyncset.done $0x0  }
0x10a: {  	[sflag:s6] =	ssyncadd.s32 $0xFFFFE000  }
0x10b: {  	_ =	swait.ge [sflag:s6], $0x2000  }
0x10c: {  	[sflag:s6] =	ssyncset.done $0x0  }
0x10d: {  	s19 =	rddreg [dreg:$0x5];
	[sflag:s6] =	ssyncadd.s32 $0xFFFFE000  }
0x10e: {  	[hbm4b:s19+s2] =	stream.linear.scatter [tilespmem:s3], [sflag:$0x3], $0xA000, $0x38;
	[tilespmem:$0x14C80] =	vst v63  }
0x10f: {  	_ =	swait.ge [sflag:s5], $0xA000  }
0x110: {  	[sflag:s5] =	ssyncset.done $0x0  }
0x111: {  	[sflag:s5] =	ssyncadd.s32 $0xFFFF6000  }
0x112: {  	[tilespmem:s3], [sflag:$0x1] =	stream.indirect.gather [hbm4b:s4+s8], $0x40, s20, s8, $0xb8;
	[tilespmem:$0x14C80] =	vst v63  }
0x113: {  	_ = 	snop  }
0x114: {  	[tilespmem:s10], [sflag:$0x1] =	stream.indirect.gather [hbm4b:s4+s8], $0x40, s21, s8, $0xb8;
	[tilespmem:$0x14C80] =	vst v63  }
0x115: {  	_ = 	snop  }
0x116: {  	[tilespmem:s11], [sflag:$0x1] =	stream.indirect.gather [hbm4b:s4+s8], $0x40, s22, s8, $0xb8;
	[tilespmem:$0x14C80] =	vst v63  }
0x117: {  	_ = 	snop  }
0x118: {  	[tilespmem:s12], [sflag:$0x1] =	stream.indirect.gather [hbm4b:s4+s8], $0x40, s23, s8, $0xb8;
	[tilespmem:$0x14C80] =	vst v63  }
0x119: {  	_ = 	snop  }
0x11a: {  	[tilespmem:s13], [sflag:$0x1] =	stream.indirect.gather [hbm4b:s4+s8], $0x40, s24, s8, $0xb8;
	[tilespmem:$0x14C80] =	vst v63  }
0x11b: {  	_ =	swait.ge [sflag:s14], $0x2000  }
0x11c: {  	[sflag:s14] =	ssyncset.done $0x0  }
0x11d: {  	[sflag:s14] =	ssyncadd.s32 $0xFFFFE000  }
0x11e: {  	_ =	swait.ge [sflag:s14], $0x2000  }
0x11f: {  	[sflag:s14] =	ssyncset.done $0x0  }
0x120: {  	[sflag:s14] =	ssyncadd.s32 $0xFFFFE000  }
0x121: {  	_ =	swait.ge [sflag:s14], $0x2000  }
0x122: {  	[sflag:s14] =	ssyncset.done $0x0  }
0x123: {  	[sflag:s14] =	ssyncadd.s32 $0xFFFFE000  }
0x124: {  	_ =	swait.ge [sflag:s14], $0x2000  }
0x125: {  	[sflag:s14] =	ssyncset.done $0x0  }
0x126: {  	[sflag:s14] =	ssyncadd.s32 $0xFFFFE000  }
0x127: {  	_ =	swait.ge [sflag:s14], $0x2000  }
0x128: {  	[sflag:s14] =	ssyncset.done $0x0  }
0x129: {  	s19 =	rddreg [dreg:$0x6];
	[sflag:s14] =	ssyncadd.s32 $0xFFFFE000  }
0x12a: {  	[hbm4b:s19+s2] =	stream.linear.scatter [tilespmem:s7], [sflag:$0x4], $0xA000, $0x38;
	[tilespmem:$0x14C80] =	vst v63  }
0x12b: {  	_ =	swait.ge [sflag:s6], $0x2000  }
0x12c: {  	[sflag:s6] =	ssyncset.done $0x0  }
0x12d: {  	[sflag:s6] =	ssyncadd.s32 $0xFFFFE000  }
0x12e: {  	_ =	swait.ge [sflag:s6], $0x2000  }
0x12f: {  	[sflag:s6] =	ssyncset.done $0x0  }
0x130: {  	[sflag:s6] =	ssyncadd.s32 $0xFFFFE000  }
0x131: {  	_ =	swait.ge [sflag:s6], $0x2000  }
0x132: {  	[sflag:s6] =	ssyncset.done $0x0  }
0x133: {  	[sflag:s6] =	ssyncadd.s32 $0xFFFFE000  }
0x134: {  	_ =	swait.ge [sflag:s6], $0x2000  }
0x135: {  	[sflag:s6] =	ssyncset.done $0x0  }
0x136: {  	[sflag:s6] =	ssyncadd.s32 $0xFFFFE000  }
0x137: {  	_ =	swait.ge [sflag:s6], $0x2000  }
0x138: {  	[sflag:s6] =	ssyncset.done $0x0  }
0x139: {  	p1 =	sne.s32 s1, $0x1;
	s19 =	rddreg [dreg:$0x7];
	[sflag:s6] =	ssyncadd.s32 $0xFFFFE000  }
0x13a: {  	[hbm4b:s19+s2] =	stream.linear.scatter [tilespmem:s3], [sflag:$0x3], $0xA000, $0x38;
	[tilespmem:$0x14C80] =	vst v63  }
.Ltmp2:
0x13b: {  	_ =	swait.ge [sflag:s9], $0xA000;
	(pc) =	sbr.rel @p1 .LBB2_4-.Ltmp2, $4  }
0x13c: {  	[sflag:s9] =	ssyncset.done $0x0  }
0x13d: {  	[sflag:s9] =	ssyncadd.s32 $0xFFFF6000  }
0x13e: {  	_ =	swait.ge [sflag:s5], $0xA000  }
0x13f: {  	s1 =	sadd.s32 $0xFFFFFFFF, s1;
	s0 =	rddreg [dreg:$0x2];
	[sflag:s5] =	ssyncset.done $0x0  }
0x140: {  	s24 =	simm.s32 $0x700;
	s30 =	simm.s32 $0x980  }
0x141: {  	s29 =	simm.s32 $0x900;
	s28 =	simm.s32 $0x880;
	s26 =	simm.s32 $0x800  }
0x142: {  	s25 =	simm.s32 $0x780;
	s23 =	simm.s32 $0xB80;
	s22 =	simm.s32 $0xB00  }
0x143: {  	s21 =	simm.s32 $0xA80;
	s20 =	simm.s32 $0xA00;
	s19 =	stileid.u32  }
.LBB2_6:
0x144: {  	[sflag:s5] =	ssyncadd.s32 @p0 $0xFFFF6000  }
0x145: {  	[tilespmem:s2], [sflag:$0x5] =	stream.linear.gather [hbm4b:s0+s2], $0xC80, $0x38;
	[tilespmem:$0x14C80] =	vst v63  }
0x146: {  	_ =	swait.ge [sflag:s31], $0xC80  }
0x147: {  	[sflag:s31] =	ssyncset.done $0x0  }
0x148: {  	[sflag:s31] =	ssyncadd.s32 $0xFFFFF380  }
0x149: {  	[tilespmem:s3], [sflag:$0x1] =	stream.indirect.gather [hbm4b:s4+s8], $0x40, s2, s8, $0xb8;
	[tilespmem:$0x14C80] =	vst v63  }
0x14a: {  	_ = 	snop  }
0x14b: {  	[tilespmem:s10], [sflag:$0x1] =	stream.indirect.gather [hbm4b:s4+s8], $0x40, s8, s8, $0xb8;
	[tilespmem:$0x14C80] =	vst v63  }
0x14c: {  	s31 =	rddreg [dreg:$0x8]  }
0x14d: {  	[tilespmem:s11], [sflag:$0x1] =	stream.indirect.gather [hbm4b:s4+s8], $0x40, s31, s8, $0xb8;
	[tilespmem:$0x14C80] =	vst v63  }
0x14e: {  	s1 =	rddreg [dreg:$0x9]  }
0x14f: {  	[tilespmem:s12], [sflag:$0x1] =	stream.indirect.gather [hbm4b:s4+s8], $0x40, s1, s8, $0xb8;
	[tilespmem:$0x14C80] =	vst v63  }
0x150: {  	s0 =	rddreg [dreg:$0xa]  }
0x151: {  	[tilespmem:s13], [sflag:$0x1] =	stream.indirect.gather [hbm4b:s4+s8], $0x40, s0, s8, $0xb8;
	[tilespmem:$0x14C80] =	vst v63  }
0x152: {  	s31 =	rddreg [dreg:$0xb]  }
0x153: {  	[tilespmem:s7], [sflag:$0x2] =	stream.indirect.gather [hbm4b:s4+s8], $0x40, s31, s8, $0xb8;
	[tilespmem:$0x14C80] =	vst v63  }
0x154: {  	s0 =	rddreg [dreg:$0xc]  }
0x155: {  	[tilespmem:s15], [sflag:$0x2] =	stream.indirect.gather [hbm4b:s4+s8], $0x40, s0, s8, $0xb8;
	[tilespmem:$0x14C80] =	vst v63  }
0x156: {  	s31 =	rddreg [dreg:$0xd]  }
0x157: {  	[tilespmem:s16], [sflag:$0x2] =	stream.indirect.gather [hbm4b:s4+s8], $0x40, s31, s8, $0xb8;
	[tilespmem:$0x14C80] =	vst v63  }
0x158: {  	s0 =	rddreg [dreg:$0xe]  }
0x159: {  	[tilespmem:s17], [sflag:$0x2] =	stream.indirect.gather [hbm4b:s4+s8], $0x40, s0, s8, $0xb8;
	[tilespmem:$0x14C80] =	vst v63  }
0x15a: {  	s31 =	rddreg [dreg:$0xf]  }
0x15b: {  	[tilespmem:s18], [sflag:$0x2] =	stream.indirect.gather [hbm4b:s4+s8], $0x40, s31, s8, $0xb8;
	[tilespmem:$0x14C80] =	vst v63  }
0x15c: {  	_ =	swait.ge [sflag:s6], $0x2000  }
0x15d: {  	[sflag:s6] =	ssyncset.done $0x0  }
0x15e: {  	[sflag:s6] =	ssyncadd.s32 $0xFFFFE000  }
0x15f: {  	_ =	swait.ge [sflag:s6], $0x2000  }
0x160: {  	[sflag:s6] =	ssyncset.done $0x0  }
0x161: {  	[sflag:s6] =	ssyncadd.s32 $0xFFFFE000  }
0x162: {  	_ =	swait.ge [sflag:s6], $0x2000  }
0x163: {  	[sflag:s6] =	ssyncset.done $0x0  }
0x164: {  	[sflag:s6] =	ssyncadd.s32 $0xFFFFE000  }
0x165: {  	_ =	swait.ge [sflag:s6], $0x2000  }
0x166: {  	[sflag:s6] =	ssyncset.done $0x0  }
0x167: {  	[sflag:s6] =	ssyncadd.s32 $0xFFFFE000  }
0x168: {  	_ =	swait.ge [sflag:s6], $0x2000  }
0x169: {  	[sflag:s6] =	ssyncset.done $0x0  }
0x16a: {  	s31 =	rddreg [dreg:$0x3];
	[sflag:s6] =	ssyncadd.s32 $0xFFFFE000  }
0x16b: {  	[hbm4b:s31+s2] =	stream.linear.scatter [tilespmem:s3], [sflag:$0x3], $0xA000, $0x38;
	[tilespmem:$0x14C80] =	vst v63  }
0x16c: {  	_ =	swait.ge [sflag:s5], $0xA000  }
0x16d: {  	[sflag:s5] =	ssyncset.done $0x0  }
0x16e: {  	s1 =	rddreg [dreg:$0x10];
	[sflag:s5] =	ssyncadd.s32 $0xFFFF6000  }
0x16f: {  	[tilespmem:s3], [sflag:$0x1] =	stream.indirect.gather [hbm4b:s4+s8], $0x40, s1, s8, $0xb8;
	[tilespmem:$0x14C80] =	vst v63  }
0x170: {  	s31 =	rddreg [dreg:$0x11]  }
0x171: {  	[tilespmem:s10], [sflag:$0x1] =	stream.indirect.gather [hbm4b:s4+s8], $0x40, s31, s8, $0xb8;
	[tilespmem:$0x14C80] =	vst v63  }
0x172: {  	s0 =	rddreg [dreg:$0x12]  }
0x173: {  	[tilespmem:s11], [sflag:$0x1] =	stream.indirect.gather [hbm4b:s4+s8], $0x40, s0, s8, $0xb8;
	[tilespmem:$0x14C80] =	vst v63  }
0x174: {  	s31 =	rddreg [dreg:$0x13]  }
0x175: {  	[tilespmem:s12], [sflag:$0x1] =	stream.indirect.gather [hbm4b:s4+s8], $0x40, s31, s8, $0xb8;
	[tilespmem:$0x14C80] =	vst v63  }
0x176: {  	_ = 	snop  }
0x177: {  	[tilespmem:s13], [sflag:$0x1] =	stream.indirect.gather [hbm4b:s4+s8], $0x40, s24, s8, $0xb8;
	[tilespmem:$0x14C80] =	vst v63  }
0x178: {  	_ =	swait.ge [sflag:s14], $0x2000  }
0x179: {  	[sflag:s14] =	ssyncset.done $0x0  }
0x17a: {  	[sflag:s14] =	ssyncadd.s32 $0xFFFFE000  }
0x17b: {  	_ =	swait.ge [sflag:s14], $0x2000  }
0x17c: {  	[sflag:s14] =	ssyncset.done $0x0  }
0x17d: {  	[sflag:s14] =	ssyncadd.s32 $0xFFFFE000  }
0x17e: {  	_ =	swait.ge [sflag:s14], $0x2000  }
0x17f: {  	[sflag:s14] =	ssyncset.done $0x0  }
0x180: {  	[sflag:s14] =	ssyncadd.s32 $0xFFFFE000  }
0x181: {  	_ =	swait.ge [sflag:s14], $0x2000  }
0x182: {  	[sflag:s14] =	ssyncset.done $0x0  }
0x183: {  	[sflag:s14] =	ssyncadd.s32 $0xFFFFE000  }
0x184: {  	_ =	swait.ge [sflag:s14], $0x2000  }
0x185: {  	[sflag:s14] =	ssyncset.done $0x0  }
0x186: {  	s24 =	rddreg [dreg:$0x4];
	[sflag:s14] =	ssyncadd.s32 $0xFFFFE000  }
0x187: {  	[hbm4b:s24+s2] =	stream.linear.scatter [tilespmem:s7], [sflag:$0x4], $0xA000, $0x38;
	[tilespmem:$0x14C80] =	vst v63  }
0x188: {  	_ =	swait.ge [sflag:s9], $0xA000  }
0x189: {  	[sflag:s9] =	ssyncset.done $0x0  }
0x18a: {  	[sflag:s9] =	ssyncadd.s32 $0xFFFF6000  }
0x18b: {  	[tilespmem:s7], [sflag:$0x2] =	stream.indirect.gather [hbm4b:s4+s8], $0x40, s25, s8, $0xb8;
	[tilespmem:$0x14C80] =	vst v63  }
0x18c: {  	_ = 	snop  }
0x18d: {  	[tilespmem:s15], [sflag:$0x2] =	stream.indirect.gather [hbm4b:s4+s8], $0x40, s26, s8, $0xb8;
	[tilespmem:$0x14C80] =	vst v63  }
0x18e: {  	_ = 	snop  }
0x18f: {  	[tilespmem:s16], [sflag:$0x2] =	stream.indirect.gather [hbm4b:s4+s8], $0x40, s28, s8, $0xb8;
	[tilespmem:$0x14C80] =	vst v63  }
0x190: {  	_ = 	snop  }
0x191: {  	[tilespmem:s17], [sflag:$0x2] =	stream.indirect.gather [hbm4b:s4+s8], $0x40, s29, s8, $0xb8;
	[tilespmem:$0x14C80] =	vst v63  }
0x192: {  	_ = 	snop  }
0x193: {  	[tilespmem:s18], [sflag:$0x2] =	stream.indirect.gather [hbm4b:s4+s8], $0x40, s30, s8, $0xb8;
	[tilespmem:$0x14C80] =	vst v63  }
0x194: {  	_ =	swait.ge [sflag:s6], $0x2000  }
0x195: {  	[sflag:s6] =	ssyncset.done $0x0  }
0x196: {  	[sflag:s6] =	ssyncadd.s32 $0xFFFFE000  }
0x197: {  	_ =	swait.ge [sflag:s6], $0x2000  }
0x198: {  	[sflag:s6] =	ssyncset.done $0x0  }
0x199: {  	[sflag:s6] =	ssyncadd.s32 $0xFFFFE000  }
0x19a: {  	_ =	swait.ge [sflag:s6], $0x2000  }
0x19b: {  	[sflag:s6] =	ssyncset.done $0x0  }
0x19c: {  	[sflag:s6] =	ssyncadd.s32 $0xFFFFE000  }
0x19d: {  	_ =	swait.ge [sflag:s6], $0x2000  }
0x19e: {  	[sflag:s6] =	ssyncset.done $0x0  }
0x19f: {  	[sflag:s6] =	ssyncadd.s32 $0xFFFFE000  }
0x1a0: {  	_ =	swait.ge [sflag:s6], $0x2000  }
0x1a1: {  	[sflag:s6] =	ssyncset.done $0x0  }
0x1a2: {  	s28 =	rddreg [dreg:$0x5];
	[sflag:s6] =	ssyncadd.s32 $0xFFFFE000  }
0x1a3: {  	[hbm4b:s28+s2] =	stream.linear.scatter [tilespmem:s3], [sflag:$0x3], $0xA000, $0x38;
	[tilespmem:$0x14C80] =	vst v63  }
0x1a4: {  	_ =	swait.ge [sflag:s5], $0xA000  }
0x1a5: {  	[sflag:s5] =	ssyncset.done $0x0  }
0x1a6: {  	[sflag:s5] =	ssyncadd.s32 $0xFFFF6000  }
0x1a7: {  	[tilespmem:s3], [sflag:$0x1] =	stream.indirect.gather [hbm4b:s4+s8], $0x40, s20, s8, $0xb8;
	[tilespmem:$0x14C80] =	vst v63  }
0x1a8: {  	_ = 	snop  }
0x1a9: {  	[tilespmem:s10], [sflag:$0x1] =	stream.indirect.gather [hbm4b:s4+s8], $0x40, s21, s8, $0xb8;
	[tilespmem:$0x14C80] =	vst v63  }
0x1aa: {  	_ = 	snop  }
0x1ab: {  	[tilespmem:s11], [sflag:$0x1] =	stream.indirect.gather [hbm4b:s4+s8], $0x40, s22, s8, $0xb8;
	[tilespmem:$0x14C80] =	vst v63  }
0x1ac: {  	_ = 	snop  }
0x1ad: {  	[tilespmem:s12], [sflag:$0x1] =	stream.indirect.gather [hbm4b:s4+s8], $0x40, s23, s8, $0xb8;
	[tilespmem:$0x14C80] =	vst v63  }
0x1ae: {  	s29 =	simm.s32 $0xC00  }
0x1af: {  	[tilespmem:s13], [sflag:$0x1] =	stream.indirect.gather [hbm4b:s4+s8], $0x40, s29, s8, $0xb8;
	[tilespmem:$0x14C80] =	vst v63  }
0x1b0: {  	_ =	swait.ge [sflag:s14], $0x2000  }
0x1b1: {  	[sflag:s14] =	ssyncset.done $0x0  }
0x1b2: {  	[sflag:s14] =	ssyncadd.s32 $0xFFFFE000  }
0x1b3: {  	_ =	swait.ge [sflag:s14], $0x2000  }
0x1b4: {  	[sflag:s14] =	ssyncset.done $0x0  }
0x1b5: {  	[sflag:s14] =	ssyncadd.s32 $0xFFFFE000  }
0x1b6: {  	_ =	swait.ge [sflag:s14], $0x2000  }
0x1b7: {  	[sflag:s14] =	ssyncset.done $0x0  }
0x1b8: {  	[sflag:s14] =	ssyncadd.s32 $0xFFFFE000  }
0x1b9: {  	_ =	swait.ge [sflag:s14], $0x2000  }
0x1ba: {  	[sflag:s14] =	ssyncset.done $0x0  }
0x1bb: {  	[sflag:s14] =	ssyncadd.s32 $0xFFFFE000  }
0x1bc: {  	_ =	swait.ge [sflag:s14], $0x2000  }
0x1bd: {  	[sflag:s14] =	ssyncset.done $0x0  }
0x1be: {  	s30 =	rddreg [dreg:$0x6];
	[sflag:s14] =	ssyncadd.s32 $0xFFFFE000  }
0x1bf: {  	[hbm4b:s30+s2] =	stream.linear.scatter [tilespmem:s7], [sflag:$0x4], $0xA000, $0x38;
	[tilespmem:$0x14C80] =	vst v63  }
0x1c0: {  	_ =	swait.ge [sflag:s6], $0x2000  }
0x1c1: {  	[sflag:s6] =	ssyncset.done $0x0  }
0x1c2: {  	[sflag:s6] =	ssyncadd.s32 $0xFFFFE000  }
0x1c3: {  	_ =	swait.ge [sflag:s6], $0x2000  }
0x1c4: {  	[sflag:s6] =	ssyncset.done $0x0  }
0x1c5: {  	[sflag:s6] =	ssyncadd.s32 $0xFFFFE000  }
0x1c6: {  	_ =	swait.ge [sflag:s6], $0x2000  }
0x1c7: {  	[sflag:s6] =	ssyncset.done $0x0  }
0x1c8: {  	[sflag:s6] =	ssyncadd.s32 $0xFFFFE000  }
0x1c9: {  	_ =	swait.ge [sflag:s6], $0x2000  }
0x1ca: {  	[sflag:s6] =	ssyncset.done $0x0  }
0x1cb: {  	[sflag:s6] =	ssyncadd.s32 $0xFFFFE000  }
0x1cc: {  	_ =	swait.ge [sflag:s6], $0x2000  }
0x1cd: {  	[sflag:s6] =	ssyncset.done $0x0  }
0x1ce: {  	s31 =	rddreg [dreg:$0x7];
	[sflag:s6] =	ssyncadd.s32 $0xFFFFE000  }
0x1cf: {  	[hbm4b:s31+s2] =	stream.linear.scatter [tilespmem:s3], [sflag:$0x3], $0xA000, $0x38;
	[tilespmem:$0x14C80] =	vst v63  }
0x1d0: {  	_ =	swait.ge [sflag:s9], $0xA000  }
0x1d1: {  	[sflag:s9] =	ssyncset.done $0x0  }
0x1d2: {  	[sflag:s9] =	ssyncadd.s32 $0xFFFF6000  }
0x1d3: {  	_ =	swait.ge [sflag:s5], $0xA000  }
0x1d4: {  	[sflag:s5] =	ssyncset.done $0x0  }
0x1d5: {  	[sflag:s5] =	ssyncadd.s32 $0xFFFF6000  }
0x1d6: {  	_ =	sfence.sel $0x180000  }
0x1d7: {  	[bflag:$0x0] =	sbarrier.arrive $0xFFFF  }
0x1d8: {  	_ =	strace $0x90000047  }
0x1d9: {  	[bflag:$0x2] =	sbarrier.arrive $0xFFFF  }
0x1da: {  	p0 =	sne.s32 s19, $0x0;
	s0 =	rddreg [dreg:$0x1]  }
0x1db: {  	s0 =	sadd.s32 @!p0 $0x100000, s0  }
0x1dc: {  	[sflag:s0] =	ssyncadd.tile.s32 @!p0 $0x1;
	_ =	shalt  }
.LBB2_1:
.Ltmp3:
0x1dd: {  	(pc) =	sbr.rel .LBB2_6-.Ltmp3, $4  }
0x1de: {  	s24 =	simm.s32 $0x700  }
0x1df: {  	s30 =	simm.s32 $0x980;
	s29 =	simm.s32 $0x900;
	s28 =	simm.s32 $0x880  }
0x1e0: {  	s26 =	simm.s32 $0x800;
	s25 =	simm.s32 $0x780;
	s23 =	simm.s32 $0xB80  }
0x1e1: {  	s22 =	simm.s32 $0xB00;
	s21 =	simm.s32 $0xA80;
	s20 =	simm.s32 $0xA00  }
.LBB2_3:
.Ltmp4:
0x1e2: {  	(pc) =	sbr.rel .LBB2_6-.Ltmp4, $4  }
0x1e3: {  	s24 =	simm.s32 $0x700;
	s30 =	simm.s32 $0x980  }
0x1e4: {  	s29 =	simm.s32 $0x900;
	s28 =	simm.s32 $0x880;
	s26 =	simm.s32 $0x800  }
0x1e5: {  	s25 =	simm.s32 $0x780;
	s23 =	simm.s32 $0xB80;
	s22 =	simm.s32 $0xB00  }
0x1e6: {  	s21 =	simm.s32 $0xA80;
	s20 =	simm.s32 $0xA00;
	s19 =	stileid.u32  }
.Lfunc_end2:
_tile_overlayer_lowered:
.L_overlay_start_2:
0x1e7: {  	(tag) =	ssettag $0x2  }
0x1e8: {  	s0 =	rddreg [dreg:$0x0];
	s2 =	stileid.u32  }
0x1e9: {  	s1 =	rddreg [dreg:$0x1];
	p0 =	sne.s32 s2, $0x0  }
0x1ea: {  	s3 =	rddreg [dreg:$0x2];
	[bflag:$0x3] =	sbarrier.arrive $0xFFFF;
	s2 =	simm.s32 @!p0 $0x1C05  }
0x1eb: {  	[timem:s3], [sflag:s2] =	dma.local @!p0 [hbm:s0], s1  }
0x1ec: {  	s0 =	simm.s32 @!p0 $0x5  }
0x1ed: {  	_ =	swait.ge @!p0 [sflag:s0], s1  }
0x1ee: {  	s1 =	ssub.s32 @!p0 $0x0, s1;
	[sflag:s0] =	ssyncset.done @!p0 $0x0  }
0x1ef: {  	[sflag:s0] =	ssyncadd.s32 @!p0 s1  }
0x1f0: {  	[bflag:$0x3] =	sbarrier.arrive $0xFFFF  }
0x1f1: {  	_ =	shalt  }

</sc_bundles>
